<compile_context>
chip_gen: v7x
topology: tpu7x:2x2x1
jax: 0.10.2.dev20260603
libtpu: 0.0.44.dev20260713+nightly
codegen_flags: <defaults>
</compile_context>

<pallas_src>
import jax
import jax.numpy as jnp
from jax import lax
from jax.experimental import pallas as pl
from jax.experimental.pallas import tpu as pltpu
from jax.experimental.pallas import tpu_sc as plsc

N = 10000
E = 320000
C = 128
OUT = 64

NC, NS = 2, 16
NW = NC * NS
EPW = E // NW
CHUNK = 80
NCH = EPW // CHUNK
ROWS_PT = 624
TAIL0 = NS * ROWS_PT
TAILN = N - TAIL0

_MESH = plsc.VectorSubcoreMesh(core_axis_name="c", subcore_axis_name="s")



DBUFS = 5


def _deg_body(edges_hbm, out_hbm, *sc):
    didx = sc[0:DBUFS]
    ones_v, row_v, acc_sh = sc[DBUFS:DBUFS + 3]
    isem = sc[DBUFS + 3:2 * DBUFS + 3]
    ssem = sc[2 * DBUFS + 3:3 * DBUFS + 3]
    cid = lax.axis_index("c")
    sid = lax.axis_index("s")
    wid = sid * NC + cid
    r0 = sid * ROWS_PT
    for j in range(CHUNK // 16):
        ones_v[pl.ds(16 * j, 16)] = jnp.ones((16,), jnp.float32)

    def zstep(i, carry):
        row_v[pl.ds(i * 16, 16)] = jnp.zeros((16,), jnp.float32)
        return carry

    lax.fori_loop(0, ROWS_PT // 16, zstep, 0)
    pltpu.sync_copy(row_v, acc_sh.at[pl.ds(r0, ROWS_PT)])

    @pl.when(sid == NS - 1)
    def _():
        pltpu.sync_copy(row_v.at[pl.ds(0, TAILN)], acc_sh.at[pl.ds(TAIL0, TAILN)])

    plsc.subcore_barrier()
    ebase = E + wid * EPW

    def stage(c, p, drain):
        b = ebase + c * CHUNK
        if drain:
            pltpu.make_async_copy(ones_v, acc_sh.at[didx[p]], ssem[p]).wait()
        pltpu.async_copy(edges_hbm.at[pl.ds(b, CHUNK)], didx[p], isem[p])

    def scat(p):
        pltpu.make_async_copy(edges_hbm.at[pl.ds(0, CHUNK)], didx[p], isem[p]).wait()
        pltpu.async_copy(ones_v, acc_sh.at[didx[p]], ssem[p], add=True)

    for c in range(DBUFS):
        stage(c, c, drain=False)
        if c >= 2:
            scat(c - 2)

    def step(i, carry):
        for p in range(DBUFS):
            stage(DBUFS * (i + 1) + p, p, drain=True)
            scat((p - 2) % DBUFS)
        return carry

    lax.fori_loop(0, NCH // DBUFS - 1, step, 0)
    scat((NCH - 2) % DBUFS)
    scat((NCH - 1) % DBUFS)
    for p in range(DBUFS):
        pltpu.make_async_copy(ones_v, acc_sh.at[didx[p]], ssem[p]).wait()
    plsc.subcore_barrier()
    obase = pl.multiple_of(cid * N + r0, 8)
    pltpu.sync_copy(acc_sh.at[pl.ds(r0, ROWS_PT)], row_v)
    pltpu.sync_copy(row_v, out_hbm.at[pl.ds(obase, ROWS_PT)])

    @pl.when(sid == NS - 1)
    def _():
        tbase = pl.multiple_of(cid * N + TAIL0, 8)
        pltpu.sync_copy(acc_sh.at[pl.ds(TAIL0, TAILN)], row_v.at[pl.ds(0, TAILN)])
        pltpu.sync_copy(row_v.at[pl.ds(0, TAILN)], out_hbm.at[pl.ds(tbase, TAILN)])


_deg = pl.kernel(
    _deg_body,
    out_type=jax.ShapeDtypeStruct((NC * N,), jnp.float32),
    mesh=_MESH,
    scratch_types=(
        [pltpu.VMEM((CHUNK,), jnp.int32)] * DBUFS
        + [
            pltpu.VMEM((CHUNK,), jnp.float32),
            pltpu.VMEM((ROWS_PT,), jnp.float32),
            pltpu.VMEM_SHARED((N,), jnp.float32),
        ]
        + [pltpu.SemaphoreType.DMA] * (2 * DBUFS)
    ),
)


ABUFS = 4


def _agg_body(edges_hbm, feat_hbm, out_hbm, *sc):
    sidx = sc[0:ABUFS]
    didx = sc[ABUFS:2 * ABUFS]
    rows = sc[2 * ABUFS:3 * ABUFS]
    acc_sh = sc[3 * ABUFS]
    isem = sc[3 * ABUFS + 1:4 * ABUFS + 1]
    gsem = sc[4 * ABUFS + 1:5 * ABUFS + 1]
    ssem = sc[5 * ABUFS + 1:6 * ABUFS + 1]
    cid = lax.axis_index("c")
    sid = lax.axis_index("s")
    wid = sid * NC + cid
    r0 = sid * ROWS_PT

    ebase = wid * EPW

    def stage(c, p, drain):
        b = ebase + c * CHUNK
        if drain:
            pltpu.make_async_copy(rows[p], acc_sh.at[didx[p]], ssem[p]).wait()
        pltpu.async_copy(edges_hbm.at[pl.ds(b, CHUNK)], sidx[p], isem[p])
        pltpu.async_copy(edges_hbm.at[pl.ds(E + b, CHUNK)], didx[p], isem[p])

    def gath(p):
        pltpu.make_async_copy(edges_hbm.at[pl.ds(0, CHUNK)], sidx[p], isem[p]).wait()
        pltpu.make_async_copy(edges_hbm.at[pl.ds(0, CHUNK)], didx[p], isem[p]).wait()
        pltpu.async_copy(feat_hbm.at[sidx[p]], rows[p], gsem[p])

    def scat(p):
        pltpu.make_async_copy(feat_hbm.at[sidx[p]], rows[p], gsem[p]).wait()
        pltpu.async_copy(rows[p], acc_sh.at[didx[p]], ssem[p], add=True)

    PEEL = 5
    stage(0, 0, drain=False)
    stage(1, 1, drain=False)
    gath(0)

    def zrow(r, carry):
        for j in range(8):
            rows[3][r, pl.ds(16 * j, 16)] = jnp.zeros((16,), jnp.float32)
        return carry

    lax.fori_loop(0, CHUNK, zrow, 0)
    for k in range(7):
        pltpu.sync_copy(rows[3], acc_sh.at[pl.ds(r0 + k * CHUNK, CHUNK)])
    pltpu.sync_copy(rows[3].at[pl.ds(0, 64)], acc_sh.at[pl.ds(r0 + 560, 64)])

    @pl.when(sid == NS - 1)
    def _():
        pltpu.sync_copy(rows[3].at[pl.ds(0, TAILN)], acc_sh.at[pl.ds(TAIL0, TAILN)])

    plsc.subcore_barrier()
    for c in range(2, PEEL):
        stage(c, c % ABUFS, drain=(c >= ABUFS))
        gath((c - 1) % ABUFS)
        scat((c - 2) % ABUFS)

    def step(i, carry):
        c0 = PEEL + ABUFS * i
        for j in range(ABUFS):
            stage(c0 + j, (PEEL + j) % ABUFS, drain=True)
            gath((PEEL + j - 1) % ABUFS)
            scat((PEEL + j - 2) % ABUFS)
        return carry

    lax.fori_loop(0, (NCH - PEEL) // ABUFS, step, 0)
    gath((NCH - 1) % ABUFS)
    scat((NCH - 2) % ABUFS)
    scat((NCH - 1) % ABUFS)
    for p in range(ABUFS):
        pltpu.make_async_copy(rows[p], acc_sh.at[didx[p]], ssem[p]).wait()
    plsc.subcore_barrier()
    pltpu.sync_copy(acc_sh.at[pl.ds(r0, ROWS_PT)],
                    out_hbm.at[cid, pl.ds(r0, ROWS_PT)])

    @pl.when(sid == NS - 1)
    def _():
        pltpu.sync_copy(acc_sh.at[pl.ds(TAIL0, TAILN)],
                        out_hbm.at[cid, pl.ds(TAIL0, TAILN)])


_agg = pl.kernel(
    _agg_body,
    out_type=jax.ShapeDtypeStruct((NC, N, C), jnp.float32),
    mesh=_MESH,
    scratch_types=(
        [pltpu.VMEM((CHUNK,), jnp.int32)] * (2 * ABUFS)
        + [pltpu.VMEM((CHUNK, C), jnp.float32)] * ABUFS
        + [pltpu.VMEM_SHARED((N, C), jnp.float32)]
        + [pltpu.SemaphoreType.DMA] * (3 * ABUFS)
    ),
)





def _mm_body(x_ref, w_ref, y_ref):
    y_ref[...] = jnp.dot(x_ref[...], w_ref[...],
                         preferred_element_type=jnp.float32)


def _pre_body(y_ref, deg_ref, yp_ref, dinv_ref):
    dvec = lax.rsqrt(deg_ref[pl.ds(0, N)] + deg_ref[pl.ds(N, N)] + 1.0)
    dinv = dvec.reshape(N, 1)
    yp_ref[...] = dinv * y_ref[...]
    dinv_ref[...] = dvec


def _mid_body(acc_ref, yp_ref, dinv_ref, b_ref, hp_ref):
    dinv = dinv_ref[...].reshape(N, 1)
    s = acc_ref[0] + acc_ref[1] + yp_ref[...]
    h = jnp.maximum(dinv * s + b_ref[...], 0.0)
    hp_ref[...] = dinv * h


def _post_body(acc_ref, hp_ref, dinv_ref, wmu_ref, wlog_ref, bmu_ref,
               blog_ref, mu_ref, log_ref):
    dinv = dinv_ref[...].reshape(N, 1)
    g = dinv * (acc_ref[0] + acc_ref[1] + hp_ref[...])
    mu_ref[...] = jnp.dot(g, wmu_ref[...],
                          preferred_element_type=jnp.float32) + bmu_ref[...]
    log_ref[...] = jnp.dot(g, wlog_ref[...],
                           preferred_element_type=jnp.float32) + blog_ref[...]


def _tc_mm(x, W1):
    return pl.pallas_call(
        _mm_body,
        out_shape=jax.ShapeDtypeStruct((N, C), jnp.float32),
    )(x, W1)


def _tc_pre(y, deg):
    return pl.pallas_call(
        _pre_body,
        out_shape=[
            jax.ShapeDtypeStruct((N, C), jnp.float32),
            jax.ShapeDtypeStruct((N,), jnp.float32),
        ],
    )(y, deg)


def _tc_mid(acc, yp, dinv, b1):
    return pl.pallas_call(
        _mid_body,
        out_shape=jax.ShapeDtypeStruct((N, C), jnp.float32),
    )(acc, yp, dinv, b1)


def _tc_post(acc, hp, dinv, Wmu, Wlog, bmu, blog):
    return pl.pallas_call(
        _post_body,
        out_shape=[
            jax.ShapeDtypeStruct((N, OUT), jnp.float32),
            jax.ShapeDtypeStruct((N, OUT), jnp.float32),
        ],
    )(acc, hp, dinv, Wmu, Wlog, bmu, blog)


def kernel(x, edge_index, W1, b1, Wmu, bmu, Wlog, blog):
    eflat = edge_index.reshape(2 * E)
    deg = _deg(eflat)
    y = _tc_mm(x, W1)
    yp, dinv = _tc_pre(y, deg)
    acc1 = _agg(eflat, yp)
    hp = _tc_mid(acc1, yp, dinv, b1.reshape(1, C))
    acc2 = _agg(eflat, hp)
    mu, log = _tc_post(acc2, hp, dinv, Wmu, Wlog,
                       bmu.reshape(1, OUT), blog.reshape(1, OUT))
    return mu, log

# --- scband reference (transcript-rebuilt; emitter-appended) ---
"""Pipeline reference for scband-gcnencoder-41480794145130 (READ-ONLY COPY).

The authoritative reference and input builder live on the scoring server;
editing this copy changes nothing except your own understanding.
"""

import jax, jax.numpy as jnp
import numpy as np

N_NODES = 10000
N_EDGES = 320000
IN_CH = 128
OUT_CH = 64
HID = 2 * OUT_CH


def gcn_conv(x, edge_index, W, b):
    # Faithful PyG GCNConv: add self-loops, symmetric normalization, linear, scatter-add, bias.
    N = x.shape[0]
    loop = jnp.arange(N, dtype=edge_index.dtype)
    src = jnp.concatenate([edge_index[0], loop])
    dst = jnp.concatenate([edge_index[1], loop])
    h = x @ W
    deg = jnp.zeros((N,), dtype=h.dtype).at[dst].add(1.0)
    dinv = jnp.where(deg > 0, jax.lax.rsqrt(deg), 0.0)
    norm = dinv[src] * dinv[dst]
    msg = norm[:, None] * jnp.take(h, src, axis=0)
    out = jnp.zeros((N, h.shape[1]), dtype=h.dtype).at[dst].add(msg)
    return out + b


def setup_inputs(seed: int = 0) -> dict:
    key = jax.random.key(seed)
    ks = jax.random.split(key, 8)
    x = jax.random.normal(ks[0], (N_NODES, IN_CH), dtype=jnp.float32)
    edge_index = jax.random.randint(ks[1], (2, N_EDGES), 0, N_NODES, dtype=jnp.int32)
    s1 = 1.0 / np.sqrt(IN_CH)
    s2 = 1.0 / np.sqrt(HID)
    W1 = jax.random.normal(ks[2], (IN_CH, HID), dtype=jnp.float32) * s1
    b1 = jnp.zeros((HID,), dtype=jnp.float32)
    Wmu = jax.random.normal(ks[3], (HID, OUT_CH), dtype=jnp.float32) * s2
    bmu = jnp.zeros((OUT_CH,), dtype=jnp.float32)
    Wlog = jax.random.normal(ks[4], (HID, OUT_CH), dtype=jnp.float32) * s2
    blog = jnp.zeros((OUT_CH,), dtype=jnp.float32)
    return {"x": x, "edge_index": edge_index, "W1": W1, "b1": b1, "Wmu": Wmu, "bmu": bmu, "Wlog": Wlog, "blog": blog}


def reference(x, edge_index, W1, b1, Wmu, bmu, Wlog, blog):
    h = gcn_conv(x, edge_index, W1, b1)
    h = jax.nn.relu(h)
    mu = gcn_conv(h, edge_index, Wmu, bmu)
    log = gcn_conv(h, edge_index, Wlog, blog)
    return (mu, log)

if __name__ == "__main__":
    import jax
    _d = setup_inputs()
    print(jax.jit(kernel)(*tuple(_d.values())))

</pallas_src>

<mosaic_0001>
#map = affine_map<(d0, d1) -> (0)>
module attributes {stable_mosaic.version = 14 : i64} {
  func.func @_deg_body(%arg0: i32, %arg1: i32, %arg2: memref<640000xi32, #tpu.memory_space<hbm>>, %arg3: memref<20000xf32, #tpu.memory_space<hbm>>, %arg4: memref<80xi32, #tpu.memory_space<vmem>>, %arg5: memref<80xi32, #tpu.memory_space<vmem>>, %arg6: memref<80xi32, #tpu.memory_space<vmem>>, %arg7: memref<80xi32, #tpu.memory_space<vmem>>, %arg8: memref<80xi32, #tpu.memory_space<vmem>>, %arg9: memref<80xf32, #tpu.memory_space<vmem>>, %arg10: memref<624xf32, #tpu.memory_space<vmem>>, %arg11: memref<10000xf32, #tpu.memory_space<vmem_shared>>, %arg12: memref<!tpu.dma_semaphore, #tpu.memory_space<semaphore_mem>>, %arg13: memref<!tpu.dma_semaphore, #tpu.memory_space<semaphore_mem>>, %arg14: memref<!tpu.dma_semaphore, #tpu.memory_space<semaphore_mem>>, %arg15: memref<!tpu.dma_semaphore, #tpu.memory_space<semaphore_mem>>, %arg16: memref<!tpu.dma_semaphore, #tpu.memory_space<semaphore_mem>>, %arg17: memref<!tpu.dma_semaphore, #tpu.memory_space<semaphore_mem>>, %arg18: memref<!tpu.dma_semaphore, #tpu.memory_space<semaphore_mem>>, %arg19: memref<!tpu.dma_semaphore, #tpu.memory_space<semaphore_mem>>, %arg20: memref<!tpu.dma_semaphore, #tpu.memory_space<semaphore_mem>>, %arg21: memref<!tpu.dma_semaphore, #tpu.memory_space<semaphore_mem>>) attributes {dimension_semantics = [#tpu.dimension_semantics<core_parallel>, #tpu.dimension_semantics<subcore_parallel>], iteration_bounds = array<i64: 2, 16>, scalar_prefetch = 0 : i64, scratch_operands = 18 : i64, tpu.core_type = #tpu.core_type<sc_vector_subcore>, window_params = [{transform_indices = #map}, {transform_indices = #map}]} {
    %mul3A = arith.constant 2 : i32
    %mul3A_0 = arith.muli %arg1, %mul3A : i32
    %add3A = arith.addi %mul3A_0, %arg0 : i32
    %mul3A_1 = arith.constant 624 : i32
    %mul3A_2 = arith.muli %arg1, %mul3A_1 : i32
    %broadcast_in_dim3A = arith.constant 1.000000e+00 : f32
    %broadcast_in_dim3A_3 = vector.broadcast %broadcast_in_dim3A : f32 to vector<16xf32>
    %swap3A = arith.constant 0 : index
    %swap3A_4 = tpu.vector_load %arg9[%swap3A] {strides = array<i32>} : memref<80xf32, #tpu.memory_space<vmem>>, vector<16xf32>,
    %swap3A_5 = vector.shape_cast %swap3A_4 : vector<16xf32> to vector<16xf32>
    %swap3A_6 = vector.shape_cast %broadcast_in_dim3A_3 : vector<16xf32> to vector<16xf32>
    tpu.vector_store %arg9[%swap3A], %swap3A_6 {strides = array<i32>} : memref<80xf32, #tpu.memory_space<vmem>>, vector<16xf32>,
    %broadcast_in_dim3A_7 = arith.constant 1.000000e+00 : f32
    %broadcast_in_dim3A_8 = vector.broadcast %broadcast_in_dim3A_7 : f32 to vector<16xf32>
    %swap3A_9 = arith.constant 16 : index
    %swap3A_10 = tpu.vector_load %arg9[%swap3A_9] {strides = array<i32>} : memref<80xf32, #tpu.memory_space<vmem>>, vector<16xf32>,
    %swap3A_11 = vector.shape_cast %swap3A_10 : vector<16xf32> to vector<16xf32>
    %swap3A_12 = vector.shape_cast %broadcast_in_dim3A_8 : vector<16xf32> to vector<16xf32>
    tpu.vector_store %arg9[%swap3A_9], %swap3A_12 {strides = array<i32>} : memref<80xf32, #tpu.memory_space<vmem>>, vector<16xf32>,
    %broadcast_in_dim3A_13 = arith.constant 1.000000e+00 : f32
    %broadcast_in_dim3A_14 = vector.broadcast %broadcast_in_dim3A_13 : f32 to vector<16xf32>
    %swap3A_15 = arith.constant 32 : index
    %swap3A_16 = tpu.vector_load %arg9[%swap3A_15] {strides = array<i32>} : memref<80xf32, #tpu.memory_space<vmem>>, vector<16xf32>,
    %swap3A_17 = vector.shape_cast %swap3A_16 : vector<16xf32> to vector<16xf32>
    %swap3A_18 = vector.shape_cast %broadcast_in_dim3A_14 : vector<16xf32> to vector<16xf32>
    tpu.vector_store %arg9[%swap3A_15], %swap3A_18 {strides = array<i32>} : memref<80xf32, #tpu.memory_space<vmem>>, vector<16xf32>,
    %broadcast_in_dim3A_19 = arith.constant 1.000000e+00 : f32
    %broadcast_in_dim3A_20 = vector.broadcast %broadcast_in_dim3A_19 : f32 to vector<16xf32>
    %swap3A_21 = arith.constant 48 : index
    %swap3A_22 = tpu.vector_load %arg9[%swap3A_21] {strides = array<i32>} : memref<80xf32, #tpu.memory_space<vmem>>, vector<16xf32>,
    %swap3A_23 = vector.shape_cast %swap3A_22 : vector<16xf32> to vector<16xf32>
    %swap3A_24 = vector.shape_cast %broadcast_in_dim3A_20 : vector<16xf32> to vector<16xf32>
    tpu.vector_store %arg9[%swap3A_21], %swap3A_24 {strides = array<i32>} : memref<80xf32, #tpu.memory_space<vmem>>, vector<16xf32>,
    %broadcast_in_dim3A_25 = arith.constant 1.000000e+00 : f32
    %broadcast_in_dim3A_26 = vector.broadcast %broadcast_in_dim3A_25 : f32 to vector<16xf32>
    %swap3A_27 = arith.constant 64 : index
    %swap3A_28 = tpu.vector_load %arg9[%swap3A_27] {strides = array<i32>} : memref<80xf32, #tpu.memory_space<vmem>>, vector<16xf32>,
    %swap3A_29 = vector.shape_cast %swap3A_28 : vector<16xf32> to vector<16xf32>
    %swap3A_30 = vector.shape_cast %broadcast_in_dim3A_26 : vector<16xf32> to vector<16xf32>
    tpu.vector_store %arg9[%swap3A_27], %swap3A_30 {strides = array<i32>} : memref<80xf32, #tpu.memory_space<vmem>>, vector<16xf32>,
    %scan3A = arith.constant 0 : i32
    %scan3A_31 = arith.constant 0 : i32
    %scan3A_32 = arith.constant 39 : i32
    %scan3A_33 = arith.addi %scan3A_31, %scan3A_32 : i32
    %scan3A_34 = arith.constant 1 : i32
    scf.for %scan3A_115 = %scan3A_31 to %scan3A_33 step %scan3A_34  : i32 {
      %broadcast_in_dim3A_116 = arith.constant 0.000000e+00 : f32
      %broadcast_in_dim3A_117 = vector.broadcast %broadcast_in_dim3A_116 : f32 to vector<16xf32>
      %mul3A_118 = arith.constant 16 : i32
      %mul3A_119 = arith.muli %scan3A_115, %mul3A_118 : i32
      %swap3A_120 = arith.index_cast %mul3A_119 : i32 to index
      %swap3A_121 = tpu.vector_load %arg10[%swap3A_120] {strides = array<i32>} : memref<624xf32, #tpu.memory_space<vmem>>, vector<16xf32>,
      %swap3A_122 = vector.shape_cast %swap3A_121 : vector<16xf32> to vector<16xf32>
      %swap3A_123 = vector.shape_cast %broadcast_in_dim3A_117 : vector<16xf32> to vector<16xf32>
      tpu.vector_store %arg10[%swap3A_120], %swap3A_123 {strides = array<i32>} : memref<624xf32, #tpu.memory_space<vmem>>, vector<16xf32>,
    }
    %scan3A_35 = arith.constant 39 : i32
    "tpu.region"() ({
      %run_scoped3A = tpu.sem_alloc : memref<!tpu.dma_semaphore, #tpu.memory_space<semaphore_mem>>
      %dma_start3A_115 = tpu.memref_slice %arg11[%mul3A_2] : memref<10000xf32, #tpu.memory_space<vmem_shared>> -> memref<624xf32, #tpu.memory_space<vmem_shared>>
      %dma_start3A_116 = tpu.memref_slice %arg11[%mul3A_2] : memref<10000xf32, #tpu.memory_space<vmem_shared>> -> memref<624xf32, #tpu.memory_space<vmem_shared>>
      tpu.enqueue_dma source(%arg10 : memref<624xf32, #tpu.memory_space<vmem>>) target(%dma_start3A_116 : memref<624xf32, #tpu.memory_space<vmem_shared>>) target_semaphore(%run_scoped3A : memref<!tpu.dma_semaphore, #tpu.memory_space<semaphore_mem>>)
      %dma_wait3A_117 = tpu.memref_slice %arg11[%mul3A_2] : memref<10000xf32, #tpu.memory_space<vmem_shared>> -> memref<624xf32, #tpu.memory_space<vmem_shared>>
      %dma_wait3A_118 = tpu.memref_slice %arg11[%mul3A_2] : memref<10000xf32, #tpu.memory_space<vmem_shared>> -> memref<624xf32, #tpu.memory_space<vmem_shared>>
      tpu.wait_dma2 semaphore(%run_scoped3A : memref<!tpu.dma_semaphore, #tpu.memory_space<semaphore_mem>>) src(%arg10 : memref<624xf32, #tpu.memory_space<vmem>>) dst(%dma_wait3A_118 : memref<624xf32, #tpu.memory_space<vmem_shared>>)
      tpu.yield
    }) : () -> ()
    %eq3A = arith.constant 15 : i32
    %eq3A_36 = arith.cmpi eq, %arg1, %eq3A : i32
    %convert_element_type3A = arith.extui %eq3A_36 : i1 to i32
    %cond3A = arith.constant 0 : i32
    %cond3A_37 = arith.cmpi ne, %convert_element_type3A, %cond3A : i32
    scf.if %cond3A_37 {
      "tpu.region"() ({
        %run_scoped3A = tpu.sem_alloc : memref<!tpu.dma_semaphore, #tpu.memory_space<semaphore_mem>>
        %dma_start3A_115 = arith.constant 0 : i32
        %dma_start3A_116 = tpu.memref_slice %arg10[%dma_start3A_115] : memref<624xf32, #tpu.memory_space<vmem>> -> memref<16xf32, #tpu.memory_space<vmem>>
        %dma_start3A_117 = arith.constant 9984 : i32
        %dma_start3A_118 = tpu.memref_slice %arg11[%dma_start3A_117] : memref<10000xf32, #tpu.memory_space<vmem_shared>> -> memref<16xf32, #tpu.memory_space<vmem_shared>>
        %dma_start3A_119 = arith.constant 9984 : i32
        %dma_start3A_120 = tpu.memref_slice %arg11[%dma_start3A_119] : memref<10000xf32, #tpu.memory_space<vmem_shared>> -> memref<16xf32, #tpu.memory_space<vmem_shared>>
        %dma_start3A_121 = arith.constant 0 : i32
        %dma_start3A_122 = tpu.memref_slice %arg10[%dma_start3A_121] : memref<624xf32, #tpu.memory_space<vmem>> -> memref<16xf32, #tpu.memory_space<vmem>>
        tpu.enqueue_dma source(%dma_start3A_122 : memref<16xf32, #tpu.memory_space<vmem>>) target(%dma_start3A_120 : memref<16xf32, #tpu.memory_space<vmem_shared>>) target_semaphore(%run_scoped3A : memref<!tpu.dma_semaphore, #tpu.memory_space<semaphore_mem>>)
        %dma_wait3A_123 = arith.constant 0 : i32
        %dma_wait3A_124 = tpu.memref_slice %arg10[%dma_wait3A_123] : memref<624xf32, #tpu.memory_space<vmem>> -> memref<16xf32, #tpu.memory_space<vmem>>
        %dma_wait3A_125 = arith.constant 9984 : i32
        %dma_wait3A_126 = tpu.memref_slice %arg11[%dma_wait3A_125] : memref<10000xf32, #tpu.memory_space<vmem_shared>> -> memref<16xf32, #tpu.memory_space<vmem_shared>>
        %dma_wait3A_127 = arith.constant 9984 : i32
        %dma_wait3A_128 = tpu.memref_slice %arg11[%dma_wait3A_127] : memref<10000xf32, #tpu.memory_space<vmem_shared>> -> memref<16xf32, #tpu.memory_space<vmem_shared>>
        %dma_wait3A_129 = arith.constant 0 : i32
        %dma_wait3A_130 = tpu.memref_slice %arg10[%dma_wait3A_129] : memref<624xf32, #tpu.memory_space<vmem>> -> memref<16xf32, #tpu.memory_space<vmem>>
        tpu.wait_dma2 semaphore(%run_scoped3A : memref<!tpu.dma_semaphore, #tpu.memory_space<semaphore_mem>>) src(%dma_wait3A_130 : memref<16xf32, #tpu.memory_space<vmem>>) dst(%dma_wait3A_128 : memref<16xf32, #tpu.memory_space<vmem_shared>>)
        tpu.yield
      }) : () -> ()
    } else {
    }
    %barrier3A = arith.constant 0 : index
    tpu.barrier barrier_id(%barrier3A)
    %mul3A_38 = arith.constant 10000 : i32
    %mul3A_39 = arith.muli %add3A, %mul3A_38 : i32
    %add3A_40 = arith.constant 320000 : i32
    %add3A_41 = arith.addi %add3A_40, %mul3A_39 : i32
    %add3A_42 = arith.constant 0 : i32
    %add3A_43 = arith.addi %add3A_41, %add3A_42 : i32
    %dma_start3A = tpu.memref_slice %arg2[%add3A_43] : memref<640000xi32, #tpu.memory_space<hbm>> -> memref<80xi32, #tpu.memory_space<hbm>>
    %dma_start3A_44 = tpu.memref_slice %arg2[%add3A_43] : memref<640000xi32, #tpu.memory_space<hbm>> -> memref<80xi32, #tpu.memory_space<hbm>>
    tpu.enqueue_dma source(%dma_start3A_44 : memref<80xi32, #tpu.memory_space<hbm>>) target(%arg4 : memref<80xi32, #tpu.memory_space<vmem>>) target_semaphore(%arg12 : memref<!tpu.dma_semaphore, #tpu.memory_space<semaphore_mem>>)
    %add3A_45 = arith.constant 80 : i32
    %add3A_46 = arith.addi %add3A_41, %add3A_45 : i32
    %dma_start3A_47 = tpu.memref_slice %arg2[%add3A_46] : memref<640000xi32, #tpu.memory_space<hbm>> -> memref<80xi32, #tpu.memory_space<hbm>>
    %dma_start3A_48 = tpu.memref_slice %arg2[%add3A_46] : memref<640000xi32, #tpu.memory_space<hbm>> -> memref<80xi32, #tpu.memory_space<hbm>>
    tpu.enqueue_dma source(%dma_start3A_48 : memref<80xi32, #tpu.memory_space<hbm>>) target(%arg5 : memref<80xi32, #tpu.memory_space<vmem>>) target_semaphore(%arg13 : memref<!tpu.dma_semaphore, #tpu.memory_space<semaphore_mem>>)
    %add3A_49 = arith.constant 160 : i32
    %add3A_50 = arith.addi %add3A_41, %add3A_49 : i32
    %dma_start3A_51 = tpu.memref_slice %arg2[%add3A_50] : memref<640000xi32, #tpu.memory_space<hbm>> -> memref<80xi32, #tpu.memory_space<hbm>>
    %dma_start3A_52 = tpu.memref_slice %arg2[%add3A_50] : memref<640000xi32, #tpu.memory_space<hbm>> -> memref<80xi32, #tpu.memory_space<hbm>>
    tpu.enqueue_dma source(%dma_start3A_52 : memref<80xi32, #tpu.memory_space<hbm>>) target(%arg6 : memref<80xi32, #tpu.memory_space<vmem>>) target_semaphore(%arg14 : memref<!tpu.dma_semaphore, #tpu.memory_space<semaphore_mem>>)
    %dma_wait3A = arith.constant 0 : i32
    %dma_wait3A_53 = tpu.memref_slice %arg2[%dma_wait3A] : memref<640000xi32, #tpu.memory_space<hbm>> -> memref<80xi32, #tpu.memory_space<hbm>>
    %dma_wait3A_54 = arith.constant 0 : i32
    %dma_wait3A_55 = tpu.memref_slice %arg2[%dma_wait3A_54] : memref<640000xi32, #tpu.memory_space<hbm>> -> memref<80xi32, #tpu.memory_space<hbm>>
    tpu.wait_dma2 semaphore(%arg12 : memref<!tpu.dma_semaphore, #tpu.memory_space<semaphore_mem>>) src(%dma_wait3A_55 : memref<80xi32, #tpu.memory_space<hbm>>) dst(%arg4 : memref<80xi32, #tpu.memory_space<vmem>>)
    %dma_start3A_56 = arith.constant 0 : i32
    %dma_start3A_57 = tpu.memref_slice %arg11[%dma_start3A_56] : memref<10000xf32, #tpu.memory_space<vmem_shared>> -> memref<10000xf32, #tpu.memory_space<vmem_shared>>
    tpu.enqueue_indirect_dma source(%arg9 : memref<80xf32, #tpu.memory_space<vmem>>) target(%dma_start3A_57 : memref<10000xf32, #tpu.memory_space<vmem_shared>>) offsets(%arg4 : memref<80xi32, #tpu.memory_space<vmem>>) semaphore(%arg17 : memref<!tpu.dma_semaphore, #tpu.memory_space<semaphore_mem>>) {add = true}
    %add3A_58 = arith.constant 240 : i32
    %add3A_59 = arith.addi %add3A_41, %add3A_58 : i32
    %dma_start3A_60 = tpu.memref_slice %arg2[%add3A_59] : memref<640000xi32, #tpu.memory_space<hbm>> -> memref<80xi32, #tpu.memory_space<hbm>>
    %dma_start3A_61 = tpu.memref_slice %arg2[%add3A_59] : memref<640000xi32, #tpu.memory_space<hbm>> -> memref<80xi32, #tpu.memory_space<hbm>>
    tpu.enqueue_dma source(%dma_start3A_61 : memref<80xi32, #tpu.memory_space<hbm>>) target(%arg7 : memref<80xi32, #tpu.memory_space<vmem>>) target_semaphore(%arg15 : memref<!tpu.dma_semaphore, #tpu.memory_space<semaphore_mem>>)
    %dma_wait3A_62 = arith.constant 0 : i32
    %dma_wait3A_63 = tpu.memref_slice %arg2[%dma_wait3A_62] : memref<640000xi32, #tpu.memory_space<hbm>> -> memref<80xi32, #tpu.memory_space<hbm>>
    %dma_wait3A_64 = arith.constant 0 : i32
    %dma_wait3A_65 = tpu.memref_slice %arg2[%dma_wait3A_64] : memref<640000xi32, #tpu.memory_space<hbm>> -> memref<80xi32, #tpu.memory_space<hbm>>
    tpu.wait_dma2 semaphore(%arg13 : memref<!tpu.dma_semaphore, #tpu.memory_space<semaphore_mem>>) src(%dma_wait3A_65 : memref<80xi32, #tpu.memory_space<hbm>>) dst(%arg5 : memref<80xi32, #tpu.memory_space<vmem>>)
    %dma_start3A_66 = arith.constant 0 : i32
    %dma_start3A_67 = tpu.memref_slice %arg11[%dma_start3A_66] : memref<10000xf32, #tpu.memory_space<vmem_shared>> -> memref<10000xf32, #tpu.memory_space<vmem_shared>>
    tpu.enqueue_indirect_dma source(%arg9 : memref<80xf32, #tpu.memory_space<vmem>>) target(%dma_start3A_67 : memref<10000xf32, #tpu.memory_space<vmem_shared>>) offsets(%arg5 : memref<80xi32, #tpu.memory_space<vmem>>) semaphore(%arg18 : memref<!tpu.dma_semaphore, #tpu.memory_space<semaphore_mem>>) {add = true}
    %add3A_68 = arith.constant 320 : i32
    %add3A_69 = arith.addi %add3A_41, %add3A_68 : i32
    %dma_start3A_70 = tpu.memref_slice %arg2[%add3A_69] : memref<640000xi32, #tpu.memory_space<hbm>> -> memref<80xi32, #tpu.memory_space<hbm>>
    %dma_start3A_71 = tpu.memref_slice %arg2[%add3A_69] : memref<640000xi32, #tpu.memory_space<hbm>> -> memref<80xi32, #tpu.memory_space<hbm>>
    tpu.enqueue_dma source(%dma_start3A_71 : memref<80xi32, #tpu.memory_space<hbm>>) target(%arg8 : memref<80xi32, #tpu.memory_space<vmem>>) target_semaphore(%arg16 : memref<!tpu.dma_semaphore, #tpu.memory_space<semaphore_mem>>)
    %dma_wait3A_72 = arith.constant 0 : i32
    %dma_wait3A_73 = tpu.memref_slice %arg2[%dma_wait3A_72] : memref<640000xi32, #tpu.memory_space<hbm>> -> memref<80xi32, #tpu.memory_space<hbm>>
    %dma_wait3A_74 = arith.constant 0 : i32
    %dma_wait3A_75 = tpu.memref_slice %arg2[%dma_wait3A_74] : memref<640000xi32, #tpu.memory_space<hbm>> -> memref<80xi32, #tpu.memory_space<hbm>>
    tpu.wait_dma2 semaphore(%arg14 : memref<!tpu.dma_semaphore, #tpu.memory_space<semaphore_mem>>) src(%dma_wait3A_75 : memref<80xi32, #tpu.memory_space<hbm>>) dst(%arg6 : memref<80xi32, #tpu.memory_space<vmem>>)
    %dma_start3A_76 = arith.constant 0 : i32
    %dma_start3A_77 = tpu.memref_slice %arg11[%dma_start3A_76] : memref<10000xf32, #tpu.memory_space<vmem_shared>> -> memref<10000xf32, #tpu.memory_space<vmem_shared>>
    tpu.enqueue_indirect_dma source(%arg9 : memref<80xf32, #tpu.memory_space<vmem>>) target(%dma_start3A_77 : memref<10000xf32, #tpu.memory_space<vmem_shared>>) offsets(%arg6 : memref<80xi32, #tpu.memory_space<vmem>>) semaphore(%arg19 : memref<!tpu.dma_semaphore, #tpu.memory_space<semaphore_mem>>) {add = true}
    %scan3A_78 = arith.constant 0 : i32
    %scan3A_79 = arith.constant 0 : i32
    %scan3A_80 = arith.constant 24 : i32
    %scan3A_81 = arith.addi %scan3A_79, %scan3A_80 : i32
    %scan3A_82 = arith.constant 1 : i32
    scf.for %scan3A_115 = %scan3A_79 to %scan3A_81 step %scan3A_82  : i32 {
      %add3A_116 = arith.constant 1 : i32
      %add3A_117 = arith.addi %scan3A_115, %add3A_116 : i32
      %mul3A_118 = arith.constant 5 : i32
      %mul3A_119 = arith.muli %mul3A_118, %add3A_117 : i32
      %add3A_120 = arith.constant 0 : i32
      %add3A_121 = arith.addi %mul3A_119, %add3A_120 : i32
      %mul3A_122 = arith.constant 80 : i32
      %mul3A_123 = arith.muli %add3A_121, %mul3A_122 : i32
      %add3A_124 = arith.addi %add3A_41, %mul3A_123 : i32
      %dma_wait3A_125 = arith.constant 0 : i32
      %dma_wait3A_126 = tpu.memref_slice %arg11[%dma_wait3A_125] : memref<10000xf32, #tpu.memory_space<vmem_shared>> -> memref<10000xf32, #tpu.memory_space<vmem_shared>>
      tpu.wait_indirect_dma semaphore(%arg17 : memref<!tpu.dma_semaphore, #tpu.memory_space<semaphore_mem>>) src(%arg9 : memref<80xf32, #tpu.memory_space<vmem>>) dst(%dma_wait3A_126 : memref<10000xf32, #tpu.memory_space<vmem_shared>>)
      %dma_start3A_127 = tpu.memref_slice %arg2[%add3A_124] : memref<640000xi32, #tpu.memory_space<hbm>> -> memref<80xi32, #tpu.memory_space<hbm>>
      %dma_start3A_128 = tpu.memref_slice %arg2[%add3A_124] : memref<640000xi32, #tpu.memory_space<hbm>> -> memref<80xi32, #tpu.memory_space<hbm>>
      tpu.enqueue_dma source(%dma_start3A_128 : memref<80xi32, #tpu.memory_space<hbm>>) target(%arg4 : memref<80xi32, #tpu.memory_space<vmem>>) target_semaphore(%arg12 : memref<!tpu.dma_semaphore, #tpu.memory_space<semaphore_mem>>)
      %dma_wait3A_129 = arith.constant 0 : i32
      %dma_wait3A_130 = tpu.memref_slice %arg2[%dma_wait3A_129] : memref<640000xi32, #tpu.memory_space<hbm>> -> memref<80xi32, #tpu.memory_space<hbm>>
      %dma_wait3A_131 = arith.constant 0 : i32
      %dma_wait3A_132 = tpu.memref_slice %arg2[%dma_wait3A_131] : memref<640000xi32, #tpu.memory_space<hbm>> -> memref<80xi32, #tpu.memory_space<hbm>>
      tpu.wait_dma2 semaphore(%arg15 : memref<!tpu.dma_semaphore, #tpu.memory_space<semaphore_mem>>) src(%dma_wait3A_132 : memref<80xi32, #tpu.memory_space<hbm>>) dst(%arg7 : memref<80xi32, #tpu.memory_space<vmem>>)
      %dma_start3A_133 = arith.constant 0 : i32
      %dma_start3A_134 = tpu.memref_slice %arg11[%dma_start3A_133] : memref<10000xf32, #tpu.memory_space<vmem_shared>> -> memref<10000xf32, #tpu.memory_space<vmem_shared>>
      tpu.enqueue_indirect_dma source(%arg9 : memref<80xf32, #tpu.memory_space<vmem>>) target(%dma_start3A_134 : memref<10000xf32, #tpu.memory_space<vmem_shared>>) offsets(%arg7 : memref<80xi32, #tpu.memory_space<vmem>>) semaphore(%arg20 : memref<!tpu.dma_semaphore, #tpu.memory_space<semaphore_mem>>) {add = true}
      %add3A_135 = arith.constant 1 : i32
      %add3A_136 = arith.addi %scan3A_115, %add3A_135 : i32
      %mul3A_137 = arith.constant 5 : i32
      %mul3A_138 = arith.muli %mul3A_137, %add3A_136 : i32
      %add3A_139 = arith.constant 1 : i32
      %add3A_140 = arith.addi %mul3A_138, %add3A_139 : i32
      %mul3A_141 = arith.constant 80 : i32
      %mul3A_142 = arith.muli %add3A_140, %mul3A_141 : i32
      %add3A_143 = arith.addi %add3A_41, %mul3A_142 : i32
      %dma_wait3A_144 = arith.constant 0 : i32
      %dma_wait3A_145 = tpu.memref_slice %arg11[%dma_wait3A_144] : memref<10000xf32, #tpu.memory_space<vmem_shared>> -> memref<10000xf32, #tpu.memory_space<vmem_shared>>
      tpu.wait_indirect_dma semaphore(%arg18 : memref<!tpu.dma_semaphore, #tpu.memory_space<semaphore_mem>>) src(%arg9 : memref<80xf32, #tpu.memory_space<vmem>>) dst(%dma_wait3A_145 : memref<10000xf32, #tpu.memory_space<vmem_shared>>)
      %dma_start3A_146 = tpu.memref_slice %arg2[%add3A_143] : memref<640000xi32, #tpu.memory_space<hbm>> -> memref<80xi32, #tpu.memory_space<hbm>>
      %dma_start3A_147 = tpu.memref_slice %arg2[%add3A_143] : memref<640000xi32, #tpu.memory_space<hbm>> -> memref<80xi32, #tpu.memory_space<hbm>>
      tpu.enqueue_dma source(%dma_start3A_147 : memref<80xi32, #tpu.memory_space<hbm>>) target(%arg5 : memref<80xi32, #tpu.memory_space<vmem>>) target_semaphore(%arg13 : memref<!tpu.dma_semaphore, #tpu.memory_space<semaphore_mem>>)
      %dma_wait3A_148 = arith.constant 0 : i32
      %dma_wait3A_149 = tpu.memref_slice %arg2[%dma_wait3A_148] : memref<640000xi32, #tpu.memory_space<hbm>> -> memref<80xi32, #tpu.memory_space<hbm>>
      %dma_wait3A_150 = arith.constant 0 : i32
      %dma_wait3A_151 = tpu.memref_slice %arg2[%dma_wait3A_150] : memref<640000xi32, #tpu.memory_space<hbm>> -> memref<80xi32, #tpu.memory_space<hbm>>
      tpu.wait_dma2 semaphore(%arg16 : memref<!tpu.dma_semaphore, #tpu.memory_space<semaphore_mem>>) src(%dma_wait3A_151 : memref<80xi32, #tpu.memory_space<hbm>>) dst(%arg8 : memref<80xi32, #tpu.memory_space<vmem>>)
      %dma_start3A_152 = arith.constant 0 : i32
      %dma_start3A_153 = tpu.memref_slice %arg11[%dma_start3A_152] : memref<10000xf32, #tpu.memory_space<vmem_shared>> -> memref<10000xf32, #tpu.memory_space<vmem_shared>>
      tpu.enqueue_indirect_dma source(%arg9 : memref<80xf32, #tpu.memory_space<vmem>>) target(%dma_start3A_153 : memref<10000xf32, #tpu.memory_space<vmem_shared>>) offsets(%arg8 : memref<80xi32, #tpu.memory_space<vmem>>) semaphore(%arg21 : memref<!tpu.dma_semaphore, #tpu.memory_space<semaphore_mem>>) {add = true}
      %add3A_154 = arith.constant 1 : i32
      %add3A_155 = arith.addi %scan3A_115, %add3A_154 : i32
      %mul3A_156 = arith.constant 5 : i32
      %mul3A_157 = arith.muli %mul3A_156, %add3A_155 : i32
      %add3A_158 = arith.constant 2 : i32
      %add3A_159 = arith.addi %mul3A_157, %add3A_158 : i32
      %mul3A_160 = arith.constant 80 : i32
      %mul3A_161 = arith.muli %add3A_159, %mul3A_160 : i32
      %add3A_162 = arith.addi %add3A_41, %mul3A_161 : i32
      %dma_wait3A_163 = arith.constant 0 : i32
      %dma_wait3A_164 = tpu.memref_slice %arg11[%dma_wait3A_163] : memref<10000xf32, #tpu.memory_space<vmem_shared>> -> memref<10000xf32, #tpu.memory_space<vmem_shared>>
      tpu.wait_indirect_dma semaphore(%arg19 : memref<!tpu.dma_semaphore, #tpu.memory_space<semaphore_mem>>) src(%arg9 : memref<80xf32, #tpu.memory_space<vmem>>) dst(%dma_wait3A_164 : memref<10000xf32, #tpu.memory_space<vmem_shared>>)
      %dma_start3A_165 = tpu.memref_slice %arg2[%add3A_162] : memref<640000xi32, #tpu.memory_space<hbm>> -> memref<80xi32, #tpu.memory_space<hbm>>
      %dma_start3A_166 = tpu.memref_slice %arg2[%add3A_162] : memref<640000xi32, #tpu.memory_space<hbm>> -> memref<80xi32, #tpu.memory_space<hbm>>
      tpu.enqueue_dma source(%dma_start3A_166 : memref<80xi32, #tpu.memory_space<hbm>>) target(%arg6 : memref<80xi32, #tpu.memory_space<vmem>>) target_semaphore(%arg14 : memref<!tpu.dma_semaphore, #tpu.memory_space<semaphore_mem>>)
      %dma_wait3A_167 = arith.constant 0 : i32
      %dma_wait3A_168 = tpu.memref_slice %arg2[%dma_wait3A_167] : memref<640000xi32, #tpu.memory_space<hbm>> -> memref<80xi32, #tpu.memory_space<hbm>>
      %dma_wait3A_169 = arith.constant 0 : i32
      %dma_wait3A_170 = tpu.memref_slice %arg2[%dma_wait3A_169] : memref<640000xi32, #tpu.memory_space<hbm>> -> memref<80xi32, #tpu.memory_space<hbm>>
      tpu.wait_dma2 semaphore(%arg12 : memref<!tpu.dma_semaphore, #tpu.memory_space<semaphore_mem>>) src(%dma_wait3A_170 : memref<80xi32, #tpu.memory_space<hbm>>) dst(%arg4 : memref<80xi32, #tpu.memory_space<vmem>>)
      %dma_start3A_171 = arith.constant 0 : i32
      %dma_start3A_172 = tpu.memref_slice %arg11[%dma_start3A_171] : memref<10000xf32, #tpu.memory_space<vmem_shared>> -> memref<10000xf32, #tpu.memory_space<vmem_shared>>
      tpu.enqueue_indirect_dma source(%arg9 : memref<80xf32, #tpu.memory_space<vmem>>) target(%dma_start3A_172 : memref<10000xf32, #tpu.memory_space<vmem_shared>>) offsets(%arg4 : memref<80xi32, #tpu.memory_space<vmem>>) semaphore(%arg17 : memref<!tpu.dma_semaphore, #tpu.memory_space<semaphore_mem>>) {add = true}
      %add3A_173 = arith.constant 1 : i32
      %add3A_174 = arith.addi %scan3A_115, %add3A_173 : i32
      %mul3A_175 = arith.constant 5 : i32
      %mul3A_176 = arith.muli %mul3A_175, %add3A_174 : i32
      %add3A_177 = arith.constant 3 : i32
      %add3A_178 = arith.addi %mul3A_176, %add3A_177 : i32
      %mul3A_179 = arith.constant 80 : i32
      %mul3A_180 = arith.muli %add3A_178, %mul3A_179 : i32
      %add3A_181 = arith.addi %add3A_41, %mul3A_180 : i32
      %dma_wait3A_182 = arith.constant 0 : i32
      %dma_wait3A_183 = tpu.memref_slice %arg11[%dma_wait3A_182] : memref<10000xf32, #tpu.memory_space<vmem_shared>> -> memref<10000xf32, #tpu.memory_space<vmem_shared>>
      tpu.wait_indirect_dma semaphore(%arg20 : memref<!tpu.dma_semaphore, #tpu.memory_space<semaphore_mem>>) src(%arg9 : memref<80xf32, #tpu.memory_space<vmem>>) dst(%dma_wait3A_183 : memref<10000xf32, #tpu.memory_space<vmem_shared>>)
      %dma_start3A_184 = tpu.memref_slice %arg2[%add3A_181] : memref<640000xi32, #tpu.memory_space<hbm>> -> memref<80xi32, #tpu.memory_space<hbm>>
      %dma_start3A_185 = tpu.memref_slice %arg2[%add3A_181] : memref<640000xi32, #tpu.memory_space<hbm>> -> memref<80xi32, #tpu.memory_space<hbm>>
      tpu.enqueue_dma source(%dma_start3A_185 : memref<80xi32, #tpu.memory_space<hbm>>) target(%arg7 : memref<80xi32, #tpu.memory_space<vmem>>) target_semaphore(%arg15 : memref<!tpu.dma_semaphore, #tpu.memory_space<semaphore_mem>>)
      %dma_wait3A_186 = arith.constant 0 : i32
      %dma_wait3A_187 = tpu.memref_slice %arg2[%dma_wait3A_186] : memref<640000xi32, #tpu.memory_space<hbm>> -> memref<80xi32, #tpu.memory_space<hbm>>
      %dma_wait3A_188 = arith.constant 0 : i32
      %dma_wait3A_189 = tpu.memref_slice %arg2[%dma_wait3A_188] : memref<640000xi32, #tpu.memory_space<hbm>> -> memref<80xi32, #tpu.memory_space<hbm>>
      tpu.wait_dma2 semaphore(%arg13 : memref<!tpu.dma_semaphore, #tpu.memory_space<semaphore_mem>>) src(%dma_wait3A_189 : memref<80xi32, #tpu.memory_space<hbm>>) dst(%arg5 : memref<80xi32, #tpu.memory_space<vmem>>)
      %dma_start3A_190 = arith.constant 0 : i32
      %dma_start3A_191 = tpu.memref_slice %arg11[%dma_start3A_190] : memref<10000xf32, #tpu.memory_space<vmem_shared>> -> memref<10000xf32, #tpu.memory_space<vmem_shared>>
      tpu.enqueue_indirect_dma source(%arg9 : memref<80xf32, #tpu.memory_space<vmem>>) target(%dma_start3A_191 : memref<10000xf32, #tpu.memory_space<vmem_shared>>) offsets(%arg5 : memref<80xi32, #tpu.memory_space<vmem>>) semaphore(%arg18 : memref<!tpu.dma_semaphore, #tpu.memory_space<semaphore_mem>>) {add = true}
      %add3A_192 = arith.constant 1 : i32
      %add3A_193 = arith.addi %scan3A_115, %add3A_192 : i32
      %mul3A_194 = arith.constant 5 : i32
      %mul3A_195 = arith.muli %mul3A_194, %add3A_193 : i32
      %add3A_196 = arith.constant 4 : i32
      %add3A_197 = arith.addi %mul3A_195, %add3A_196 : i32
      %mul3A_198 = arith.constant 80 : i32
      %mul3A_199 = arith.muli %add3A_197, %mul3A_198 : i32
      %add3A_200 = arith.addi %add3A_41, %mul3A_199 : i32
      %dma_wait3A_201 = arith.constant 0 : i32
      %dma_wait3A_202 = tpu.memref_slice %arg11[%dma_wait3A_201] : memref<10000xf32, #tpu.memory_space<vmem_shared>> -> memref<10000xf32, #tpu.memory_space<vmem_shared>>
      tpu.wait_indirect_dma semaphore(%arg21 : memref<!tpu.dma_semaphore, #tpu.memory_space<semaphore_mem>>) src(%arg9 : memref<80xf32, #tpu.memory_space<vmem>>) dst(%dma_wait3A_202 : memref<10000xf32, #tpu.memory_space<vmem_shared>>)
      %dma_start3A_203 = tpu.memref_slice %arg2[%add3A_200] : memref<640000xi32, #tpu.memory_space<hbm>> -> memref<80xi32, #tpu.memory_space<hbm>>
      %dma_start3A_204 = tpu.memref_slice %arg2[%add3A_200] : memref<640000xi32, #tpu.memory_space<hbm>> -> memref<80xi32, #tpu.memory_space<hbm>>
      tpu.enqueue_dma source(%dma_start3A_204 : memref<80xi32, #tpu.memory_space<hbm>>) target(%arg8 : memref<80xi32, #tpu.memory_space<vmem>>) target_semaphore(%arg16 : memref<!tpu.dma_semaphore, #tpu.memory_space<semaphore_mem>>)
      %dma_wait3A_205 = arith.constant 0 : i32
      %dma_wait3A_206 = tpu.memref_slice %arg2[%dma_wait3A_205] : memref<640000xi32, #tpu.memory_space<hbm>> -> memref<80xi32, #tpu.memory_space<hbm>>
      %dma_wait3A_207 = arith.constant 0 : i32
      %dma_wait3A_208 = tpu.memref_slice %arg2[%dma_wait3A_207] : memref<640000xi32, #tpu.memory_space<hbm>> -> memref<80xi32, #tpu.memory_space<hbm>>
      tpu.wait_dma2 semaphore(%arg14 : memref<!tpu.dma_semaphore, #tpu.memory_space<semaphore_mem>>) src(%dma_wait3A_208 : memref<80xi32, #tpu.memory_space<hbm>>) dst(%arg6 : memref<80xi32, #tpu.memory_space<vmem>>)
      %dma_start3A_209 = arith.constant 0 : i32
      %dma_start3A_210 = tpu.memref_slice %arg11[%dma_start3A_209] : memref<10000xf32, #tpu.memory_space<vmem_shared>> -> memref<10000xf32, #tpu.memory_space<vmem_shared>>
      tpu.enqueue_indirect_dma source(%arg9 : memref<80xf32, #tpu.memory_space<vmem>>) target(%dma_start3A_210 : memref<10000xf32, #tpu.memory_space<vmem_shared>>) offsets(%arg6 : memref<80xi32, #tpu.memory_space<vmem>>) semaphore(%arg19 : memref<!tpu.dma_semaphore, #tpu.memory_space<semaphore_mem>>) {add = true}
    }
    %scan3A_83 = arith.constant 24 : i32
    %dma_wait3A_84 = arith.constant 0 : i32
    %dma_wait3A_85 = tpu.memref_slice %arg2[%dma_wait3A_84] : memref<640000xi32, #tpu.memory_space<hbm>> -> memref<80xi32, #tpu.memory_space<hbm>>
    %dma_wait3A_86 = arith.constant 0 : i32
    %dma_wait3A_87 = tpu.memref_slice %arg2[%dma_wait3A_86] : memref<640000xi32, #tpu.memory_space<hbm>> -> memref<80xi32, #tpu.memory_space<hbm>>
    tpu.wait_dma2 semaphore(%arg15 : memref<!tpu.dma_semaphore, #tpu.memory_space<semaphore_mem>>) src(%dma_wait3A_87 : memref<80xi32, #tpu.memory_space<hbm>>) dst(%arg7 : memref<80xi32, #tpu.memory_space<vmem>>)
    %dma_start3A_88 = arith.constant 0 : i32
    %dma_start3A_89 = tpu.memref_slice %arg11[%dma_start3A_88] : memref<10000xf32, #tpu.memory_space<vmem_shared>> -> memref<10000xf32, #tpu.memory_space<vmem_shared>>
    tpu.enqueue_indirect_dma source(%arg9 : memref<80xf32, #tpu.memory_space<vmem>>) target(%dma_start3A_89 : memref<10000xf32, #tpu.memory_space<vmem_shared>>) offsets(%arg7 : memref<80xi32, #tpu.memory_space<vmem>>) semaphore(%arg20 : memref<!tpu.dma_semaphore, #tpu.memory_space<semaphore_mem>>) {add = true}
    %dma_wait3A_90 = arith.constant 0 : i32
    %dma_wait3A_91 = tpu.memref_slice %arg2[%dma_wait3A_90] : memref<640000xi32, #tpu.memory_space<hbm>> -> memref<80xi32, #tpu.memory_space<hbm>>
    %dma_wait3A_92 = arith.constant 0 : i32
    %dma_wait3A_93 = tpu.memref_slice %arg2[%dma_wait3A_92] : memref<640000xi32, #tpu.memory_space<hbm>> -> memref<80xi32, #tpu.memory_space<hbm>>
    tpu.wait_dma2 semaphore(%arg16 : memref<!tpu.dma_semaphore, #tpu.memory_space<semaphore_mem>>) src(%dma_wait3A_93 : memref<80xi32, #tpu.memory_space<hbm>>) dst(%arg8 : memref<80xi32, #tpu.memory_space<vmem>>)
    %dma_start3A_94 = arith.constant 0 : i32
    %dma_start3A_95 = tpu.memref_slice %arg11[%dma_start3A_94] : memref<10000xf32, #tpu.memory_space<vmem_shared>> -> memref<10000xf32, #tpu.memory_space<vmem_shared>>
    tpu.enqueue_indirect_dma source(%arg9 : memref<80xf32, #tpu.memory_space<vmem>>) target(%dma_start3A_95 : memref<10000xf32, #tpu.memory_space<vmem_shared>>) offsets(%arg8 : memref<80xi32, #tpu.memory_space<vmem>>) semaphore(%arg21 : memref<!tpu.dma_semaphore, #tpu.memory_space<semaphore_mem>>) {add = true}
    %dma_wait3A_96 = arith.constant 0 : i32
    %dma_wait3A_97 = tpu.memref_slice %arg11[%dma_wait3A_96] : memref<10000xf32, #tpu.memory_space<vmem_shared>> -> memref<10000xf32, #tpu.memory_space<vmem_shared>>
    tpu.wait_indirect_dma semaphore(%arg17 : memref<!tpu.dma_semaphore, #tpu.memory_space<semaphore_mem>>) src(%arg9 : memref<80xf32, #tpu.memory_space<vmem>>) dst(%dma_wait3A_97 : memref<10000xf32, #tpu.memory_space<vmem_shared>>)
    %dma_wait3A_98 = arith.constant 0 : i32
    %dma_wait3A_99 = tpu.memref_slice %arg11[%dma_wait3A_98] : memref<10000xf32, #tpu.memory_space<vmem_shared>> -> memref<10000xf32, #tpu.memory_space<vmem_shared>>
    tpu.wait_indirect_dma semaphore(%arg18 : memref<!tpu.dma_semaphore, #tpu.memory_space<semaphore_mem>>) src(%arg9 : memref<80xf32, #tpu.memory_space<vmem>>) dst(%dma_wait3A_99 : memref<10000xf32, #tpu.memory_space<vmem_shared>>)
    %dma_wait3A_100 = arith.constant 0 : i32
    %dma_wait3A_101 = tpu.memref_slice %arg11[%dma_wait3A_100] : memref<10000xf32, #tpu.memory_space<vmem_shared>> -> memref<10000xf32, #tpu.memory_space<vmem_shared>>
    tpu.wait_indirect_dma semaphore(%arg19 : memref<!tpu.dma_semaphore, #tpu.memory_space<semaphore_mem>>) src(%arg9 : memref<80xf32, #tpu.memory_space<vmem>>) dst(%dma_wait3A_101 : memref<10000xf32, #tpu.memory_space<vmem_shared>>)
    %dma_wait3A_102 = arith.constant 0 : i32
    %dma_wait3A_103 = tpu.memref_slice %arg11[%dma_wait3A_102] : memref<10000xf32, #tpu.memory_space<vmem_shared>> -> memref<10000xf32, #tpu.memory_space<vmem_shared>>
    tpu.wait_indirect_dma semaphore(%arg20 : memref<!tpu.dma_semaphore, #tpu.memory_space<semaphore_mem>>) src(%arg9 : memref<80xf32, #tpu.memory_space<vmem>>) dst(%dma_wait3A_103 : memref<10000xf32, #tpu.memory_space<vmem_shared>>)
    %dma_wait3A_104 = arith.constant 0 : i32
    %dma_wait3A_105 = tpu.memref_slice %arg11[%dma_wait3A_104] : memref<10000xf32, #tpu.memory_space<vmem_shared>> -> memref<10000xf32, #tpu.memory_space<vmem_shared>>
    tpu.wait_indirect_dma semaphore(%arg21 : memref<!tpu.dma_semaphore, #tpu.memory_space<semaphore_mem>>) src(%arg9 : memref<80xf32, #tpu.memory_space<vmem>>) dst(%dma_wait3A_105 : memref<10000xf32, #tpu.memory_space<vmem_shared>>)
    %barrier3A_106 = arith.constant 0 : index
    tpu.barrier barrier_id(%barrier3A_106)
    %mul3A_107 = arith.constant 10000 : i32
    %mul3A_108 = arith.muli %arg0, %mul3A_107 : i32
    %add3A_109 = arith.addi %mul3A_108, %mul3A_2 : i32
    %multiple_of3A = tpu.assume_multiple %add3A_109, 8 : i32
    "tpu.region"() ({
      %run_scoped3A = tpu.sem_alloc : memref<!tpu.dma_semaphore, #tpu.memory_space<semaphore_mem>>
      %dma_start3A_115 = tpu.memref_slice %arg11[%mul3A_2] : memref<10000xf32, #tpu.memory_space<vmem_shared>> -> memref<624xf32, #tpu.memory_space<vmem_shared>>
      %dma_start3A_116 = tpu.memref_slice %arg11[%mul3A_2] : memref<10000xf32, #tpu.memory_space<vmem_shared>> -> memref<624xf32, #tpu.memory_space<vmem_shared>>
      tpu.enqueue_dma source(%dma_start3A_116 : memref<624xf32, #tpu.memory_space<vmem_shared>>) target(%arg10 : memref<624xf32, #tpu.memory_space<vmem>>) target_semaphore(%run_scoped3A : memref<!tpu.dma_semaphore, #tpu.memory_space<semaphore_mem>>)
      %dma_wait3A_117 = tpu.memref_slice %arg11[%mul3A_2] : memref<10000xf32, #tpu.memory_space<vmem_shared>> -> memref<624xf32, #tpu.memory_space<vmem_shared>>
      %dma_wait3A_118 = tpu.memref_slice %arg11[%mul3A_2] : memref<10000xf32, #tpu.memory_space<vmem_shared>> -> memref<624xf32, #tpu.memory_space<vmem_shared>>
      tpu.wait_dma2 semaphore(%run_scoped3A : memref<!tpu.dma_semaphore, #tpu.memory_space<semaphore_mem>>) src(%dma_wait3A_118 : memref<624xf32, #tpu.memory_space<vmem_shared>>) dst(%arg10 : memref<624xf32, #tpu.memory_space<vmem>>)
      tpu.yield
    }) : () -> ()
    "tpu.region"() ({
      %run_scoped3A = tpu.sem_alloc : memref<!tpu.dma_semaphore, #tpu.memory_space<semaphore_mem>>
      %dma_start3A_115 = tpu.memref_slice %arg3[%multiple_of3A] : memref<20000xf32, #tpu.memory_space<hbm>> -> memref<624xf32, #tpu.memory_space<hbm>>
      %dma_start3A_116 = tpu.memref_slice %arg3[%multiple_of3A] : memref<20000xf32, #tpu.memory_space<hbm>> -> memref<624xf32, #tpu.memory_space<hbm>>
      tpu.enqueue_dma source(%arg10 : memref<624xf32, #tpu.memory_space<vmem>>) target(%dma_start3A_116 : memref<624xf32, #tpu.memory_space<hbm>>) target_semaphore(%run_scoped3A : memref<!tpu.dma_semaphore, #tpu.memory_space<semaphore_mem>>)
      %dma_wait3A_117 = tpu.memref_slice %arg3[%multiple_of3A] : memref<20000xf32, #tpu.memory_space<hbm>> -> memref<624xf32, #tpu.memory_space<hbm>>
      %dma_wait3A_118 = tpu.memref_slice %arg3[%multiple_of3A] : memref<20000xf32, #tpu.memory_space<hbm>> -> memref<624xf32, #tpu.memory_space<hbm>>
      tpu.wait_dma2 semaphore(%run_scoped3A : memref<!tpu.dma_semaphore, #tpu.memory_space<semaphore_mem>>) src(%arg10 : memref<624xf32, #tpu.memory_space<vmem>>) dst(%dma_wait3A_118 : memref<624xf32, #tpu.memory_space<hbm>>)
      tpu.yield
    }) : () -> ()
    %eq3A_110 = arith.constant 15 : i32
    %eq3A_111 = arith.cmpi eq, %arg1, %eq3A_110 : i32
    %convert_element_type3A_112 = arith.extui %eq3A_111 : i1 to i32
    %cond3A_113 = arith.constant 0 : i32
    %cond3A_114 = arith.cmpi ne, %convert_element_type3A_112, %cond3A_113 : i32
    scf.if %cond3A_114 {
      %mul3A_115 = arith.constant 10000 : i32
      %mul3A_116 = arith.muli %arg0, %mul3A_115 : i32
      %add3A_117 = arith.constant 9984 : i32
      %add3A_118 = arith.addi %mul3A_116, %add3A_117 : i32
      %multiple_of3A_119 = tpu.assume_multiple %add3A_118, 8 : i32
      "tpu.region"() ({
        %run_scoped3A = tpu.sem_alloc : memref<!tpu.dma_semaphore, #tpu.memory_space<semaphore_mem>>
        %dma_start3A_120 = arith.constant 0 : i32
        %dma_start3A_121 = tpu.memref_slice %arg10[%dma_start3A_120] : memref<624xf32, #tpu.memory_space<vmem>> -> memref<16xf32, #tpu.memory_space<vmem>>
        %dma_start3A_122 = arith.constant 9984 : i32
        %dma_start3A_123 = tpu.memref_slice %arg11[%dma_start3A_122] : memref<10000xf32, #tpu.memory_space<vmem_shared>> -> memref<16xf32, #tpu.memory_space<vmem_shared>>
        %dma_start3A_124 = arith.constant 0 : i32
        %dma_start3A_125 = tpu.memref_slice %arg10[%dma_start3A_124] : memref<624xf32, #tpu.memory_space<vmem>> -> memref<16xf32, #tpu.memory_space<vmem>>
        %dma_start3A_126 = arith.constant 9984 : i32
        %dma_start3A_127 = tpu.memref_slice %arg11[%dma_start3A_126] : memref<10000xf32, #tpu.memory_space<vmem_shared>> -> memref<16xf32, #tpu.memory_space<vmem_shared>>
        tpu.enqueue_dma source(%dma_start3A_127 : memref<16xf32, #tpu.memory_space<vmem_shared>>) target(%dma_start3A_125 : memref<16xf32, #tpu.memory_space<vmem>>) target_semaphore(%run_scoped3A : memref<!tpu.dma_semaphore, #tpu.memory_space<semaphore_mem>>)
        %dma_wait3A_128 = arith.constant 0 : i32
        %dma_wait3A_129 = tpu.memref_slice %arg10[%dma_wait3A_128] : memref<624xf32, #tpu.memory_space<vmem>> -> memref<16xf32, #tpu.memory_space<vmem>>
        %dma_wait3A_130 = arith.constant 9984 : i32
        %dma_wait3A_131 = tpu.memref_slice %arg11[%dma_wait3A_130] : memref<10000xf32, #tpu.memory_space<vmem_shared>> -> memref<16xf32, #tpu.memory_space<vmem_shared>>
        %dma_wait3A_132 = arith.constant 0 : i32
        %dma_wait3A_133 = tpu.memref_slice %arg10[%dma_wait3A_132] : memref<624xf32, #tpu.memory_space<vmem>> -> memref<16xf32, #tpu.memory_space<vmem>>
        %dma_wait3A_134 = arith.constant 9984 : i32
        %dma_wait3A_135 = tpu.memref_slice %arg11[%dma_wait3A_134] : memref<10000xf32, #tpu.memory_space<vmem_shared>> -> memref<16xf32, #tpu.memory_space<vmem_shared>>
        tpu.wait_dma2 semaphore(%run_scoped3A : memref<!tpu.dma_semaphore, #tpu.memory_space<semaphore_mem>>) src(%dma_wait3A_135 : memref<16xf32, #tpu.memory_space<vmem_shared>>) dst(%dma_wait3A_133 : memref<16xf32, #tpu.memory_space<vmem>>)
        tpu.yield
      }) : () -> ()
      "tpu.region"() ({
        %run_scoped3A = tpu.sem_alloc : memref<!tpu.dma_semaphore, #tpu.memory_space<semaphore_mem>>
        %dma_start3A_120 = arith.constant 0 : i32
        %dma_start3A_121 = tpu.memref_slice %arg10[%dma_start3A_120] : memref<624xf32, #tpu.memory_space<vmem>> -> memref<16xf32, #tpu.memory_space<vmem>>
        %dma_start3A_122 = tpu.memref_slice %arg3[%multiple_of3A_119] : memref<20000xf32, #tpu.memory_space<hbm>> -> memref<16xf32, #tpu.memory_space<hbm>>
        %dma_start3A_123 = tpu.memref_slice %arg3[%multiple_of3A_119] : memref<20000xf32, #tpu.memory_space<hbm>> -> memref<16xf32, #tpu.memory_space<hbm>>
        %dma_start3A_124 = arith.constant 0 : i32
        %dma_start3A_125 = tpu.memref_slice %arg10[%dma_start3A_124] : memref<624xf32, #tpu.memory_space<vmem>> -> memref<16xf32, #tpu.memory_space<vmem>>
        tpu.enqueue_dma source(%dma_start3A_125 : memref<16xf32, #tpu.memory_space<vmem>>) target(%dma_start3A_123 : memref<16xf32, #tpu.memory_space<hbm>>) target_semaphore(%run_scoped3A : memref<!tpu.dma_semaphore, #tpu.memory_space<semaphore_mem>>)
        %dma_wait3A_126 = arith.constant 0 : i32
        %dma_wait3A_127 = tpu.memref_slice %arg10[%dma_wait3A_126] : memref<624xf32, #tpu.memory_space<vmem>> -> memref<16xf32, #tpu.memory_space<vmem>>
        %dma_wait3A_128 = tpu.memref_slice %arg3[%multiple_of3A_119] : memref<20000xf32, #tpu.memory_space<hbm>> -> memref<16xf32, #tpu.memory_space<hbm>>
        %dma_wait3A_129 = tpu.memref_slice %arg3[%multiple_of3A_119] : memref<20000xf32, #tpu.memory_space<hbm>> -> memref<16xf32, #tpu.memory_space<hbm>>
        %dma_wait3A_130 = arith.constant 0 : i32
        %dma_wait3A_131 = tpu.memref_slice %arg10[%dma_wait3A_130] : memref<624xf32, #tpu.memory_space<vmem>> -> memref<16xf32, #tpu.memory_space<vmem>>
        tpu.wait_dma2 semaphore(%run_scoped3A : memref<!tpu.dma_semaphore, #tpu.memory_space<semaphore_mem>>) src(%dma_wait3A_131 : memref<16xf32, #tpu.memory_space<vmem>>) dst(%dma_wait3A_129 : memref<16xf32, #tpu.memory_space<hbm>>)
        tpu.yield
      }) : () -> ()
    } else {
    }
    return
  }
}

#map = affine_map<(d0, d1) -> (0)>
#map1 = affine_map<(d0, d1) -> (0, 0)>
#map2 = affine_map<(d0, d1) -> (0, 0, 0)>
module attributes {stable_mosaic.version = 14 : i64} {
  func.func @_agg_body(%arg0: i32, %arg1: i32, %arg2: memref<640000xi32, #tpu.memory_space<hbm>>, %arg3: memref<10000x128xf32, #tpu.memory_space<hbm>>, %arg4: memref<2x10000x128xf32, #tpu.memory_space<hbm>>, %arg5: memref<80xi32, #tpu.memory_space<vmem>>, %arg6: memref<80xi32, #tpu.memory_space<vmem>>, %arg7: memref<80xi32, #tpu.memory_space<vmem>>, %arg8: memref<80xi32, #tpu.memory_space<vmem>>, %arg9: memref<80xi32, #tpu.memory_space<vmem>>, %arg10: memref<80xi32, #tpu.memory_space<vmem>>, %arg11: memref<80xi32, #tpu.memory_space<vmem>>, %arg12: memref<80xi32, #tpu.memory_space<vmem>>, %arg13: memref<80x128xf32, #tpu.memory_space<vmem>>, %arg14: memref<80x128xf32, #tpu.memory_space<vmem>>, %arg15: memref<80x128xf32, #tpu.memory_space<vmem>>, %arg16: memref<80x128xf32, #tpu.memory_space<vmem>>, %arg17: memref<10000x128xf32, #tpu.memory_space<vmem_shared>>, %arg18: memref<!tpu.dma_semaphore, #tpu.memory_space<semaphore_mem>>, %arg19: memref<!tpu.dma_semaphore, #tpu.memory_space<semaphore_mem>>, %arg20: memref<!tpu.dma_semaphore, #tpu.memory_space<semaphore_mem>>, %arg21: memref<!tpu.dma_semaphore, #tpu.memory_space<semaphore_mem>>, %arg22: memref<!tpu.dma_semaphore, #tpu.memory_space<semaphore_mem>>, %arg23: memref<!tpu.dma_semaphore, #tpu.memory_space<semaphore_mem>>, %arg24: memref<!tpu.dma_semaphore, #tpu.memory_space<semaphore_mem>>, %arg25: memref<!tpu.dma_semaphore, #tpu.memory_space<semaphore_mem>>, %arg26: memref<!tpu.dma_semaphore, #tpu.memory_space<semaphore_mem>>, %arg27: memref<!tpu.dma_semaphore, #tpu.memory_space<semaphore_mem>>, %arg28: memref<!tpu.dma_semaphore, #tpu.memory_space<semaphore_mem>>, %arg29: memref<!tpu.dma_semaphore, #tpu.memory_space<semaphore_mem>>) attributes {dimension_semantics = [#tpu.dimension_semantics<core_parallel>, #tpu.dimension_semantics<subcore_parallel>], iteration_bounds = array<i64: 2, 16>, scalar_prefetch = 0 : i64, scratch_operands = 25 : i64, tpu.core_type = #tpu.core_type<sc_vector_subcore>, window_params = [{transform_indices = #map}, {transform_indices = #map1}, {transform_indices = #map2}]} {
    %mul3A = arith.constant 2 : i32
    %mul3A_0 = arith.muli %arg1, %mul3A : i32
    %add3A = arith.addi %mul3A_0, %arg0 : i32
    %mul3A_1 = arith.constant 624 : i32
    %mul3A_2 = arith.muli %arg1, %mul3A_1 : i32
    %mul3A_3 = arith.constant 10000 : i32
    %mul3A_4 = arith.muli %add3A, %mul3A_3 : i32
    %add3A_5 = arith.constant 0 : i32
    %add3A_6 = arith.addi %mul3A_4, %add3A_5 : i32
    %dma_start3A = tpu.memref_slice %arg2[%add3A_6] : memref<640000xi32, #tpu.memory_space<hbm>> -> memref<80xi32, #tpu.memory_space<hbm>>
    %dma_start3A_7 = tpu.memref_slice %arg2[%add3A_6] : memref<640000xi32, #tpu.memory_space<hbm>> -> memref<80xi32, #tpu.memory_space<hbm>>
    tpu.enqueue_dma source(%dma_start3A_7 : memref<80xi32, #tpu.memory_space<hbm>>) target(%arg5 : memref<80xi32, #tpu.memory_space<vmem>>) target_semaphore(%arg18 : memref<!tpu.dma_semaphore, #tpu.memory_space<semaphore_mem>>)
    %add3A_8 = arith.constant 320000 : i32
    %add3A_9 = arith.addi %add3A_8, %add3A_6 : i32
    %dma_start3A_10 = tpu.memref_slice %arg2[%add3A_9] : memref<640000xi32, #tpu.memory_space<hbm>> -> memref<80xi32, #tpu.memory_space<hbm>>
    %dma_start3A_11 = tpu.memref_slice %arg2[%add3A_9] : memref<640000xi32, #tpu.memory_space<hbm>> -> memref<80xi32, #tpu.memory_space<hbm>>
    tpu.enqueue_dma source(%dma_start3A_11 : memref<80xi32, #tpu.memory_space<hbm>>) target(%arg9 : memref<80xi32, #tpu.memory_space<vmem>>) target_semaphore(%arg18 : memref<!tpu.dma_semaphore, #tpu.memory_space<semaphore_mem>>)
    %add3A_12 = arith.constant 80 : i32
    %add3A_13 = arith.addi %mul3A_4, %add3A_12 : i32
    %dma_start3A_14 = tpu.memref_slice %arg2[%add3A_13] : memref<640000xi32, #tpu.memory_space<hbm>> -> memref<80xi32, #tpu.memory_space<hbm>>
    %dma_start3A_15 = tpu.memref_slice %arg2[%add3A_13] : memref<640000xi32, #tpu.memory_space<hbm>> -> memref<80xi32, #tpu.memory_space<hbm>>
    tpu.enqueue_dma source(%dma_start3A_15 : memref<80xi32, #tpu.memory_space<hbm>>) target(%arg6 : memref<80xi32, #tpu.memory_space<vmem>>) target_semaphore(%arg19 : memref<!tpu.dma_semaphore, #tpu.memory_space<semaphore_mem>>)
    %add3A_16 = arith.constant 320000 : i32
    %add3A_17 = arith.addi %add3A_16, %add3A_13 : i32
    %dma_start3A_18 = tpu.memref_slice %arg2[%add3A_17] : memref<640000xi32, #tpu.memory_space<hbm>> -> memref<80xi32, #tpu.memory_space<hbm>>
    %dma_start3A_19 = tpu.memref_slice %arg2[%add3A_17] : memref<640000xi32, #tpu.memory_space<hbm>> -> memref<80xi32, #tpu.memory_space<hbm>>
    tpu.enqueue_dma source(%dma_start3A_19 : memref<80xi32, #tpu.memory_space<hbm>>) target(%arg10 : memref<80xi32, #tpu.memory_space<vmem>>) target_semaphore(%arg19 : memref<!tpu.dma_semaphore, #tpu.memory_space<semaphore_mem>>)
    %dma_wait3A = arith.constant 0 : i32
    %dma_wait3A_20 = tpu.memref_slice %arg2[%dma_wait3A] : memref<640000xi32, #tpu.memory_space<hbm>> -> memref<80xi32, #tpu.memory_space<hbm>>
    %dma_wait3A_21 = arith.constant 0 : i32
    %dma_wait3A_22 = tpu.memref_slice %arg2[%dma_wait3A_21] : memref<640000xi32, #tpu.memory_space<hbm>> -> memref<80xi32, #tpu.memory_space<hbm>>
    tpu.wait_dma2 semaphore(%arg18 : memref<!tpu.dma_semaphore, #tpu.memory_space<semaphore_mem>>) src(%dma_wait3A_22 : memref<80xi32, #tpu.memory_space<hbm>>) dst(%arg5 : memref<80xi32, #tpu.memory_space<vmem>>)
    %dma_wait3A_23 = arith.constant 0 : i32
    %dma_wait3A_24 = tpu.memref_slice %arg2[%dma_wait3A_23] : memref<640000xi32, #tpu.memory_space<hbm>> -> memref<80xi32, #tpu.memory_space<hbm>>
    %dma_wait3A_25 = arith.constant 0 : i32
    %dma_wait3A_26 = tpu.memref_slice %arg2[%dma_wait3A_25] : memref<640000xi32, #tpu.memory_space<hbm>> -> memref<80xi32, #tpu.memory_space<hbm>>
    tpu.wait_dma2 semaphore(%arg18 : memref<!tpu.dma_semaphore, #tpu.memory_space<semaphore_mem>>) src(%dma_wait3A_26 : memref<80xi32, #tpu.memory_space<hbm>>) dst(%arg9 : memref<80xi32, #tpu.memory_space<vmem>>)
    %dma_start3A_27 = arith.constant 0 : i32
    %dma_start3A_28 = arith.constant 0 : i32
    %dma_start3A_29 = tpu.memref_slice %arg3[%dma_start3A_27, %dma_start3A_28] : memref<10000x128xf32, #tpu.memory_space<hbm>> -> memref<10000x128xf32, #tpu.memory_space<hbm>>
    tpu.enqueue_indirect_dma source(%dma_start3A_29 : memref<10000x128xf32, #tpu.memory_space<hbm>>) target(%arg13 : memref<80x128xf32, #tpu.memory_space<vmem>>) offsets(%arg5 : memref<80xi32, #tpu.memory_space<vmem>>) semaphore(%arg22 : memref<!tpu.dma_semaphore, #tpu.memory_space<semaphore_mem>>)
    %scan3A = arith.constant 0 : i32
    %scan3A_30 = arith.constant 0 : i32
    %scan3A_31 = arith.constant 80 : i32
    %scan3A_32 = arith.addi %scan3A_30, %scan3A_31 : i32
    %scan3A_33 = arith.constant 1 : i32
    scf.for %scan3A_178 = %scan3A_30 to %scan3A_32 step %scan3A_33  : i32 {
      %broadcast_in_dim3A = arith.constant 0.000000e+00 : f32
      %broadcast_in_dim3A_179 = vector.broadcast %broadcast_in_dim3A : f32 to vector<16xf32>
      %swap3A = arith.index_cast %scan3A_178 : i32 to index
      %swap3A_180 = arith.constant 0 : index
      %swap3A_181 = tpu.vector_load %arg16[%swap3A, %swap3A_180] {strides = array<i32>} : memref<80x128xf32, #tpu.memory_space<vmem>>, vector<1x16xf32>,
      %swap3A_182 = vector.shape_cast %swap3A_181 : vector<1x16xf32> to vector<16xf32>
      %swap3A_183 = vector.shape_cast %broadcast_in_dim3A_179 : vector<16xf32> to vector<1x16xf32>
      tpu.vector_store %arg16[%swap3A, %swap3A_180], %swap3A_183 {strides = array<i32>} : memref<80x128xf32, #tpu.memory_space<vmem>>, vector<1x16xf32>,
      %broadcast_in_dim3A_184 = arith.constant 0.000000e+00 : f32
      %broadcast_in_dim3A_185 = vector.broadcast %broadcast_in_dim3A_184 : f32 to vector<16xf32>
      %swap3A_186 = arith.index_cast %scan3A_178 : i32 to index
      %swap3A_187 = arith.constant 16 : index
      %swap3A_188 = tpu.vector_load %arg16[%swap3A_186, %swap3A_187] {strides = array<i32>} : memref<80x128xf32, #tpu.memory_space<vmem>>, vector<1x16xf32>,
      %swap3A_189 = vector.shape_cast %swap3A_188 : vector<1x16xf32> to vector<16xf32>
      %swap3A_190 = vector.shape_cast %broadcast_in_dim3A_185 : vector<16xf32> to vector<1x16xf32>
      tpu.vector_store %arg16[%swap3A_186, %swap3A_187], %swap3A_190 {strides = array<i32>} : memref<80x128xf32, #tpu.memory_space<vmem>>, vector<1x16xf32>,
      %broadcast_in_dim3A_191 = arith.constant 0.000000e+00 : f32
      %broadcast_in_dim3A_192 = vector.broadcast %broadcast_in_dim3A_191 : f32 to vector<16xf32>
      %swap3A_193 = arith.index_cast %scan3A_178 : i32 to index
      %swap3A_194 = arith.constant 32 : index
      %swap3A_195 = tpu.vector_load %arg16[%swap3A_193, %swap3A_194] {strides = array<i32>} : memref<80x128xf32, #tpu.memory_space<vmem>>, vector<1x16xf32>,
      %swap3A_196 = vector.shape_cast %swap3A_195 : vector<1x16xf32> to vector<16xf32>
      %swap3A_197 = vector.shape_cast %broadcast_in_dim3A_192 : vector<16xf32> to vector<1x16xf32>
      tpu.vector_store %arg16[%swap3A_193, %swap3A_194], %swap3A_197 {strides = array<i32>} : memref<80x128xf32, #tpu.memory_space<vmem>>, vector<1x16xf32>,
      %broadcast_in_dim3A_198 = arith.constant 0.000000e+00 : f32
      %broadcast_in_dim3A_199 = vector.broadcast %broadcast_in_dim3A_198 : f32 to vector<16xf32>
      %swap3A_200 = arith.index_cast %scan3A_178 : i32 to index
      %swap3A_201 = arith.constant 48 : index
      %swap3A_202 = tpu.vector_load %arg16[%swap3A_200, %swap3A_201] {strides = array<i32>} : memref<80x128xf32, #tpu.memory_space<vmem>>, vector<1x16xf32>,
      %swap3A_203 = vector.shape_cast %swap3A_202 : vector<1x16xf32> to vector<16xf32>
      %swap3A_204 = vector.shape_cast %broadcast_in_dim3A_199 : vector<16xf32> to vector<1x16xf32>
      tpu.vector_store %arg16[%swap3A_200, %swap3A_201], %swap3A_204 {strides = array<i32>} : memref<80x128xf32, #tpu.memory_space<vmem>>, vector<1x16xf32>,
      %broadcast_in_dim3A_205 = arith.constant 0.000000e+00 : f32
      %broadcast_in_dim3A_206 = vector.broadcast %broadcast_in_dim3A_205 : f32 to vector<16xf32>
      %swap3A_207 = arith.index_cast %scan3A_178 : i32 to index
      %swap3A_208 = arith.constant 64 : index
      %swap3A_209 = tpu.vector_load %arg16[%swap3A_207, %swap3A_208] {strides = array<i32>} : memref<80x128xf32, #tpu.memory_space<vmem>>, vector<1x16xf32>,
      %swap3A_210 = vector.shape_cast %swap3A_209 : vector<1x16xf32> to vector<16xf32>
      %swap3A_211 = vector.shape_cast %broadcast_in_dim3A_206 : vector<16xf32> to vector<1x16xf32>
      tpu.vector_store %arg16[%swap3A_207, %swap3A_208], %swap3A_211 {strides = array<i32>} : memref<80x128xf32, #tpu.memory_space<vmem>>, vector<1x16xf32>,
      %broadcast_in_dim3A_212 = arith.constant 0.000000e+00 : f32
      %broadcast_in_dim3A_213 = vector.broadcast %broadcast_in_dim3A_212 : f32 to vector<16xf32>
      %swap3A_214 = arith.index_cast %scan3A_178 : i32 to index
      %swap3A_215 = arith.constant 80 : index
      %swap3A_216 = tpu.vector_load %arg16[%swap3A_214, %swap3A_215] {strides = array<i32>} : memref<80x128xf32, #tpu.memory_space<vmem>>, vector<1x16xf32>,
      %swap3A_217 = vector.shape_cast %swap3A_216 : vector<1x16xf32> to vector<16xf32>
      %swap3A_218 = vector.shape_cast %broadcast_in_dim3A_213 : vector<16xf32> to vector<1x16xf32>
      tpu.vector_store %arg16[%swap3A_214, %swap3A_215], %swap3A_218 {strides = array<i32>} : memref<80x128xf32, #tpu.memory_space<vmem>>, vector<1x16xf32>,
      %broadcast_in_dim3A_219 = arith.constant 0.000000e+00 : f32
      %broadcast_in_dim3A_220 = vector.broadcast %broadcast_in_dim3A_219 : f32 to vector<16xf32>
      %swap3A_221 = arith.index_cast %scan3A_178 : i32 to index
      %swap3A_222 = arith.constant 96 : index
      %swap3A_223 = tpu.vector_load %arg16[%swap3A_221, %swap3A_222] {strides = array<i32>} : memref<80x128xf32, #tpu.memory_space<vmem>>, vector<1x16xf32>,
      %swap3A_224 = vector.shape_cast %swap3A_223 : vector<1x16xf32> to vector<16xf32>
      %swap3A_225 = vector.shape_cast %broadcast_in_dim3A_220 : vector<16xf32> to vector<1x16xf32>
      tpu.vector_store %arg16[%swap3A_221, %swap3A_222], %swap3A_225 {strides = array<i32>} : memref<80x128xf32, #tpu.memory_space<vmem>>, vector<1x16xf32>,
      %broadcast_in_dim3A_226 = arith.constant 0.000000e+00 : f32
      %broadcast_in_dim3A_227 = vector.broadcast %broadcast_in_dim3A_226 : f32 to vector<16xf32>
      %swap3A_228 = arith.index_cast %scan3A_178 : i32 to index
      %swap3A_229 = arith.constant 112 : index
      %swap3A_230 = tpu.vector_load %arg16[%swap3A_228, %swap3A_229] {strides = array<i32>} : memref<80x128xf32, #tpu.memory_space<vmem>>, vector<1x16xf32>,
      %swap3A_231 = vector.shape_cast %swap3A_230 : vector<1x16xf32> to vector<16xf32>
      %swap3A_232 = vector.shape_cast %broadcast_in_dim3A_227 : vector<16xf32> to vector<1x16xf32>
      tpu.vector_store %arg16[%swap3A_228, %swap3A_229], %swap3A_232 {strides = array<i32>} : memref<80x128xf32, #tpu.memory_space<vmem>>, vector<1x16xf32>,
    }
    %scan3A_34 = arith.constant 80 : i32
    %add3A_35 = arith.constant 0 : i32
    %add3A_36 = arith.addi %mul3A_2, %add3A_35 : i32
    "tpu.region"() ({
      %run_scoped3A = tpu.sem_alloc : memref<!tpu.dma_semaphore, #tpu.memory_space<semaphore_mem>>
      %dma_start3A_178 = arith.constant 0 : i32
      %dma_start3A_179 = tpu.memref_slice %arg17[%add3A_36, %dma_start3A_178] : memref<10000x128xf32, #tpu.memory_space<vmem_shared>> -> memref<80x128xf32, #tpu.memory_space<vmem_shared>>
      %dma_start3A_180 = arith.constant 0 : i32
      %dma_start3A_181 = tpu.memref_slice %arg17[%add3A_36, %dma_start3A_180] : memref<10000x128xf32, #tpu.memory_space<vmem_shared>> -> memref<80x128xf32, #tpu.memory_space<vmem_shared>>
      tpu.enqueue_dma source(%arg16 : memref<80x128xf32, #tpu.memory_space<vmem>>) target(%dma_start3A_181 : memref<80x128xf32, #tpu.memory_space<vmem_shared>>) target_semaphore(%run_scoped3A : memref<!tpu.dma_semaphore, #tpu.memory_space<semaphore_mem>>)
      %dma_wait3A_182 = arith.constant 0 : i32
      %dma_wait3A_183 = tpu.memref_slice %arg17[%add3A_36, %dma_wait3A_182] : memref<10000x128xf32, #tpu.memory_space<vmem_shared>> -> memref<80x128xf32, #tpu.memory_space<vmem_shared>>
      %dma_wait3A_184 = arith.constant 0 : i32
      %dma_wait3A_185 = tpu.memref_slice %arg17[%add3A_36, %dma_wait3A_184] : memref<10000x128xf32, #tpu.memory_space<vmem_shared>> -> memref<80x128xf32, #tpu.memory_space<vmem_shared>>
      tpu.wait_dma2 semaphore(%run_scoped3A : memref<!tpu.dma_semaphore, #tpu.memory_space<semaphore_mem>>) src(%arg16 : memref<80x128xf32, #tpu.memory_space<vmem>>) dst(%dma_wait3A_185 : memref<80x128xf32, #tpu.memory_space<vmem_shared>>)
      tpu.yield
    }) : () -> ()
    %add3A_37 = arith.constant 80 : i32
    %add3A_38 = arith.addi %mul3A_2, %add3A_37 : i32
    "tpu.region"() ({
      %run_scoped3A = tpu.sem_alloc : memref<!tpu.dma_semaphore, #tpu.memory_space<semaphore_mem>>
      %dma_start3A_178 = arith.constant 0 : i32
      %dma_start3A_179 = tpu.memref_slice %arg17[%add3A_38, %dma_start3A_178] : memref<10000x128xf32, #tpu.memory_space<vmem_shared>> -> memref<80x128xf32, #tpu.memory_space<vmem_shared>>
      %dma_start3A_180 = arith.constant 0 : i32
      %dma_start3A_181 = tpu.memref_slice %arg17[%add3A_38, %dma_start3A_180] : memref<10000x128xf32, #tpu.memory_space<vmem_shared>> -> memref<80x128xf32, #tpu.memory_space<vmem_shared>>
      tpu.enqueue_dma source(%arg16 : memref<80x128xf32, #tpu.memory_space<vmem>>) target(%dma_start3A_181 : memref<80x128xf32, #tpu.memory_space<vmem_shared>>) target_semaphore(%run_scoped3A : memref<!tpu.dma_semaphore, #tpu.memory_space<semaphore_mem>>)
      %dma_wait3A_182 = arith.constant 0 : i32
      %dma_wait3A_183 = tpu.memref_slice %arg17[%add3A_38, %dma_wait3A_182] : memref<10000x128xf32, #tpu.memory_space<vmem_shared>> -> memref<80x128xf32, #tpu.memory_space<vmem_shared>>
      %dma_wait3A_184 = arith.constant 0 : i32
      %dma_wait3A_185 = tpu.memref_slice %arg17[%add3A_38, %dma_wait3A_184] : memref<10000x128xf32, #tpu.memory_space<vmem_shared>> -> memref<80x128xf32, #tpu.memory_space<vmem_shared>>
      tpu.wait_dma2 semaphore(%run_scoped3A : memref<!tpu.dma_semaphore, #tpu.memory_space<semaphore_mem>>) src(%arg16 : memref<80x128xf32, #tpu.memory_space<vmem>>) dst(%dma_wait3A_185 : memref<80x128xf32, #tpu.memory_space<vmem_shared>>)
      tpu.yield
    }) : () -> ()
    %add3A_39 = arith.constant 160 : i32
    %add3A_40 = arith.addi %mul3A_2, %add3A_39 : i32
    "tpu.region"() ({
      %run_scoped3A = tpu.sem_alloc : memref<!tpu.dma_semaphore, #tpu.memory_space<semaphore_mem>>
      %dma_start3A_178 = arith.constant 0 : i32
      %dma_start3A_179 = tpu.memref_slice %arg17[%add3A_40, %dma_start3A_178] : memref<10000x128xf32, #tpu.memory_space<vmem_shared>> -> memref<80x128xf32, #tpu.memory_space<vmem_shared>>
      %dma_start3A_180 = arith.constant 0 : i32
      %dma_start3A_181 = tpu.memref_slice %arg17[%add3A_40, %dma_start3A_180] : memref<10000x128xf32, #tpu.memory_space<vmem_shared>> -> memref<80x128xf32, #tpu.memory_space<vmem_shared>>
      tpu.enqueue_dma source(%arg16 : memref<80x128xf32, #tpu.memory_space<vmem>>) target(%dma_start3A_181 : memref<80x128xf32, #tpu.memory_space<vmem_shared>>) target_semaphore(%run_scoped3A : memref<!tpu.dma_semaphore, #tpu.memory_space<semaphore_mem>>)
      %dma_wait3A_182 = arith.constant 0 : i32
      %dma_wait3A_183 = tpu.memref_slice %arg17[%add3A_40, %dma_wait3A_182] : memref<10000x128xf32, #tpu.memory_space<vmem_shared>> -> memref<80x128xf32, #tpu.memory_space<vmem_shared>>
      %dma_wait3A_184 = arith.constant 0 : i32
      %dma_wait3A_185 = tpu.memref_slice %arg17[%add3A_40, %dma_wait3A_184] : memref<10000x128xf32, #tpu.memory_space<vmem_shared>> -> memref<80x128xf32, #tpu.memory_space<vmem_shared>>
      tpu.wait_dma2 semaphore(%run_scoped3A : memref<!tpu.dma_semaphore, #tpu.memory_space<semaphore_mem>>) src(%arg16 : memref<80x128xf32, #tpu.memory_space<vmem>>) dst(%dma_wait3A_185 : memref<80x128xf32, #tpu.memory_space<vmem_shared>>)
      tpu.yield
    }) : () -> ()
    %add3A_41 = arith.constant 240 : i32
    %add3A_42 = arith.addi %mul3A_2, %add3A_41 : i32
    "tpu.region"() ({
      %run_scoped3A = tpu.sem_alloc : memref<!tpu.dma_semaphore, #tpu.memory_space<semaphore_mem>>
      %dma_start3A_178 = arith.constant 0 : i32
      %dma_start3A_179 = tpu.memref_slice %arg17[%add3A_42, %dma_start3A_178] : memref<10000x128xf32, #tpu.memory_space<vmem_shared>> -> memref<80x128xf32, #tpu.memory_space<vmem_shared>>
      %dma_start3A_180 = arith.constant 0 : i32
      %dma_start3A_181 = tpu.memref_slice %arg17[%add3A_42, %dma_start3A_180] : memref<10000x128xf32, #tpu.memory_space<vmem_shared>> -> memref<80x128xf32, #tpu.memory_space<vmem_shared>>
      tpu.enqueue_dma source(%arg16 : memref<80x128xf32, #tpu.memory_space<vmem>>) target(%dma_start3A_181 : memref<80x128xf32, #tpu.memory_space<vmem_shared>>) target_semaphore(%run_scoped3A : memref<!tpu.dma_semaphore, #tpu.memory_space<semaphore_mem>>)
      %dma_wait3A_182 = arith.constant 0 : i32
      %dma_wait3A_183 = tpu.memref_slice %arg17[%add3A_42, %dma_wait3A_182] : memref<10000x128xf32, #tpu.memory_space<vmem_shared>> -> memref<80x128xf32, #tpu.memory_space<vmem_shared>>
      %dma_wait3A_184 = arith.constant 0 : i32
      %dma_wait3A_185 = tpu.memref_slice %arg17[%add3A_42, %dma_wait3A_184] : memref<10000x128xf32, #tpu.memory_space<vmem_shared>> -> memref<80x128xf32, #tpu.memory_space<vmem_shared>>
      tpu.wait_dma2 semaphore(%run_scoped3A : memref<!tpu.dma_semaphore, #tpu.memory_space<semaphore_mem>>) src(%arg16 : memref<80x128xf32, #tpu.memory_space<vmem>>) dst(%dma_wait3A_185 : memref<80x128xf32, #tpu.memory_space<vmem_shared>>)
      tpu.yield
    }) : () -> ()
    %add3A_43 = arith.constant 320 : i32
    %add3A_44 = arith.addi %mul3A_2, %add3A_43 : i32
    "tpu.region"() ({
      %run_scoped3A = tpu.sem_alloc : memref<!tpu.dma_semaphore, #tpu.memory_space<semaphore_mem>>
      %dma_start3A_178 = arith.constant 0 : i32
      %dma_start3A_179 = tpu.memref_slice %arg17[%add3A_44, %dma_start3A_178] : memref<10000x128xf32, #tpu.memory_space<vmem_shared>> -> memref<80x128xf32, #tpu.memory_space<vmem_shared>>
      %dma_start3A_180 = arith.constant 0 : i32
      %dma_start3A_181 = tpu.memref_slice %arg17[%add3A_44, %dma_start3A_180] : memref<10000x128xf32, #tpu.memory_space<vmem_shared>> -> memref<80x128xf32, #tpu.memory_space<vmem_shared>>
      tpu.enqueue_dma source(%arg16 : memref<80x128xf32, #tpu.memory_space<vmem>>) target(%dma_start3A_181 : memref<80x128xf32, #tpu.memory_space<vmem_shared>>) target_semaphore(%run_scoped3A : memref<!tpu.dma_semaphore, #tpu.memory_space<semaphore_mem>>)
      %dma_wait3A_182 = arith.constant 0 : i32
      %dma_wait3A_183 = tpu.memref_slice %arg17[%add3A_44, %dma_wait3A_182] : memref<10000x128xf32, #tpu.memory_space<vmem_shared>> -> memref<80x128xf32, #tpu.memory_space<vmem_shared>>
      %dma_wait3A_184 = arith.constant 0 : i32
      %dma_wait3A_185 = tpu.memref_slice %arg17[%add3A_44, %dma_wait3A_184] : memref<10000x128xf32, #tpu.memory_space<vmem_shared>> -> memref<80x128xf32, #tpu.memory_space<vmem_shared>>
      tpu.wait_dma2 semaphore(%run_scoped3A : memref<!tpu.dma_semaphore, #tpu.memory_space<semaphore_mem>>) src(%arg16 : memref<80x128xf32, #tpu.memory_space<vmem>>) dst(%dma_wait3A_185 : memref<80x128xf32, #tpu.memory_space<vmem_shared>>)
      tpu.yield
    }) : () -> ()
    %add3A_45 = arith.constant 400 : i32
    %add3A_46 = arith.addi %mul3A_2, %add3A_45 : i32
    "tpu.region"() ({
      %run_scoped3A = tpu.sem_alloc : memref<!tpu.dma_semaphore, #tpu.memory_space<semaphore_mem>>
      %dma_start3A_178 = arith.constant 0 : i32
      %dma_start3A_179 = tpu.memref_slice %arg17[%add3A_46, %dma_start3A_178] : memref<10000x128xf32, #tpu.memory_space<vmem_shared>> -> memref<80x128xf32, #tpu.memory_space<vmem_shared>>
      %dma_start3A_180 = arith.constant 0 : i32
      %dma_start3A_181 = tpu.memref_slice %arg17[%add3A_46, %dma_start3A_180] : memref<10000x128xf32, #tpu.memory_space<vmem_shared>> -> memref<80x128xf32, #tpu.memory_space<vmem_shared>>
      tpu.enqueue_dma source(%arg16 : memref<80x128xf32, #tpu.memory_space<vmem>>) target(%dma_start3A_181 : memref<80x128xf32, #tpu.memory_space<vmem_shared>>) target_semaphore(%run_scoped3A : memref<!tpu.dma_semaphore, #tpu.memory_space<semaphore_mem>>)
      %dma_wait3A_182 = arith.constant 0 : i32
      %dma_wait3A_183 = tpu.memref_slice %arg17[%add3A_46, %dma_wait3A_182] : memref<10000x128xf32, #tpu.memory_space<vmem_shared>> -> memref<80x128xf32, #tpu.memory_space<vmem_shared>>
      %dma_wait3A_184 = arith.constant 0 : i32
      %dma_wait3A_185 = tpu.memref_slice %arg17[%add3A_46, %dma_wait3A_184] : memref<10000x128xf32, #tpu.memory_space<vmem_shared>> -> memref<80x128xf32, #tpu.memory_space<vmem_shared>>
      tpu.wait_dma2 semaphore(%run_scoped3A : memref<!tpu.dma_semaphore, #tpu.memory_space<semaphore_mem>>) src(%arg16 : memref<80x128xf32, #tpu.memory_space<vmem>>) dst(%dma_wait3A_185 : memref<80x128xf32, #tpu.memory_space<vmem_shared>>)
      tpu.yield
    }) : () -> ()
    %add3A_47 = arith.constant 480 : i32
    %add3A_48 = arith.addi %mul3A_2, %add3A_47 : i32
    "tpu.region"() ({
      %run_scoped3A = tpu.sem_alloc : memref<!tpu.dma_semaphore, #tpu.memory_space<semaphore_mem>>
      %dma_start3A_178 = arith.constant 0 : i32
      %dma_start3A_179 = tpu.memref_slice %arg17[%add3A_48, %dma_start3A_178] : memref<10000x128xf32, #tpu.memory_space<vmem_shared>> -> memref<80x128xf32, #tpu.memory_space<vmem_shared>>
      %dma_start3A_180 = arith.constant 0 : i32
      %dma_start3A_181 = tpu.memref_slice %arg17[%add3A_48, %dma_start3A_180] : memref<10000x128xf32, #tpu.memory_space<vmem_shared>> -> memref<80x128xf32, #tpu.memory_space<vmem_shared>>
      tpu.enqueue_dma source(%arg16 : memref<80x128xf32, #tpu.memory_space<vmem>>) target(%dma_start3A_181 : memref<80x128xf32, #tpu.memory_space<vmem_shared>>) target_semaphore(%run_scoped3A : memref<!tpu.dma_semaphore, #tpu.memory_space<semaphore_mem>>)
      %dma_wait3A_182 = arith.constant 0 : i32
      %dma_wait3A_183 = tpu.memref_slice %arg17[%add3A_48, %dma_wait3A_182] : memref<10000x128xf32, #tpu.memory_space<vmem_shared>> -> memref<80x128xf32, #tpu.memory_space<vmem_shared>>
      %dma_wait3A_184 = arith.constant 0 : i32
      %dma_wait3A_185 = tpu.memref_slice %arg17[%add3A_48, %dma_wait3A_184] : memref<10000x128xf32, #tpu.memory_space<vmem_shared>> -> memref<80x128xf32, #tpu.memory_space<vmem_shared>>
      tpu.wait_dma2 semaphore(%run_scoped3A : memref<!tpu.dma_semaphore, #tpu.memory_space<semaphore_mem>>) src(%arg16 : memref<80x128xf32, #tpu.memory_space<vmem>>) dst(%dma_wait3A_185 : memref<80x128xf32, #tpu.memory_space<vmem_shared>>)
      tpu.yield
    }) : () -> ()
    %add3A_49 = arith.constant 560 : i32
    %add3A_50 = arith.addi %mul3A_2, %add3A_49 : i32
    "tpu.region"() ({
      %run_scoped3A = tpu.sem_alloc : memref<!tpu.dma_semaphore, #tpu.memory_space<semaphore_mem>>
      %dma_start3A_178 = arith.constant 0 : i32
      %dma_start3A_179 = arith.constant 0 : i32
      %dma_start3A_180 = tpu.memref_slice %arg16[%dma_start3A_178, %dma_start3A_179] : memref<80x128xf32, #tpu.memory_space<vmem>> -> memref<64x128xf32, #tpu.memory_space<vmem>>
      %dma_start3A_181 = arith.constant 0 : i32
      %dma_start3A_182 = tpu.memref_slice %arg17[%add3A_50, %dma_start3A_181] : memref<10000x128xf32, #tpu.memory_space<vmem_shared>> -> memref<64x128xf32, #tpu.memory_space<vmem_shared>>
      %dma_start3A_183 = arith.constant 0 : i32
      %dma_start3A_184 = tpu.memref_slice %arg17[%add3A_50, %dma_start3A_183] : memref<10000x128xf32, #tpu.memory_space<vmem_shared>> -> memref<64x128xf32, #tpu.memory_space<vmem_shared>>
      %dma_start3A_185 = arith.constant 0 : i32
      %dma_start3A_186 = arith.constant 0 : i32
      %dma_start3A_187 = tpu.memref_slice %arg16[%dma_start3A_185, %dma_start3A_186] : memref<80x128xf32, #tpu.memory_space<vmem>> -> memref<64x128xf32, #tpu.memory_space<vmem>>
      tpu.enqueue_dma source(%dma_start3A_187 : memref<64x128xf32, #tpu.memory_space<vmem>>) target(%dma_start3A_184 : memref<64x128xf32, #tpu.memory_space<vmem_shared>>) target_semaphore(%run_scoped3A : memref<!tpu.dma_semaphore, #tpu.memory_space<semaphore_mem>>)
      %dma_wait3A_188 = arith.constant 0 : i32
      %dma_wait3A_189 = arith.constant 0 : i32
      %dma_wait3A_190 = tpu.memref_slice %arg16[%dma_wait3A_188, %dma_wait3A_189] : memref<80x128xf32, #tpu.memory_space<vmem>> -> memref<64x128xf32, #tpu.memory_space<vmem>>
      %dma_wait3A_191 = arith.constant 0 : i32
      %dma_wait3A_192 = tpu.memref_slice %arg17[%add3A_50, %dma_wait3A_191] : memref<10000x128xf32, #tpu.memory_space<vmem_shared>> -> memref<64x128xf32, #tpu.memory_space<vmem_shared>>
      %dma_wait3A_193 = arith.constant 0 : i32
      %dma_wait3A_194 = tpu.memref_slice %arg17[%add3A_50, %dma_wait3A_193] : memref<10000x128xf32, #tpu.memory_space<vmem_shared>> -> memref<64x128xf32, #tpu.memory_space<vmem_shared>>
      %dma_wait3A_195 = arith.constant 0 : i32
      %dma_wait3A_196 = arith.constant 0 : i32
      %dma_wait3A_197 = tpu.memref_slice %arg16[%dma_wait3A_195, %dma_wait3A_196] : memref<80x128xf32, #tpu.memory_space<vmem>> -> memref<64x128xf32, #tpu.memory_space<vmem>>
      tpu.wait_dma2 semaphore(%run_scoped3A : memref<!tpu.dma_semaphore, #tpu.memory_space<semaphore_mem>>) src(%dma_wait3A_197 : memref<64x128xf32, #tpu.memory_space<vmem>>) dst(%dma_wait3A_194 : memref<64x128xf32, #tpu.memory_space<vmem_shared>>)
      tpu.yield
    }) : () -> ()
    %eq3A = arith.constant 15 : i32
    %eq3A_51 = arith.cmpi eq, %arg1, %eq3A : i32
    %convert_element_type3A = arith.extui %eq3A_51 : i1 to i32
    %cond3A = arith.constant 0 : i32
    %cond3A_52 = arith.cmpi ne, %convert_element_type3A, %cond3A : i32
    scf.if %cond3A_52 {
      "tpu.region"() ({
        %run_scoped3A = tpu.sem_alloc : memref<!tpu.dma_semaphore, #tpu.memory_space<semaphore_mem>>
        %dma_start3A_178 = arith.constant 0 : i32
        %dma_start3A_179 = arith.constant 0 : i32
        %dma_start3A_180 = tpu.memref_slice %arg16[%dma_start3A_178, %dma_start3A_179] : memref<80x128xf32, #tpu.memory_space<vmem>> -> memref<16x128xf32, #tpu.memory_space<vmem>>
        %dma_start3A_181 = arith.constant 9984 : i32
        %dma_start3A_182 = arith.constant 0 : i32
        %dma_start3A_183 = tpu.memref_slice %arg17[%dma_start3A_181, %dma_start3A_182] : memref<10000x128xf32, #tpu.memory_space<vmem_shared>> -> memref<16x128xf32, #tpu.memory_space<vmem_shared>>
        %dma_start3A_184 = arith.constant 9984 : i32
        %dma_start3A_185 = arith.constant 0 : i32
        %dma_start3A_186 = tpu.memref_slice %arg17[%dma_start3A_184, %dma_start3A_185] : memref<10000x128xf32, #tpu.memory_space<vmem_shared>> -> memref<16x128xf32, #tpu.memory_space<vmem_shared>>
        %dma_start3A_187 = arith.constant 0 : i32
        %dma_start3A_188 = arith.constant 0 : i32
        %dma_start3A_189 = tpu.memref_slice %arg16[%dma_start3A_187, %dma_start3A_188] : memref<80x128xf32, #tpu.memory_space<vmem>> -> memref<16x128xf32, #tpu.memory_space<vmem>>
        tpu.enqueue_dma source(%dma_start3A_189 : memref<16x128xf32, #tpu.memory_space<vmem>>) target(%dma_start3A_186 : memref<16x128xf32, #tpu.memory_space<vmem_shared>>) target_semaphore(%run_scoped3A : memref<!tpu.dma_semaphore, #tpu.memory_space<semaphore_mem>>)
        %dma_wait3A_190 = arith.constant 0 : i32
        %dma_wait3A_191 = arith.constant 0 : i32
        %dma_wait3A_192 = tpu.memref_slice %arg16[%dma_wait3A_190, %dma_wait3A_191] : memref<80x128xf32, #tpu.memory_space<vmem>> -> memref<16x128xf32, #tpu.memory_space<vmem>>
        %dma_wait3A_193 = arith.constant 9984 : i32
        %dma_wait3A_194 = arith.constant 0 : i32
        %dma_wait3A_195 = tpu.memref_slice %arg17[%dma_wait3A_193, %dma_wait3A_194] : memref<10000x128xf32, #tpu.memory_space<vmem_shared>> -> memref<16x128xf32, #tpu.memory_space<vmem_shared>>
        %dma_wait3A_196 = arith.constant 9984 : i32
        %dma_wait3A_197 = arith.constant 0 : i32
        %dma_wait3A_198 = tpu.memref_slice %arg17[%dma_wait3A_196, %dma_wait3A_197] : memref<10000x128xf32, #tpu.memory_space<vmem_shared>> -> memref<16x128xf32, #tpu.memory_space<vmem_shared>>
        %dma_wait3A_199 = arith.constant 0 : i32
        %dma_wait3A_200 = arith.constant 0 : i32
        %dma_wait3A_201 = tpu.memref_slice %arg16[%dma_wait3A_199, %dma_wait3A_200] : memref<80x128xf32, #tpu.memory_space<vmem>> -> memref<16x128xf32, #tpu.memory_space<vmem>>
        tpu.wait_dma2 semaphore(%run_scoped3A : memref<!tpu.dma_semaphore, #tpu.memory_space<semaphore_mem>>) src(%dma_wait3A_201 : memref<16x128xf32, #tpu.memory_space<vmem>>) dst(%dma_wait3A_198 : memref<16x128xf32, #tpu.memory_space<vmem_shared>>)
        tpu.yield
      }) : () -> ()
    } else {
    }
    %barrier3A = arith.constant 0 : index
    tpu.barrier barrier_id(%barrier3A)
    %add3A_53 = arith.constant 160 : i32
    %add3A_54 = arith.addi %mul3A_4, %add3A_53 : i32
    %dma_start3A_55 = tpu.memref_slice %arg2[%add3A_54] : memref<640000xi32, #tpu.memory_space<hbm>> -> memref<80xi32, #tpu.memory_space<hbm>>
    %dma_start3A_56 = tpu.memref_slice %arg2[%add3A_54] : memref<640000xi32, #tpu.memory_space<hbm>> -> memref<80xi32, #tpu.memory_space<hbm>>
    tpu.enqueue_dma source(%dma_start3A_56 : memref<80xi32, #tpu.memory_space<hbm>>) target(%arg7 : memref<80xi32, #tpu.memory_space<vmem>>) target_semaphore(%arg20 : memref<!tpu.dma_semaphore, #tpu.memory_space<semaphore_mem>>)
    %add3A_57 = arith.constant 320000 : i32
    %add3A_58 = arith.addi %add3A_57, %add3A_54 : i32
    %dma_start3A_59 = tpu.memref_slice %arg2[%add3A_58] : memref<640000xi32, #tpu.memory_space<hbm>> -> memref<80xi32, #tpu.memory_space<hbm>>
    %dma_start3A_60 = tpu.memref_slice %arg2[%add3A_58] : memref<640000xi32, #tpu.memory_space<hbm>> -> memref<80xi32, #tpu.memory_space<hbm>>
    tpu.enqueue_dma source(%dma_start3A_60 : memref<80xi32, #tpu.memory_space<hbm>>) target(%arg11 : memref<80xi32, #tpu.memory_space<vmem>>) target_semaphore(%arg20 : memref<!tpu.dma_semaphore, #tpu.memory_space<semaphore_mem>>)
    %dma_wait3A_61 = arith.constant 0 : i32
    %dma_wait3A_62 = tpu.memref_slice %arg2[%dma_wait3A_61] : memref<640000xi32, #tpu.memory_space<hbm>> -> memref<80xi32, #tpu.memory_space<hbm>>
    %dma_wait3A_63 = arith.constant 0 : i32
    %dma_wait3A_64 = tpu.memref_slice %arg2[%dma_wait3A_63] : memref<640000xi32, #tpu.memory_space<hbm>> -> memref<80xi32, #tpu.memory_space<hbm>>
    tpu.wait_dma2 semaphore(%arg19 : memref<!tpu.dma_semaphore, #tpu.memory_space<semaphore_mem>>) src(%dma_wait3A_64 : memref<80xi32, #tpu.memory_space<hbm>>) dst(%arg6 : memref<80xi32, #tpu.memory_space<vmem>>)
    %dma_wait3A_65 = arith.constant 0 : i32
    %dma_wait3A_66 = tpu.memref_slice %arg2[%dma_wait3A_65] : memref<640000xi32, #tpu.memory_space<hbm>> -> memref<80xi32, #tpu.memory_space<hbm>>
    %dma_wait3A_67 = arith.constant 0 : i32
    %dma_wait3A_68 = tpu.memref_slice %arg2[%dma_wait3A_67] : memref<640000xi32, #tpu.memory_space<hbm>> -> memref<80xi32, #tpu.memory_space<hbm>>
    tpu.wait_dma2 semaphore(%arg19 : memref<!tpu.dma_semaphore, #tpu.memory_space<semaphore_mem>>) src(%dma_wait3A_68 : memref<80xi32, #tpu.memory_space<hbm>>) dst(%arg10 : memref<80xi32, #tpu.memory_space<vmem>>)
    %dma_start3A_69 = arith.constant 0 : i32
    %dma_start3A_70 = arith.constant 0 : i32
    %dma_start3A_71 = tpu.memref_slice %arg3[%dma_start3A_69, %dma_start3A_70] : memref<10000x128xf32, #tpu.memory_space<hbm>> -> memref<10000x128xf32, #tpu.memory_space<hbm>>
    tpu.enqueue_indirect_dma source(%dma_start3A_71 : memref<10000x128xf32, #tpu.memory_space<hbm>>) target(%arg14 : memref<80x128xf32, #tpu.memory_space<vmem>>) offsets(%arg6 : memref<80xi32, #tpu.memory_space<vmem>>) semaphore(%arg23 : memref<!tpu.dma_semaphore, #tpu.memory_space<semaphore_mem>>)
    %dma_wait3A_72 = arith.constant 0 : i32
    %dma_wait3A_73 = arith.constant 0 : i32
    %dma_wait3A_74 = tpu.memref_slice %arg3[%dma_wait3A_72, %dma_wait3A_73] : memref<10000x128xf32, #tpu.memory_space<hbm>> -> memref<10000x128xf32, #tpu.memory_space<hbm>>
    tpu.wait_indirect_dma semaphore(%arg22 : memref<!tpu.dma_semaphore, #tpu.memory_space<semaphore_mem>>) src(%dma_wait3A_74 : memref<10000x128xf32, #tpu.memory_space<hbm>>) dst(%arg13 : memref<80x128xf32, #tpu.memory_space<vmem>>)
    %dma_start3A_75 = arith.constant 0 : i32
    %dma_start3A_76 = arith.constant 0 : i32
    %dma_start3A_77 = tpu.memref_slice %arg17[%dma_start3A_75, %dma_start3A_76] : memref<10000x128xf32, #tpu.memory_space<vmem_shared>> -> memref<10000x128xf32, #tpu.memory_space<vmem_shared>>
    tpu.enqueue_indirect_dma source(%arg13 : memref<80x128xf32, #tpu.memory_space<vmem>>) target(%dma_start3A_77 : memref<10000x128xf32, #tpu.memory_space<vmem_shared>>) offsets(%arg9 : memref<80xi32, #tpu.memory_space<vmem>>) semaphore(%arg26 : memref<!tpu.dma_semaphore, #tpu.memory_space<semaphore_mem>>) {add = true}
    %add3A_78 = arith.constant 240 : i32
    %add3A_79 = arith.addi %mul3A_4, %add3A_78 : i32
    %dma_start3A_80 = tpu.memref_slice %arg2[%add3A_79] : memref<640000xi32, #tpu.memory_space<hbm>> -> memref<80xi32, #tpu.memory_space<hbm>>
    %dma_start3A_81 = tpu.memref_slice %arg2[%add3A_79] : memref<640000xi32, #tpu.memory_space<hbm>> -> memref<80xi32, #tpu.memory_space<hbm>>
    tpu.enqueue_dma source(%dma_start3A_81 : memref<80xi32, #tpu.memory_space<hbm>>) target(%arg8 : memref<80xi32, #tpu.memory_space<vmem>>) target_semaphore(%arg21 : memref<!tpu.dma_semaphore, #tpu.memory_space<semaphore_mem>>)
    %add3A_82 = arith.constant 320000 : i32
    %add3A_83 = arith.addi %add3A_82, %add3A_79 : i32
    %dma_start3A_84 = tpu.memref_slice %arg2[%add3A_83] : memref<640000xi32, #tpu.memory_space<hbm>> -> memref<80xi32, #tpu.memory_space<hbm>>
    %dma_start3A_85 = tpu.memref_slice %arg2[%add3A_83] : memref<640000xi32, #tpu.memory_space<hbm>> -> memref<80xi32, #tpu.memory_space<hbm>>
    tpu.enqueue_dma source(%dma_start3A_85 : memref<80xi32, #tpu.memory_space<hbm>>) target(%arg12 : memref<80xi32, #tpu.memory_space<vmem>>) target_semaphore(%arg21 : memref<!tpu.dma_semaphore, #tpu.memory_space<semaphore_mem>>)
    %dma_wait3A_86 = arith.constant 0 : i32
    %dma_wait3A_87 = tpu.memref_slice %arg2[%dma_wait3A_86] : memref<640000xi32, #tpu.memory_space<hbm>> -> memref<80xi32, #tpu.memory_space<hbm>>
    %dma_wait3A_88 = arith.constant 0 : i32
    %dma_wait3A_89 = tpu.memref_slice %arg2[%dma_wait3A_88] : memref<640000xi32, #tpu.memory_space<hbm>> -> memref<80xi32, #tpu.memory_space<hbm>>
    tpu.wait_dma2 semaphore(%arg20 : memref<!tpu.dma_semaphore, #tpu.memory_space<semaphore_mem>>) src(%dma_wait3A_89 : memref<80xi32, #tpu.memory_space<hbm>>) dst(%arg7 : memref<80xi32, #tpu.memory_space<vmem>>)
    %dma_wait3A_90 = arith.constant 0 : i32
    %dma_wait3A_91 = tpu.memref_slice %arg2[%dma_wait3A_90] : memref<640000xi32, #tpu.memory_space<hbm>> -> memref<80xi32, #tpu.memory_space<hbm>>
    %dma_wait3A_92 = arith.constant 0 : i32
    %dma_wait3A_93 = tpu.memref_slice %arg2[%dma_wait3A_92] : memref<640000xi32, #tpu.memory_space<hbm>> -> memref<80xi32, #tpu.memory_space<hbm>>
    tpu.wait_dma2 semaphore(%arg20 : memref<!tpu.dma_semaphore, #tpu.memory_space<semaphore_mem>>) src(%dma_wait3A_93 : memref<80xi32, #tpu.memory_space<hbm>>) dst(%arg11 : memref<80xi32, #tpu.memory_space<vmem>>)
    %dma_start3A_94 = arith.constant 0 : i32
    %dma_start3A_95 = arith.constant 0 : i32
    %dma_start3A_96 = tpu.memref_slice %arg3[%dma_start3A_94, %dma_start3A_95] : memref<10000x128xf32, #tpu.memory_space<hbm>> -> memref<10000x128xf32, #tpu.memory_space<hbm>>
    tpu.enqueue_indirect_dma source(%dma_start3A_96 : memref<10000x128xf32, #tpu.memory_space<hbm>>) target(%arg15 : memref<80x128xf32, #tpu.memory_space<vmem>>) offsets(%arg7 : memref<80xi32, #tpu.memory_space<vmem>>) semaphore(%arg24 : memref<!tpu.dma_semaphore, #tpu.memory_space<semaphore_mem>>)
    %dma_wait3A_97 = arith.constant 0 : i32
    %dma_wait3A_98 = arith.constant 0 : i32
    %dma_wait3A_99 = tpu.memref_slice %arg3[%dma_wait3A_97, %dma_wait3A_98] : memref<10000x128xf32, #tpu.memory_space<hbm>> -> memref<10000x128xf32, #tpu.memory_space<hbm>>
    tpu.wait_indirect_dma semaphore(%arg23 : memref<!tpu.dma_semaphore, #tpu.memory_space<semaphore_mem>>) src(%dma_wait3A_99 : memref<10000x128xf32, #tpu.memory_space<hbm>>) dst(%arg14 : memref<80x128xf32, #tpu.memory_space<vmem>>)
    %dma_start3A_100 = arith.constant 0 : i32
    %dma_start3A_101 = arith.constant 0 : i32
    %dma_start3A_102 = tpu.memref_slice %arg17[%dma_start3A_100, %dma_start3A_101] : memref<10000x128xf32, #tpu.memory_space<vmem_shared>> -> memref<10000x128xf32, #tpu.memory_space<vmem_shared>>
    tpu.enqueue_indirect_dma source(%arg14 : memref<80x128xf32, #tpu.memory_space<vmem>>) target(%dma_start3A_102 : memref<10000x128xf32, #tpu.memory_space<vmem_shared>>) offsets(%arg10 : memref<80xi32, #tpu.memory_space<vmem>>) semaphore(%arg27 : memref<!tpu.dma_semaphore, #tpu.memory_space<semaphore_mem>>) {add = true}
    %add3A_103 = arith.constant 320 : i32
    %add3A_104 = arith.addi %mul3A_4, %add3A_103 : i32
    %dma_wait3A_105 = arith.constant 0 : i32
    %dma_wait3A_106 = arith.constant 0 : i32
    %dma_wait3A_107 = tpu.memref_slice %arg17[%dma_wait3A_105, %dma_wait3A_106] : memref<10000x128xf32, #tpu.memory_space<vmem_shared>> -> memref<10000x128xf32, #tpu.memory_space<vmem_shared>>
    tpu.wait_indirect_dma semaphore(%arg26 : memref<!tpu.dma_semaphore, #tpu.memory_space<semaphore_mem>>) src(%arg13 : memref<80x128xf32, #tpu.memory_space<vmem>>) dst(%dma_wait3A_107 : memref<10000x128xf32, #tpu.memory_space<vmem_shared>>)
    %dma_start3A_108 = tpu.memref_slice %arg2[%add3A_104] : memref<640000xi32, #tpu.memory_space<hbm>> -> memref<80xi32, #tpu.memory_space<hbm>>
    %dma_start3A_109 = tpu.memref_slice %arg2[%add3A_104] : memref<640000xi32, #tpu.memory_space<hbm>> -> memref<80xi32, #tpu.memory_space<hbm>>
    tpu.enqueue_dma source(%dma_start3A_109 : memref<80xi32, #tpu.memory_space<hbm>>) target(%arg5 : memref<80xi32, #tpu.memory_space<vmem>>) target_semaphore(%arg18 : memref<!tpu.dma_semaphore, #tpu.memory_space<semaphore_mem>>)
    %add3A_110 = arith.constant 320000 : i32
    %add3A_111 = arith.addi %add3A_110, %add3A_104 : i32
    %dma_start3A_112 = tpu.memref_slice %arg2[%add3A_111] : memref<640000xi32, #tpu.memory_space<hbm>> -> memref<80xi32, #tpu.memory_space<hbm>>
    %dma_start3A_113 = tpu.memref_slice %arg2[%add3A_111] : memref<640000xi32, #tpu.memory_space<hbm>> -> memref<80xi32, #tpu.memory_space<hbm>>
    tpu.enqueue_dma source(%dma_start3A_113 : memref<80xi32, #tpu.memory_space<hbm>>) target(%arg9 : memref<80xi32, #tpu.memory_space<vmem>>) target_semaphore(%arg18 : memref<!tpu.dma_semaphore, #tpu.memory_space<semaphore_mem>>)
    %dma_wait3A_114 = arith.constant 0 : i32
    %dma_wait3A_115 = tpu.memref_slice %arg2[%dma_wait3A_114] : memref<640000xi32, #tpu.memory_space<hbm>> -> memref<80xi32, #tpu.memory_space<hbm>>
    %dma_wait3A_116 = arith.constant 0 : i32
    %dma_wait3A_117 = tpu.memref_slice %arg2[%dma_wait3A_116] : memref<640000xi32, #tpu.memory_space<hbm>> -> memref<80xi32, #tpu.memory_space<hbm>>
    tpu.wait_dma2 semaphore(%arg21 : memref<!tpu.dma_semaphore, #tpu.memory_space<semaphore_mem>>) src(%dma_wait3A_117 : memref<80xi32, #tpu.memory_space<hbm>>) dst(%arg8 : memref<80xi32, #tpu.memory_space<vmem>>)
    %dma_wait3A_118 = arith.constant 0 : i32
    %dma_wait3A_119 = tpu.memref_slice %arg2[%dma_wait3A_118] : memref<640000xi32, #tpu.memory_space<hbm>> -> memref<80xi32, #tpu.memory_space<hbm>>
    %dma_wait3A_120 = arith.constant 0 : i32
    %dma_wait3A_121 = tpu.memref_slice %arg2[%dma_wait3A_120] : memref<640000xi32, #tpu.memory_space<hbm>> -> memref<80xi32, #tpu.memory_space<hbm>>
    tpu.wait_dma2 semaphore(%arg21 : memref<!tpu.dma_semaphore, #tpu.memory_space<semaphore_mem>>) src(%dma_wait3A_121 : memref<80xi32, #tpu.memory_space<hbm>>) dst(%arg12 : memref<80xi32, #tpu.memory_space<vmem>>)
    %dma_start3A_122 = arith.constant 0 : i32
    %dma_start3A_123 = arith.constant 0 : i32
    %dma_start3A_124 = tpu.memref_slice %arg3[%dma_start3A_122, %dma_start3A_123] : memref<10000x128xf32, #tpu.memory_space<hbm>> -> memref<10000x128xf32, #tpu.memory_space<hbm>>
    tpu.enqueue_indirect_dma source(%dma_start3A_124 : memref<10000x128xf32, #tpu.memory_space<hbm>>) target(%arg16 : memref<80x128xf32, #tpu.memory_space<vmem>>) offsets(%arg8 : memref<80xi32, #tpu.memory_space<vmem>>) semaphore(%arg25 : memref<!tpu.dma_semaphore, #tpu.memory_space<semaphore_mem>>)
    %dma_wait3A_125 = arith.constant 0 : i32
    %dma_wait3A_126 = arith.constant 0 : i32
    %dma_wait3A_127 = tpu.memref_slice %arg3[%dma_wait3A_125, %dma_wait3A_126] : memref<10000x128xf32, #tpu.memory_space<hbm>> -> memref<10000x128xf32, #tpu.memory_space<hbm>>
    tpu.wait_indirect_dma semaphore(%arg24 : memref<!tpu.dma_semaphore, #tpu.memory_space<semaphore_mem>>) src(%dma_wait3A_127 : memref<10000x128xf32, #tpu.memory_space<hbm>>) dst(%arg15 : memref<80x128xf32, #tpu.memory_space<vmem>>)
    %dma_start3A_128 = arith.constant 0 : i32
    %dma_start3A_129 = arith.constant 0 : i32
    %dma_start3A_130 = tpu.memref_slice %arg17[%dma_start3A_128, %dma_start3A_129] : memref<10000x128xf32, #tpu.memory_space<vmem_shared>> -> memref<10000x128xf32, #tpu.memory_space<vmem_shared>>
    tpu.enqueue_indirect_dma source(%arg15 : memref<80x128xf32, #tpu.memory_space<vmem>>) target(%dma_start3A_130 : memref<10000x128xf32, #tpu.memory_space<vmem_shared>>) offsets(%arg11 : memref<80xi32, #tpu.memory_space<vmem>>) semaphore(%arg28 : memref<!tpu.dma_semaphore, #tpu.memory_space<semaphore_mem>>) {add = true}
    %scan3A_131 = arith.constant 0 : i32
    %scan3A_132 = arith.constant 0 : i32
    %scan3A_133 = arith.constant 30 : i32
    %scan3A_134 = arith.addi %scan3A_132, %scan3A_133 : i32
    %scan3A_135 = arith.constant 1 : i32
    scf.for %scan3A_178 = %scan3A_132 to %scan3A_134 step %scan3A_135  : i32 {
      %mul3A_179 = arith.constant 4 : i32
      %mul3A_180 = arith.muli %mul3A_179, %scan3A_178 : i32
      %add3A_181 = arith.constant 5 : i32
      %add3A_182 = arith.addi %add3A_181, %mul3A_180 : i32
      %add3A_183 = arith.constant 0 : i32
      %add3A_184 = arith.addi %add3A_182, %add3A_183 : i32
      %mul3A_185 = arith.constant 80 : i32
      %mul3A_186 = arith.muli %add3A_184, %mul3A_185 : i32
      %add3A_187 = arith.addi %mul3A_4, %mul3A_186 : i32
      %dma_wait3A_188 = arith.constant 0 : i32
      %dma_wait3A_189 = arith.constant 0 : i32
      %dma_wait3A_190 = tpu.memref_slice %arg17[%dma_wait3A_188, %dma_wait3A_189] : memref<10000x128xf32, #tpu.memory_space<vmem_shared>> -> memref<10000x128xf32, #tpu.memory_space<vmem_shared>>
      tpu.wait_indirect_dma semaphore(%arg27 : memref<!tpu.dma_semaphore, #tpu.memory_space<semaphore_mem>>) src(%arg14 : memref<80x128xf32, #tpu.memory_space<vmem>>) dst(%dma_wait3A_190 : memref<10000x128xf32, #tpu.memory_space<vmem_shared>>)
      %dma_start3A_191 = tpu.memref_slice %arg2[%add3A_187] : memref<640000xi32, #tpu.memory_space<hbm>> -> memref<80xi32, #tpu.memory_space<hbm>>
      %dma_start3A_192 = tpu.memref_slice %arg2[%add3A_187] : memref<640000xi32, #tpu.memory_space<hbm>> -> memref<80xi32, #tpu.memory_space<hbm>>
      tpu.enqueue_dma source(%dma_start3A_192 : memref<80xi32, #tpu.memory_space<hbm>>) target(%arg6 : memref<80xi32, #tpu.memory_space<vmem>>) target_semaphore(%arg19 : memref<!tpu.dma_semaphore, #tpu.memory_space<semaphore_mem>>)
      %add3A_193 = arith.constant 320000 : i32
      %add3A_194 = arith.addi %add3A_193, %add3A_187 : i32
      %dma_start3A_195 = tpu.memref_slice %arg2[%add3A_194] : memref<640000xi32, #tpu.memory_space<hbm>> -> memref<80xi32, #tpu.memory_space<hbm>>
      %dma_start3A_196 = tpu.memref_slice %arg2[%add3A_194] : memref<640000xi32, #tpu.memory_space<hbm>> -> memref<80xi32, #tpu.memory_space<hbm>>
      tpu.enqueue_dma source(%dma_start3A_196 : memref<80xi32, #tpu.memory_space<hbm>>) target(%arg10 : memref<80xi32, #tpu.memory_space<vmem>>) target_semaphore(%arg19 : memref<!tpu.dma_semaphore, #tpu.memory_space<semaphore_mem>>)
      %dma_wait3A_197 = arith.constant 0 : i32
      %dma_wait3A_198 = tpu.memref_slice %arg2[%dma_wait3A_197] : memref<640000xi32, #tpu.memory_space<hbm>> -> memref<80xi32, #tpu.memory_space<hbm>>
      %dma_wait3A_199 = arith.constant 0 : i32
      %dma_wait3A_200 = tpu.memref_slice %arg2[%dma_wait3A_199] : memref<640000xi32, #tpu.memory_space<hbm>> -> memref<80xi32, #tpu.memory_space<hbm>>
      tpu.wait_dma2 semaphore(%arg18 : memref<!tpu.dma_semaphore, #tpu.memory_space<semaphore_mem>>) src(%dma_wait3A_200 : memref<80xi32, #tpu.memory_space<hbm>>) dst(%arg5 : memref<80xi32, #tpu.memory_space<vmem>>)
      %dma_wait3A_201 = arith.constant 0 : i32
      %dma_wait3A_202 = tpu.memref_slice %arg2[%dma_wait3A_201] : memref<640000xi32, #tpu.memory_space<hbm>> -> memref<80xi32, #tpu.memory_space<hbm>>
      %dma_wait3A_203 = arith.constant 0 : i32
      %dma_wait3A_204 = tpu.memref_slice %arg2[%dma_wait3A_203] : memref<640000xi32, #tpu.memory_space<hbm>> -> memref<80xi32, #tpu.memory_space<hbm>>
      tpu.wait_dma2 semaphore(%arg18 : memref<!tpu.dma_semaphore, #tpu.memory_space<semaphore_mem>>) src(%dma_wait3A_204 : memref<80xi32, #tpu.memory_space<hbm>>) dst(%arg9 : memref<80xi32, #tpu.memory_space<vmem>>)
      %dma_start3A_205 = arith.constant 0 : i32
      %dma_start3A_206 = arith.constant 0 : i32
      %dma_start3A_207 = tpu.memref_slice %arg3[%dma_start3A_205, %dma_start3A_206] : memref<10000x128xf32, #tpu.memory_space<hbm>> -> memref<10000x128xf32, #tpu.memory_space<hbm>>
      tpu.enqueue_indirect_dma source(%dma_start3A_207 : memref<10000x128xf32, #tpu.memory_space<hbm>>) target(%arg13 : memref<80x128xf32, #tpu.memory_space<vmem>>) offsets(%arg5 : memref<80xi32, #tpu.memory_space<vmem>>) semaphore(%arg22 : memref<!tpu.dma_semaphore, #tpu.memory_space<semaphore_mem>>)
      %dma_wait3A_208 = arith.constant 0 : i32
      %dma_wait3A_209 = arith.constant 0 : i32
      %dma_wait3A_210 = tpu.memref_slice %arg3[%dma_wait3A_208, %dma_wait3A_209] : memref<10000x128xf32, #tpu.memory_space<hbm>> -> memref<10000x128xf32, #tpu.memory_space<hbm>>
      tpu.wait_indirect_dma semaphore(%arg25 : memref<!tpu.dma_semaphore, #tpu.memory_space<semaphore_mem>>) src(%dma_wait3A_210 : memref<10000x128xf32, #tpu.memory_space<hbm>>) dst(%arg16 : memref<80x128xf32, #tpu.memory_space<vmem>>)
      %dma_start3A_211 = arith.constant 0 : i32
      %dma_start3A_212 = arith.constant 0 : i32
      %dma_start3A_213 = tpu.memref_slice %arg17[%dma_start3A_211, %dma_start3A_212] : memref<10000x128xf32, #tpu.memory_space<vmem_shared>> -> memref<10000x128xf32, #tpu.memory_space<vmem_shared>>
      tpu.enqueue_indirect_dma source(%arg16 : memref<80x128xf32, #tpu.memory_space<vmem>>) target(%dma_start3A_213 : memref<10000x128xf32, #tpu.memory_space<vmem_shared>>) offsets(%arg12 : memref<80xi32, #tpu.memory_space<vmem>>) semaphore(%arg29 : memref<!tpu.dma_semaphore, #tpu.memory_space<semaphore_mem>>) {add = true}
      %add3A_214 = arith.constant 1 : i32
      %add3A_215 = arith.addi %add3A_182, %add3A_214 : i32
      %mul3A_216 = arith.constant 80 : i32
      %mul3A_217 = arith.muli %add3A_215, %mul3A_216 : i32
      %add3A_218 = arith.addi %mul3A_4, %mul3A_217 : i32
      %dma_wait3A_219 = arith.constant 0 : i32
      %dma_wait3A_220 = arith.constant 0 : i32
      %dma_wait3A_221 = tpu.memref_slice %arg17[%dma_wait3A_219, %dma_wait3A_220] : memref<10000x128xf32, #tpu.memory_space<vmem_shared>> -> memref<10000x128xf32, #tpu.memory_space<vmem_shared>>
      tpu.wait_indirect_dma semaphore(%arg28 : memref<!tpu.dma_semaphore, #tpu.memory_space<semaphore_mem>>) src(%arg15 : memref<80x128xf32, #tpu.memory_space<vmem>>) dst(%dma_wait3A_221 : memref<10000x128xf32, #tpu.memory_space<vmem_shared>>)
      %dma_start3A_222 = tpu.memref_slice %arg2[%add3A_218] : memref<640000xi32, #tpu.memory_space<hbm>> -> memref<80xi32, #tpu.memory_space<hbm>>
      %dma_start3A_223 = tpu.memref_slice %arg2[%add3A_218] : memref<640000xi32, #tpu.memory_space<hbm>> -> memref<80xi32, #tpu.memory_space<hbm>>
      tpu.enqueue_dma source(%dma_start3A_223 : memref<80xi32, #tpu.memory_space<hbm>>) target(%arg7 : memref<80xi32, #tpu.memory_space<vmem>>) target_semaphore(%arg20 : memref<!tpu.dma_semaphore, #tpu.memory_space<semaphore_mem>>)
      %add3A_224 = arith.constant 320000 : i32
      %add3A_225 = arith.addi %add3A_224, %add3A_218 : i32
      %dma_start3A_226 = tpu.memref_slice %arg2[%add3A_225] : memref<640000xi32, #tpu.memory_space<hbm>> -> memref<80xi32, #tpu.memory_space<hbm>>
      %dma_start3A_227 = tpu.memref_slice %arg2[%add3A_225] : memref<640000xi32, #tpu.memory_space<hbm>> -> memref<80xi32, #tpu.memory_space<hbm>>
      tpu.enqueue_dma source(%dma_start3A_227 : memref<80xi32, #tpu.memory_space<hbm>>) target(%arg11 : memref<80xi32, #tpu.memory_space<vmem>>) target_semaphore(%arg20 : memref<!tpu.dma_semaphore, #tpu.memory_space<semaphore_mem>>)
      %dma_wait3A_228 = arith.constant 0 : i32
      %dma_wait3A_229 = tpu.memref_slice %arg2[%dma_wait3A_228] : memref<640000xi32, #tpu.memory_space<hbm>> -> memref<80xi32, #tpu.memory_space<hbm>>
      %dma_wait3A_230 = arith.constant 0 : i32
      %dma_wait3A_231 = tpu.memref_slice %arg2[%dma_wait3A_230] : memref<640000xi32, #tpu.memory_space<hbm>> -> memref<80xi32, #tpu.memory_space<hbm>>
      tpu.wait_dma2 semaphore(%arg19 : memref<!tpu.dma_semaphore, #tpu.memory_space<semaphore_mem>>) src(%dma_wait3A_231 : memref<80xi32, #tpu.memory_space<hbm>>) dst(%arg6 : memref<80xi32, #tpu.memory_space<vmem>>)
      %dma_wait3A_232 = arith.constant 0 : i32
      %dma_wait3A_233 = tpu.memref_slice %arg2[%dma_wait3A_232] : memref<640000xi32, #tpu.memory_space<hbm>> -> memref<80xi32, #tpu.memory_space<hbm>>
      %dma_wait3A_234 = arith.constant 0 : i32
      %dma_wait3A_235 = tpu.memref_slice %arg2[%dma_wait3A_234] : memref<640000xi32, #tpu.memory_space<hbm>> -> memref<80xi32, #tpu.memory_space<hbm>>
      tpu.wait_dma2 semaphore(%arg19 : memref<!tpu.dma_semaphore, #tpu.memory_space<semaphore_mem>>) src(%dma_wait3A_235 : memref<80xi32, #tpu.memory_space<hbm>>) dst(%arg10 : memref<80xi32, #tpu.memory_space<vmem>>)
      %dma_start3A_236 = arith.constant 0 : i32
      %dma_start3A_237 = arith.constant 0 : i32
      %dma_start3A_238 = tpu.memref_slice %arg3[%dma_start3A_236, %dma_start3A_237] : memref<10000x128xf32, #tpu.memory_space<hbm>> -> memref<10000x128xf32, #tpu.memory_space<hbm>>
      tpu.enqueue_indirect_dma source(%dma_start3A_238 : memref<10000x128xf32, #tpu.memory_space<hbm>>) target(%arg14 : memref<80x128xf32, #tpu.memory_space<vmem>>) offsets(%arg6 : memref<80xi32, #tpu.memory_space<vmem>>) semaphore(%arg23 : memref<!tpu.dma_semaphore, #tpu.memory_space<semaphore_mem>>)
      %dma_wait3A_239 = arith.constant 0 : i32
      %dma_wait3A_240 = arith.constant 0 : i32
      %dma_wait3A_241 = tpu.memref_slice %arg3[%dma_wait3A_239, %dma_wait3A_240] : memref<10000x128xf32, #tpu.memory_space<hbm>> -> memref<10000x128xf32, #tpu.memory_space<hbm>>
      tpu.wait_indirect_dma semaphore(%arg22 : memref<!tpu.dma_semaphore, #tpu.memory_space<semaphore_mem>>) src(%dma_wait3A_241 : memref<10000x128xf32, #tpu.memory_space<hbm>>) dst(%arg13 : memref<80x128xf32, #tpu.memory_space<vmem>>)
      %dma_start3A_242 = arith.constant 0 : i32
      %dma_start3A_243 = arith.constant 0 : i32
      %dma_start3A_244 = tpu.memref_slice %arg17[%dma_start3A_242, %dma_start3A_243] : memref<10000x128xf32, #tpu.memory_space<vmem_shared>> -> memref<10000x128xf32, #tpu.memory_space<vmem_shared>>
      tpu.enqueue_indirect_dma source(%arg13 : memref<80x128xf32, #tpu.memory_space<vmem>>) target(%dma_start3A_244 : memref<10000x128xf32, #tpu.memory_space<vmem_shared>>) offsets(%arg9 : memref<80xi32, #tpu.memory_space<vmem>>) semaphore(%arg26 : memref<!tpu.dma_semaphore, #tpu.memory_space<semaphore_mem>>) {add = true}
      %add3A_245 = arith.constant 2 : i32
      %add3A_246 = arith.addi %add3A_182, %add3A_245 : i32
      %mul3A_247 = arith.constant 80 : i32
      %mul3A_248 = arith.muli %add3A_246, %mul3A_247 : i32
      %add3A_249 = arith.addi %mul3A_4, %mul3A_248 : i32
      %dma_wait3A_250 = arith.constant 0 : i32
      %dma_wait3A_251 = arith.constant 0 : i32
      %dma_wait3A_252 = tpu.memref_slice %arg17[%dma_wait3A_250, %dma_wait3A_251] : memref<10000x128xf32, #tpu.memory_space<vmem_shared>> -> memref<10000x128xf32, #tpu.memory_space<vmem_shared>>
      tpu.wait_indirect_dma semaphore(%arg29 : memref<!tpu.dma_semaphore, #tpu.memory_space<semaphore_mem>>) src(%arg16 : memref<80x128xf32, #tpu.memory_space<vmem>>) dst(%dma_wait3A_252 : memref<10000x128xf32, #tpu.memory_space<vmem_shared>>)
      %dma_start3A_253 = tpu.memref_slice %arg2[%add3A_249] : memref<640000xi32, #tpu.memory_space<hbm>> -> memref<80xi32, #tpu.memory_space<hbm>>
      %dma_start3A_254 = tpu.memref_slice %arg2[%add3A_249] : memref<640000xi32, #tpu.memory_space<hbm>> -> memref<80xi32, #tpu.memory_space<hbm>>
      tpu.enqueue_dma source(%dma_start3A_254 : memref<80xi32, #tpu.memory_space<hbm>>) target(%arg8 : memref<80xi32, #tpu.memory_space<vmem>>) target_semaphore(%arg21 : memref<!tpu.dma_semaphore, #tpu.memory_space<semaphore_mem>>)
      %add3A_255 = arith.constant 320000 : i32
      %add3A_256 = arith.addi %add3A_255, %add3A_249 : i32
      %dma_start3A_257 = tpu.memref_slice %arg2[%add3A_256] : memref<640000xi32, #tpu.memory_space<hbm>> -> memref<80xi32, #tpu.memory_space<hbm>>
      %dma_start3A_258 = tpu.memref_slice %arg2[%add3A_256] : memref<640000xi32, #tpu.memory_space<hbm>> -> memref<80xi32, #tpu.memory_space<hbm>>
      tpu.enqueue_dma source(%dma_start3A_258 : memref<80xi32, #tpu.memory_space<hbm>>) target(%arg12 : memref<80xi32, #tpu.memory_space<vmem>>) target_semaphore(%arg21 : memref<!tpu.dma_semaphore, #tpu.memory_space<semaphore_mem>>)
      %dma_wait3A_259 = arith.constant 0 : i32
      %dma_wait3A_260 = tpu.memref_slice %arg2[%dma_wait3A_259] : memref<640000xi32, #tpu.memory_space<hbm>> -> memref<80xi32, #tpu.memory_space<hbm>>
      %dma_wait3A_261 = arith.constant 0 : i32
      %dma_wait3A_262 = tpu.memref_slice %arg2[%dma_wait3A_261] : memref<640000xi32, #tpu.memory_space<hbm>> -> memref<80xi32, #tpu.memory_space<hbm>>
      tpu.wait_dma2 semaphore(%arg20 : memref<!tpu.dma_semaphore, #tpu.memory_space<semaphore_mem>>) src(%dma_wait3A_262 : memref<80xi32, #tpu.memory_space<hbm>>) dst(%arg7 : memref<80xi32, #tpu.memory_space<vmem>>)
      %dma_wait3A_263 = arith.constant 0 : i32
      %dma_wait3A_264 = tpu.memref_slice %arg2[%dma_wait3A_263] : memref<640000xi32, #tpu.memory_space<hbm>> -> memref<80xi32, #tpu.memory_space<hbm>>
      %dma_wait3A_265 = arith.constant 0 : i32
      %dma_wait3A_266 = tpu.memref_slice %arg2[%dma_wait3A_265] : memref<640000xi32, #tpu.memory_space<hbm>> -> memref<80xi32, #tpu.memory_space<hbm>>
      tpu.wait_dma2 semaphore(%arg20 : memref<!tpu.dma_semaphore, #tpu.memory_space<semaphore_mem>>) src(%dma_wait3A_266 : memref<80xi32, #tpu.memory_space<hbm>>) dst(%arg11 : memref<80xi32, #tpu.memory_space<vmem>>)
      %dma_start3A_267 = arith.constant 0 : i32
      %dma_start3A_268 = arith.constant 0 : i32
      %dma_start3A_269 = tpu.memref_slice %arg3[%dma_start3A_267, %dma_start3A_268] : memref<10000x128xf32, #tpu.memory_space<hbm>> -> memref<10000x128xf32, #tpu.memory_space<hbm>>
      tpu.enqueue_indirect_dma source(%dma_start3A_269 : memref<10000x128xf32, #tpu.memory_space<hbm>>) target(%arg15 : memref<80x128xf32, #tpu.memory_space<vmem>>) offsets(%arg7 : memref<80xi32, #tpu.memory_space<vmem>>) semaphore(%arg24 : memref<!tpu.dma_semaphore, #tpu.memory_space<semaphore_mem>>)
      %dma_wait3A_270 = arith.constant 0 : i32
      %dma_wait3A_271 = arith.constant 0 : i32
      %dma_wait3A_272 = tpu.memref_slice %arg3[%dma_wait3A_270, %dma_wait3A_271] : memref<10000x128xf32, #tpu.memory_space<hbm>> -> memref<10000x128xf32, #tpu.memory_space<hbm>>
      tpu.wait_indirect_dma semaphore(%arg23 : memref<!tpu.dma_semaphore, #tpu.memory_space<semaphore_mem>>) src(%dma_wait3A_272 : memref<10000x128xf32, #tpu.memory_space<hbm>>) dst(%arg14 : memref<80x128xf32, #tpu.memory_space<vmem>>)
      %dma_start3A_273 = arith.constant 0 : i32
      %dma_start3A_274 = arith.constant 0 : i32
      %dma_start3A_275 = tpu.memref_slice %arg17[%dma_start3A_273, %dma_start3A_274] : memref<10000x128xf32, #tpu.memory_space<vmem_shared>> -> memref<10000x128xf32, #tpu.memory_space<vmem_shared>>
      tpu.enqueue_indirect_dma source(%arg14 : memref<80x128xf32, #tpu.memory_space<vmem>>) target(%dma_start3A_275 : memref<10000x128xf32, #tpu.memory_space<vmem_shared>>) offsets(%arg10 : memref<80xi32, #tpu.memory_space<vmem>>) semaphore(%arg27 : memref<!tpu.dma_semaphore, #tpu.memory_space<semaphore_mem>>) {add = true}
      %add3A_276 = arith.constant 3 : i32
      %add3A_277 = arith.addi %add3A_182, %add3A_276 : i32
      %mul3A_278 = arith.constant 80 : i32
      %mul3A_279 = arith.muli %add3A_277, %mul3A_278 : i32
      %add3A_280 = arith.addi %mul3A_4, %mul3A_279 : i32
      %dma_wait3A_281 = arith.constant 0 : i32
      %dma_wait3A_282 = arith.constant 0 : i32
      %dma_wait3A_283 = tpu.memref_slice %arg17[%dma_wait3A_281, %dma_wait3A_282] : memref<10000x128xf32, #tpu.memory_space<vmem_shared>> -> memref<10000x128xf32, #tpu.memory_space<vmem_shared>>
      tpu.wait_indirect_dma semaphore(%arg26 : memref<!tpu.dma_semaphore, #tpu.memory_space<semaphore_mem>>) src(%arg13 : memref<80x128xf32, #tpu.memory_space<vmem>>) dst(%dma_wait3A_283 : memref<10000x128xf32, #tpu.memory_space<vmem_shared>>)
      %dma_start3A_284 = tpu.memref_slice %arg2[%add3A_280] : memref<640000xi32, #tpu.memory_space<hbm>> -> memref<80xi32, #tpu.memory_space<hbm>>
      %dma_start3A_285 = tpu.memref_slice %arg2[%add3A_280] : memref<640000xi32, #tpu.memory_space<hbm>> -> memref<80xi32, #tpu.memory_space<hbm>>
      tpu.enqueue_dma source(%dma_start3A_285 : memref<80xi32, #tpu.memory_space<hbm>>) target(%arg5 : memref<80xi32, #tpu.memory_space<vmem>>) target_semaphore(%arg18 : memref<!tpu.dma_semaphore, #tpu.memory_space<semaphore_mem>>)
      %add3A_286 = arith.constant 320000 : i32
      %add3A_287 = arith.addi %add3A_286, %add3A_280 : i32
      %dma_start3A_288 = tpu.memref_slice %arg2[%add3A_287] : memref<640000xi32, #tpu.memory_space<hbm>> -> memref<80xi32, #tpu.memory_space<hbm>>
      %dma_start3A_289 = tpu.memref_slice %arg2[%add3A_287] : memref<640000xi32, #tpu.memory_space<hbm>> -> memref<80xi32, #tpu.memory_space<hbm>>
      tpu.enqueue_dma source(%dma_start3A_289 : memref<80xi32, #tpu.memory_space<hbm>>) target(%arg9 : memref<80xi32, #tpu.memory_space<vmem>>) target_semaphore(%arg18 : memref<!tpu.dma_semaphore, #tpu.memory_space<semaphore_mem>>)
      %dma_wait3A_290 = arith.constant 0 : i32
      %dma_wait3A_291 = tpu.memref_slice %arg2[%dma_wait3A_290] : memref<640000xi32, #tpu.memory_space<hbm>> -> memref<80xi32, #tpu.memory_space<hbm>>
      %dma_wait3A_292 = arith.constant 0 : i32
      %dma_wait3A_293 = tpu.memref_slice %arg2[%dma_wait3A_292] : memref<640000xi32, #tpu.memory_space<hbm>> -> memref<80xi32, #tpu.memory_space<hbm>>
      tpu.wait_dma2 semaphore(%arg21 : memref<!tpu.dma_semaphore, #tpu.memory_space<semaphore_mem>>) src(%dma_wait3A_293 : memref<80xi32, #tpu.memory_space<hbm>>) dst(%arg8 : memref<80xi32, #tpu.memory_space<vmem>>)
      %dma_wait3A_294 = arith.constant 0 : i32
      %dma_wait3A_295 = tpu.memref_slice %arg2[%dma_wait3A_294] : memref<640000xi32, #tpu.memory_space<hbm>> -> memref<80xi32, #tpu.memory_space<hbm>>
      %dma_wait3A_296 = arith.constant 0 : i32
      %dma_wait3A_297 = tpu.memref_slice %arg2[%dma_wait3A_296] : memref<640000xi32, #tpu.memory_space<hbm>> -> memref<80xi32, #tpu.memory_space<hbm>>
      tpu.wait_dma2 semaphore(%arg21 : memref<!tpu.dma_semaphore, #tpu.memory_space<semaphore_mem>>) src(%dma_wait3A_297 : memref<80xi32, #tpu.memory_space<hbm>>) dst(%arg12 : memref<80xi32, #tpu.memory_space<vmem>>)
      %dma_start3A_298 = arith.constant 0 : i32
      %dma_start3A_299 = arith.constant 0 : i32
      %dma_start3A_300 = tpu.memref_slice %arg3[%dma_start3A_298, %dma_start3A_299] : memref<10000x128xf32, #tpu.memory_space<hbm>> -> memref<10000x128xf32, #tpu.memory_space<hbm>>
      tpu.enqueue_indirect_dma source(%dma_start3A_300 : memref<10000x128xf32, #tpu.memory_space<hbm>>) target(%arg16 : memref<80x128xf32, #tpu.memory_space<vmem>>) offsets(%arg8 : memref<80xi32, #tpu.memory_space<vmem>>) semaphore(%arg25 : memref<!tpu.dma_semaphore, #tpu.memory_space<semaphore_mem>>)
      %dma_wait3A_301 = arith.constant 0 : i32
      %dma_wait3A_302 = arith.constant 0 : i32
      %dma_wait3A_303 = tpu.memref_slice %arg3[%dma_wait3A_301, %dma_wait3A_302] : memref<10000x128xf32, #tpu.memory_space<hbm>> -> memref<10000x128xf32, #tpu.memory_space<hbm>>
      tpu.wait_indirect_dma semaphore(%arg24 : memref<!tpu.dma_semaphore, #tpu.memory_space<semaphore_mem>>) src(%dma_wait3A_303 : memref<10000x128xf32, #tpu.memory_space<hbm>>) dst(%arg15 : memref<80x128xf32, #tpu.memory_space<vmem>>)
      %dma_start3A_304 = arith.constant 0 : i32
      %dma_start3A_305 = arith.constant 0 : i32
      %dma_start3A_306 = tpu.memref_slice %arg17[%dma_start3A_304, %dma_start3A_305] : memref<10000x128xf32, #tpu.memory_space<vmem_shared>> -> memref<10000x128xf32, #tpu.memory_space<vmem_shared>>
      tpu.enqueue_indirect_dma source(%arg15 : memref<80x128xf32, #tpu.memory_space<vmem>>) target(%dma_start3A_306 : memref<10000x128xf32, #tpu.memory_space<vmem_shared>>) offsets(%arg11 : memref<80xi32, #tpu.memory_space<vmem>>) semaphore(%arg28 : memref<!tpu.dma_semaphore, #tpu.memory_space<semaphore_mem>>) {add = true}
    }
    %scan3A_136 = arith.constant 30 : i32
    %dma_wait3A_137 = arith.constant 0 : i32
    %dma_wait3A_138 = tpu.memref_slice %arg2[%dma_wait3A_137] : memref<640000xi32, #tpu.memory_space<hbm>> -> memref<80xi32, #tpu.memory_space<hbm>>
    %dma_wait3A_139 = arith.constant 0 : i32
    %dma_wait3A_140 = tpu.memref_slice %arg2[%dma_wait3A_139] : memref<640000xi32, #tpu.memory_space<hbm>> -> memref<80xi32, #tpu.memory_space<hbm>>
    tpu.wait_dma2 semaphore(%arg18 : memref<!tpu.dma_semaphore, #tpu.memory_space<semaphore_mem>>) src(%dma_wait3A_140 : memref<80xi32, #tpu.memory_space<hbm>>) dst(%arg5 : memref<80xi32, #tpu.memory_space<vmem>>)
    %dma_wait3A_141 = arith.constant 0 : i32
    %dma_wait3A_142 = tpu.memref_slice %arg2[%dma_wait3A_141] : memref<640000xi32, #tpu.memory_space<hbm>> -> memref<80xi32, #tpu.memory_space<hbm>>
    %dma_wait3A_143 = arith.constant 0 : i32
    %dma_wait3A_144 = tpu.memref_slice %arg2[%dma_wait3A_143] : memref<640000xi32, #tpu.memory_space<hbm>> -> memref<80xi32, #tpu.memory_space<hbm>>
    tpu.wait_dma2 semaphore(%arg18 : memref<!tpu.dma_semaphore, #tpu.memory_space<semaphore_mem>>) src(%dma_wait3A_144 : memref<80xi32, #tpu.memory_space<hbm>>) dst(%arg9 : memref<80xi32, #tpu.memory_space<vmem>>)
    %dma_start3A_145 = arith.constant 0 : i32
    %dma_start3A_146 = arith.constant 0 : i32
    %dma_start3A_147 = tpu.memref_slice %arg3[%dma_start3A_145, %dma_start3A_146] : memref<10000x128xf32, #tpu.memory_space<hbm>> -> memref<10000x128xf32, #tpu.memory_space<hbm>>
    tpu.enqueue_indirect_dma source(%dma_start3A_147 : memref<10000x128xf32, #tpu.memory_space<hbm>>) target(%arg13 : memref<80x128xf32, #tpu.memory_space<vmem>>) offsets(%arg5 : memref<80xi32, #tpu.memory_space<vmem>>) semaphore(%arg22 : memref<!tpu.dma_semaphore, #tpu.memory_space<semaphore_mem>>)
    %dma_wait3A_148 = arith.constant 0 : i32
    %dma_wait3A_149 = arith.constant 0 : i32
    %dma_wait3A_150 = tpu.memref_slice %arg3[%dma_wait3A_148, %dma_wait3A_149] : memref<10000x128xf32, #tpu.memory_space<hbm>> -> memref<10000x128xf32, #tpu.memory_space<hbm>>
    tpu.wait_indirect_dma semaphore(%arg25 : memref<!tpu.dma_semaphore, #tpu.memory_space<semaphore_mem>>) src(%dma_wait3A_150 : memref<10000x128xf32, #tpu.memory_space<hbm>>) dst(%arg16 : memref<80x128xf32, #tpu.memory_space<vmem>>)
    %dma_start3A_151 = arith.constant 0 : i32
    %dma_start3A_152 = arith.constant 0 : i32
    %dma_start3A_153 = tpu.memref_slice %arg17[%dma_start3A_151, %dma_start3A_152] : memref<10000x128xf32, #tpu.memory_space<vmem_shared>> -> memref<10000x128xf32, #tpu.memory_space<vmem_shared>>
    tpu.enqueue_indirect_dma source(%arg16 : memref<80x128xf32, #tpu.memory_space<vmem>>) target(%dma_start3A_153 : memref<10000x128xf32, #tpu.memory_space<vmem_shared>>) offsets(%arg12 : memref<80xi32, #tpu.memory_space<vmem>>) semaphore(%arg29 : memref<!tpu.dma_semaphore, #tpu.memory_space<semaphore_mem>>) {add = true}
    %dma_wait3A_154 = arith.constant 0 : i32
    %dma_wait3A_155 = arith.constant 0 : i32
    %dma_wait3A_156 = tpu.memref_slice %arg3[%dma_wait3A_154, %dma_wait3A_155] : memref<10000x128xf32, #tpu.memory_space<hbm>> -> memref<10000x128xf32, #tpu.memory_space<hbm>>
    tpu.wait_indirect_dma semaphore(%arg22 : memref<!tpu.dma_semaphore, #tpu.memory_space<semaphore_mem>>) src(%dma_wait3A_156 : memref<10000x128xf32, #tpu.memory_space<hbm>>) dst(%arg13 : memref<80x128xf32, #tpu.memory_space<vmem>>)
    %dma_start3A_157 = arith.constant 0 : i32
    %dma_start3A_158 = arith.constant 0 : i32
    %dma_start3A_159 = tpu.memref_slice %arg17[%dma_start3A_157, %dma_start3A_158] : memref<10000x128xf32, #tpu.memory_space<vmem_shared>> -> memref<10000x128xf32, #tpu.memory_space<vmem_shared>>
    tpu.enqueue_indirect_dma source(%arg13 : memref<80x128xf32, #tpu.memory_space<vmem>>) target(%dma_start3A_159 : memref<10000x128xf32, #tpu.memory_space<vmem_shared>>) offsets(%arg9 : memref<80xi32, #tpu.memory_space<vmem>>) semaphore(%arg26 : memref<!tpu.dma_semaphore, #tpu.memory_space<semaphore_mem>>) {add = true}
    %dma_wait3A_160 = arith.constant 0 : i32
    %dma_wait3A_161 = arith.constant 0 : i32
    %dma_wait3A_162 = tpu.memref_slice %arg17[%dma_wait3A_160, %dma_wait3A_161] : memref<10000x128xf32, #tpu.memory_space<vmem_shared>> -> memref<10000x128xf32, #tpu.memory_space<vmem_shared>>
    tpu.wait_indirect_dma semaphore(%arg26 : memref<!tpu.dma_semaphore, #tpu.memory_space<semaphore_mem>>) src(%arg13 : memref<80x128xf32, #tpu.memory_space<vmem>>) dst(%dma_wait3A_162 : memref<10000x128xf32, #tpu.memory_space<vmem_shared>>)
    %dma_wait3A_163 = arith.constant 0 : i32
    %dma_wait3A_164 = arith.constant 0 : i32
    %dma_wait3A_165 = tpu.memref_slice %arg17[%dma_wait3A_163, %dma_wait3A_164] : memref<10000x128xf32, #tpu.memory_space<vmem_shared>> -> memref<10000x128xf32, #tpu.memory_space<vmem_shared>>
    tpu.wait_indirect_dma semaphore(%arg27 : memref<!tpu.dma_semaphore, #tpu.memory_space<semaphore_mem>>) src(%arg14 : memref<80x128xf32, #tpu.memory_space<vmem>>) dst(%dma_wait3A_165 : memref<10000x128xf32, #tpu.memory_space<vmem_shared>>)
    %dma_wait3A_166 = arith.constant 0 : i32
    %dma_wait3A_167 = arith.constant 0 : i32
    %dma_wait3A_168 = tpu.memref_slice %arg17[%dma_wait3A_166, %dma_wait3A_167] : memref<10000x128xf32, #tpu.memory_space<vmem_shared>> -> memref<10000x128xf32, #tpu.memory_space<vmem_shared>>
    tpu.wait_indirect_dma semaphore(%arg28 : memref<!tpu.dma_semaphore, #tpu.memory_space<semaphore_mem>>) src(%arg15 : memref<80x128xf32, #tpu.memory_space<vmem>>) dst(%dma_wait3A_168 : memref<10000x128xf32, #tpu.memory_space<vmem_shared>>)
    %dma_wait3A_169 = arith.constant 0 : i32
    %dma_wait3A_170 = arith.constant 0 : i32
    %dma_wait3A_171 = tpu.memref_slice %arg17[%dma_wait3A_169, %dma_wait3A_170] : memref<10000x128xf32, #tpu.memory_space<vmem_shared>> -> memref<10000x128xf32, #tpu.memory_space<vmem_shared>>
    tpu.wait_indirect_dma semaphore(%arg29 : memref<!tpu.dma_semaphore, #tpu.memory_space<semaphore_mem>>) src(%arg16 : memref<80x128xf32, #tpu.memory_space<vmem>>) dst(%dma_wait3A_171 : memref<10000x128xf32, #tpu.memory_space<vmem_shared>>)
    %barrier3A_172 = arith.constant 0 : index
    tpu.barrier barrier_id(%barrier3A_172)
    "tpu.region"() ({
      %run_scoped3A = tpu.sem_alloc : memref<!tpu.dma_semaphore, #tpu.memory_space<semaphore_mem>>
      %dma_start3A_178 = arith.constant 0 : i32
      %dma_start3A_179 = tpu.memref_slice %arg4[%arg0, %mul3A_2, %dma_start3A_178] : memref<2x10000x128xf32, #tpu.memory_space<hbm>> -> memref<1x624x128xf32, #tpu.memory_space<hbm>>
      %dma_start3A_180 = tpu.memref_squeeze %dma_start3A_179 : memref<1x624x128xf32, #tpu.memory_space<hbm>> -> memref<624x128xf32, #tpu.memory_space<hbm>>
      %dma_start3A_181 = arith.constant 0 : i32
      %dma_start3A_182 = tpu.memref_slice %arg17[%mul3A_2, %dma_start3A_181] : memref<10000x128xf32, #tpu.memory_space<vmem_shared>> -> memref<624x128xf32, #tpu.memory_space<vmem_shared>>
      tpu.enqueue_dma source(%dma_start3A_182 : memref<624x128xf32, #tpu.memory_space<vmem_shared>>) target(%dma_start3A_180 : memref<624x128xf32, #tpu.memory_space<hbm>>) target_semaphore(%run_scoped3A : memref<!tpu.dma_semaphore, #tpu.memory_space<semaphore_mem>>)
      %dma_wait3A_183 = arith.constant 0 : i32
      %dma_wait3A_184 = tpu.memref_slice %arg4[%arg0, %mul3A_2, %dma_wait3A_183] : memref<2x10000x128xf32, #tpu.memory_space<hbm>> -> memref<1x624x128xf32, #tpu.memory_space<hbm>>
      %dma_wait3A_185 = tpu.memref_squeeze %dma_wait3A_184 : memref<1x624x128xf32, #tpu.memory_space<hbm>> -> memref<624x128xf32, #tpu.memory_space<hbm>>
      %dma_wait3A_186 = arith.constant 0 : i32
      %dma_wait3A_187 = tpu.memref_slice %arg17[%mul3A_2, %dma_wait3A_186] : memref<10000x128xf32, #tpu.memory_space<vmem_shared>> -> memref<624x128xf32, #tpu.memory_space<vmem_shared>>
      tpu.wait_dma2 semaphore(%run_scoped3A : memref<!tpu.dma_semaphore, #tpu.memory_space<semaphore_mem>>) src(%dma_wait3A_187 : memref<624x128xf32, #tpu.memory_space<vmem_shared>>) dst(%dma_wait3A_185 : memref<624x128xf32, #tpu.memory_space<hbm>>)
      tpu.yield
    }) : () -> ()
    %eq3A_173 = arith.constant 15 : i32
    %eq3A_174 = arith.cmpi eq, %arg1, %eq3A_173 : i32
    %convert_element_type3A_175 = arith.extui %eq3A_174 : i1 to i32
    %cond3A_176 = arith.constant 0 : i32
    %cond3A_177 = arith.cmpi ne, %convert_element_type3A_175, %cond3A_176 : i32
    scf.if %cond3A_177 {
      "tpu.region"() ({
        %run_scoped3A = tpu.sem_alloc : memref<!tpu.dma_semaphore, #tpu.memory_space<semaphore_mem>>
        %dma_start3A_178 = arith.constant 9984 : i32
        %dma_start3A_179 = arith.constant 0 : i32
        %dma_start3A_180 = tpu.memref_slice %arg4[%arg0, %dma_start3A_178, %dma_start3A_179] : memref<2x10000x128xf32, #tpu.memory_space<hbm>> -> memref<1x16x128xf32, #tpu.memory_space<hbm>>
        %dma_start3A_181 = tpu.memref_squeeze %dma_start3A_180 : memref<1x16x128xf32, #tpu.memory_space<hbm>> -> memref<16x128xf32, #tpu.memory_space<hbm>>
        %dma_start3A_182 = arith.constant 9984 : i32
        %dma_start3A_183 = arith.constant 0 : i32
        %dma_start3A_184 = tpu.memref_slice %arg17[%dma_start3A_182, %dma_start3A_183] : memref<10000x128xf32, #tpu.memory_space<vmem_shared>> -> memref<16x128xf32, #tpu.memory_space<vmem_shared>>
        tpu.enqueue_dma source(%dma_start3A_184 : memref<16x128xf32, #tpu.memory_space<vmem_shared>>) target(%dma_start3A_181 : memref<16x128xf32, #tpu.memory_space<hbm>>) target_semaphore(%run_scoped3A : memref<!tpu.dma_semaphore, #tpu.memory_space<semaphore_mem>>)
        %dma_wait3A_185 = arith.constant 9984 : i32
        %dma_wait3A_186 = arith.constant 0 : i32
        %dma_wait3A_187 = tpu.memref_slice %arg4[%arg0, %dma_wait3A_185, %dma_wait3A_186] : memref<2x10000x128xf32, #tpu.memory_space<hbm>> -> memref<1x16x128xf32, #tpu.memory_space<hbm>>
        %dma_wait3A_188 = tpu.memref_squeeze %dma_wait3A_187 : memref<1x16x128xf32, #tpu.memory_space<hbm>> -> memref<16x128xf32, #tpu.memory_space<hbm>>
        %dma_wait3A_189 = arith.constant 9984 : i32
        %dma_wait3A_190 = arith.constant 0 : i32
        %dma_wait3A_191 = tpu.memref_slice %arg17[%dma_wait3A_189, %dma_wait3A_190] : memref<10000x128xf32, #tpu.memory_space<vmem_shared>> -> memref<16x128xf32, #tpu.memory_space<vmem_shared>>
        tpu.wait_dma2 semaphore(%run_scoped3A : memref<!tpu.dma_semaphore, #tpu.memory_space<semaphore_mem>>) src(%dma_wait3A_191 : memref<16x128xf32, #tpu.memory_space<vmem_shared>>) dst(%dma_wait3A_188 : memref<16x128xf32, #tpu.memory_space<hbm>>)
        tpu.yield
      }) : () -> ()
    } else {
    }
    return
  }
}

#map = affine_map<(d0, d1) -> (0)>
#map1 = affine_map<(d0, d1) -> (0, 0)>
#map2 = affine_map<(d0, d1) -> (0, 0, 0)>
module attributes {stable_mosaic.version = 14 : i64} {
  func.func @_agg_body(%arg0: i32, %arg1: i32, %arg2: memref<640000xi32, #tpu.memory_space<hbm>>, %arg3: memref<10000x128xf32, #tpu.memory_space<hbm>>, %arg4: memref<2x10000x128xf32, #tpu.memory_space<hbm>>, %arg5: memref<80xi32, #tpu.memory_space<vmem>>, %arg6: memref<80xi32, #tpu.memory_space<vmem>>, %arg7: memref<80xi32, #tpu.memory_space<vmem>>, %arg8: memref<80xi32, #tpu.memory_space<vmem>>, %arg9: memref<80xi32, #tpu.memory_space<vmem>>, %arg10: memref<80xi32, #tpu.memory_space<vmem>>, %arg11: memref<80xi32, #tpu.memory_space<vmem>>, %arg12: memref<80xi32, #tpu.memory_space<vmem>>, %arg13: memref<80x128xf32, #tpu.memory_space<vmem>>, %arg14: memref<80x128xf32, #tpu.memory_space<vmem>>, %arg15: memref<80x128xf32, #tpu.memory_space<vmem>>, %arg16: memref<80x128xf32, #tpu.memory_space<vmem>>, %arg17: memref<10000x128xf32, #tpu.memory_space<vmem_shared>>, %arg18: memref<!tpu.dma_semaphore, #tpu.memory_space<semaphore_mem>>, %arg19: memref<!tpu.dma_semaphore, #tpu.memory_space<semaphore_mem>>, %arg20: memref<!tpu.dma_semaphore, #tpu.memory_space<semaphore_mem>>, %arg21: memref<!tpu.dma_semaphore, #tpu.memory_space<semaphore_mem>>, %arg22: memref<!tpu.dma_semaphore, #tpu.memory_space<semaphore_mem>>, %arg23: memref<!tpu.dma_semaphore, #tpu.memory_space<semaphore_mem>>, %arg24: memref<!tpu.dma_semaphore, #tpu.memory_space<semaphore_mem>>, %arg25: memref<!tpu.dma_semaphore, #tpu.memory_space<semaphore_mem>>, %arg26: memref<!tpu.dma_semaphore, #tpu.memory_space<semaphore_mem>>, %arg27: memref<!tpu.dma_semaphore, #tpu.memory_space<semaphore_mem>>, %arg28: memref<!tpu.dma_semaphore, #tpu.memory_space<semaphore_mem>>, %arg29: memref<!tpu.dma_semaphore, #tpu.memory_space<semaphore_mem>>) attributes {dimension_semantics = [#tpu.dimension_semantics<core_parallel>, #tpu.dimension_semantics<subcore_parallel>], iteration_bounds = array<i64: 2, 16>, scalar_prefetch = 0 : i64, scratch_operands = 25 : i64, tpu.core_type = #tpu.core_type<sc_vector_subcore>, window_params = [{transform_indices = #map}, {transform_indices = #map1}, {transform_indices = #map2}]} {
    %mul3A = arith.constant 2 : i32
    %mul3A_0 = arith.muli %arg1, %mul3A : i32
    %add3A = arith.addi %mul3A_0, %arg0 : i32
    %mul3A_1 = arith.constant 624 : i32
    %mul3A_2 = arith.muli %arg1, %mul3A_1 : i32
    %mul3A_3 = arith.constant 10000 : i32
    %mul3A_4 = arith.muli %add3A, %mul3A_3 : i32
    %add3A_5 = arith.constant 0 : i32
    %add3A_6 = arith.addi %mul3A_4, %add3A_5 : i32
    %dma_start3A = tpu.memref_slice %arg2[%add3A_6] : memref<640000xi32, #tpu.memory_space<hbm>> -> memref<80xi32, #tpu.memory_space<hbm>>
    %dma_start3A_7 = tpu.memref_slice %arg2[%add3A_6] : memref<640000xi32, #tpu.memory_space<hbm>> -> memref<80xi32, #tpu.memory_space<hbm>>
    tpu.enqueue_dma source(%dma_start3A_7 : memref<80xi32, #tpu.memory_space<hbm>>) target(%arg5 : memref<80xi32, #tpu.memory_space<vmem>>) target_semaphore(%arg18 : memref<!tpu.dma_semaphore, #tpu.memory_space<semaphore_mem>>)
    %add3A_8 = arith.constant 320000 : i32
    %add3A_9 = arith.addi %add3A_8, %add3A_6 : i32
    %dma_start3A_10 = tpu.memref_slice %arg2[%add3A_9] : memref<640000xi32, #tpu.memory_space<hbm>> -> memref<80xi32, #tpu.memory_space<hbm>>
    %dma_start3A_11 = tpu.memref_slice %arg2[%add3A_9] : memref<640000xi32, #tpu.memory_space<hbm>> -> memref<80xi32, #tpu.memory_space<hbm>>
    tpu.enqueue_dma source(%dma_start3A_11 : memref<80xi32, #tpu.memory_space<hbm>>) target(%arg9 : memref<80xi32, #tpu.memory_space<vmem>>) target_semaphore(%arg18 : memref<!tpu.dma_semaphore, #tpu.memory_space<semaphore_mem>>)
    %add3A_12 = arith.constant 80 : i32
    %add3A_13 = arith.addi %mul3A_4, %add3A_12 : i32
    %dma_start3A_14 = tpu.memref_slice %arg2[%add3A_13] : memref<640000xi32, #tpu.memory_space<hbm>> -> memref<80xi32, #tpu.memory_space<hbm>>
    %dma_start3A_15 = tpu.memref_slice %arg2[%add3A_13] : memref<640000xi32, #tpu.memory_space<hbm>> -> memref<80xi32, #tpu.memory_space<hbm>>
    tpu.enqueue_dma source(%dma_start3A_15 : memref<80xi32, #tpu.memory_space<hbm>>) target(%arg6 : memref<80xi32, #tpu.memory_space<vmem>>) target_semaphore(%arg19 : memref<!tpu.dma_semaphore, #tpu.memory_space<semaphore_mem>>)
    %add3A_16 = arith.constant 320000 : i32
    %add3A_17 = arith.addi %add3A_16, %add3A_13 : i32
    %dma_start3A_18 = tpu.memref_slice %arg2[%add3A_17] : memref<640000xi32, #tpu.memory_space<hbm>> -> memref<80xi32, #tpu.memory_space<hbm>>
    %dma_start3A_19 = tpu.memref_slice %arg2[%add3A_17] : memref<640000xi32, #tpu.memory_space<hbm>> -> memref<80xi32, #tpu.memory_space<hbm>>
    tpu.enqueue_dma source(%dma_start3A_19 : memref<80xi32, #tpu.memory_space<hbm>>) target(%arg10 : memref<80xi32, #tpu.memory_space<vmem>>) target_semaphore(%arg19 : memref<!tpu.dma_semaphore, #tpu.memory_space<semaphore_mem>>)
    %dma_wait3A = arith.constant 0 : i32
    %dma_wait3A_20 = tpu.memref_slice %arg2[%dma_wait3A] : memref<640000xi32, #tpu.memory_space<hbm>> -> memref<80xi32, #tpu.memory_space<hbm>>
    %dma_wait3A_21 = arith.constant 0 : i32
    %dma_wait3A_22 = tpu.memref_slice %arg2[%dma_wait3A_21] : memref<640000xi32, #tpu.memory_space<hbm>> -> memref<80xi32, #tpu.memory_space<hbm>>
    tpu.wait_dma2 semaphore(%arg18 : memref<!tpu.dma_semaphore, #tpu.memory_space<semaphore_mem>>) src(%dma_wait3A_22 : memref<80xi32, #tpu.memory_space<hbm>>) dst(%arg5 : memref<80xi32, #tpu.memory_space<vmem>>)
    %dma_wait3A_23 = arith.constant 0 : i32
    %dma_wait3A_24 = tpu.memref_slice %arg2[%dma_wait3A_23] : memref<640000xi32, #tpu.memory_space<hbm>> -> memref<80xi32, #tpu.memory_space<hbm>>
    %dma_wait3A_25 = arith.constant 0 : i32
    %dma_wait3A_26 = tpu.memref_slice %arg2[%dma_wait3A_25] : memref<640000xi32, #tpu.memory_space<hbm>> -> memref<80xi32, #tpu.memory_space<hbm>>
    tpu.wait_dma2 semaphore(%arg18 : memref<!tpu.dma_semaphore, #tpu.memory_space<semaphore_mem>>) src(%dma_wait3A_26 : memref<80xi32, #tpu.memory_space<hbm>>) dst(%arg9 : memref<80xi32, #tpu.memory_space<vmem>>)
    %dma_start3A_27 = arith.constant 0 : i32
    %dma_start3A_28 = arith.constant 0 : i32
    %dma_start3A_29 = tpu.memref_slice %arg3[%dma_start3A_27, %dma_start3A_28] : memref<10000x128xf32, #tpu.memory_space<hbm>> -> memref<10000x128xf32, #tpu.memory_space<hbm>>
    tpu.enqueue_indirect_dma source(%dma_start3A_29 : memref<10000x128xf32, #tpu.memory_space<hbm>>) target(%arg13 : memref<80x128xf32, #tpu.memory_space<vmem>>) offsets(%arg5 : memref<80xi32, #tpu.memory_space<vmem>>) semaphore(%arg22 : memref<!tpu.dma_semaphore, #tpu.memory_space<semaphore_mem>>)
    %scan3A = arith.constant 0 : i32
    %scan3A_30 = arith.constant 0 : i32
    %scan3A_31 = arith.constant 80 : i32
    %scan3A_32 = arith.addi %scan3A_30, %scan3A_31 : i32
    %scan3A_33 = arith.constant 1 : i32
    scf.for %scan3A_178 = %scan3A_30 to %scan3A_32 step %scan3A_33  : i32 {
      %broadcast_in_dim3A = arith.constant 0.000000e+00 : f32
      %broadcast_in_dim3A_179 = vector.broadcast %broadcast_in_dim3A : f32 to vector<16xf32>
      %swap3A = arith.index_cast %scan3A_178 : i32 to index
      %swap3A_180 = arith.constant 0 : index
      %swap3A_181 = tpu.vector_load %arg16[%swap3A, %swap3A_180] {strides = array<i32>} : memref<80x128xf32, #tpu.memory_space<vmem>>, vector<1x16xf32>,
      %swap3A_182 = vector.shape_cast %swap3A_181 : vector<1x16xf32> to vector<16xf32>
      %swap3A_183 = vector.shape_cast %broadcast_in_dim3A_179 : vector<16xf32> to vector<1x16xf32>
      tpu.vector_store %arg16[%swap3A, %swap3A_180], %swap3A_183 {strides = array<i32>} : memref<80x128xf32, #tpu.memory_space<vmem>>, vector<1x16xf32>,
      %broadcast_in_dim3A_184 = arith.constant 0.000000e+00 : f32
      %broadcast_in_dim3A_185 = vector.broadcast %broadcast_in_dim3A_184 : f32 to vector<16xf32>
      %swap3A_186 = arith.index_cast %scan3A_178 : i32 to index
      %swap3A_187 = arith.constant 16 : index
      %swap3A_188 = tpu.vector_load %arg16[%swap3A_186, %swap3A_187] {strides = array<i32>} : memref<80x128xf32, #tpu.memory_space<vmem>>, vector<1x16xf32>,
      %swap3A_189 = vector.shape_cast %swap3A_188 : vector<1x16xf32> to vector<16xf32>
      %swap3A_190 = vector.shape_cast %broadcast_in_dim3A_185 : vector<16xf32> to vector<1x16xf32>
      tpu.vector_store %arg16[%swap3A_186, %swap3A_187], %swap3A_190 {strides = array<i32>} : memref<80x128xf32, #tpu.memory_space<vmem>>, vector<1x16xf32>,
      %broadcast_in_dim3A_191 = arith.constant 0.000000e+00 : f32
      %broadcast_in_dim3A_192 = vector.broadcast %broadcast_in_dim3A_191 : f32 to vector<16xf32>
      %swap3A_193 = arith.index_cast %scan3A_178 : i32 to index
      %swap3A_194 = arith.constant 32 : index
      %swap3A_195 = tpu.vector_load %arg16[%swap3A_193, %swap3A_194] {strides = array<i32>} : memref<80x128xf32, #tpu.memory_space<vmem>>, vector<1x16xf32>,
      %swap3A_196 = vector.shape_cast %swap3A_195 : vector<1x16xf32> to vector<16xf32>
      %swap3A_197 = vector.shape_cast %broadcast_in_dim3A_192 : vector<16xf32> to vector<1x16xf32>
      tpu.vector_store %arg16[%swap3A_193, %swap3A_194], %swap3A_197 {strides = array<i32>} : memref<80x128xf32, #tpu.memory_space<vmem>>, vector<1x16xf32>,
      %broadcast_in_dim3A_198 = arith.constant 0.000000e+00 : f32
      %broadcast_in_dim3A_199 = vector.broadcast %broadcast_in_dim3A_198 : f32 to vector<16xf32>
      %swap3A_200 = arith.index_cast %scan3A_178 : i32 to index
      %swap3A_201 = arith.constant 48 : index
      %swap3A_202 = tpu.vector_load %arg16[%swap3A_200, %swap3A_201] {strides = array<i32>} : memref<80x128xf32, #tpu.memory_space<vmem>>, vector<1x16xf32>,
      %swap3A_203 = vector.shape_cast %swap3A_202 : vector<1x16xf32> to vector<16xf32>
      %swap3A_204 = vector.shape_cast %broadcast_in_dim3A_199 : vector<16xf32> to vector<1x16xf32>
      tpu.vector_store %arg16[%swap3A_200, %swap3A_201], %swap3A_204 {strides = array<i32>} : memref<80x128xf32, #tpu.memory_space<vmem>>, vector<1x16xf32>,
      %broadcast_in_dim3A_205 = arith.constant 0.000000e+00 : f32
      %broadcast_in_dim3A_206 = vector.broadcast %broadcast_in_dim3A_205 : f32 to vector<16xf32>
      %swap3A_207 = arith.index_cast %scan3A_178 : i32 to index
      %swap3A_208 = arith.constant 64 : index
      %swap3A_209 = tpu.vector_load %arg16[%swap3A_207, %swap3A_208] {strides = array<i32>} : memref<80x128xf32, #tpu.memory_space<vmem>>, vector<1x16xf32>,
      %swap3A_210 = vector.shape_cast %swap3A_209 : vector<1x16xf32> to vector<16xf32>
      %swap3A_211 = vector.shape_cast %broadcast_in_dim3A_206 : vector<16xf32> to vector<1x16xf32>
      tpu.vector_store %arg16[%swap3A_207, %swap3A_208], %swap3A_211 {strides = array<i32>} : memref<80x128xf32, #tpu.memory_space<vmem>>, vector<1x16xf32>,
      %broadcast_in_dim3A_212 = arith.constant 0.000000e+00 : f32
      %broadcast_in_dim3A_213 = vector.broadcast %broadcast_in_dim3A_212 : f32 to vector<16xf32>
      %swap3A_214 = arith.index_cast %scan3A_178 : i32 to index
      %swap3A_215 = arith.constant 80 : index
      %swap3A_216 = tpu.vector_load %arg16[%swap3A_214, %swap3A_215] {strides = array<i32>} : memref<80x128xf32, #tpu.memory_space<vmem>>, vector<1x16xf32>,
      %swap3A_217 = vector.shape_cast %swap3A_216 : vector<1x16xf32> to vector<16xf32>
      %swap3A_218 = vector.shape_cast %broadcast_in_dim3A_213 : vector<16xf32> to vector<1x16xf32>
      tpu.vector_store %arg16[%swap3A_214, %swap3A_215], %swap3A_218 {strides = array<i32>} : memref<80x128xf32, #tpu.memory_space<vmem>>, vector<1x16xf32>,
      %broadcast_in_dim3A_219 = arith.constant 0.000000e+00 : f32
      %broadcast_in_dim3A_220 = vector.broadcast %broadcast_in_dim3A_219 : f32 to vector<16xf32>
      %swap3A_221 = arith.index_cast %scan3A_178 : i32 to index
      %swap3A_222 = arith.constant 96 : index
      %swap3A_223 = tpu.vector_load %arg16[%swap3A_221, %swap3A_222] {strides = array<i32>} : memref<80x128xf32, #tpu.memory_space<vmem>>, vector<1x16xf32>,
      %swap3A_224 = vector.shape_cast %swap3A_223 : vector<1x16xf32> to vector<16xf32>
      %swap3A_225 = vector.shape_cast %broadcast_in_dim3A_220 : vector<16xf32> to vector<1x16xf32>
      tpu.vector_store %arg16[%swap3A_221, %swap3A_222], %swap3A_225 {strides = array<i32>} : memref<80x128xf32, #tpu.memory_space<vmem>>, vector<1x16xf32>,
      %broadcast_in_dim3A_226 = arith.constant 0.000000e+00 : f32
      %broadcast_in_dim3A_227 = vector.broadcast %broadcast_in_dim3A_226 : f32 to vector<16xf32>
      %swap3A_228 = arith.index_cast %scan3A_178 : i32 to index
      %swap3A_229 = arith.constant 112 : index
      %swap3A_230 = tpu.vector_load %arg16[%swap3A_228, %swap3A_229] {strides = array<i32>} : memref<80x128xf32, #tpu.memory_space<vmem>>, vector<1x16xf32>,
      %swap3A_231 = vector.shape_cast %swap3A_230 : vector<1x16xf32> to vector<16xf32>
      %swap3A_232 = vector.shape_cast %broadcast_in_dim3A_227 : vector<16xf32> to vector<1x16xf32>
      tpu.vector_store %arg16[%swap3A_228, %swap3A_229], %swap3A_232 {strides = array<i32>} : memref<80x128xf32, #tpu.memory_space<vmem>>, vector<1x16xf32>,
    }
    %scan3A_34 = arith.constant 80 : i32
    %add3A_35 = arith.constant 0 : i32
    %add3A_36 = arith.addi %mul3A_2, %add3A_35 : i32
    "tpu.region"() ({
      %run_scoped3A = tpu.sem_alloc : memref<!tpu.dma_semaphore, #tpu.memory_space<semaphore_mem>>
      %dma_start3A_178 = arith.constant 0 : i32
      %dma_start3A_179 = tpu.memref_slice %arg17[%add3A_36, %dma_start3A_178] : memref<10000x128xf32, #tpu.memory_space<vmem_shared>> -> memref<80x128xf32, #tpu.memory_space<vmem_shared>>
      %dma_start3A_180 = arith.constant 0 : i32
      %dma_start3A_181 = tpu.memref_slice %arg17[%add3A_36, %dma_start3A_180] : memref<10000x128xf32, #tpu.memory_space<vmem_shared>> -> memref<80x128xf32, #tpu.memory_space<vmem_shared>>
      tpu.enqueue_dma source(%arg16 : memref<80x128xf32, #tpu.memory_space<vmem>>) target(%dma_start3A_181 : memref<80x128xf32, #tpu.memory_space<vmem_shared>>) target_semaphore(%run_scoped3A : memref<!tpu.dma_semaphore, #tpu.memory_space<semaphore_mem>>)
      %dma_wait3A_182 = arith.constant 0 : i32
      %dma_wait3A_183 = tpu.memref_slice %arg17[%add3A_36, %dma_wait3A_182] : memref<10000x128xf32, #tpu.memory_space<vmem_shared>> -> memref<80x128xf32, #tpu.memory_space<vmem_shared>>
      %dma_wait3A_184 = arith.constant 0 : i32
      %dma_wait3A_185 = tpu.memref_slice %arg17[%add3A_36, %dma_wait3A_184] : memref<10000x128xf32, #tpu.memory_space<vmem_shared>> -> memref<80x128xf32, #tpu.memory_space<vmem_shared>>
      tpu.wait_dma2 semaphore(%run_scoped3A : memref<!tpu.dma_semaphore, #tpu.memory_space<semaphore_mem>>) src(%arg16 : memref<80x128xf32, #tpu.memory_space<vmem>>) dst(%dma_wait3A_185 : memref<80x128xf32, #tpu.memory_space<vmem_shared>>)
      tpu.yield
    }) : () -> ()
    %add3A_37 = arith.constant 80 : i32
    %add3A_38 = arith.addi %mul3A_2, %add3A_37 : i32
    "tpu.region"() ({
      %run_scoped3A = tpu.sem_alloc : memref<!tpu.dma_semaphore, #tpu.memory_space<semaphore_mem>>
      %dma_start3A_178 = arith.constant 0 : i32
      %dma_start3A_179 = tpu.memref_slice %arg17[%add3A_38, %dma_start3A_178] : memref<10000x128xf32, #tpu.memory_space<vmem_shared>> -> memref<80x128xf32, #tpu.memory_space<vmem_shared>>
      %dma_start3A_180 = arith.constant 0 : i32
      %dma_start3A_181 = tpu.memref_slice %arg17[%add3A_38, %dma_start3A_180] : memref<10000x128xf32, #tpu.memory_space<vmem_shared>> -> memref<80x128xf32, #tpu.memory_space<vmem_shared>>
      tpu.enqueue_dma source(%arg16 : memref<80x128xf32, #tpu.memory_space<vmem>>) target(%dma_start3A_181 : memref<80x128xf32, #tpu.memory_space<vmem_shared>>) target_semaphore(%run_scoped3A : memref<!tpu.dma_semaphore, #tpu.memory_space<semaphore_mem>>)
      %dma_wait3A_182 = arith.constant 0 : i32
      %dma_wait3A_183 = tpu.memref_slice %arg17[%add3A_38, %dma_wait3A_182] : memref<10000x128xf32, #tpu.memory_space<vmem_shared>> -> memref<80x128xf32, #tpu.memory_space<vmem_shared>>
      %dma_wait3A_184 = arith.constant 0 : i32
      %dma_wait3A_185 = tpu.memref_slice %arg17[%add3A_38, %dma_wait3A_184] : memref<10000x128xf32, #tpu.memory_space<vmem_shared>> -> memref<80x128xf32, #tpu.memory_space<vmem_shared>>
      tpu.wait_dma2 semaphore(%run_scoped3A : memref<!tpu.dma_semaphore, #tpu.memory_space<semaphore_mem>>) src(%arg16 : memref<80x128xf32, #tpu.memory_space<vmem>>) dst(%dma_wait3A_185 : memref<80x128xf32, #tpu.memory_space<vmem_shared>>)
      tpu.yield
    }) : () -> ()
    %add3A_39 = arith.constant 160 : i32
    %add3A_40 = arith.addi %mul3A_2, %add3A_39 : i32
    "tpu.region"() ({
      %run_scoped3A = tpu.sem_alloc : memref<!tpu.dma_semaphore, #tpu.memory_space<semaphore_mem>>
      %dma_start3A_178 = arith.constant 0 : i32
      %dma_start3A_179 = tpu.memref_slice %arg17[%add3A_40, %dma_start3A_178] : memref<10000x128xf32, #tpu.memory_space<vmem_shared>> -> memref<80x128xf32, #tpu.memory_space<vmem_shared>>
      %dma_start3A_180 = arith.constant 0 : i32
      %dma_start3A_181 = tpu.memref_slice %arg17[%add3A_40, %dma_start3A_180] : memref<10000x128xf32, #tpu.memory_space<vmem_shared>> -> memref<80x128xf32, #tpu.memory_space<vmem_shared>>
      tpu.enqueue_dma source(%arg16 : memref<80x128xf32, #tpu.memory_space<vmem>>) target(%dma_start3A_181 : memref<80x128xf32, #tpu.memory_space<vmem_shared>>) target_semaphore(%run_scoped3A : memref<!tpu.dma_semaphore, #tpu.memory_space<semaphore_mem>>)
      %dma_wait3A_182 = arith.constant 0 : i32
      %dma_wait3A_183 = tpu.memref_slice %arg17[%add3A_40, %dma_wait3A_182] : memref<10000x128xf32, #tpu.memory_space<vmem_shared>> -> memref<80x128xf32, #tpu.memory_space<vmem_shared>>
      %dma_wait3A_184 = arith.constant 0 : i32
      %dma_wait3A_185 = tpu.memref_slice %arg17[%add3A_40, %dma_wait3A_184] : memref<10000x128xf32, #tpu.memory_space<vmem_shared>> -> memref<80x128xf32, #tpu.memory_space<vmem_shared>>
      tpu.wait_dma2 semaphore(%run_scoped3A : memref<!tpu.dma_semaphore, #tpu.memory_space<semaphore_mem>>) src(%arg16 : memref<80x128xf32, #tpu.memory_space<vmem>>) dst(%dma_wait3A_185 : memref<80x128xf32, #tpu.memory_space<vmem_shared>>)
      tpu.yield
    }) : () -> ()
    %add3A_41 = arith.constant 240 : i32
    %add3A_42 = arith.addi %mul3A_2, %add3A_41 : i32
    "tpu.region"() ({
      %run_scoped3A = tpu.sem_alloc : memref<!tpu.dma_semaphore, #tpu.memory_space<semaphore_mem>>
      %dma_start3A_178 = arith.constant 0 : i32
      %dma_start3A_179 = tpu.memref_slice %arg17[%add3A_42, %dma_start3A_178] : memref<10000x128xf32, #tpu.memory_space<vmem_shared>> -> memref<80x128xf32, #tpu.memory_space<vmem_shared>>
      %dma_start3A_180 = arith.constant 0 : i32
      %dma_start3A_181 = tpu.memref_slice %arg17[%add3A_42, %dma_start3A_180] : memref<10000x128xf32, #tpu.memory_space<vmem_shared>> -> memref<80x128xf32, #tpu.memory_space<vmem_shared>>
      tpu.enqueue_dma source(%arg16 : memref<80x128xf32, #tpu.memory_space<vmem>>) target(%dma_start3A_181 : memref<80x128xf32, #tpu.memory_space<vmem_shared>>) target_semaphore(%run_scoped3A : memref<!tpu.dma_semaphore, #tpu.memory_space<semaphore_mem>>)
      %dma_wait3A_182 = arith.constant 0 : i32
      %dma_wait3A_183 = tpu.memref_slice %arg17[%add3A_42, %dma_wait3A_182] : memref<10000x128xf32, #tpu.memory_space<vmem_shared>> -> memref<80x128xf32, #tpu.memory_space<vmem_shared>>
      %dma_wait3A_184 = arith.constant 0 : i32
      %dma_wait3A_185 = tpu.memref_slice %arg17[%add3A_42, %dma_wait3A_184] : memref<10000x128xf32, #tpu.memory_space<vmem_shared>> -> memref<80x128xf32, #tpu.memory_space<vmem_shared>>
      tpu.wait_dma2 semaphore(%run_scoped3A : memref<!tpu.dma_semaphore, #tpu.memory_space<semaphore_mem>>) src(%arg16 : memref<80x128xf32, #tpu.memory_space<vmem>>) dst(%dma_wait3A_185 : memref<80x128xf32, #tpu.memory_space<vmem_shared>>)
      tpu.yield
    }) : () -> ()
    %add3A_43 = arith.constant 320 : i32
    %add3A_44 = arith.addi %mul3A_2, %add3A_43 : i32
    "tpu.region"() ({
      %run_scoped3A = tpu.sem_alloc : memref<!tpu.dma_semaphore, #tpu.memory_space<semaphore_mem>>
      %dma_start3A_178 = arith.constant 0 : i32
      %dma_start3A_179 = tpu.memref_slice %arg17[%add3A_44, %dma_start3A_178] : memref<10000x128xf32, #tpu.memory_space<vmem_shared>> -> memref<80x128xf32, #tpu.memory_space<vmem_shared>>
      %dma_start3A_180 = arith.constant 0 : i32
      %dma_start3A_181 = tpu.memref_slice %arg17[%add3A_44, %dma_start3A_180] : memref<10000x128xf32, #tpu.memory_space<vmem_shared>> -> memref<80x128xf32, #tpu.memory_space<vmem_shared>>
      tpu.enqueue_dma source(%arg16 : memref<80x128xf32, #tpu.memory_space<vmem>>) target(%dma_start3A_181 : memref<80x128xf32, #tpu.memory_space<vmem_shared>>) target_semaphore(%run_scoped3A : memref<!tpu.dma_semaphore, #tpu.memory_space<semaphore_mem>>)
      %dma_wait3A_182 = arith.constant 0 : i32
      %dma_wait3A_183 = tpu.memref_slice %arg17[%add3A_44, %dma_wait3A_182] : memref<10000x128xf32, #tpu.memory_space<vmem_shared>> -> memref<80x128xf32, #tpu.memory_space<vmem_shared>>
      %dma_wait3A_184 = arith.constant 0 : i32
      %dma_wait3A_185 = tpu.memref_slice %arg17[%add3A_44, %dma_wait3A_184] : memref<10000x128xf32, #tpu.memory_space<vmem_shared>> -> memref<80x128xf32, #tpu.memory_space<vmem_shared>>
      tpu.wait_dma2 semaphore(%run_scoped3A : memref<!tpu.dma_semaphore, #tpu.memory_space<semaphore_mem>>) src(%arg16 : memref<80x128xf32, #tpu.memory_space<vmem>>) dst(%dma_wait3A_185 : memref<80x128xf32, #tpu.memory_space<vmem_shared>>)
      tpu.yield
    }) : () -> ()
    %add3A_45 = arith.constant 400 : i32
    %add3A_46 = arith.addi %mul3A_2, %add3A_45 : i32
    "tpu.region"() ({
      %run_scoped3A = tpu.sem_alloc : memref<!tpu.dma_semaphore, #tpu.memory_space<semaphore_mem>>
      %dma_start3A_178 = arith.constant 0 : i32
      %dma_start3A_179 = tpu.memref_slice %arg17[%add3A_46, %dma_start3A_178] : memref<10000x128xf32, #tpu.memory_space<vmem_shared>> -> memref<80x128xf32, #tpu.memory_space<vmem_shared>>
      %dma_start3A_180 = arith.constant 0 : i32
      %dma_start3A_181 = tpu.memref_slice %arg17[%add3A_46, %dma_start3A_180] : memref<10000x128xf32, #tpu.memory_space<vmem_shared>> -> memref<80x128xf32, #tpu.memory_space<vmem_shared>>
      tpu.enqueue_dma source(%arg16 : memref<80x128xf32, #tpu.memory_space<vmem>>) target(%dma_start3A_181 : memref<80x128xf32, #tpu.memory_space<vmem_shared>>) target_semaphore(%run_scoped3A : memref<!tpu.dma_semaphore, #tpu.memory_space<semaphore_mem>>)
      %dma_wait3A_182 = arith.constant 0 : i32
      %dma_wait3A_183 = tpu.memref_slice %arg17[%add3A_46, %dma_wait3A_182] : memref<10000x128xf32, #tpu.memory_space<vmem_shared>> -> memref<80x128xf32, #tpu.memory_space<vmem_shared>>
      %dma_wait3A_184 = arith.constant 0 : i32
      %dma_wait3A_185 = tpu.memref_slice %arg17[%add3A_46, %dma_wait3A_184] : memref<10000x128xf32, #tpu.memory_space<vmem_shared>> -> memref<80x128xf32, #tpu.memory_space<vmem_shared>>
      tpu.wait_dma2 semaphore(%run_scoped3A : memref<!tpu.dma_semaphore, #tpu.memory_space<semaphore_mem>>) src(%arg16 : memref<80x128xf32, #tpu.memory_space<vmem>>) dst(%dma_wait3A_185 : memref<80x128xf32, #tpu.memory_space<vmem_shared>>)
      tpu.yield
    }) : () -> ()
    %add3A_47 = arith.constant 480 : i32
    %add3A_48 = arith.addi %mul3A_2, %add3A_47 : i32
    "tpu.region"() ({
      %run_scoped3A = tpu.sem_alloc : memref<!tpu.dma_semaphore, #tpu.memory_space<semaphore_mem>>
      %dma_start3A_178 = arith.constant 0 : i32
      %dma_start3A_179 = tpu.memref_slice %arg17[%add3A_48, %dma_start3A_178] : memref<10000x128xf32, #tpu.memory_space<vmem_shared>> -> memref<80x128xf32, #tpu.memory_space<vmem_shared>>
      %dma_start3A_180 = arith.constant 0 : i32
      %dma_start3A_181 = tpu.memref_slice %arg17[%add3A_48, %dma_start3A_180] : memref<10000x128xf32, #tpu.memory_space<vmem_shared>> -> memref<80x128xf32, #tpu.memory_space<vmem_shared>>
      tpu.enqueue_dma source(%arg16 : memref<80x128xf32, #tpu.memory_space<vmem>>) target(%dma_start3A_181 : memref<80x128xf32, #tpu.memory_space<vmem_shared>>) target_semaphore(%run_scoped3A : memref<!tpu.dma_semaphore, #tpu.memory_space<semaphore_mem>>)
      %dma_wait3A_182 = arith.constant 0 : i32
      %dma_wait3A_183 = tpu.memref_slice %arg17[%add3A_48, %dma_wait3A_182] : memref<10000x128xf32, #tpu.memory_space<vmem_shared>> -> memref<80x128xf32, #tpu.memory_space<vmem_shared>>
      %dma_wait3A_184 = arith.constant 0 : i32
      %dma_wait3A_185 = tpu.memref_slice %arg17[%add3A_48, %dma_wait3A_184] : memref<10000x128xf32, #tpu.memory_space<vmem_shared>> -> memref<80x128xf32, #tpu.memory_space<vmem_shared>>
      tpu.wait_dma2 semaphore(%run_scoped3A : memref<!tpu.dma_semaphore, #tpu.memory_space<semaphore_mem>>) src(%arg16 : memref<80x128xf32, #tpu.memory_space<vmem>>) dst(%dma_wait3A_185 : memref<80x128xf32, #tpu.memory_space<vmem_shared>>)
      tpu.yield
    }) : () -> ()
    %add3A_49 = arith.constant 560 : i32
    %add3A_50 = arith.addi %mul3A_2, %add3A_49 : i32
    "tpu.region"() ({
      %run_scoped3A = tpu.sem_alloc : memref<!tpu.dma_semaphore, #tpu.memory_space<semaphore_mem>>
      %dma_start3A_178 = arith.constant 0 : i32
      %dma_start3A_179 = arith.constant 0 : i32
      %dma_start3A_180 = tpu.memref_slice %arg16[%dma_start3A_178, %dma_start3A_179] : memref<80x128xf32, #tpu.memory_space<vmem>> -> memref<64x128xf32, #tpu.memory_space<vmem>>
      %dma_start3A_181 = arith.constant 0 : i32
      %dma_start3A_182 = tpu.memref_slice %arg17[%add3A_50, %dma_start3A_181] : memref<10000x128xf32, #tpu.memory_space<vmem_shared>> -> memref<64x128xf32, #tpu.memory_space<vmem_shared>>
      %dma_start3A_183 = arith.constant 0 : i32
      %dma_start3A_184 = tpu.memref_slice %arg17[%add3A_50, %dma_start3A_183] : memref<10000x128xf32, #tpu.memory_space<vmem_shared>> -> memref<64x128xf32, #tpu.memory_space<vmem_shared>>
      %dma_start3A_185 = arith.constant 0 : i32
      %dma_start3A_186 = arith.constant 0 : i32
      %dma_start3A_187 = tpu.memref_slice %arg16[%dma_start3A_185, %dma_start3A_186] : memref<80x128xf32, #tpu.memory_space<vmem>> -> memref<64x128xf32, #tpu.memory_space<vmem>>
      tpu.enqueue_dma source(%dma_start3A_187 : memref<64x128xf32, #tpu.memory_space<vmem>>) target(%dma_start3A_184 : memref<64x128xf32, #tpu.memory_space<vmem_shared>>) target_semaphore(%run_scoped3A : memref<!tpu.dma_semaphore, #tpu.memory_space<semaphore_mem>>)
      %dma_wait3A_188 = arith.constant 0 : i32
      %dma_wait3A_189 = arith.constant 0 : i32
      %dma_wait3A_190 = tpu.memref_slice %arg16[%dma_wait3A_188, %dma_wait3A_189] : memref<80x128xf32, #tpu.memory_space<vmem>> -> memref<64x128xf32, #tpu.memory_space<vmem>>
      %dma_wait3A_191 = arith.constant 0 : i32
      %dma_wait3A_192 = tpu.memref_slice %arg17[%add3A_50, %dma_wait3A_191] : memref<10000x128xf32, #tpu.memory_space<vmem_shared>> -> memref<64x128xf32, #tpu.memory_space<vmem_shared>>
      %dma_wait3A_193 = arith.constant 0 : i32
      %dma_wait3A_194 = tpu.memref_slice %arg17[%add3A_50, %dma_wait3A_193] : memref<10000x128xf32, #tpu.memory_space<vmem_shared>> -> memref<64x128xf32, #tpu.memory_space<vmem_shared>>
      %dma_wait3A_195 = arith.constant 0 : i32
      %dma_wait3A_196 = arith.constant 0 : i32
      %dma_wait3A_197 = tpu.memref_slice %arg16[%dma_wait3A_195, %dma_wait3A_196] : memref<80x128xf32, #tpu.memory_space<vmem>> -> memref<64x128xf32, #tpu.memory_space<vmem>>
      tpu.wait_dma2 semaphore(%run_scoped3A : memref<!tpu.dma_semaphore, #tpu.memory_space<semaphore_mem>>) src(%dma_wait3A_197 : memref<64x128xf32, #tpu.memory_space<vmem>>) dst(%dma_wait3A_194 : memref<64x128xf32, #tpu.memory_space<vmem_shared>>)
      tpu.yield
    }) : () -> ()
    %eq3A = arith.constant 15 : i32
    %eq3A_51 = arith.cmpi eq, %arg1, %eq3A : i32
    %convert_element_type3A = arith.extui %eq3A_51 : i1 to i32
    %cond3A = arith.constant 0 : i32
    %cond3A_52 = arith.cmpi ne, %convert_element_type3A, %cond3A : i32
    scf.if %cond3A_52 {
      "tpu.region"() ({
        %run_scoped3A = tpu.sem_alloc : memref<!tpu.dma_semaphore, #tpu.memory_space<semaphore_mem>>
        %dma_start3A_178 = arith.constant 0 : i32
        %dma_start3A_179 = arith.constant 0 : i32
        %dma_start3A_180 = tpu.memref_slice %arg16[%dma_start3A_178, %dma_start3A_179] : memref<80x128xf32, #tpu.memory_space<vmem>> -> memref<16x128xf32, #tpu.memory_space<vmem>>
        %dma_start3A_181 = arith.constant 9984 : i32
        %dma_start3A_182 = arith.constant 0 : i32
        %dma_start3A_183 = tpu.memref_slice %arg17[%dma_start3A_181, %dma_start3A_182] : memref<10000x128xf32, #tpu.memory_space<vmem_shared>> -> memref<16x128xf32, #tpu.memory_space<vmem_shared>>
        %dma_start3A_184 = arith.constant 9984 : i32
        %dma_start3A_185 = arith.constant 0 : i32
        %dma_start3A_186 = tpu.memref_slice %arg17[%dma_start3A_184, %dma_start3A_185] : memref<10000x128xf32, #tpu.memory_space<vmem_shared>> -> memref<16x128xf32, #tpu.memory_space<vmem_shared>>
        %dma_start3A_187 = arith.constant 0 : i32
        %dma_start3A_188 = arith.constant 0 : i32
        %dma_start3A_189 = tpu.memref_slice %arg16[%dma_start3A_187, %dma_start3A_188] : memref<80x128xf32, #tpu.memory_space<vmem>> -> memref<16x128xf32, #tpu.memory_space<vmem>>
        tpu.enqueue_dma source(%dma_start3A_189 : memref<16x128xf32, #tpu.memory_space<vmem>>) target(%dma_start3A_186 : memref<16x128xf32, #tpu.memory_space<vmem_shared>>) target_semaphore(%run_scoped3A : memref<!tpu.dma_semaphore, #tpu.memory_space<semaphore_mem>>)
        %dma_wait3A_190 = arith.constant 0 : i32
        %dma_wait3A_191 = arith.constant 0 : i32
        %dma_wait3A_192 = tpu.memref_slice %arg16[%dma_wait3A_190, %dma_wait3A_191] : memref<80x128xf32, #tpu.memory_space<vmem>> -> memref<16x128xf32, #tpu.memory_space<vmem>>
        %dma_wait3A_193 = arith.constant 9984 : i32
        %dma_wait3A_194 = arith.constant 0 : i32
        %dma_wait3A_195 = tpu.memref_slice %arg17[%dma_wait3A_193, %dma_wait3A_194] : memref<10000x128xf32, #tpu.memory_space<vmem_shared>> -> memref<16x128xf32, #tpu.memory_space<vmem_shared>>
        %dma_wait3A_196 = arith.constant 9984 : i32
        %dma_wait3A_197 = arith.constant 0 : i32
        %dma_wait3A_198 = tpu.memref_slice %arg17[%dma_wait3A_196, %dma_wait3A_197] : memref<10000x128xf32, #tpu.memory_space<vmem_shared>> -> memref<16x128xf32, #tpu.memory_space<vmem_shared>>
        %dma_wait3A_199 = arith.constant 0 : i32
        %dma_wait3A_200 = arith.constant 0 : i32
        %dma_wait3A_201 = tpu.memref_slice %arg16[%dma_wait3A_199, %dma_wait3A_200] : memref<80x128xf32, #tpu.memory_space<vmem>> -> memref<16x128xf32, #tpu.memory_space<vmem>>
        tpu.wait_dma2 semaphore(%run_scoped3A : memref<!tpu.dma_semaphore, #tpu.memory_space<semaphore_mem>>) src(%dma_wait3A_201 : memref<16x128xf32, #tpu.memory_space<vmem>>) dst(%dma_wait3A_198 : memref<16x128xf32, #tpu.memory_space<vmem_shared>>)
        tpu.yield
      }) : () -> ()
    } else {
    }
    %barrier3A = arith.constant 0 : index
    tpu.barrier barrier_id(%barrier3A)
    %add3A_53 = arith.constant 160 : i32
    %add3A_54 = arith.addi %mul3A_4, %add3A_53 : i32
    %dma_start3A_55 = tpu.memref_slice %arg2[%add3A_54] : memref<640000xi32, #tpu.memory_space<hbm>> -> memref<80xi32, #tpu.memory_space<hbm>>
    %dma_start3A_56 = tpu.memref_slice %arg2[%add3A_54] : memref<640000xi32, #tpu.memory_space<hbm>> -> memref<80xi32, #tpu.memory_space<hbm>>
    tpu.enqueue_dma source(%dma_start3A_56 : memref<80xi32, #tpu.memory_space<hbm>>) target(%arg7 : memref<80xi32, #tpu.memory_space<vmem>>) target_semaphore(%arg20 : memref<!tpu.dma_semaphore, #tpu.memory_space<semaphore_mem>>)
    %add3A_57 = arith.constant 320000 : i32
    %add3A_58 = arith.addi %add3A_57, %add3A_54 : i32
    %dma_start3A_59 = tpu.memref_slice %arg2[%add3A_58] : memref<640000xi32, #tpu.memory_space<hbm>> -> memref<80xi32, #tpu.memory_space<hbm>>
    %dma_start3A_60 = tpu.memref_slice %arg2[%add3A_58] : memref<640000xi32, #tpu.memory_space<hbm>> -> memref<80xi32, #tpu.memory_space<hbm>>
    tpu.enqueue_dma source(%dma_start3A_60 : memref<80xi32, #tpu.memory_space<hbm>>) target(%arg11 : memref<80xi32, #tpu.memory_space<vmem>>) target_semaphore(%arg20 : memref<!tpu.dma_semaphore, #tpu.memory_space<semaphore_mem>>)
    %dma_wait3A_61 = arith.constant 0 : i32
    %dma_wait3A_62 = tpu.memref_slice %arg2[%dma_wait3A_61] : memref<640000xi32, #tpu.memory_space<hbm>> -> memref<80xi32, #tpu.memory_space<hbm>>
    %dma_wait3A_63 = arith.constant 0 : i32
    %dma_wait3A_64 = tpu.memref_slice %arg2[%dma_wait3A_63] : memref<640000xi32, #tpu.memory_space<hbm>> -> memref<80xi32, #tpu.memory_space<hbm>>
    tpu.wait_dma2 semaphore(%arg19 : memref<!tpu.dma_semaphore, #tpu.memory_space<semaphore_mem>>) src(%dma_wait3A_64 : memref<80xi32, #tpu.memory_space<hbm>>) dst(%arg6 : memref<80xi32, #tpu.memory_space<vmem>>)
    %dma_wait3A_65 = arith.constant 0 : i32
    %dma_wait3A_66 = tpu.memref_slice %arg2[%dma_wait3A_65] : memref<640000xi32, #tpu.memory_space<hbm>> -> memref<80xi32, #tpu.memory_space<hbm>>
    %dma_wait3A_67 = arith.constant 0 : i32
    %dma_wait3A_68 = tpu.memref_slice %arg2[%dma_wait3A_67] : memref<640000xi32, #tpu.memory_space<hbm>> -> memref<80xi32, #tpu.memory_space<hbm>>
    tpu.wait_dma2 semaphore(%arg19 : memref<!tpu.dma_semaphore, #tpu.memory_space<semaphore_mem>>) src(%dma_wait3A_68 : memref<80xi32, #tpu.memory_space<hbm>>) dst(%arg10 : memref<80xi32, #tpu.memory_space<vmem>>)
    %dma_start3A_69 = arith.constant 0 : i32
    %dma_start3A_70 = arith.constant 0 : i32
    %dma_start3A_71 = tpu.memref_slice %arg3[%dma_start3A_69, %dma_start3A_70] : memref<10000x128xf32, #tpu.memory_space<hbm>> -> memref<10000x128xf32, #tpu.memory_space<hbm>>
    tpu.enqueue_indirect_dma source(%dma_start3A_71 : memref<10000x128xf32, #tpu.memory_space<hbm>>) target(%arg14 : memref<80x128xf32, #tpu.memory_space<vmem>>) offsets(%arg6 : memref<80xi32, #tpu.memory_space<vmem>>) semaphore(%arg23 : memref<!tpu.dma_semaphore, #tpu.memory_space<semaphore_mem>>)
    %dma_wait3A_72 = arith.constant 0 : i32
    %dma_wait3A_73 = arith.constant 0 : i32
    %dma_wait3A_74 = tpu.memref_slice %arg3[%dma_wait3A_72, %dma_wait3A_73] : memref<10000x128xf32, #tpu.memory_space<hbm>> -> memref<10000x128xf32, #tpu.memory_space<hbm>>
    tpu.wait_indirect_dma semaphore(%arg22 : memref<!tpu.dma_semaphore, #tpu.memory_space<semaphore_mem>>) src(%dma_wait3A_74 : memref<10000x128xf32, #tpu.memory_space<hbm>>) dst(%arg13 : memref<80x128xf32, #tpu.memory_space<vmem>>)
    %dma_start3A_75 = arith.constant 0 : i32
    %dma_start3A_76 = arith.constant 0 : i32
    %dma_start3A_77 = tpu.memref_slice %arg17[%dma_start3A_75, %dma_start3A_76] : memref<10000x128xf32, #tpu.memory_space<vmem_shared>> -> memref<10000x128xf32, #tpu.memory_space<vmem_shared>>
    tpu.enqueue_indirect_dma source(%arg13 : memref<80x128xf32, #tpu.memory_space<vmem>>) target(%dma_start3A_77 : memref<10000x128xf32, #tpu.memory_space<vmem_shared>>) offsets(%arg9 : memref<80xi32, #tpu.memory_space<vmem>>) semaphore(%arg26 : memref<!tpu.dma_semaphore, #tpu.memory_space<semaphore_mem>>) {add = true}
    %add3A_78 = arith.constant 240 : i32
    %add3A_79 = arith.addi %mul3A_4, %add3A_78 : i32
    %dma_start3A_80 = tpu.memref_slice %arg2[%add3A_79] : memref<640000xi32, #tpu.memory_space<hbm>> -> memref<80xi32, #tpu.memory_space<hbm>>
    %dma_start3A_81 = tpu.memref_slice %arg2[%add3A_79] : memref<640000xi32, #tpu.memory_space<hbm>> -> memref<80xi32, #tpu.memory_space<hbm>>
    tpu.enqueue_dma source(%dma_start3A_81 : memref<80xi32, #tpu.memory_space<hbm>>) target(%arg8 : memref<80xi32, #tpu.memory_space<vmem>>) target_semaphore(%arg21 : memref<!tpu.dma_semaphore, #tpu.memory_space<semaphore_mem>>)
    %add3A_82 = arith.constant 320000 : i32
    %add3A_83 = arith.addi %add3A_82, %add3A_79 : i32
    %dma_start3A_84 = tpu.memref_slice %arg2[%add3A_83] : memref<640000xi32, #tpu.memory_space<hbm>> -> memref<80xi32, #tpu.memory_space<hbm>>
    %dma_start3A_85 = tpu.memref_slice %arg2[%add3A_83] : memref<640000xi32, #tpu.memory_space<hbm>> -> memref<80xi32, #tpu.memory_space<hbm>>
    tpu.enqueue_dma source(%dma_start3A_85 : memref<80xi32, #tpu.memory_space<hbm>>) target(%arg12 : memref<80xi32, #tpu.memory_space<vmem>>) target_semaphore(%arg21 : memref<!tpu.dma_semaphore, #tpu.memory_space<semaphore_mem>>)
    %dma_wait3A_86 = arith.constant 0 : i32
    %dma_wait3A_87 = tpu.memref_slice %arg2[%dma_wait3A_86] : memref<640000xi32, #tpu.memory_space<hbm>> -> memref<80xi32, #tpu.memory_space<hbm>>
    %dma_wait3A_88 = arith.constant 0 : i32
    %dma_wait3A_89 = tpu.memref_slice %arg2[%dma_wait3A_88] : memref<640000xi32, #tpu.memory_space<hbm>> -> memref<80xi32, #tpu.memory_space<hbm>>
    tpu.wait_dma2 semaphore(%arg20 : memref<!tpu.dma_semaphore, #tpu.memory_space<semaphore_mem>>) src(%dma_wait3A_89 : memref<80xi32, #tpu.memory_space<hbm>>) dst(%arg7 : memref<80xi32, #tpu.memory_space<vmem>>)
    %dma_wait3A_90 = arith.constant 0 : i32
    %dma_wait3A_91 = tpu.memref_slice %arg2[%dma_wait3A_90] : memref<640000xi32, #tpu.memory_space<hbm>> -> memref<80xi32, #tpu.memory_space<hbm>>
    %dma_wait3A_92 = arith.constant 0 : i32
    %dma_wait3A_93 = tpu.memref_slice %arg2[%dma_wait3A_92] : memref<640000xi32, #tpu.memory_space<hbm>> -> memref<80xi32, #tpu.memory_space<hbm>>
    tpu.wait_dma2 semaphore(%arg20 : memref<!tpu.dma_semaphore, #tpu.memory_space<semaphore_mem>>) src(%dma_wait3A_93 : memref<80xi32, #tpu.memory_space<hbm>>) dst(%arg11 : memref<80xi32, #tpu.memory_space<vmem>>)
    %dma_start3A_94 = arith.constant 0 : i32
    %dma_start3A_95 = arith.constant 0 : i32
    %dma_start3A_96 = tpu.memref_slice %arg3[%dma_start3A_94, %dma_start3A_95] : memref<10000x128xf32, #tpu.memory_space<hbm>> -> memref<10000x128xf32, #tpu.memory_space<hbm>>
    tpu.enqueue_indirect_dma source(%dma_start3A_96 : memref<10000x128xf32, #tpu.memory_space<hbm>>) target(%arg15 : memref<80x128xf32, #tpu.memory_space<vmem>>) offsets(%arg7 : memref<80xi32, #tpu.memory_space<vmem>>) semaphore(%arg24 : memref<!tpu.dma_semaphore, #tpu.memory_space<semaphore_mem>>)
    %dma_wait3A_97 = arith.constant 0 : i32
    %dma_wait3A_98 = arith.constant 0 : i32
    %dma_wait3A_99 = tpu.memref_slice %arg3[%dma_wait3A_97, %dma_wait3A_98] : memref<10000x128xf32, #tpu.memory_space<hbm>> -> memref<10000x128xf32, #tpu.memory_space<hbm>>
    tpu.wait_indirect_dma semaphore(%arg23 : memref<!tpu.dma_semaphore, #tpu.memory_space<semaphore_mem>>) src(%dma_wait3A_99 : memref<10000x128xf32, #tpu.memory_space<hbm>>) dst(%arg14 : memref<80x128xf32, #tpu.memory_space<vmem>>)
    %dma_start3A_100 = arith.constant 0 : i32
    %dma_start3A_101 = arith.constant 0 : i32
    %dma_start3A_102 = tpu.memref_slice %arg17[%dma_start3A_100, %dma_start3A_101] : memref<10000x128xf32, #tpu.memory_space<vmem_shared>> -> memref<10000x128xf32, #tpu.memory_space<vmem_shared>>
    tpu.enqueue_indirect_dma source(%arg14 : memref<80x128xf32, #tpu.memory_space<vmem>>) target(%dma_start3A_102 : memref<10000x128xf32, #tpu.memory_space<vmem_shared>>) offsets(%arg10 : memref<80xi32, #tpu.memory_space<vmem>>) semaphore(%arg27 : memref<!tpu.dma_semaphore, #tpu.memory_space<semaphore_mem>>) {add = true}
    %add3A_103 = arith.constant 320 : i32
    %add3A_104 = arith.addi %mul3A_4, %add3A_103 : i32
    %dma_wait3A_105 = arith.constant 0 : i32
    %dma_wait3A_106 = arith.constant 0 : i32
    %dma_wait3A_107 = tpu.memref_slice %arg17[%dma_wait3A_105, %dma_wait3A_106] : memref<10000x128xf32, #tpu.memory_space<vmem_shared>> -> memref<10000x128xf32, #tpu.memory_space<vmem_shared>>
    tpu.wait_indirect_dma semaphore(%arg26 : memref<!tpu.dma_semaphore, #tpu.memory_space<semaphore_mem>>) src(%arg13 : memref<80x128xf32, #tpu.memory_space<vmem>>) dst(%dma_wait3A_107 : memref<10000x128xf32, #tpu.memory_space<vmem_shared>>)
    %dma_start3A_108 = tpu.memref_slice %arg2[%add3A_104] : memref<640000xi32, #tpu.memory_space<hbm>> -> memref<80xi32, #tpu.memory_space<hbm>>
    %dma_start3A_109 = tpu.memref_slice %arg2[%add3A_104] : memref<640000xi32, #tpu.memory_space<hbm>> -> memref<80xi32, #tpu.memory_space<hbm>>
    tpu.enqueue_dma source(%dma_start3A_109 : memref<80xi32, #tpu.memory_space<hbm>>) target(%arg5 : memref<80xi32, #tpu.memory_space<vmem>>) target_semaphore(%arg18 : memref<!tpu.dma_semaphore, #tpu.memory_space<semaphore_mem>>)
    %add3A_110 = arith.constant 320000 : i32
    %add3A_111 = arith.addi %add3A_110, %add3A_104 : i32
    %dma_start3A_112 = tpu.memref_slice %arg2[%add3A_111] : memref<640000xi32, #tpu.memory_space<hbm>> -> memref<80xi32, #tpu.memory_space<hbm>>
    %dma_start3A_113 = tpu.memref_slice %arg2[%add3A_111] : memref<640000xi32, #tpu.memory_space<hbm>> -> memref<80xi32, #tpu.memory_space<hbm>>
    tpu.enqueue_dma source(%dma_start3A_113 : memref<80xi32, #tpu.memory_space<hbm>>) target(%arg9 : memref<80xi32, #tpu.memory_space<vmem>>) target_semaphore(%arg18 : memref<!tpu.dma_semaphore, #tpu.memory_space<semaphore_mem>>)
    %dma_wait3A_114 = arith.constant 0 : i32
    %dma_wait3A_115 = tpu.memref_slice %arg2[%dma_wait3A_114] : memref<640000xi32, #tpu.memory_space<hbm>> -> memref<80xi32, #tpu.memory_space<hbm>>
    %dma_wait3A_116 = arith.constant 0 : i32
    %dma_wait3A_117 = tpu.memref_slice %arg2[%dma_wait3A_116] : memref<640000xi32, #tpu.memory_space<hbm>> -> memref<80xi32, #tpu.memory_space<hbm>>
    tpu.wait_dma2 semaphore(%arg21 : memref<!tpu.dma_semaphore, #tpu.memory_space<semaphore_mem>>) src(%dma_wait3A_117 : memref<80xi32, #tpu.memory_space<hbm>>) dst(%arg8 : memref<80xi32, #tpu.memory_space<vmem>>)
    %dma_wait3A_118 = arith.constant 0 : i32
    %dma_wait3A_119 = tpu.memref_slice %arg2[%dma_wait3A_118] : memref<640000xi32, #tpu.memory_space<hbm>> -> memref<80xi32, #tpu.memory_space<hbm>>
    %dma_wait3A_120 = arith.constant 0 : i32
    %dma_wait3A_121 = tpu.memref_slice %arg2[%dma_wait3A_120] : memref<640000xi32, #tpu.memory_space<hbm>> -> memref<80xi32, #tpu.memory_space<hbm>>
    tpu.wait_dma2 semaphore(%arg21 : memref<!tpu.dma_semaphore, #tpu.memory_space<semaphore_mem>>) src(%dma_wait3A_121 : memref<80xi32, #tpu.memory_space<hbm>>) dst(%arg12 : memref<80xi32, #tpu.memory_space<vmem>>)
    %dma_start3A_122 = arith.constant 0 : i32
    %dma_start3A_123 = arith.constant 0 : i32
    %dma_start3A_124 = tpu.memref_slice %arg3[%dma_start3A_122, %dma_start3A_123] : memref<10000x128xf32, #tpu.memory_space<hbm>> -> memref<10000x128xf32, #tpu.memory_space<hbm>>
    tpu.enqueue_indirect_dma source(%dma_start3A_124 : memref<10000x128xf32, #tpu.memory_space<hbm>>) target(%arg16 : memref<80x128xf32, #tpu.memory_space<vmem>>) offsets(%arg8 : memref<80xi32, #tpu.memory_space<vmem>>) semaphore(%arg25 : memref<!tpu.dma_semaphore, #tpu.memory_space<semaphore_mem>>)
    %dma_wait3A_125 = arith.constant 0 : i32
    %dma_wait3A_126 = arith.constant 0 : i32
    %dma_wait3A_127 = tpu.memref_slice %arg3[%dma_wait3A_125, %dma_wait3A_126] : memref<10000x128xf32, #tpu.memory_space<hbm>> -> memref<10000x128xf32, #tpu.memory_space<hbm>>
    tpu.wait_indirect_dma semaphore(%arg24 : memref<!tpu.dma_semaphore, #tpu.memory_space<semaphore_mem>>) src(%dma_wait3A_127 : memref<10000x128xf32, #tpu.memory_space<hbm>>) dst(%arg15 : memref<80x128xf32, #tpu.memory_space<vmem>>)
    %dma_start3A_128 = arith.constant 0 : i32
    %dma_start3A_129 = arith.constant 0 : i32
    %dma_start3A_130 = tpu.memref_slice %arg17[%dma_start3A_128, %dma_start3A_129] : memref<10000x128xf32, #tpu.memory_space<vmem_shared>> -> memref<10000x128xf32, #tpu.memory_space<vmem_shared>>
    tpu.enqueue_indirect_dma source(%arg15 : memref<80x128xf32, #tpu.memory_space<vmem>>) target(%dma_start3A_130 : memref<10000x128xf32, #tpu.memory_space<vmem_shared>>) offsets(%arg11 : memref<80xi32, #tpu.memory_space<vmem>>) semaphore(%arg28 : memref<!tpu.dma_semaphore, #tpu.memory_space<semaphore_mem>>) {add = true}
    %scan3A_131 = arith.constant 0 : i32
    %scan3A_132 = arith.constant 0 : i32
    %scan3A_133 = arith.constant 30 : i32
    %scan3A_134 = arith.addi %scan3A_132, %scan3A_133 : i32
    %scan3A_135 = arith.constant 1 : i32
    scf.for %scan3A_178 = %scan3A_132 to %scan3A_134 step %scan3A_135  : i32 {
      %mul3A_179 = arith.constant 4 : i32
      %mul3A_180 = arith.muli %mul3A_179, %scan3A_178 : i32
      %add3A_181 = arith.constant 5 : i32
      %add3A_182 = arith.addi %add3A_181, %mul3A_180 : i32
      %add3A_183 = arith.constant 0 : i32
      %add3A_184 = arith.addi %add3A_182, %add3A_183 : i32
      %mul3A_185 = arith.constant 80 : i32
      %mul3A_186 = arith.muli %add3A_184, %mul3A_185 : i32
      %add3A_187 = arith.addi %mul3A_4, %mul3A_186 : i32
      %dma_wait3A_188 = arith.constant 0 : i32
      %dma_wait3A_189 = arith.constant 0 : i32
      %dma_wait3A_190 = tpu.memref_slice %arg17[%dma_wait3A_188, %dma_wait3A_189] : memref<10000x128xf32, #tpu.memory_space<vmem_shared>> -> memref<10000x128xf32, #tpu.memory_space<vmem_shared>>
      tpu.wait_indirect_dma semaphore(%arg27 : memref<!tpu.dma_semaphore, #tpu.memory_space<semaphore_mem>>) src(%arg14 : memref<80x128xf32, #tpu.memory_space<vmem>>) dst(%dma_wait3A_190 : memref<10000x128xf32, #tpu.memory_space<vmem_shared>>)
      %dma_start3A_191 = tpu.memref_slice %arg2[%add3A_187] : memref<640000xi32, #tpu.memory_space<hbm>> -> memref<80xi32, #tpu.memory_space<hbm>>
      %dma_start3A_192 = tpu.memref_slice %arg2[%add3A_187] : memref<640000xi32, #tpu.memory_space<hbm>> -> memref<80xi32, #tpu.memory_space<hbm>>
      tpu.enqueue_dma source(%dma_start3A_192 : memref<80xi32, #tpu.memory_space<hbm>>) target(%arg6 : memref<80xi32, #tpu.memory_space<vmem>>) target_semaphore(%arg19 : memref<!tpu.dma_semaphore, #tpu.memory_space<semaphore_mem>>)
      %add3A_193 = arith.constant 320000 : i32
      %add3A_194 = arith.addi %add3A_193, %add3A_187 : i32
      %dma_start3A_195 = tpu.memref_slice %arg2[%add3A_194] : memref<640000xi32, #tpu.memory_space<hbm>> -> memref<80xi32, #tpu.memory_space<hbm>>
      %dma_start3A_196 = tpu.memref_slice %arg2[%add3A_194] : memref<640000xi32, #tpu.memory_space<hbm>> -> memref<80xi32, #tpu.memory_space<hbm>>
      tpu.enqueue_dma source(%dma_start3A_196 : memref<80xi32, #tpu.memory_space<hbm>>) target(%arg10 : memref<80xi32, #tpu.memory_space<vmem>>) target_semaphore(%arg19 : memref<!tpu.dma_semaphore, #tpu.memory_space<semaphore_mem>>)
      %dma_wait3A_197 = arith.constant 0 : i32
      %dma_wait3A_198 = tpu.memref_slice %arg2[%dma_wait3A_197] : memref<640000xi32, #tpu.memory_space<hbm>> -> memref<80xi32, #tpu.memory_space<hbm>>
      %dma_wait3A_199 = arith.constant 0 : i32
      %dma_wait3A_200 = tpu.memref_slice %arg2[%dma_wait3A_199] : memref<640000xi32, #tpu.memory_space<hbm>> -> memref<80xi32, #tpu.memory_space<hbm>>
      tpu.wait_dma2 semaphore(%arg18 : memref<!tpu.dma_semaphore, #tpu.memory_space<semaphore_mem>>) src(%dma_wait3A_200 : memref<80xi32, #tpu.memory_space<hbm>>) dst(%arg5 : memref<80xi32, #tpu.memory_space<vmem>>)
      %dma_wait3A_201 = arith.constant 0 : i32
      %dma_wait3A_202 = tpu.memref_slice %arg2[%dma_wait3A_201] : memref<640000xi32, #tpu.memory_space<hbm>> -> memref<80xi32, #tpu.memory_space<hbm>>
      %dma_wait3A_203 = arith.constant 0 : i32
      %dma_wait3A_204 = tpu.memref_slice %arg2[%dma_wait3A_203] : memref<640000xi32, #tpu.memory_space<hbm>> -> memref<80xi32, #tpu.memory_space<hbm>>
      tpu.wait_dma2 semaphore(%arg18 : memref<!tpu.dma_semaphore, #tpu.memory_space<semaphore_mem>>) src(%dma_wait3A_204 : memref<80xi32, #tpu.memory_space<hbm>>) dst(%arg9 : memref<80xi32, #tpu.memory_space<vmem>>)
      %dma_start3A_205 = arith.constant 0 : i32
      %dma_start3A_206 = arith.constant 0 : i32
      %dma_start3A_207 = tpu.memref_slice %arg3[%dma_start3A_205, %dma_start3A_206] : memref<10000x128xf32, #tpu.memory_space<hbm>> -> memref<10000x128xf32, #tpu.memory_space<hbm>>
      tpu.enqueue_indirect_dma source(%dma_start3A_207 : memref<10000x128xf32, #tpu.memory_space<hbm>>) target(%arg13 : memref<80x128xf32, #tpu.memory_space<vmem>>) offsets(%arg5 : memref<80xi32, #tpu.memory_space<vmem>>) semaphore(%arg22 : memref<!tpu.dma_semaphore, #tpu.memory_space<semaphore_mem>>)
      %dma_wait3A_208 = arith.constant 0 : i32
      %dma_wait3A_209 = arith.constant 0 : i32
      %dma_wait3A_210 = tpu.memref_slice %arg3[%dma_wait3A_208, %dma_wait3A_209] : memref<10000x128xf32, #tpu.memory_space<hbm>> -> memref<10000x128xf32, #tpu.memory_space<hbm>>
      tpu.wait_indirect_dma semaphore(%arg25 : memref<!tpu.dma_semaphore, #tpu.memory_space<semaphore_mem>>) src(%dma_wait3A_210 : memref<10000x128xf32, #tpu.memory_space<hbm>>) dst(%arg16 : memref<80x128xf32, #tpu.memory_space<vmem>>)
      %dma_start3A_211 = arith.constant 0 : i32
      %dma_start3A_212 = arith.constant 0 : i32
      %dma_start3A_213 = tpu.memref_slice %arg17[%dma_start3A_211, %dma_start3A_212] : memref<10000x128xf32, #tpu.memory_space<vmem_shared>> -> memref<10000x128xf32, #tpu.memory_space<vmem_shared>>
      tpu.enqueue_indirect_dma source(%arg16 : memref<80x128xf32, #tpu.memory_space<vmem>>) target(%dma_start3A_213 : memref<10000x128xf32, #tpu.memory_space<vmem_shared>>) offsets(%arg12 : memref<80xi32, #tpu.memory_space<vmem>>) semaphore(%arg29 : memref<!tpu.dma_semaphore, #tpu.memory_space<semaphore_mem>>) {add = true}
      %add3A_214 = arith.constant 1 : i32
      %add3A_215 = arith.addi %add3A_182, %add3A_214 : i32
      %mul3A_216 = arith.constant 80 : i32
      %mul3A_217 = arith.muli %add3A_215, %mul3A_216 : i32
      %add3A_218 = arith.addi %mul3A_4, %mul3A_217 : i32
      %dma_wait3A_219 = arith.constant 0 : i32
      %dma_wait3A_220 = arith.constant 0 : i32
      %dma_wait3A_221 = tpu.memref_slice %arg17[%dma_wait3A_219, %dma_wait3A_220] : memref<10000x128xf32, #tpu.memory_space<vmem_shared>> -> memref<10000x128xf32, #tpu.memory_space<vmem_shared>>
      tpu.wait_indirect_dma semaphore(%arg28 : memref<!tpu.dma_semaphore, #tpu.memory_space<semaphore_mem>>) src(%arg15 : memref<80x128xf32, #tpu.memory_space<vmem>>) dst(%dma_wait3A_221 : memref<10000x128xf32, #tpu.memory_space<vmem_shared>>)
      %dma_start3A_222 = tpu.memref_slice %arg2[%add3A_218] : memref<640000xi32, #tpu.memory_space<hbm>> -> memref<80xi32, #tpu.memory_space<hbm>>
      %dma_start3A_223 = tpu.memref_slice %arg2[%add3A_218] : memref<640000xi32, #tpu.memory_space<hbm>> -> memref<80xi32, #tpu.memory_space<hbm>>
      tpu.enqueue_dma source(%dma_start3A_223 : memref<80xi32, #tpu.memory_space<hbm>>) target(%arg7 : memref<80xi32, #tpu.memory_space<vmem>>) target_semaphore(%arg20 : memref<!tpu.dma_semaphore, #tpu.memory_space<semaphore_mem>>)
      %add3A_224 = arith.constant 320000 : i32
      %add3A_225 = arith.addi %add3A_224, %add3A_218 : i32
      %dma_start3A_226 = tpu.memref_slice %arg2[%add3A_225] : memref<640000xi32, #tpu.memory_space<hbm>> -> memref<80xi32, #tpu.memory_space<hbm>>
      %dma_start3A_227 = tpu.memref_slice %arg2[%add3A_225] : memref<640000xi32, #tpu.memory_space<hbm>> -> memref<80xi32, #tpu.memory_space<hbm>>
      tpu.enqueue_dma source(%dma_start3A_227 : memref<80xi32, #tpu.memory_space<hbm>>) target(%arg11 : memref<80xi32, #tpu.memory_space<vmem>>) target_semaphore(%arg20 : memref<!tpu.dma_semaphore, #tpu.memory_space<semaphore_mem>>)
      %dma_wait3A_228 = arith.constant 0 : i32
      %dma_wait3A_229 = tpu.memref_slice %arg2[%dma_wait3A_228] : memref<640000xi32, #tpu.memory_space<hbm>> -> memref<80xi32, #tpu.memory_space<hbm>>
      %dma_wait3A_230 = arith.constant 0 : i32
      %dma_wait3A_231 = tpu.memref_slice %arg2[%dma_wait3A_230] : memref<640000xi32, #tpu.memory_space<hbm>> -> memref<80xi32, #tpu.memory_space<hbm>>
      tpu.wait_dma2 semaphore(%arg19 : memref<!tpu.dma_semaphore, #tpu.memory_space<semaphore_mem>>) src(%dma_wait3A_231 : memref<80xi32, #tpu.memory_space<hbm>>) dst(%arg6 : memref<80xi32, #tpu.memory_space<vmem>>)
      %dma_wait3A_232 = arith.constant 0 : i32
      %dma_wait3A_233 = tpu.memref_slice %arg2[%dma_wait3A_232] : memref<640000xi32, #tpu.memory_space<hbm>> -> memref<80xi32, #tpu.memory_space<hbm>>
      %dma_wait3A_234 = arith.constant 0 : i32
      %dma_wait3A_235 = tpu.memref_slice %arg2[%dma_wait3A_234] : memref<640000xi32, #tpu.memory_space<hbm>> -> memref<80xi32, #tpu.memory_space<hbm>>
      tpu.wait_dma2 semaphore(%arg19 : memref<!tpu.dma_semaphore, #tpu.memory_space<semaphore_mem>>) src(%dma_wait3A_235 : memref<80xi32, #tpu.memory_space<hbm>>) dst(%arg10 : memref<80xi32, #tpu.memory_space<vmem>>)
      %dma_start3A_236 = arith.constant 0 : i32
      %dma_start3A_237 = arith.constant 0 : i32
      %dma_start3A_238 = tpu.memref_slice %arg3[%dma_start3A_236, %dma_start3A_237] : memref<10000x128xf32, #tpu.memory_space<hbm>> -> memref<10000x128xf32, #tpu.memory_space<hbm>>
      tpu.enqueue_indirect_dma source(%dma_start3A_238 : memref<10000x128xf32, #tpu.memory_space<hbm>>) target(%arg14 : memref<80x128xf32, #tpu.memory_space<vmem>>) offsets(%arg6 : memref<80xi32, #tpu.memory_space<vmem>>) semaphore(%arg23 : memref<!tpu.dma_semaphore, #tpu.memory_space<semaphore_mem>>)
      %dma_wait3A_239 = arith.constant 0 : i32
      %dma_wait3A_240 = arith.constant 0 : i32
      %dma_wait3A_241 = tpu.memref_slice %arg3[%dma_wait3A_239, %dma_wait3A_240] : memref<10000x128xf32, #tpu.memory_space<hbm>> -> memref<10000x128xf32, #tpu.memory_space<hbm>>
      tpu.wait_indirect_dma semaphore(%arg22 : memref<!tpu.dma_semaphore, #tpu.memory_space<semaphore_mem>>) src(%dma_wait3A_241 : memref<10000x128xf32, #tpu.memory_space<hbm>>) dst(%arg13 : memref<80x128xf32, #tpu.memory_space<vmem>>)
      %dma_start3A_242 = arith.constant 0 : i32
      %dma_start3A_243 = arith.constant 0 : i32
      %dma_start3A_244 = tpu.memref_slice %arg17[%dma_start3A_242, %dma_start3A_243] : memref<10000x128xf32, #tpu.memory_space<vmem_shared>> -> memref<10000x128xf32, #tpu.memory_space<vmem_shared>>
      tpu.enqueue_indirect_dma source(%arg13 : memref<80x128xf32, #tpu.memory_space<vmem>>) target(%dma_start3A_244 : memref<10000x128xf32, #tpu.memory_space<vmem_shared>>) offsets(%arg9 : memref<80xi32, #tpu.memory_space<vmem>>) semaphore(%arg26 : memref<!tpu.dma_semaphore, #tpu.memory_space<semaphore_mem>>) {add = true}
      %add3A_245 = arith.constant 2 : i32
      %add3A_246 = arith.addi %add3A_182, %add3A_245 : i32
      %mul3A_247 = arith.constant 80 : i32
      %mul3A_248 = arith.muli %add3A_246, %mul3A_247 : i32
      %add3A_249 = arith.addi %mul3A_4, %mul3A_248 : i32
      %dma_wait3A_250 = arith.constant 0 : i32
      %dma_wait3A_251 = arith.constant 0 : i32
      %dma_wait3A_252 = tpu.memref_slice %arg17[%dma_wait3A_250, %dma_wait3A_251] : memref<10000x128xf32, #tpu.memory_space<vmem_shared>> -> memref<10000x128xf32, #tpu.memory_space<vmem_shared>>
      tpu.wait_indirect_dma semaphore(%arg29 : memref<!tpu.dma_semaphore, #tpu.memory_space<semaphore_mem>>) src(%arg16 : memref<80x128xf32, #tpu.memory_space<vmem>>) dst(%dma_wait3A_252 : memref<10000x128xf32, #tpu.memory_space<vmem_shared>>)
      %dma_start3A_253 = tpu.memref_slice %arg2[%add3A_249] : memref<640000xi32, #tpu.memory_space<hbm>> -> memref<80xi32, #tpu.memory_space<hbm>>
      %dma_start3A_254 = tpu.memref_slice %arg2[%add3A_249] : memref<640000xi32, #tpu.memory_space<hbm>> -> memref<80xi32, #tpu.memory_space<hbm>>
      tpu.enqueue_dma source(%dma_start3A_254 : memref<80xi32, #tpu.memory_space<hbm>>) target(%arg8 : memref<80xi32, #tpu.memory_space<vmem>>) target_semaphore(%arg21 : memref<!tpu.dma_semaphore, #tpu.memory_space<semaphore_mem>>)
      %add3A_255 = arith.constant 320000 : i32
      %add3A_256 = arith.addi %add3A_255, %add3A_249 : i32
      %dma_start3A_257 = tpu.memref_slice %arg2[%add3A_256] : memref<640000xi32, #tpu.memory_space<hbm>> -> memref<80xi32, #tpu.memory_space<hbm>>
      %dma_start3A_258 = tpu.memref_slice %arg2[%add3A_256] : memref<640000xi32, #tpu.memory_space<hbm>> -> memref<80xi32, #tpu.memory_space<hbm>>
      tpu.enqueue_dma source(%dma_start3A_258 : memref<80xi32, #tpu.memory_space<hbm>>) target(%arg12 : memref<80xi32, #tpu.memory_space<vmem>>) target_semaphore(%arg21 : memref<!tpu.dma_semaphore, #tpu.memory_space<semaphore_mem>>)
      %dma_wait3A_259 = arith.constant 0 : i32
      %dma_wait3A_260 = tpu.memref_slice %arg2[%dma_wait3A_259] : memref<640000xi32, #tpu.memory_space<hbm>> -> memref<80xi32, #tpu.memory_space<hbm>>
      %dma_wait3A_261 = arith.constant 0 : i32
      %dma_wait3A_262 = tpu.memref_slice %arg2[%dma_wait3A_261] : memref<640000xi32, #tpu.memory_space<hbm>> -> memref<80xi32, #tpu.memory_space<hbm>>
      tpu.wait_dma2 semaphore(%arg20 : memref<!tpu.dma_semaphore, #tpu.memory_space<semaphore_mem>>) src(%dma_wait3A_262 : memref<80xi32, #tpu.memory_space<hbm>>) dst(%arg7 : memref<80xi32, #tpu.memory_space<vmem>>)
      %dma_wait3A_263 = arith.constant 0 : i32
      %dma_wait3A_264 = tpu.memref_slice %arg2[%dma_wait3A_263] : memref<640000xi32, #tpu.memory_space<hbm>> -> memref<80xi32, #tpu.memory_space<hbm>>
      %dma_wait3A_265 = arith.constant 0 : i32
      %dma_wait3A_266 = tpu.memref_slice %arg2[%dma_wait3A_265] : memref<640000xi32, #tpu.memory_space<hbm>> -> memref<80xi32, #tpu.memory_space<hbm>>
      tpu.wait_dma2 semaphore(%arg20 : memref<!tpu.dma_semaphore, #tpu.memory_space<semaphore_mem>>) src(%dma_wait3A_266 : memref<80xi32, #tpu.memory_space<hbm>>) dst(%arg11 : memref<80xi32, #tpu.memory_space<vmem>>)
      %dma_start3A_267 = arith.constant 0 : i32
      %dma_start3A_268 = arith.constant 0 : i32
      %dma_start3A_269 = tpu.memref_slice %arg3[%dma_start3A_267, %dma_start3A_268] : memref<10000x128xf32, #tpu.memory_space<hbm>> -> memref<10000x128xf32, #tpu.memory_space<hbm>>
      tpu.enqueue_indirect_dma source(%dma_start3A_269 : memref<10000x128xf32, #tpu.memory_space<hbm>>) target(%arg15 : memref<80x128xf32, #tpu.memory_space<vmem>>) offsets(%arg7 : memref<80xi32, #tpu.memory_space<vmem>>) semaphore(%arg24 : memref<!tpu.dma_semaphore, #tpu.memory_space<semaphore_mem>>)
      %dma_wait3A_270 = arith.constant 0 : i32
      %dma_wait3A_271 = arith.constant 0 : i32
      %dma_wait3A_272 = tpu.memref_slice %arg3[%dma_wait3A_270, %dma_wait3A_271] : memref<10000x128xf32, #tpu.memory_space<hbm>> -> memref<10000x128xf32, #tpu.memory_space<hbm>>
      tpu.wait_indirect_dma semaphore(%arg23 : memref<!tpu.dma_semaphore, #tpu.memory_space<semaphore_mem>>) src(%dma_wait3A_272 : memref<10000x128xf32, #tpu.memory_space<hbm>>) dst(%arg14 : memref<80x128xf32, #tpu.memory_space<vmem>>)
      %dma_start3A_273 = arith.constant 0 : i32
      %dma_start3A_274 = arith.constant 0 : i32
      %dma_start3A_275 = tpu.memref_slice %arg17[%dma_start3A_273, %dma_start3A_274] : memref<10000x128xf32, #tpu.memory_space<vmem_shared>> -> memref<10000x128xf32, #tpu.memory_space<vmem_shared>>
      tpu.enqueue_indirect_dma source(%arg14 : memref<80x128xf32, #tpu.memory_space<vmem>>) target(%dma_start3A_275 : memref<10000x128xf32, #tpu.memory_space<vmem_shared>>) offsets(%arg10 : memref<80xi32, #tpu.memory_space<vmem>>) semaphore(%arg27 : memref<!tpu.dma_semaphore, #tpu.memory_space<semaphore_mem>>) {add = true}
      %add3A_276 = arith.constant 3 : i32
      %add3A_277 = arith.addi %add3A_182, %add3A_276 : i32
      %mul3A_278 = arith.constant 80 : i32
      %mul3A_279 = arith.muli %add3A_277, %mul3A_278 : i32
      %add3A_280 = arith.addi %mul3A_4, %mul3A_279 : i32
      %dma_wait3A_281 = arith.constant 0 : i32
      %dma_wait3A_282 = arith.constant 0 : i32
      %dma_wait3A_283 = tpu.memref_slice %arg17[%dma_wait3A_281, %dma_wait3A_282] : memref<10000x128xf32, #tpu.memory_space<vmem_shared>> -> memref<10000x128xf32, #tpu.memory_space<vmem_shared>>
      tpu.wait_indirect_dma semaphore(%arg26 : memref<!tpu.dma_semaphore, #tpu.memory_space<semaphore_mem>>) src(%arg13 : memref<80x128xf32, #tpu.memory_space<vmem>>) dst(%dma_wait3A_283 : memref<10000x128xf32, #tpu.memory_space<vmem_shared>>)
      %dma_start3A_284 = tpu.memref_slice %arg2[%add3A_280] : memref<640000xi32, #tpu.memory_space<hbm>> -> memref<80xi32, #tpu.memory_space<hbm>>
      %dma_start3A_285 = tpu.memref_slice %arg2[%add3A_280] : memref<640000xi32, #tpu.memory_space<hbm>> -> memref<80xi32, #tpu.memory_space<hbm>>
      tpu.enqueue_dma source(%dma_start3A_285 : memref<80xi32, #tpu.memory_space<hbm>>) target(%arg5 : memref<80xi32, #tpu.memory_space<vmem>>) target_semaphore(%arg18 : memref<!tpu.dma_semaphore, #tpu.memory_space<semaphore_mem>>)
      %add3A_286 = arith.constant 320000 : i32
      %add3A_287 = arith.addi %add3A_286, %add3A_280 : i32
      %dma_start3A_288 = tpu.memref_slice %arg2[%add3A_287] : memref<640000xi32, #tpu.memory_space<hbm>> -> memref<80xi32, #tpu.memory_space<hbm>>
      %dma_start3A_289 = tpu.memref_slice %arg2[%add3A_287] : memref<640000xi32, #tpu.memory_space<hbm>> -> memref<80xi32, #tpu.memory_space<hbm>>
      tpu.enqueue_dma source(%dma_start3A_289 : memref<80xi32, #tpu.memory_space<hbm>>) target(%arg9 : memref<80xi32, #tpu.memory_space<vmem>>) target_semaphore(%arg18 : memref<!tpu.dma_semaphore, #tpu.memory_space<semaphore_mem>>)
      %dma_wait3A_290 = arith.constant 0 : i32
      %dma_wait3A_291 = tpu.memref_slice %arg2[%dma_wait3A_290] : memref<640000xi32, #tpu.memory_space<hbm>> -> memref<80xi32, #tpu.memory_space<hbm>>
      %dma_wait3A_292 = arith.constant 0 : i32
      %dma_wait3A_293 = tpu.memref_slice %arg2[%dma_wait3A_292] : memref<640000xi32, #tpu.memory_space<hbm>> -> memref<80xi32, #tpu.memory_space<hbm>>
      tpu.wait_dma2 semaphore(%arg21 : memref<!tpu.dma_semaphore, #tpu.memory_space<semaphore_mem>>) src(%dma_wait3A_293 : memref<80xi32, #tpu.memory_space<hbm>>) dst(%arg8 : memref<80xi32, #tpu.memory_space<vmem>>)
      %dma_wait3A_294 = arith.constant 0 : i32
      %dma_wait3A_295 = tpu.memref_slice %arg2[%dma_wait3A_294] : memref<640000xi32, #tpu.memory_space<hbm>> -> memref<80xi32, #tpu.memory_space<hbm>>
      %dma_wait3A_296 = arith.constant 0 : i32
      %dma_wait3A_297 = tpu.memref_slice %arg2[%dma_wait3A_296] : memref<640000xi32, #tpu.memory_space<hbm>> -> memref<80xi32, #tpu.memory_space<hbm>>
      tpu.wait_dma2 semaphore(%arg21 : memref<!tpu.dma_semaphore, #tpu.memory_space<semaphore_mem>>) src(%dma_wait3A_297 : memref<80xi32, #tpu.memory_space<hbm>>) dst(%arg12 : memref<80xi32, #tpu.memory_space<vmem>>)
      %dma_start3A_298 = arith.constant 0 : i32
      %dma_start3A_299 = arith.constant 0 : i32
      %dma_start3A_300 = tpu.memref_slice %arg3[%dma_start3A_298, %dma_start3A_299] : memref<10000x128xf32, #tpu.memory_space<hbm>> -> memref<10000x128xf32, #tpu.memory_space<hbm>>
      tpu.enqueue_indirect_dma source(%dma_start3A_300 : memref<10000x128xf32, #tpu.memory_space<hbm>>) target(%arg16 : memref<80x128xf32, #tpu.memory_space<vmem>>) offsets(%arg8 : memref<80xi32, #tpu.memory_space<vmem>>) semaphore(%arg25 : memref<!tpu.dma_semaphore, #tpu.memory_space<semaphore_mem>>)
      %dma_wait3A_301 = arith.constant 0 : i32
      %dma_wait3A_302 = arith.constant 0 : i32
      %dma_wait3A_303 = tpu.memref_slice %arg3[%dma_wait3A_301, %dma_wait3A_302] : memref<10000x128xf32, #tpu.memory_space<hbm>> -> memref<10000x128xf32, #tpu.memory_space<hbm>>
      tpu.wait_indirect_dma semaphore(%arg24 : memref<!tpu.dma_semaphore, #tpu.memory_space<semaphore_mem>>) src(%dma_wait3A_303 : memref<10000x128xf32, #tpu.memory_space<hbm>>) dst(%arg15 : memref<80x128xf32, #tpu.memory_space<vmem>>)
      %dma_start3A_304 = arith.constant 0 : i32
      %dma_start3A_305 = arith.constant 0 : i32
      %dma_start3A_306 = tpu.memref_slice %arg17[%dma_start3A_304, %dma_start3A_305] : memref<10000x128xf32, #tpu.memory_space<vmem_shared>> -> memref<10000x128xf32, #tpu.memory_space<vmem_shared>>
      tpu.enqueue_indirect_dma source(%arg15 : memref<80x128xf32, #tpu.memory_space<vmem>>) target(%dma_start3A_306 : memref<10000x128xf32, #tpu.memory_space<vmem_shared>>) offsets(%arg11 : memref<80xi32, #tpu.memory_space<vmem>>) semaphore(%arg28 : memref<!tpu.dma_semaphore, #tpu.memory_space<semaphore_mem>>) {add = true}
    }
    %scan3A_136 = arith.constant 30 : i32
    %dma_wait3A_137 = arith.constant 0 : i32
    %dma_wait3A_138 = tpu.memref_slice %arg2[%dma_wait3A_137] : memref<640000xi32, #tpu.memory_space<hbm>> -> memref<80xi32, #tpu.memory_space<hbm>>
    %dma_wait3A_139 = arith.constant 0 : i32
    %dma_wait3A_140 = tpu.memref_slice %arg2[%dma_wait3A_139] : memref<640000xi32, #tpu.memory_space<hbm>> -> memref<80xi32, #tpu.memory_space<hbm>>
    tpu.wait_dma2 semaphore(%arg18 : memref<!tpu.dma_semaphore, #tpu.memory_space<semaphore_mem>>) src(%dma_wait3A_140 : memref<80xi32, #tpu.memory_space<hbm>>) dst(%arg5 : memref<80xi32, #tpu.memory_space<vmem>>)
    %dma_wait3A_141 = arith.constant 0 : i32
    %dma_wait3A_142 = tpu.memref_slice %arg2[%dma_wait3A_141] : memref<640000xi32, #tpu.memory_space<hbm>> -> memref<80xi32, #tpu.memory_space<hbm>>
    %dma_wait3A_143 = arith.constant 0 : i32
    %dma_wait3A_144 = tpu.memref_slice %arg2[%dma_wait3A_143] : memref<640000xi32, #tpu.memory_space<hbm>> -> memref<80xi32, #tpu.memory_space<hbm>>
    tpu.wait_dma2 semaphore(%arg18 : memref<!tpu.dma_semaphore, #tpu.memory_space<semaphore_mem>>) src(%dma_wait3A_144 : memref<80xi32, #tpu.memory_space<hbm>>) dst(%arg9 : memref<80xi32, #tpu.memory_space<vmem>>)
    %dma_start3A_145 = arith.constant 0 : i32
    %dma_start3A_146 = arith.constant 0 : i32
    %dma_start3A_147 = tpu.memref_slice %arg3[%dma_start3A_145, %dma_start3A_146] : memref<10000x128xf32, #tpu.memory_space<hbm>> -> memref<10000x128xf32, #tpu.memory_space<hbm>>
    tpu.enqueue_indirect_dma source(%dma_start3A_147 : memref<10000x128xf32, #tpu.memory_space<hbm>>) target(%arg13 : memref<80x128xf32, #tpu.memory_space<vmem>>) offsets(%arg5 : memref<80xi32, #tpu.memory_space<vmem>>) semaphore(%arg22 : memref<!tpu.dma_semaphore, #tpu.memory_space<semaphore_mem>>)
    %dma_wait3A_148 = arith.constant 0 : i32
    %dma_wait3A_149 = arith.constant 0 : i32
    %dma_wait3A_150 = tpu.memref_slice %arg3[%dma_wait3A_148, %dma_wait3A_149] : memref<10000x128xf32, #tpu.memory_space<hbm>> -> memref<10000x128xf32, #tpu.memory_space<hbm>>
    tpu.wait_indirect_dma semaphore(%arg25 : memref<!tpu.dma_semaphore, #tpu.memory_space<semaphore_mem>>) src(%dma_wait3A_150 : memref<10000x128xf32, #tpu.memory_space<hbm>>) dst(%arg16 : memref<80x128xf32, #tpu.memory_space<vmem>>)
    %dma_start3A_151 = arith.constant 0 : i32
    %dma_start3A_152 = arith.constant 0 : i32
    %dma_start3A_153 = tpu.memref_slice %arg17[%dma_start3A_151, %dma_start3A_152] : memref<10000x128xf32, #tpu.memory_space<vmem_shared>> -> memref<10000x128xf32, #tpu.memory_space<vmem_shared>>
    tpu.enqueue_indirect_dma source(%arg16 : memref<80x128xf32, #tpu.memory_space<vmem>>) target(%dma_start3A_153 : memref<10000x128xf32, #tpu.memory_space<vmem_shared>>) offsets(%arg12 : memref<80xi32, #tpu.memory_space<vmem>>) semaphore(%arg29 : memref<!tpu.dma_semaphore, #tpu.memory_space<semaphore_mem>>) {add = true}
    %dma_wait3A_154 = arith.constant 0 : i32
    %dma_wait3A_155 = arith.constant 0 : i32
    %dma_wait3A_156 = tpu.memref_slice %arg3[%dma_wait3A_154, %dma_wait3A_155] : memref<10000x128xf32, #tpu.memory_space<hbm>> -> memref<10000x128xf32, #tpu.memory_space<hbm>>
    tpu.wait_indirect_dma semaphore(%arg22 : memref<!tpu.dma_semaphore, #tpu.memory_space<semaphore_mem>>) src(%dma_wait3A_156 : memref<10000x128xf32, #tpu.memory_space<hbm>>) dst(%arg13 : memref<80x128xf32, #tpu.memory_space<vmem>>)
    %dma_start3A_157 = arith.constant 0 : i32
    %dma_start3A_158 = arith.constant 0 : i32
    %dma_start3A_159 = tpu.memref_slice %arg17[%dma_start3A_157, %dma_start3A_158] : memref<10000x128xf32, #tpu.memory_space<vmem_shared>> -> memref<10000x128xf32, #tpu.memory_space<vmem_shared>>
    tpu.enqueue_indirect_dma source(%arg13 : memref<80x128xf32, #tpu.memory_space<vmem>>) target(%dma_start3A_159 : memref<10000x128xf32, #tpu.memory_space<vmem_shared>>) offsets(%arg9 : memref<80xi32, #tpu.memory_space<vmem>>) semaphore(%arg26 : memref<!tpu.dma_semaphore, #tpu.memory_space<semaphore_mem>>) {add = true}
    %dma_wait3A_160 = arith.constant 0 : i32
    %dma_wait3A_161 = arith.constant 0 : i32
    %dma_wait3A_162 = tpu.memref_slice %arg17[%dma_wait3A_160, %dma_wait3A_161] : memref<10000x128xf32, #tpu.memory_space<vmem_shared>> -> memref<10000x128xf32, #tpu.memory_space<vmem_shared>>
    tpu.wait_indirect_dma semaphore(%arg26 : memref<!tpu.dma_semaphore, #tpu.memory_space<semaphore_mem>>) src(%arg13 : memref<80x128xf32, #tpu.memory_space<vmem>>) dst(%dma_wait3A_162 : memref<10000x128xf32, #tpu.memory_space<vmem_shared>>)
    %dma_wait3A_163 = arith.constant 0 : i32
    %dma_wait3A_164 = arith.constant 0 : i32
    %dma_wait3A_165 = tpu.memref_slice %arg17[%dma_wait3A_163, %dma_wait3A_164] : memref<10000x128xf32, #tpu.memory_space<vmem_shared>> -> memref<10000x128xf32, #tpu.memory_space<vmem_shared>>
    tpu.wait_indirect_dma semaphore(%arg27 : memref<!tpu.dma_semaphore, #tpu.memory_space<semaphore_mem>>) src(%arg14 : memref<80x128xf32, #tpu.memory_space<vmem>>) dst(%dma_wait3A_165 : memref<10000x128xf32, #tpu.memory_space<vmem_shared>>)
    %dma_wait3A_166 = arith.constant 0 : i32
    %dma_wait3A_167 = arith.constant 0 : i32
    %dma_wait3A_168 = tpu.memref_slice %arg17[%dma_wait3A_166, %dma_wait3A_167] : memref<10000x128xf32, #tpu.memory_space<vmem_shared>> -> memref<10000x128xf32, #tpu.memory_space<vmem_shared>>
    tpu.wait_indirect_dma semaphore(%arg28 : memref<!tpu.dma_semaphore, #tpu.memory_space<semaphore_mem>>) src(%arg15 : memref<80x128xf32, #tpu.memory_space<vmem>>) dst(%dma_wait3A_168 : memref<10000x128xf32, #tpu.memory_space<vmem_shared>>)
    %dma_wait3A_169 = arith.constant 0 : i32
    %dma_wait3A_170 = arith.constant 0 : i32
    %dma_wait3A_171 = tpu.memref_slice %arg17[%dma_wait3A_169, %dma_wait3A_170] : memref<10000x128xf32, #tpu.memory_space<vmem_shared>> -> memref<10000x128xf32, #tpu.memory_space<vmem_shared>>
    tpu.wait_indirect_dma semaphore(%arg29 : memref<!tpu.dma_semaphore, #tpu.memory_space<semaphore_mem>>) src(%arg16 : memref<80x128xf32, #tpu.memory_space<vmem>>) dst(%dma_wait3A_171 : memref<10000x128xf32, #tpu.memory_space<vmem_shared>>)
    %barrier3A_172 = arith.constant 0 : index
    tpu.barrier barrier_id(%barrier3A_172)
    "tpu.region"() ({
      %run_scoped3A = tpu.sem_alloc : memref<!tpu.dma_semaphore, #tpu.memory_space<semaphore_mem>>
      %dma_start3A_178 = arith.constant 0 : i32
      %dma_start3A_179 = tpu.memref_slice %arg4[%arg0, %mul3A_2, %dma_start3A_178] : memref<2x10000x128xf32, #tpu.memory_space<hbm>> -> memref<1x624x128xf32, #tpu.memory_space<hbm>>
      %dma_start3A_180 = tpu.memref_squeeze %dma_start3A_179 : memref<1x624x128xf32, #tpu.memory_space<hbm>> -> memref<624x128xf32, #tpu.memory_space<hbm>>
      %dma_start3A_181 = arith.constant 0 : i32
      %dma_start3A_182 = tpu.memref_slice %arg17[%mul3A_2, %dma_start3A_181] : memref<10000x128xf32, #tpu.memory_space<vmem_shared>> -> memref<624x128xf32, #tpu.memory_space<vmem_shared>>
      tpu.enqueue_dma source(%dma_start3A_182 : memref<624x128xf32, #tpu.memory_space<vmem_shared>>) target(%dma_start3A_180 : memref<624x128xf32, #tpu.memory_space<hbm>>) target_semaphore(%run_scoped3A : memref<!tpu.dma_semaphore, #tpu.memory_space<semaphore_mem>>)
      %dma_wait3A_183 = arith.constant 0 : i32
      %dma_wait3A_184 = tpu.memref_slice %arg4[%arg0, %mul3A_2, %dma_wait3A_183] : memref<2x10000x128xf32, #tpu.memory_space<hbm>> -> memref<1x624x128xf32, #tpu.memory_space<hbm>>
      %dma_wait3A_185 = tpu.memref_squeeze %dma_wait3A_184 : memref<1x624x128xf32, #tpu.memory_space<hbm>> -> memref<624x128xf32, #tpu.memory_space<hbm>>
      %dma_wait3A_186 = arith.constant 0 : i32
      %dma_wait3A_187 = tpu.memref_slice %arg17[%mul3A_2, %dma_wait3A_186] : memref<10000x128xf32, #tpu.memory_space<vmem_shared>> -> memref<624x128xf32, #tpu.memory_space<vmem_shared>>
      tpu.wait_dma2 semaphore(%run_scoped3A : memref<!tpu.dma_semaphore, #tpu.memory_space<semaphore_mem>>) src(%dma_wait3A_187 : memref<624x128xf32, #tpu.memory_space<vmem_shared>>) dst(%dma_wait3A_185 : memref<624x128xf32, #tpu.memory_space<hbm>>)
      tpu.yield
    }) : () -> ()
    %eq3A_173 = arith.constant 15 : i32
    %eq3A_174 = arith.cmpi eq, %arg1, %eq3A_173 : i32
    %convert_element_type3A_175 = arith.extui %eq3A_174 : i1 to i32
    %cond3A_176 = arith.constant 0 : i32
    %cond3A_177 = arith.cmpi ne, %convert_element_type3A_175, %cond3A_176 : i32
    scf.if %cond3A_177 {
      "tpu.region"() ({
        %run_scoped3A = tpu.sem_alloc : memref<!tpu.dma_semaphore, #tpu.memory_space<semaphore_mem>>
        %dma_start3A_178 = arith.constant 9984 : i32
        %dma_start3A_179 = arith.constant 0 : i32
        %dma_start3A_180 = tpu.memref_slice %arg4[%arg0, %dma_start3A_178, %dma_start3A_179] : memref<2x10000x128xf32, #tpu.memory_space<hbm>> -> memref<1x16x128xf32, #tpu.memory_space<hbm>>
        %dma_start3A_181 = tpu.memref_squeeze %dma_start3A_180 : memref<1x16x128xf32, #tpu.memory_space<hbm>> -> memref<16x128xf32, #tpu.memory_space<hbm>>
        %dma_start3A_182 = arith.constant 9984 : i32
        %dma_start3A_183 = arith.constant 0 : i32
        %dma_start3A_184 = tpu.memref_slice %arg17[%dma_start3A_182, %dma_start3A_183] : memref<10000x128xf32, #tpu.memory_space<vmem_shared>> -> memref<16x128xf32, #tpu.memory_space<vmem_shared>>
        tpu.enqueue_dma source(%dma_start3A_184 : memref<16x128xf32, #tpu.memory_space<vmem_shared>>) target(%dma_start3A_181 : memref<16x128xf32, #tpu.memory_space<hbm>>) target_semaphore(%run_scoped3A : memref<!tpu.dma_semaphore, #tpu.memory_space<semaphore_mem>>)
        %dma_wait3A_185 = arith.constant 9984 : i32
        %dma_wait3A_186 = arith.constant 0 : i32
        %dma_wait3A_187 = tpu.memref_slice %arg4[%arg0, %dma_wait3A_185, %dma_wait3A_186] : memref<2x10000x128xf32, #tpu.memory_space<hbm>> -> memref<1x16x128xf32, #tpu.memory_space<hbm>>
        %dma_wait3A_188 = tpu.memref_squeeze %dma_wait3A_187 : memref<1x16x128xf32, #tpu.memory_space<hbm>> -> memref<16x128xf32, #tpu.memory_space<hbm>>
        %dma_wait3A_189 = arith.constant 9984 : i32
        %dma_wait3A_190 = arith.constant 0 : i32
        %dma_wait3A_191 = tpu.memref_slice %arg17[%dma_wait3A_189, %dma_wait3A_190] : memref<10000x128xf32, #tpu.memory_space<vmem_shared>> -> memref<16x128xf32, #tpu.memory_space<vmem_shared>>
        tpu.wait_dma2 semaphore(%run_scoped3A : memref<!tpu.dma_semaphore, #tpu.memory_space<semaphore_mem>>) src(%dma_wait3A_191 : memref<16x128xf32, #tpu.memory_space<vmem_shared>>) dst(%dma_wait3A_188 : memref<16x128xf32, #tpu.memory_space<hbm>>)
        tpu.yield
      }) : () -> ()
    } else {
    }
    return
  }
}

module attributes {stable_mosaic.version = 14 : i64} {
  func.func @_mid_body(%arg0: memref<2x10000x128xf32, #tpu.memory_space<vmem>>, %arg1: memref<10000x128xf32, #tpu.memory_space<vmem>>, %arg2: memref<10000xf32, #tpu.memory_space<vmem>>, %arg3: memref<1x128xf32, #tpu.memory_space<vmem>>, %arg4: memref<10000x128xf32, #tpu.memory_space<vmem>>) attributes {dimension_semantics = [], scalar_prefetch = 0 : i64, scratch_operands = 0 : i64, tpu.core_type = #tpu.core_type<tc>} {
    %get3A = arith.constant 0 : index
    %get3A_0 = vector.load %arg2[%get3A] : memref<10000xf32, #tpu.memory_space<vmem>>, vector<10000xf32>
    %reshape3A = vector.shape_cast %get3A_0 : vector<10000xf32> to vector<10000x1xf32>
    %get3A_1 = arith.constant 0 : index
    %get3A_2 = arith.constant 0 : index
    %get3A_3 = arith.constant 0 : index
    %get3A_4 = vector.load %arg0[%get3A_1, %get3A_2, %get3A_3] : memref<2x10000x128xf32, #tpu.memory_space<vmem>>, vector<1x10000x128xf32>
    %get3A_5 = vector.shape_cast %get3A_4 : vector<1x10000x128xf32> to vector<10000x128xf32>
    %get3A_6 = arith.constant 1 : index
    %get3A_7 = arith.constant 0 : index
    %get3A_8 = arith.constant 0 : index
    %get3A_9 = vector.load %arg0[%get3A_6, %get3A_7, %get3A_8] : memref<2x10000x128xf32, #tpu.memory_space<vmem>>, vector<1x10000x128xf32>
    %get3A_10 = vector.shape_cast %get3A_9 : vector<1x10000x128xf32> to vector<10000x128xf32>
    %add3A = arith.addf %get3A_5, %get3A_10 : vector<10000x128xf32>
    %get3A_11 = arith.constant 0 : index
    %get3A_12 = arith.constant 0 : index
    %get3A_13 = vector.load %arg1[%get3A_11, %get3A_12] : memref<10000x128xf32, #tpu.memory_space<vmem>>, vector<10000x128xf32>
    %add3A_14 = arith.addf %add3A, %get3A_13 : vector<10000x128xf32>
    %mul3A = vector.broadcast %reshape3A : vector<10000x1xf32> to vector<10000x128xf32>
    %mul3A_15 = arith.mulf %mul3A, %add3A_14 : vector<10000x128xf32>
    %get3A_16 = arith.constant 0 : index
    %get3A_17 = arith.constant 0 : index
    %get3A_18 = vector.load %arg3[%get3A_16, %get3A_17] : memref<1x128xf32, #tpu.memory_space<vmem>>, vector<1x128xf32>
    %add3A_19 = vector.broadcast %get3A_18 : vector<1x128xf32> to vector<10000x128xf32>
    %add3A_20 = arith.addf %mul3A_15, %add3A_19 : vector<10000x128xf32>
    %max3A = arith.constant 0.000000e+00 : f32
    %max3A_21 = vector.broadcast %max3A : f32 to vector<10000x128xf32>
    %max3A_22 = arith.maximumf %add3A_20, %max3A_21 : vector<10000x128xf32>
    %mul3A_23 = vector.broadcast %reshape3A : vector<10000x1xf32> to vector<10000x128xf32>
    %mul3A_24 = arith.mulf %mul3A_23, %max3A_22 : vector<10000x128xf32>
    %swap3A = arith.constant 0 : index
    %swap3A_25 = arith.constant 0 : index
    %swap3A_26 = vector.load %arg4[%swap3A, %swap3A_25] : memref<10000x128xf32, #tpu.memory_space<vmem>>, vector<10000x128xf32>
    tpu.vector_store %arg4[%swap3A, %swap3A_25], %mul3A_24 {strides = array<i32>} : memref<10000x128xf32, #tpu.memory_space<vmem>>, vector<10000x128xf32>,
    return
  }
}

module attributes {stable_mosaic.version = 14 : i64} {
  func.func @_pre_body(%arg0: memref<10000x128xf32, #tpu.memory_space<vmem>>, %arg1: memref<20000xf32, #tpu.memory_space<vmem>>, %arg2: memref<10000x128xf32, #tpu.memory_space<vmem>>, %arg3: memref<10000xf32, #tpu.memory_space<vmem>>) attributes {dimension_semantics = [], scalar_prefetch = 0 : i64, scratch_operands = 0 : i64, tpu.core_type = #tpu.core_type<tc>} {
    %get3A = arith.constant 0 : index
    %get3A_0 = vector.load %arg1[%get3A] : memref<20000xf32, #tpu.memory_space<vmem>>, vector<10000xf32>
    %get3A_1 = arith.constant 10000 : index
    %get3A_2 = vector.load %arg1[%get3A_1] : memref<20000xf32, #tpu.memory_space<vmem>>, vector<10000xf32>
    %add3A = arith.addf %get3A_0, %get3A_2 : vector<10000xf32>
    %add3A_3 = arith.constant 1.000000e+00 : f32
    %add3A_4 = vector.broadcast %add3A_3 : f32 to vector<10000xf32>
    %add3A_5 = arith.addf %add3A, %add3A_4 : vector<10000xf32>
    %rsqrt3A = math.rsqrt %add3A_5 : vector<10000xf32>
    %reshape3A = vector.shape_cast %rsqrt3A : vector<10000xf32> to vector<10000x1xf32>
    %get3A_6 = arith.constant 0 : index
    %get3A_7 = arith.constant 0 : index
    %get3A_8 = vector.load %arg0[%get3A_6, %get3A_7] : memref<10000x128xf32, #tpu.memory_space<vmem>>, vector<10000x128xf32>
    %mul3A = vector.broadcast %reshape3A : vector<10000x1xf32> to vector<10000x128xf32>
    %mul3A_9 = arith.mulf %mul3A, %get3A_8 : vector<10000x128xf32>
    %swap3A = arith.constant 0 : index
    %swap3A_10 = arith.constant 0 : index
    %swap3A_11 = vector.load %arg2[%swap3A, %swap3A_10] : memref<10000x128xf32, #tpu.memory_space<vmem>>, vector<10000x128xf32>
    tpu.vector_store %arg2[%swap3A, %swap3A_10], %mul3A_9 {strides = array<i32>} : memref<10000x128xf32, #tpu.memory_space<vmem>>, vector<10000x128xf32>,
    %swap3A_12 = arith.constant 0 : index
    %swap3A_13 = vector.load %arg3[%swap3A_12] : memref<10000xf32, #tpu.memory_space<vmem>>, vector<10000xf32>
    tpu.vector_store %arg3[%swap3A_12], %rsqrt3A {strides = array<i32>} : memref<10000xf32, #tpu.memory_space<vmem>>, vector<10000xf32>,
    return
  }
}

module attributes {stable_mosaic.version = 14 : i64} {
  func.func @_mm_body(%arg0: memref<10000x128xf32, #tpu.memory_space<vmem>>, %arg1: memref<128x128xf32, #tpu.memory_space<vmem>>, %arg2: memref<10000x128xf32, #tpu.memory_space<vmem>>) attributes {dimension_semantics = [], scalar_prefetch = 0 : i64, scratch_operands = 0 : i64, tpu.core_type = #tpu.core_type<tc>} {
    %get3A = arith.constant 0 : index
    %get3A_0 = arith.constant 0 : index
    %get3A_1 = vector.load %arg0[%get3A, %get3A_0] : memref<10000x128xf32, #tpu.memory_space<vmem>>, vector<10000x128xf32>
    %get3A_2 = arith.constant 0 : index
    %get3A_3 = arith.constant 0 : index
    %get3A_4 = vector.load %arg1[%get3A_2, %get3A_3] : memref<128x128xf32, #tpu.memory_space<vmem>>, vector<128x128xf32>
    %dot_general3A = arith.constant dense<0.000000e+00> : vector<10000x128xf32>
    %dot_general3A_5 = tpu.matmul %get3A_1, %get3A_4, %dot_general3A {dimension_numbers = #tpu.dot_dimension_numbers<[1], [0], [0], [1], [0, 0, 1, 1], [], []>, transpose_lhs_hint = false} : vector<10000x128xf32>, vector<128x128xf32>, vector<10000x128xf32> -> vector<10000x128xf32>
    %swap3A = arith.constant 0 : index
    %swap3A_6 = arith.constant 0 : index
    %swap3A_7 = vector.load %arg2[%swap3A, %swap3A_6] : memref<10000x128xf32, #tpu.memory_space<vmem>>, vector<10000x128xf32>
    tpu.vector_store %arg2[%swap3A, %swap3A_6], %dot_general3A_5 {strides = array<i32>} : memref<10000x128xf32, #tpu.memory_space<vmem>>, vector<10000x128xf32>,
    return
  }
}

module attributes {stable_mosaic.version = 14 : i64} {
  func.func @_post_body(%arg0: memref<2x10000x128xf32, #tpu.memory_space<vmem>>, %arg1: memref<10000x128xf32, #tpu.memory_space<vmem>>, %arg2: memref<10000xf32, #tpu.memory_space<vmem>>, %arg3: memref<128x64xf32, #tpu.memory_space<vmem>>, %arg4: memref<128x64xf32, #tpu.memory_space<vmem>>, %arg5: memref<1x64xf32, #tpu.memory_space<vmem>>, %arg6: memref<1x64xf32, #tpu.memory_space<vmem>>, %arg7: memref<10000x64xf32, #tpu.memory_space<vmem>>, %arg8: memref<10000x64xf32, #tpu.memory_space<vmem>>) attributes {dimension_semantics = [], scalar_prefetch = 0 : i64, scratch_operands = 0 : i64, tpu.core_type = #tpu.core_type<tc>} {
    %get3A = arith.constant 0 : index
    %get3A_0 = vector.load %arg2[%get3A] : memref<10000xf32, #tpu.memory_space<vmem>>, vector<10000xf32>
    %reshape3A = vector.shape_cast %get3A_0 : vector<10000xf32> to vector<10000x1xf32>
    %get3A_1 = arith.constant 0 : index
    %get3A_2 = arith.constant 0 : index
    %get3A_3 = arith.constant 0 : index
    %get3A_4 = vector.load %arg0[%get3A_1, %get3A_2, %get3A_3] : memref<2x10000x128xf32, #tpu.memory_space<vmem>>, vector<1x10000x128xf32>
    %get3A_5 = vector.shape_cast %get3A_4 : vector<1x10000x128xf32> to vector<10000x128xf32>
    %get3A_6 = arith.constant 1 : index
    %get3A_7 = arith.constant 0 : index
    %get3A_8 = arith.constant 0 : index
    %get3A_9 = vector.load %arg0[%get3A_6, %get3A_7, %get3A_8] : memref<2x10000x128xf32, #tpu.memory_space<vmem>>, vector<1x10000x128xf32>
    %get3A_10 = vector.shape_cast %get3A_9 : vector<1x10000x128xf32> to vector<10000x128xf32>
    %add3A = arith.addf %get3A_5, %get3A_10 : vector<10000x128xf32>
    %get3A_11 = arith.constant 0 : index
    %get3A_12 = arith.constant 0 : index
    %get3A_13 = vector.load %arg1[%get3A_11, %get3A_12] : memref<10000x128xf32, #tpu.memory_space<vmem>>, vector<10000x128xf32>
    %add3A_14 = arith.addf %add3A, %get3A_13 : vector<10000x128xf32>
    %mul3A = vector.broadcast %reshape3A : vector<10000x1xf32> to vector<10000x128xf32>
    %mul3A_15 = arith.mulf %mul3A, %add3A_14 : vector<10000x128xf32>
    %get3A_16 = arith.constant 0 : index
    %get3A_17 = arith.constant 0 : index
    %get3A_18 = vector.load %arg3[%get3A_16, %get3A_17] : memref<128x64xf32, #tpu.memory_space<vmem>>, vector<128x64xf32>
    %dot_general3A = arith.constant dense<0.000000e+00> : vector<10000x64xf32>
    %dot_general3A_19 = tpu.matmul %mul3A_15, %get3A_18, %dot_general3A {dimension_numbers = #tpu.dot_dimension_numbers<[1], [0], [0], [1], [0, 0, 1, 1], [], []>, transpose_lhs_hint = false} : vector<10000x128xf32>, vector<128x64xf32>, vector<10000x64xf32> -> vector<10000x64xf32>
    %get3A_20 = arith.constant 0 : index
    %get3A_21 = arith.constant 0 : index
    %get3A_22 = vector.load %arg5[%get3A_20, %get3A_21] : memref<1x64xf32, #tpu.memory_space<vmem>>, vector<1x64xf32>
    %add3A_23 = vector.broadcast %get3A_22 : vector<1x64xf32> to vector<10000x64xf32>
    %add3A_24 = arith.addf %dot_general3A_19, %add3A_23 : vector<10000x64xf32>
    %swap3A = arith.constant 0 : index
    %swap3A_25 = arith.constant 0 : index
    %swap3A_26 = vector.load %arg7[%swap3A, %swap3A_25] : memref<10000x64xf32, #tpu.memory_space<vmem>>, vector<10000x64xf32>
    tpu.vector_store %arg7[%swap3A, %swap3A_25], %add3A_24 {strides = array<i32>} : memref<10000x64xf32, #tpu.memory_space<vmem>>, vector<10000x64xf32>,
    %get3A_27 = arith.constant 0 : index
    %get3A_28 = arith.constant 0 : index
    %get3A_29 = vector.load %arg4[%get3A_27, %get3A_28] : memref<128x64xf32, #tpu.memory_space<vmem>>, vector<128x64xf32>
    %dot_general3A_30 = arith.constant dense<0.000000e+00> : vector<10000x64xf32>
    %dot_general3A_31 = tpu.matmul %mul3A_15, %get3A_29, %dot_general3A_30 {dimension_numbers = #tpu.dot_dimension_numbers<[1], [0], [0], [1], [0, 0, 1, 1], [], []>, transpose_lhs_hint = false} : vector<10000x128xf32>, vector<128x64xf32>, vector<10000x64xf32> -> vector<10000x64xf32>
    %get3A_32 = arith.constant 0 : index
    %get3A_33 = arith.constant 0 : index
    %get3A_34 = vector.load %arg6[%get3A_32, %get3A_33] : memref<1x64xf32, #tpu.memory_space<vmem>>, vector<1x64xf32>
    %add3A_35 = vector.broadcast %get3A_34 : vector<1x64xf32> to vector<10000x64xf32>
    %add3A_36 = arith.addf %dot_general3A_31, %add3A_35 : vector<10000x64xf32>
    %swap3A_37 = arith.constant 0 : index
    %swap3A_38 = arith.constant 0 : index
    %swap3A_39 = vector.load %arg8[%swap3A_37, %swap3A_38] : memref<10000x64xf32, #tpu.memory_space<vmem>>, vector<10000x64xf32>
    tpu.vector_store %arg8[%swap3A_37, %swap3A_38], %add3A_36 {strides = array<i32>} : memref<10000x64xf32, #tpu.memory_space<vmem>>, vector<10000x64xf32>,
    return
  }
}

</mosaic_0001>

<sc_bundles>
// kernel: kernel.12.cloned.1.call-start
scs
__scs_entry_jumppad:
0x0: {  	(pc) =	sbr.rel $0x88, $3  }
0x1: {  	(tag) =	ssettag $0x0;
	lr =	simm.s32 $0x1  }
0x2: {  	[smem:$0x3F99] =	sst lr;
	_ =	strace $0xD0000000  }
0x3: {  	_ = 	snop  }
0x4: {  	_ = 	snop  }
0x5: {  	_ = 	snop  }
0x6: {  	_ = 	snop  }
0x7: {  	_ = 	snop  }
__scs_overlays_trampoline_lowered:
0x8: {  	[smem:$0x3FA8] =	sst s0  }
0x9: {  	[smem:$0x3FA9] =	sst s1  }
0xa: {  	[smem:$0x3FAA] =	sst s2  }
0xb: {  	[smem:$0x3FAB] =	sst s3  }
0xc: {  	[smem:$0x3FAC] =	sst s4  }
0xd: {  	[smem:$0x3FAD] =	sst s5  }
0xe: {  	[smem:$0x3FAE] =	sst s6  }
0xf: {  	[smem:$0x3FAF] =	sst s7  }
0x10: {  	[smem:$0x3FB0] =	sst s8  }
0x11: {  	[smem:$0x3FB1] =	sst s9;
	s0 =	simm.s32 @!p0 $0x0  }
0x12: {  	s1 =	sld [smem:$0x3F97];
	s0 =	simm.s32 @p0 $0x1  }
0x13: {  	[smem:$0x3FB2] =	sst s0;
	s0 =	simm.s32 @!p1 $0x0  }
0x14: {  	s2 =	sld [smem:$0x3F96];
	s0 =	simm.s32 @p1 $0x1  }
0x15: {  	[smem:$0x3FB3] =	sst s0;
	s0 =	simm.s32 @!p2 $0x0  }
0x16: {  	s3 =	sld [smem:$0x3FDB];
	s0 =	simm.s32 @p2 $0x1  }
0x17: {  	s4 =	simm.s32 $0x1BF5;
	[smem:$0x3FB5] =	sst s0  }
0x18: {  	s0 =	sld [smem:$0x3F98];
	_ =	swait.ge [sflag:s4], $0x0  }
0x19: {  	s7 =	sld [smem:$0x3F99]  }
0x1a: {  	s8 =	sadd.s32 $0xFFFFE003, lr  }
0x1b: {  	s9 =	sadd.s32 $0xFFFFFEF7, lr;
	s5 =	simm.s32 $0xFFFFFFFF;
	p2 =	slt.u32 s8, $0xFFFFF086  }
0x1c: {  	p1 =	slt.u32 s9, $0xF7A;
	s5 =	simm.s32 @!p2 $0x0  }
0x1d: {  	s5 =	simm.s32 @p1 $0x1;
	p0 =	seq.s32 s7, s2  }
0x1e: {  	s7 =	smul.u32 @!p0 $0xF7A, s2;
	p2 =	seq.s32 @!p0 s5, $0x0  }
0x1f: {  	s9 =	smul.u32 $0xF7A, s1;
	s8 =	simm.s32 @!p0 $0x1BF5;
	p2 =	por !p2, p0  }
0x20: {  	[sflag:s8] =	ssyncset.s32 @!p0 $0xFFFFF086;
	s6 =	sadd.s32 @!p0 s3, s7;
	s7 =	simm.s32 @!p0 $0x108  }
0x21: {  	s3 =	sadd.s32 s3, s9;
	s6 =	sadd.s32 @!p0 $0x88, s6;
	s7 =	simm.s32 @p2 $0x1082  }
0x22: {  	[simem:s7], [sflag:s8] =	dma.local @!p0 [hbm:s6], $0xF7A  }
0x23: {  	s9 =	sor.u32 $0xD0000000, s2;
	s6 =	simm.s32 $0x108;
	_ =	swait.ge @!p0 [sflag:s8], $0x0  }
0x24: {  	s3 =	sadd.s32 $0x88, s3;
	s6 =	simm.s32 @!p1 $0x1082;
	[sflag:s4] =	ssyncset.s32 $0xFFFFF086  }
0x25: {  	[simem:s6], [sflag:s4] =	dma.local [hbm:s3], $0xF7A  }
0x26: {  	[smem:$0x3F99] =	sst s1;
	(tag) =	ssettag s2;
	_ =	strace s9  }
0x27: {  	s1 =	sld [smem:$0x3FA9]  }
0x28: {  	s2 =	sld [smem:$0x3FAA]  }
0x29: {  	s4 =	sld [smem:$0x3FAC]  }
0x2a: {  	p0 =	seq.s32 s5, $0x0;
	s5 =	sld [smem:$0x3FAD]  }
0x2b: {  	s6 =	sld [smem:$0x3FAE]  }
0x2c: {  	s7 =	sld [smem:$0x3FAF]  }
0x2d: {  	s3 =	simm.s32 $0x108;
	s8 =	sld [smem:$0x3FB0]  }
0x2e: {  	s3 =	simm.s32 @!p0 $0x1082;
	s9 =	sld [smem:$0x3FB1]  }
0x2f: {  	lr =	sadd.s32 s0, s3;
	s0 =	sld [smem:$0x3FA8]  }
0x30: {  	s3 =	sld [smem:$0x3FAB]  }
0x31: {  	[smem:$0x3FB4] =	sst s10  }
0x32: {  	s10 =	sld [smem:$0x3FB2];
	_ =	sdelay $0x3  }
0x33: {  	p0 =	seq.s32 s10, $0x1;
	s10 =	sld [smem:$0x3FB4];
	_ =	sdelay $0x3  }
0x34: {  	[smem:$0x3FB4] =	sst s10  }
0x35: {  	s10 =	sld [smem:$0x3FB3];
	_ =	sdelay $0x3  }
0x36: {  	p1 =	seq.s32 s10, $0x1;
	s10 =	sld [smem:$0x3FB4];
	_ =	sdelay $0x3  }
0x37: {  	[smem:$0x3FB4] =	sst s10  }
0x38: {  	s10 =	sld [smem:$0x3FB5]  }
0x39: {  	_ = 	snop;
	(pc) =	sbr.ind lr, $3  }
0x3a: {  	_ = 	snop  }
0x3b: {  	_ = 	snop  }
0x3c: {  	p2 =	seq.s32 s10, $0x1;
	s10 =	sld [smem:$0x3FB4]  }
0x3d: {  	_ =	shalt  }
0x3e: {  	_ =	shalt  }
0x3f: {  	_ =	shalt  }
0x40: {  	_ =	shalt  }
0x41: {  	_ =	shalt  }
0x42: {  	_ =	shalt  }
0x43: {  	_ =	shalt  }
0x44: {  	_ =	shalt  }
0x45: {  	_ =	shalt  }
0x46: {  	_ =	shalt  }
0x47: {  	_ =	shalt  }
0x48: {  	_ =	shalt  }
0x49: {  	_ =	shalt  }
0x4a: {  	_ =	shalt  }
0x4b: {  	_ =	shalt  }
0x4c: {  	_ =	shalt  }
0x4d: {  	_ =	shalt  }
0x4e: {  	_ =	shalt  }
0x4f: {  	_ =	shalt  }
0x50: {  	_ =	shalt  }
0x51: {  	_ =	shalt  }
0x52: {  	_ =	shalt  }
0x53: {  	_ =	shalt  }
0x54: {  	_ =	shalt  }
0x55: {  	_ =	shalt  }
0x56: {  	_ =	shalt  }
0x57: {  	_ =	shalt  }
0x58: {  	_ =	shalt  }
0x59: {  	_ =	shalt  }
0x5a: {  	_ =	shalt  }
0x5b: {  	_ =	shalt  }
0x5c: {  	_ =	shalt  }
0x5d: {  	_ =	shalt  }
0x5e: {  	_ =	shalt  }
0x5f: {  	_ =	shalt  }
0x60: {  	_ =	shalt  }
0x61: {  	_ =	shalt  }
0x62: {  	_ =	shalt  }
0x63: {  	_ =	shalt  }
0x64: {  	_ =	shalt  }
0x65: {  	_ =	shalt  }
0x66: {  	_ =	shalt  }
0x67: {  	_ =	shalt  }
0x68: {  	_ =	shalt  }
0x69: {  	_ =	shalt  }
0x6a: {  	_ =	shalt  }
0x6b: {  	_ =	shalt  }
0x6c: {  	_ =	shalt  }
0x6d: {  	_ =	shalt  }
0x6e: {  	_ =	shalt  }
0x6f: {  	_ =	shalt  }
0x70: {  	_ =	shalt  }
0x71: {  	_ =	shalt  }
0x72: {  	_ =	shalt  }
0x73: {  	_ =	shalt  }
0x74: {  	_ =	shalt  }
0x75: {  	_ =	shalt  }
0x76: {  	_ =	shalt  }
0x77: {  	_ =	shalt  }
0x78: {  	_ =	shalt  }
0x79: {  	_ =	shalt  }
0x7a: {  	_ =	shalt  }
0x7b: {  	_ =	shalt  }
0x7c: {  	_ =	shalt  }
0x7d: {  	_ =	shalt  }
0x7e: {  	_ =	shalt  }
0x7f: {  	_ =	shalt  }
0x80: {  	_ =	shalt  }
0x81: {  	_ =	shalt  }
0x82: {  	_ =	shalt  }
0x83: {  	_ =	shalt  }
0x84: {  	_ =	shalt  }
0x85: {  	_ =	shalt  }
0x86: {  	_ =	shalt  }
0x87: {  	_ =	shalt  }
.Lfunc_end0:
.L_simem_size_0:
called_computation.1_lowered:
.L_overlay_start_0:
0x88: {  	s2 =	sld [smem:$0x3FD9]  }
0x89: {  	s3 =	sld [smem:$0x3FFE];
	_ =	sdelay $0x1  }
0x8a: {  	s1 =	srdreg.scid  }
0x8b: {  	s0 =	sand.u32 $0x1, s1  }
0x8c: {  	s14 =	sshll.u32 s0, $0xA;
	s2 =	sadd.s32 s3, s2  }
0x8d: {  	s2 =	sadd.s32 s2, s14  }
0x8e: {  	[smem:$0x3FC0] =	sst s2  }
0x8f: {  	_ = 	snop  }
0x90: {  	s2 =	sld [smem:$0x3FD0];
	_ =	sdelay $0x2  }
0x91: {  	s15 =	simm.s32 $0xA;
	s4 =	simm.s32 $0x10  }
0x92: {  	[smem:s4], [sflag:s15] =	dma.local [hbm:s2], $0x1  }
0x93: {  	_ =	swait.eq [sflag:s15], $0x1  }
0x94: {  	[sflag:s15] =	ssyncset.done $0x0  }
0x95: {  	[sflag:s15] =	ssyncadd.s32 $0xFFFFFFFF  }
0x96: {  	s16 =	sld [smem:$0x11];
	(tm) =	ssettm $0x1  }
0x97: {  	s17 =	sld [smem:$0x3FFB];
	_ =	sdelay $0x3  }
0x98: {  	_ =	strace s17  }
0x99: {  	s3 =	sld [smem:$0x3FFC];
	_ =	sdelay $0x3  }
0x9a: {  	_ =	strace s3  }
0x9b: {  	s3 =	sld [smem:$0x3FFD];
	_ =	sdelay $0x3  }
0x9c: {  	_ =	strace s3  }
0x9d: {  	_ =	strace $0x8FFFFFFF  }
0x9e: {  	s18 =	sld [smem:$0x3FDB];
	_ =	sdelay $0x1  }
0x9f: {  	s19 =	simm.s32 $_scs_section_size  }
0xa0: {  	s5 =	simm.s32 $_size__tile_overlayer_lowered;
	s6 =	simm.s32 $_tile_overlayer_lowered  }
0xa1: {  	s22 =	simm.s32 $0x1BFF;
	s21 =	sshll.u32 s6, $0x1;
	s3 =	sadd.s32 s19, s18  }
0xa2: {  	s7 =	simm.s32 $0x0;
	s20 =	sshll.u32 s5, $0x1;
	s5 =	sadd.s32 s21, s3  }
0xa3: {  	[timem:s7], [sflag:s22] =	dma.local [hbm:s5], s20  }
0xa4: {  	_ =	swait.ge [sflag:s22], s20  }
0xa5: {  	s4 =	ssub.s32 $0x0, s20;
	[sflag:s22] =	ssyncset.done $0x0  }
0xa6: {  	[sflag:s22] =	ssyncadd.s32 s4;
	_ =	sdelay $0x1  }
0xa7: {  	s23 =	simm.s32 $0x1B8B  }
0xa8: {  	_ =	swait.ge [sflag:s23], $0x1  }
0xa9: {  	[sflag:s23] =	ssyncset.done $0x0  }
0xaa: {  	s25 =	simm.s32 $0x1B8E;
	s24 =	sld [smem:$0x3FFE];
	[sflag:s23] =	ssyncadd.s32 $0xFFFFFFFF  }
0xab: {  	s26 =	simm.s32 $execute0_lowered;
	[smem:$0x3FD2] =	sst s25  }
0xac: {  	s5 =	sshll.u32 s26, $0x1;
	_ =	strace $0x80000049;
	[dreg:$0x1] =	wrdreg $0xFFFFFFFF  }
0xad: {  	s28 =	simm.s32 $_size_execute0_lowered;
	s3 =	sadd.s32 s3, s5;
	[dreg:$0x0] =	wrdreg $0x0  }
0xae: {  	s5 =	sshll.u32 s28, $0x1;
	[dreg:$0x2] =	wrdreg s3  }
0xaf: {  	[dreg:$0x3] =	wrdreg s5  }
0xb0: {  	[dreg:$0x4] =	wrdreg $0xC0  }
0xb1: {  	_ =	task [dreg:s7], $0x5FFFF  }
0xb2: {  	[dreg:$0x1] =	wrdreg $0xFFFFFFFF  }
0xb3: {  	[dreg:$0x0] =	wrdreg $0x60  }
0xb4: {  	[dreg:$0x2] =	wrdreg s16  }
0xb5: {  	[dreg:$0x3] =	wrdreg s24  }
0xb6: {  	[dreg:$0x4] =	wrdreg $0xA4000  }
0xb7: {  	[dreg:$0x5] =	wrdreg $0x9  }
0xb8: {  	_ =	task.clear_ibuf [dreg:s7], $0x6FFFF;
	_ =	strace $0x90000049  }
0xb9: {  	s29 =	simm.s32 $0x9;
	_ =	strace $0x8000004B  }
0xba: {  	_ =	swait.ge [sflag:s29], $0x1  }
0xbb: {  	[sflag:s29] =	ssyncadd.s32 $0xFFFFFFFF  }
0xbc: {  	_ =	strace $0x9000004B  }
0xbd: {  	_ =	sfence  }
0xbe: {  	s30 =	sld [smem:$0x0];
	_ =	sdelay $0x2  }
0xbf: {  	s31 =	sshll.u32 s1, $0xD;
	s1 =	sshrl.u32 s1, $0x2  }
0xc0: {  	s3 =	sand.u32 $0x4000, s31;
	s1 =	sadd.s32 s1, s30  }
0xc1: {  	s0 =	sor.u32 s3, s0;
	s1 =	sshll.u32 s1, $0x11  }
0xc2: {  	s0 =	sor.u32 s1, s0  }
0xc3: {  	s0 =	sadd.s32 $0x8F2B, s0  }
0xc4: {  	[sflag:s0] =	ssyncadd.remote.s32 $0x1  }
0xc5: {  	_ =	sfence.sel $0xFFFF  }
0xc6: {  	[dreg:$0x0] =	wrdreg $0xFFFFFFFF;
	(pc) =	sbr.abs _section_cstart, $3  }
0xc7: {  	[dreg:$0x1] =	wrdreg $0xFFFFFFFF  }
0xc8: {  	_ =	task.clear_ibuf [dreg:s7], $0x2FFFF;
	_ =	strace $0x9FFFFFFF  }
0xc9: {  	(tm) =	ssettm $0x7FFFFFFF  }
tec
execute0_lowered:
.L_overlay_start_1:
0x0: {  	(tag) =	ssettag $0x1  }
0x1: {  	s0 =	rddreg [dreg:$0x0]  }
0x2: {  	s1 =	rddreg [dreg:$0x1];
	s3 =	srdreg.scid  }
0x3: {  	s11 =	stileid.u32;
	s2 =	rddreg [dreg:$0x2]  }
0x4: {  	s28 =	simm.s32 $0x200;
	s29 =	simm.s32 $0x80;
	s30 =	simm.s32 $0x280  }
0x5: {  	s31 =	simm.s32 $0x1;
	s5 =	sand.u32 $0x1, s3;
	s9 =	smul.u32 $0x4E000, s11  }
0x6: {  	s4 =	sshll.u32 s11, $0x1;
	s3 =	simm.s32 $0x0;
	s25 =	smul.u32 $0x13800, s11  }
0x7: {  	s10 =	sadd.s32 $0x2A200, s1;
	s14 =	smul.u32 $0x4E20, s11;
	s19 =	sadd.s32 $0x138000, s2  }
0x8: {  	p0 =	sne.s32 s11, $0xF;
	s4 =	sor.u32 s5, s4;
	s23 =	smul.u32 $0x138800, s5  }
0x9: {  	[smem:$0x7FF] =	sst s3;
	s7 =	ssub.s32 $0x2, s5;
	s5 =	smul.u32 $0x2710, s5  }
0xa: {  	s11 =	simm.s32 $0x2;
	s6 =	smul.u32 $0x2710, s4;
	_ =	strace $0x8000004A  }
0xb: {  	s4 =	sadd.s32 $0x3000, s1;
	s8 =	sshrl.u32 s7, $0x1;
	s22 =	sshrl.u32 s9, $0x2  }
0xc: {  	[dreg:$0x18] =	wrdreg s19;
	s1 =	ssub.s32 s7, s8;
	s9 =	sadd.s32 s22, s2  }
0xd: {  	s5 =	sadd.s32 s5, s14;
	s13 =	sadd.s32 $0x2800, s9;
	[dreg:$0xf] =	wrdreg s9  }
0xe: {  	s21 =	sshrl.u32 s23, $0x3;
	s15 =	sadd.s32 $0x7800, s9;
	[dreg:$0x11] =	wrdreg s13  }
0xf: {  	s6 =	sshrl.u32 s6, $0x3;
	s16 =	sadd.s32 $0xA000, s9;
	[dreg:$0x13] =	wrdreg s15  }
0x10: {  	s17 =	sadd.s32 $0xC800, s9;
	s18 =	sadd.s32 $0xF000, s9;
	[dreg:$0x14] =	wrdreg s16  }
0x11: {  	s20 =	sadd.s32 $0x280, s5;
	s12 =	sadd.s32 s0, s6;
	[dreg:$0x15] =	wrdreg s17  }
0x12: {  	s13 =	sadd.s32 $0x5000, s9;
	[dreg:$0x16] =	wrdreg s18;
	s9 =	sadd.s32 $0x11800, s9  }
0x13: {  	s22 =	sshrl.u32 s20, $0x3;
	s15 =	sadd.s32 $0x4E3E0, s5;
	[dreg:$0x12] =	wrdreg s13  }
0x14: {  	s18 =	sadd.s32 $0x190, s5;
	s6 =	sadd.s32 $0x9C40, s12;
	[dreg:$0x17] =	wrdreg s9  }
0x15: {  	s24 =	sadd.s32 $0xA, s12;
	s26 =	sadd.s32 $0x9C4A, s12;
	[dreg:$0xc] =	wrdreg s12  }
0x16: {  	s7 =	sadd.s32 s22, s0;
	s13 =	sadd.s32 $0x1E0, s5;
	[dreg:$0xd] =	wrdreg s6  }
0x17: {  	s16 =	sadd.s32 $0x14, s12;
	s19 =	sshrl.u32 s18, $0x3;
	[dreg:$0xe] =	wrdreg s24  }
0x18: {  	s20 =	sadd.s32 $0x9C54, s12;
	s22 =	sadd.s32 $0x9C5E, s12;
	[dreg:$0x10] =	wrdreg s26  }
0x19: {  	s18 =	simm.s32 $0x5400;
	s6 =	sadd.s32 s25, s23;
	[dreg:$0x4] =	wrdreg s7  }
0x1a: {  	s23 =	sadd.s32 $0x4E480, s5;
	s25 =	sadd.s32 $0x230, s5;
	[dreg:$0x1a] =	wrdreg s16  }
0x1b: {  	s26 =	sadd.s32 $0x4E430, s5;
	s14 =	sshrl.u32 s13, $0x3;
	[dreg:$0x1b] =	wrdreg s20  }
0x1c: {  	s5 =	sadd.s32 $0x4E390, s5;
	[dreg:$0x1d] =	wrdreg s22;
	s13 =	simm.s32 $0x5  }
0x1d: {  	s16 =	simm.s32 $0x3;
	s20 =	simm.s32 $0x9;
	s22 =	simm.s32 $0x7  }
0x1e: {  	s6 =	sshrl.u32 s6, $0x3;
	s24 =	sshrl.u32 s23, $0x3;
	s8 =	sshrl.u32 s25, $0x3  }
0x1f: {  	s9 =	sshrl.u32 s26, $0x3;
	s5 =	sshrl.u32 s5, $0x3;
	s23 =	sadd.s32 $0x28, s12  }
0x20: {  	s25 =	smax.u32 s1, $0x1;
	s26 =	sadd.s32 $0x9C68, s12;
	[dreg:$0x1e] =	wrdreg s23  }
0x21: {  	s1 =	simm.s32 $0x50;
	s6 =	sadd.s32 s10, s6;
	[smem:$0x7FC] =	sst s25  }
0x22: {  	s7 =	sadd.s32 s24, s0;
	s8 =	sadd.s32 s8, s0;
	[smem:$0x7FD] =	sst s26  }
0x23: {  	s23 =	simm.s32 $0xA;
	s25 =	simm.s32 $0xB;
	[dreg:$0x19] =	wrdreg s6  }
0x24: {  	s26 =	simm.s32 $0xC;
	s6 =	sadd.s32 s10, s21;
	[dreg:$0x5] =	wrdreg s7  }
0x25: {  	[dreg:$0x6] =	wrdreg s8;
	s10 =	sadd.s32 s9, s0;
	s7 =	sadd.s32 s14, s0  }
0x26: {  	s8 =	sshrl.u32 s15, $0x3;
	s21 =	sadd.s32 $0x1E, s12;
	s9 =	simm.s32 $0x100  }
0x27: {  	s12 =	simm.s32 $0x2C00;
	s14 =	simm.s32 $0x180;
	[dreg:$0x7] =	wrdreg s10  }
0x28: {  	s15 =	simm.s32 $0x380;
	[dreg:$0x8] =	wrdreg s7;
	s17 =	sadd.s32 s8, s0  }
0x29: {  	s7 =	sadd.s32 s19, s0;
	[dreg:$0x1c] =	wrdreg s21;
	s0 =	sadd.s32 s5, s0  }
0x2a: {  	s24 =	sadd.s32 $0x27000, s6;
	s6 =	simm.s32 $0x7C00;
	[dreg:$0x9] =	wrdreg s17  }
0x2b: {  	s10 =	simm.s32 $0x300;
	s19 =	simm.s32 $0x6;
	[dreg:$0xa] =	wrdreg s7  }
0x2c: {  	s21 =	simm.s32 $0x4;
	s8 =	simm.s32 $0x0;
	[dreg:$0xb] =	wrdreg s0  }
0x2d: {  	v0 =	vimm.f32 $0.0e+00;
	[dreg:$0x1f] =	wrdreg s24;
	s0 =	simm.s32 $0x400;
	s24 =	simm.s32 $0x8  }
.LBB2_1:
0x2e: {  	[smem:$0x7FB] =	sst s8  }
0x2f: {  	s5 =	rddreg [dreg:$0xc]  }
0x30: {  	[tilespmem:s3], [sflag:$0x1] =	stream.linear.gather [hbm4b:s5+s3], $0x50, $0x38;
	[tilespmem:$0x1DC80] =	vst v63  }
0x31: {  	s7 =	rddreg [dreg:$0xd]  }
0x32: {  	[tilespmem:s28], [sflag:$0x1] =	stream.linear.gather [hbm4b:s7+s3], $0x50, $0x38;
	[tilespmem:$0x1DC80] =	vst v63  }
0x33: {  	s8 =	rddreg [dreg:$0xe]  }
0x34: {  	[tilespmem:s29], [sflag:$0x2] =	stream.linear.gather [hbm4b:s8+s3], $0x50, $0x38;
	[tilespmem:$0x1DC80] =	vst v63  }
0x35: {  	s17 =	rddreg [dreg:$0x10]  }
0x36: {  	[tilespmem:s30], [sflag:$0x2] =	stream.linear.gather [hbm4b:s17+s3], $0x50, $0x38;
	[tilespmem:$0x1DC80] =	vst v63  }
0x37: {  	_ =	swait.ge [sflag:s31], $0x50  }
0x38: {  	[sflag:s31] =	ssyncset.done $0x0  }
0x39: {  	[sflag:s31] =	ssyncadd.s32 $0xFFFFFFB0  }
0x3a: {  	_ =	swait.ge [sflag:s31], $0x50  }
0x3b: {  	[sflag:s31] =	ssyncset.done $0x0  }
0x3c: {  	s8 =	simm.s32 $0x0;
	s17 =	simm.s32 $0x200;
	[sflag:s31] =	ssyncadd.s32 $0xFFFFFFB0  }
0x3d: {  	[tilespmem:s0], [sflag:$0x5] =	stream.indirect.gather [hbm4b:s4+s1], $0x80, s3, s1, $0xb8;
	[tilespmem:$0x1DC80] =	vst v63  }
.LBB2_2:
0x3e: {  	p1 =	sne.s32 s17, $0x9E00;
	[tilespmem:s8+$0x7C70] =	vst v0  }
0x3f: {  	[tilespmem:s8+$0x7C00] =	vst v0  }
0x40: {  	[tilespmem:s8+$0x7C10] =	vst v0  }
.Ltmp0:
0x41: {  	[tilespmem:s8+$0x7C20] =	vst v0;
	(pc) =	sbr.rel @p1 .LBB2_2-.Ltmp0, $4  }
0x42: {  	[tilespmem:s8+$0x7C30] =	vst v0  }
0x43: {  	[tilespmem:s8+$0x7C40] =	vst v0  }
0x44: {  	[tilespmem:s8+$0x7C50] =	vst v0  }
0x45: {  	[tilespmem:s8+$0x7C60] =	vst v0;
	s8 =	sshra.s32 s17, $0x2;
	s17 =	sadd.s32 $0x200, s17  }
0x46: {  	[tilespmem:s8+$0x7C70] =	vst v0  }
0x47: {  	[tilespmem:s8+$0x7C00] =	vst v0  }
0x48: {  	[tilespmem:s8+$0x7C10] =	vst v0  }
0x49: {  	[tilespmem:s8+$0x7C20] =	vst v0  }
0x4a: {  	[tilespmem:s8+$0x7C30] =	vst v0  }
0x4b: {  	[tilespmem:s8+$0x7C40] =	vst v0  }
0x4c: {  	[tilespmem:s8+$0x7C50] =	vst v0  }
0x4d: {  	[tilespmem:s8+$0x7C60] =	vst v0;
	s5 =	rddreg [dreg:$0xf];
	s7 =	simm.s32 $0xD  }
0x4e: {  	[spmem:s5] =	stream.linear.scatter [tilespmem:s6], [sflag:$0xD], $0x2800, $0x38;
	[tilespmem:$0x1DC80] =	vst v63  }
0x4f: {  	_ =	swait.ge [sflag:s7], $0x2800  }
0x50: {  	[sflag:s7] =	ssyncset.done $0x0  }
0x51: {  	s17 =	rddreg [dreg:$0x11];
	[sflag:s7] =	ssyncadd.s32 $0xFFFFD800  }
0x52: {  	[spmem:s17] =	stream.linear.scatter [tilespmem:s6], [sflag:$0xD], $0x2800, $0x38;
	[tilespmem:$0x1DC80] =	vst v63  }
0x53: {  	_ =	swait.ge [sflag:s7], $0x2800  }
0x54: {  	[sflag:s7] =	ssyncset.done $0x0  }
0x55: {  	s8 =	rddreg [dreg:$0x12];
	[sflag:s7] =	ssyncadd.s32 $0xFFFFD800  }
0x56: {  	[spmem:s8] =	stream.linear.scatter [tilespmem:s6], [sflag:$0xD], $0x2800, $0x38;
	[tilespmem:$0x1DC80] =	vst v63  }
0x57: {  	_ =	swait.ge [sflag:s7], $0x2800  }
0x58: {  	[sflag:s7] =	ssyncset.done $0x0  }
0x59: {  	s17 =	rddreg [dreg:$0x13];
	[sflag:s7] =	ssyncadd.s32 $0xFFFFD800  }
0x5a: {  	[spmem:s17] =	stream.linear.scatter [tilespmem:s6], [sflag:$0xD], $0x2800, $0x38;
	[tilespmem:$0x1DC80] =	vst v63  }
0x5b: {  	_ =	swait.ge [sflag:s7], $0x2800  }
0x5c: {  	[sflag:s7] =	ssyncset.done $0x0  }
0x5d: {  	s8 =	rddreg [dreg:$0x14];
	[sflag:s7] =	ssyncadd.s32 $0xFFFFD800  }
0x5e: {  	[spmem:s8] =	stream.linear.scatter [tilespmem:s6], [sflag:$0xD], $0x2800, $0x38;
	[tilespmem:$0x1DC80] =	vst v63  }
0x5f: {  	_ =	swait.ge [sflag:s7], $0x2800  }
0x60: {  	[sflag:s7] =	ssyncset.done $0x0  }
0x61: {  	s17 =	rddreg [dreg:$0x15];
	[sflag:s7] =	ssyncadd.s32 $0xFFFFD800  }
0x62: {  	[spmem:s17] =	stream.linear.scatter [tilespmem:s6], [sflag:$0xD], $0x2800, $0x38;
	[tilespmem:$0x1DC80] =	vst v63  }
0x63: {  	_ =	swait.ge [sflag:s7], $0x2800  }
0x64: {  	[sflag:s7] =	ssyncset.done $0x0  }
0x65: {  	s8 =	rddreg [dreg:$0x16];
	[sflag:s7] =	ssyncadd.s32 $0xFFFFD800  }
0x66: {  	[spmem:s8] =	stream.linear.scatter [tilespmem:s6], [sflag:$0xD], $0x2800, $0x38;
	[tilespmem:$0x1DC80] =	vst v63  }
0x67: {  	_ =	swait.ge [sflag:s7], $0x2800  }
0x68: {  	[sflag:s7] =	ssyncset.done $0x0  }
0x69: {  	s17 =	rddreg [dreg:$0x17];
	[sflag:s7] =	ssyncadd.s32 $0xFFFFD800  }
0x6a: {  	[spmem:s17] =	stream.linear.scatter [tilespmem:s6], [sflag:$0xD], $0x2000, $0x38;
	[tilespmem:$0x1DC80] =	vst v63  }
0x6b: {  	_ =	swait.ge [sflag:s7], $0x2000  }
0x6c: {  	[sflag:s7] =	ssyncset.done $0x0  }
0x6d: {  	s8 =	simm.s32 @!p0 $0x7C00;
	s5 =	rddreg [dreg:$0x18];
	[sflag:s7] =	ssyncadd.s32 $0xFFFFE000  }
0x6e: {  	[spmem:s5] =	stream.linear.scatter @!p0 [tilespmem:s8], [sflag:$0xD], $0x800, $0x38;
	[tilespmem:$0x1DC80] =	vst v63  }
0x6f: {  	s8 =	simm.s32 @!p0 $0xD  }
0x70: {  	_ =	swait.ge @!p0 [sflag:s8], $0x800  }
0x71: {  	[sflag:s8] =	ssyncset.done @!p0 $0x0  }
0x72: {  	[sflag:s8] =	ssyncadd.s32 @!p0 $0xFFFFF800  }
0x73: {  	[bflag:$0x0] =	sbarrier.arrive $0xFFFF  }
0x74: {  	s8 =	simm.s32 $0x0;
	s7 =	rddreg [dreg:$0x1a]  }
0x75: {  	[tilespmem:s9], [sflag:$0x3] =	stream.linear.gather [hbm4b:s7+s8], $0x50, $0x38;
	[tilespmem:$0x1DC80] =	vst v63  }
0x76: {  	s17 =	rddreg [dreg:$0x1b]  }
0x77: {  	[tilespmem:s10], [sflag:$0x3] =	stream.linear.gather [hbm4b:s17+s8], $0x50, $0x38;
	[tilespmem:$0x1DC80] =	vst v63  }
0x78: {  	_ =	swait.ge [sflag:s11], $0x50  }
0x79: {  	[sflag:s11] =	ssyncset.done $0x0  }
0x7a: {  	[sflag:s11] =	ssyncadd.s32 $0xFFFFFFB0  }
0x7b: {  	_ =	swait.ge [sflag:s11], $0x50  }
0x7c: {  	[sflag:s11] =	ssyncset.done $0x0  }
0x7d: {  	[sflag:s11] =	ssyncadd.s32 $0xFFFFFFB0  }
0x7e: {  	[tilespmem:s12], [sflag:$0x6] =	stream.indirect.gather [hbm4b:s4+s1], $0x80, s29, s1, $0xb8;
	[tilespmem:$0x1DC80] =	vst v63  }
0x7f: {  	_ =	swait.ge [sflag:s13], $0x2800  }
0x80: {  	[sflag:s13] =	ssyncset.done $0x0  }
0x81: {  	[sflag:s13] =	ssyncadd.s32 $0xFFFFD800  }
0x82: {  	[spmem:s2] =	stream.indirect.scatter.add.f32 [tilespmem:s0], [sflag:$0x9], $0x80, s28, s1, $0xb8;
	[tilespmem:$0x1DC80] =	vst v63  }
0x83: {  	s7 =	rddreg [dreg:$0x1c]  }
0x84: {  	[tilespmem:s14], [sflag:$0x4] =	stream.linear.gather [hbm4b:s7+s8], $0x50, $0x38;
	[tilespmem:$0x1DC80] =	vst v63  }
0x85: {  	s17 =	rddreg [dreg:$0x1d]  }
0x86: {  	[tilespmem:s15], [sflag:$0x4] =	stream.linear.gather [hbm4b:s17+s8], $0x50, $0x38;
	[tilespmem:$0x1DC80] =	vst v63  }
0x87: {  	_ =	swait.ge [sflag:s16], $0x50  }
0x88: {  	[sflag:s16] =	ssyncset.done $0x0  }
0x89: {  	[sflag:s16] =	ssyncadd.s32 $0xFFFFFFB0  }
0x8a: {  	_ =	swait.ge [sflag:s16], $0x50  }
0x8b: {  	[sflag:s16] =	ssyncset.done $0x0  }
0x8c: {  	[sflag:s16] =	ssyncadd.s32 $0xFFFFFFB0  }
0x8d: {  	[tilespmem:s18], [sflag:$0x7] =	stream.indirect.gather [hbm4b:s4+s1], $0x80, s9, s1, $0xb8;
	[tilespmem:$0x1DC80] =	vst v63  }
0x8e: {  	_ =	swait.ge [sflag:s19], $0x2800  }
0x8f: {  	[sflag:s19] =	ssyncset.done $0x0  }
0x90: {  	[sflag:s19] =	ssyncadd.s32 $0xFFFFD800  }
0x91: {  	[spmem:s2] =	stream.indirect.scatter.add.f32 [tilespmem:s12], [sflag:$0xA], $0x80, s30, s1, $0xb8;
	[tilespmem:$0x1DC80] =	vst v63  }
0x92: {  	_ =	swait.ge [sflag:s20], $0x2800  }
0x93: {  	[sflag:s20] =	ssyncset.done $0x0;
	s7 =	rddreg [dreg:$0x1e]  }
0x94: {  	s17 =	sld [smem:$0x7FD];
	[sflag:s20] =	ssyncadd.s32 $0xFFFFD800  }
0x95: {  	[tilespmem:s8], [sflag:$0x1] =	stream.linear.gather [hbm4b:s7+s8], $0x50, $0x38;
	[tilespmem:$0x1DC80] =	vst v63  }
0x96: {  	_ = 	snop  }
0x97: {  	[tilespmem:s28], [sflag:$0x1] =	stream.linear.gather [hbm4b:s17+s8], $0x50, $0x38;
	[tilespmem:$0x1DC80] =	vst v63  }
0x98: {  	_ =	swait.ge [sflag:s21], $0x50  }
0x99: {  	[sflag:s21] =	ssyncset.done $0x0  }
0x9a: {  	[sflag:s21] =	ssyncadd.s32 $0xFFFFFFB0  }
0x9b: {  	_ =	swait.ge [sflag:s21], $0x50  }
0x9c: {  	[sflag:s21] =	ssyncset.done $0x0  }
0x9d: {  	[sflag:s21] =	ssyncadd.s32 $0xFFFFFFB0  }
0x9e: {  	[tilespmem:s6], [sflag:$0x8] =	stream.indirect.gather [hbm4b:s4+s1], $0x80, s14, s1, $0xb8;
	[tilespmem:$0x1DC80] =	vst v63  }
0x9f: {  	_ =	swait.ge [sflag:s22], $0x2800  }
0xa0: {  	[sflag:s22] =	ssyncset.done $0x0  }
0xa1: {  	[sflag:s22] =	ssyncadd.s32 $0xFFFFD800  }
0xa2: {  	[spmem:s2] =	stream.indirect.scatter.add.f32 [tilespmem:s18], [sflag:$0xB], $0x80, s10, s1, $0xb8;
	[tilespmem:$0x1DC80] =	vst v63  }
0xa3: {  	_ =	swait.ge [sflag:s23], $0x2800  }
0xa4: {  	s7 =	rddreg [dreg:$0xa];
	[sflag:s23] =	ssyncset.done $0x0  }
0xa5: {  	s17 =	rddreg [dreg:$0xb];
	[sflag:s23] =	ssyncadd.s32 $0xFFFFD800;
	s8 =	sadd.s32 $0x0, s7  }
0xa6: {  	[tilespmem:s29], [sflag:$0x2] =	stream.linear.gather [hbm4b:s8+s3], $0x50, $0x38;
	[tilespmem:$0x1DC80] =	vst v63  }
0xa7: {  	s17 =	sadd.s32 $0x0, s17  }
0xa8: {  	[tilespmem:s30], [sflag:$0x2] =	stream.linear.gather [hbm4b:s17+s3], $0x50, $0x38;
	[tilespmem:$0x1DC80] =	vst v63  }
0xa9: {  	_ =	swait.ge [sflag:s31], $0x50  }
0xaa: {  	[sflag:s31] =	ssyncset.done $0x0  }
0xab: {  	[sflag:s31] =	ssyncadd.s32 $0xFFFFFFB0  }
0xac: {  	_ =	swait.ge [sflag:s31], $0x50  }
0xad: {  	[sflag:s31] =	ssyncset.done $0x0  }
0xae: {  	[sflag:s31] =	ssyncadd.s32 $0xFFFFFFB0  }
0xaf: {  	[tilespmem:s0], [sflag:$0x5] =	stream.indirect.gather [hbm4b:s4+s1], $0x80, s3, s1, $0xb8;
	[tilespmem:$0x1DC80] =	vst v63  }
0xb0: {  	_ =	swait.ge [sflag:s24], $0x2800  }
0xb1: {  	[sflag:s24] =	ssyncset.done $0x0  }
0xb2: {  	[sflag:s24] =	ssyncadd.s32 $0xFFFFD800  }
0xb3: {  	[spmem:s2] =	stream.indirect.scatter.add.f32 [tilespmem:s6], [sflag:$0xC], $0x80, s15, s1, $0xb8;
	[tilespmem:$0x1DC80] =	vst v63  }
0xb4: {  	_ =	swait.ge [sflag:s25], $0x2800  }
0xb5: {  	s5 =	rddreg [dreg:$0x8];
	[sflag:s25] =	ssyncset.done $0x0  }
0xb6: {  	s7 =	rddreg [dreg:$0x9];
	[sflag:s25] =	ssyncadd.s32 $0xFFFFD800;
	s8 =	sadd.s32 $0x0, s5  }
0xb7: {  	[tilespmem:s9], [sflag:$0x3] =	stream.linear.gather [hbm4b:s8+s3], $0x50, $0x38;
	[tilespmem:$0x1DC80] =	vst v63  }
0xb8: {  	s17 =	sadd.s32 $0x0, s7  }
0xb9: {  	[tilespmem:s10], [sflag:$0x3] =	stream.linear.gather [hbm4b:s17+s3], $0x50, $0x38;
	[tilespmem:$0x1DC80] =	vst v63  }
0xba: {  	_ =	swait.ge [sflag:s11], $0x50  }
0xbb: {  	[sflag:s11] =	ssyncset.done $0x0  }
0xbc: {  	[sflag:s11] =	ssyncadd.s32 $0xFFFFFFB0  }
0xbd: {  	_ =	swait.ge [sflag:s11], $0x50  }
0xbe: {  	[sflag:s11] =	ssyncset.done $0x0  }
0xbf: {  	[sflag:s11] =	ssyncadd.s32 $0xFFFFFFB0  }
0xc0: {  	[tilespmem:s12], [sflag:$0x6] =	stream.indirect.gather [hbm4b:s4+s1], $0x80, s29, s1, $0xb8;
	[tilespmem:$0x1DC80] =	vst v63  }
0xc1: {  	_ =	swait.ge [sflag:s13], $0x2800  }
0xc2: {  	[sflag:s13] =	ssyncset.done $0x0  }
0xc3: {  	[sflag:s13] =	ssyncadd.s32 $0xFFFFD800  }
0xc4: {  	[spmem:s2] =	stream.indirect.scatter.add.f32 [tilespmem:s0], [sflag:$0x9], $0x80, s28, s1, $0xb8;
	[tilespmem:$0x1DC80] =	vst v63  }
0xc5: {  	_ =	swait.ge [sflag:s26], $0x2800  }
0xc6: {  	s5 =	rddreg [dreg:$0x6];
	[sflag:s26] =	ssyncset.done $0x0  }
0xc7: {  	s7 =	rddreg [dreg:$0x7];
	[sflag:s26] =	ssyncadd.s32 $0xFFFFD800;
	s8 =	sadd.s32 $0x0, s5  }
0xc8: {  	[tilespmem:s14], [sflag:$0x4] =	stream.linear.gather [hbm4b:s8+s3], $0x50, $0x38;
	[tilespmem:$0x1DC80] =	vst v63  }
0xc9: {  	s17 =	sadd.s32 $0x0, s7  }
0xca: {  	[tilespmem:s15], [sflag:$0x4] =	stream.linear.gather [hbm4b:s17+s3], $0x50, $0x38;
	[tilespmem:$0x1DC80] =	vst v63  }
0xcb: {  	_ =	swait.ge [sflag:s16], $0x50  }
0xcc: {  	[sflag:s16] =	ssyncset.done $0x0  }
0xcd: {  	[sflag:s16] =	ssyncadd.s32 $0xFFFFFFB0  }
0xce: {  	_ =	swait.ge [sflag:s16], $0x50  }
0xcf: {  	[sflag:s16] =	ssyncset.done $0x0  }
0xd0: {  	[sflag:s16] =	ssyncadd.s32 $0xFFFFFFB0  }
0xd1: {  	[tilespmem:s18], [sflag:$0x7] =	stream.indirect.gather [hbm4b:s4+s1], $0x80, s9, s1, $0xb8;
	[tilespmem:$0x1DC80] =	vst v63  }
0xd2: {  	_ =	swait.ge [sflag:s19], $0x2800  }
0xd3: {  	[sflag:s19] =	ssyncset.done $0x0  }
0xd4: {  	[sflag:s19] =	ssyncadd.s32 $0xFFFFD800  }
0xd5: {  	[spmem:s2] =	stream.indirect.scatter.add.f32 [tilespmem:s12], [sflag:$0xA], $0x80, s30, s1, $0xb8;
	[tilespmem:$0x1DC80] =	vst v63  }
0xd6: {  	_ =	swait.ge [sflag:s20], $0x2800  }
0xd7: {  	s5 =	rddreg [dreg:$0x4];
	[sflag:s20] =	ssyncset.done $0x0  }
0xd8: {  	s7 =	rddreg [dreg:$0x5];
	[sflag:s20] =	ssyncadd.s32 $0xFFFFD800;
	s8 =	sadd.s32 $0x0, s5  }
0xd9: {  	[tilespmem:s3], [sflag:$0x1] =	stream.linear.gather [hbm4b:s8+s3], $0x50, $0x38;
	[tilespmem:$0x1DC80] =	vst v63  }
0xda: {  	s17 =	sadd.s32 $0x0, s7  }
0xdb: {  	[tilespmem:s28], [sflag:$0x1] =	stream.linear.gather [hbm4b:s17+s3], $0x50, $0x38;
	[tilespmem:$0x1DC80] =	vst v63  }
0xdc: {  	_ =	swait.ge [sflag:s21], $0x50  }
0xdd: {  	[sflag:s21] =	ssyncset.done $0x0  }
0xde: {  	[sflag:s21] =	ssyncadd.s32 $0xFFFFFFB0  }
0xdf: {  	_ =	swait.ge [sflag:s21], $0x50  }
0xe0: {  	[sflag:s21] =	ssyncset.done $0x0  }
0xe1: {  	[sflag:s21] =	ssyncadd.s32 $0xFFFFFFB0  }
0xe2: {  	[tilespmem:s6], [sflag:$0x8] =	stream.indirect.gather [hbm4b:s4+s1], $0x80, s14, s1, $0xb8;
	[tilespmem:$0x1DC80] =	vst v63  }
0xe3: {  	_ =	swait.ge [sflag:s22], $0x2800  }
0xe4: {  	[sflag:s22] =	ssyncset.done $0x0  }
0xe5: {  	s17 =	simm.s32 $0x28;
	[sflag:s22] =	ssyncadd.s32 $0xFFFFD800  }
.LBB2_4:
0xe6: {  	[spmem:s2] =	stream.indirect.scatter.add.f32 [tilespmem:s18], [sflag:$0xB], $0x80, s10, s1, $0xb8;
	[tilespmem:$0x1DC80] =	vst v63  }
0xe7: {  	_ =	swait.ge [sflag:s23], $0x2800  }
0xe8: {  	s8 =	smov.u32 s17;
	s5 =	rddreg [dreg:$0xa];
	[sflag:s23] =	ssyncset.done $0x0  }
0xe9: {  	s7 =	rddreg [dreg:$0xb];
	[sflag:s23] =	ssyncadd.s32 $0xFFFFD800;
	s5 =	sadd.s32 s8, s5  }
0xea: {  	[tilespmem:s29], [sflag:$0x2] =	stream.linear.gather [hbm4b:s5+s3], $0x50, $0x38;
	[tilespmem:$0x1DC80] =	vst v63  }
0xeb: {  	s7 =	sadd.s32 s8, s7  }
0xec: {  	[tilespmem:s30], [sflag:$0x2] =	stream.linear.gather [hbm4b:s7+s3], $0x50, $0x38;
	[tilespmem:$0x1DC80] =	vst v63  }
0xed: {  	_ =	swait.ge [sflag:s31], $0x50  }
0xee: {  	[sflag:s31] =	ssyncset.done $0x0  }
0xef: {  	[sflag:s31] =	ssyncadd.s32 $0xFFFFFFB0  }
0xf0: {  	_ =	swait.ge [sflag:s31], $0x50  }
0xf1: {  	[sflag:s31] =	ssyncset.done $0x0  }
0xf2: {  	[sflag:s31] =	ssyncadd.s32 $0xFFFFFFB0  }
0xf3: {  	[tilespmem:s0], [sflag:$0x5] =	stream.indirect.gather [hbm4b:s4+s1], $0x80, s3, s1, $0xb8;
	[tilespmem:$0x1DC80] =	vst v63  }
0xf4: {  	_ =	swait.ge [sflag:s24], $0x2800  }
0xf5: {  	[sflag:s24] =	ssyncset.done $0x0  }
0xf6: {  	[sflag:s24] =	ssyncadd.s32 $0xFFFFD800  }
0xf7: {  	[spmem:s2] =	stream.indirect.scatter.add.f32 [tilespmem:s6], [sflag:$0xC], $0x80, s15, s1, $0xb8;
	[tilespmem:$0x1DC80] =	vst v63  }
0xf8: {  	_ =	swait.ge [sflag:s25], $0x2800  }
0xf9: {  	s5 =	rddreg [dreg:$0x8];
	[sflag:s25] =	ssyncset.done $0x0  }
0xfa: {  	s7 =	rddreg [dreg:$0x9];
	[sflag:s25] =	ssyncadd.s32 $0xFFFFD800;
	s5 =	sadd.s32 s8, s5  }
0xfb: {  	[tilespmem:s9], [sflag:$0x3] =	stream.linear.gather [hbm4b:s5+s3], $0x50, $0x38;
	[tilespmem:$0x1DC80] =	vst v63  }
0xfc: {  	s7 =	sadd.s32 s8, s7  }
0xfd: {  	[tilespmem:s10], [sflag:$0x3] =	stream.linear.gather [hbm4b:s7+s3], $0x50, $0x38;
	[tilespmem:$0x1DC80] =	vst v63  }
0xfe: {  	_ =	swait.ge [sflag:s11], $0x50  }
0xff: {  	[sflag:s11] =	ssyncset.done $0x0  }
0x100: {  	[sflag:s11] =	ssyncadd.s32 $0xFFFFFFB0  }
0x101: {  	_ =	swait.ge [sflag:s11], $0x50  }
0x102: {  	[sflag:s11] =	ssyncset.done $0x0  }
0x103: {  	[sflag:s11] =	ssyncadd.s32 $0xFFFFFFB0  }
0x104: {  	[tilespmem:s12], [sflag:$0x6] =	stream.indirect.gather [hbm4b:s4+s1], $0x80, s29, s1, $0xb8;
	[tilespmem:$0x1DC80] =	vst v63  }
0x105: {  	_ =	swait.ge [sflag:s13], $0x2800  }
0x106: {  	[sflag:s13] =	ssyncset.done $0x0  }
0x107: {  	[sflag:s13] =	ssyncadd.s32 $0xFFFFD800  }
0x108: {  	[spmem:s2] =	stream.indirect.scatter.add.f32 [tilespmem:s0], [sflag:$0x9], $0x80, s28, s1, $0xb8;
	[tilespmem:$0x1DC80] =	vst v63  }
0x109: {  	_ =	swait.ge [sflag:s26], $0x2800  }
0x10a: {  	s5 =	rddreg [dreg:$0x6];
	[sflag:s26] =	ssyncset.done $0x0  }
0x10b: {  	s7 =	rddreg [dreg:$0x7];
	[sflag:s26] =	ssyncadd.s32 $0xFFFFD800;
	s5 =	sadd.s32 s8, s5  }
0x10c: {  	[tilespmem:s14], [sflag:$0x4] =	stream.linear.gather [hbm4b:s5+s3], $0x50, $0x38;
	[tilespmem:$0x1DC80] =	vst v63  }
0x10d: {  	s7 =	sadd.s32 s8, s7  }
0x10e: {  	[tilespmem:s15], [sflag:$0x4] =	stream.linear.gather [hbm4b:s7+s3], $0x50, $0x38;
	[tilespmem:$0x1DC80] =	vst v63  }
0x10f: {  	_ =	swait.ge [sflag:s16], $0x50  }
0x110: {  	[sflag:s16] =	ssyncset.done $0x0  }
0x111: {  	[sflag:s16] =	ssyncadd.s32 $0xFFFFFFB0  }
0x112: {  	_ =	swait.ge [sflag:s16], $0x50  }
0x113: {  	[sflag:s16] =	ssyncset.done $0x0  }
0x114: {  	[sflag:s16] =	ssyncadd.s32 $0xFFFFFFB0  }
0x115: {  	[tilespmem:s18], [sflag:$0x7] =	stream.indirect.gather [hbm4b:s4+s1], $0x80, s9, s1, $0xb8;
	[tilespmem:$0x1DC80] =	vst v63  }
0x116: {  	_ =	swait.ge [sflag:s19], $0x2800  }
0x117: {  	[sflag:s19] =	ssyncset.done $0x0  }
0x118: {  	[sflag:s19] =	ssyncadd.s32 $0xFFFFD800  }
0x119: {  	[spmem:s2] =	stream.indirect.scatter.add.f32 [tilespmem:s12], [sflag:$0xA], $0x80, s30, s1, $0xb8;
	[tilespmem:$0x1DC80] =	vst v63  }
0x11a: {  	_ =	swait.ge [sflag:s20], $0x2800  }
0x11b: {  	s5 =	rddreg [dreg:$0x4];
	[sflag:s20] =	ssyncset.done $0x0  }
0x11c: {  	s7 =	rddreg [dreg:$0x5];
	[sflag:s20] =	ssyncadd.s32 $0xFFFFD800;
	s5 =	sadd.s32 s8, s5  }
0x11d: {  	[tilespmem:s3], [sflag:$0x1] =	stream.linear.gather [hbm4b:s5+s3], $0x50, $0x38;
	[tilespmem:$0x1DC80] =	vst v63  }
0x11e: {  	s8 =	sadd.s32 s8, s7  }
0x11f: {  	[tilespmem:s28], [sflag:$0x1] =	stream.linear.gather [hbm4b:s8+s3], $0x50, $0x38;
	[tilespmem:$0x1DC80] =	vst v63  }
0x120: {  	_ =	swait.ge [sflag:s21], $0x50  }
0x121: {  	[sflag:s21] =	ssyncset.done $0x0  }
0x122: {  	[sflag:s21] =	ssyncadd.s32 $0xFFFFFFB0  }
0x123: {  	_ =	swait.ge [sflag:s21], $0x50  }
0x124: {  	p1 =	sne.s32 s17, $0x488;
	[sflag:s21] =	ssyncset.done $0x0  }
.Ltmp1:
0x125: {  	[sflag:s21] =	ssyncadd.s32 $0xFFFFFFB0;
	(pc) =	sbr.rel @p1 .LBB2_4-.Ltmp1, $4  }
0x126: {  	[tilespmem:s6], [sflag:$0x8] =	stream.indirect.gather [hbm4b:s4+s1], $0x80, s14, s1, $0xb8;
	[tilespmem:$0x1DC80] =	vst v63  }
0x127: {  	_ =	swait.ge [sflag:s22], $0x2800  }
0x128: {  	[sflag:s22] =	ssyncset.done $0x0  }
0x129: {  	s17 =	sadd.s32 $0x28, s17;
	[sflag:s22] =	ssyncadd.s32 $0xFFFFD800  }
0x12a: {  	[spmem:s2] =	stream.indirect.scatter.add.f32 [tilespmem:s18], [sflag:$0xB], $0x80, s10, s1, $0xb8;
	[tilespmem:$0x1DC80] =	vst v63  }
0x12b: {  	_ =	swait.ge [sflag:s31], $0x50  }
0x12c: {  	[sflag:s31] =	ssyncset.done $0x0  }
0x12d: {  	[sflag:s31] =	ssyncadd.s32 $0xFFFFFFB0  }
0x12e: {  	_ =	swait.ge [sflag:s31], $0x50  }
0x12f: {  	[sflag:s31] =	ssyncset.done $0x0  }
0x130: {  	[sflag:s31] =	ssyncadd.s32 $0xFFFFFFB0  }
0x131: {  	[tilespmem:s0], [sflag:$0x5] =	stream.indirect.gather [hbm4b:s4+s1], $0x80, s3, s1, $0xb8;
	[tilespmem:$0x1DC80] =	vst v63  }
0x132: {  	_ =	swait.ge [sflag:s24], $0x2800  }
0x133: {  	[sflag:s24] =	ssyncset.done $0x0  }
0x134: {  	[sflag:s24] =	ssyncadd.s32 $0xFFFFD800  }
0x135: {  	[spmem:s2] =	stream.indirect.scatter.add.f32 [tilespmem:s6], [sflag:$0xC], $0x80, s15, s1, $0xb8;
	[tilespmem:$0x1DC80] =	vst v63  }
0x136: {  	_ =	swait.ge [sflag:s13], $0x2800  }
0x137: {  	[sflag:s13] =	ssyncset.done $0x0  }
0x138: {  	[sflag:s13] =	ssyncadd.s32 $0xFFFFD800  }
0x139: {  	[spmem:s2] =	stream.indirect.scatter.add.f32 [tilespmem:s0], [sflag:$0x9], $0x80, s28, s1, $0xb8;
	[tilespmem:$0x1DC80] =	vst v63  }
0x13a: {  	_ =	swait.ge [sflag:s20], $0x2800  }
0x13b: {  	[sflag:s20] =	ssyncset.done $0x0  }
0x13c: {  	[sflag:s20] =	ssyncadd.s32 $0xFFFFD800  }
0x13d: {  	_ =	swait.ge [sflag:s23], $0x2800  }
0x13e: {  	[sflag:s23] =	ssyncset.done $0x0  }
0x13f: {  	[sflag:s23] =	ssyncadd.s32 $0xFFFFD800  }
0x140: {  	_ =	swait.ge [sflag:s25], $0x2800  }
0x141: {  	[sflag:s25] =	ssyncset.done $0x0  }
0x142: {  	[sflag:s25] =	ssyncadd.s32 $0xFFFFD800  }
0x143: {  	_ =	swait.ge [sflag:s26], $0x2800  }
0x144: {  	[sflag:s26] =	ssyncset.done $0x0  }
0x145: {  	[sflag:s26] =	ssyncadd.s32 $0xFFFFD800  }
0x146: {  	s5 =	stileid.u32;
	[bflag:$0x0] =	sbarrier.arrive $0xFFFF  }
0x147: {  	s17 =	simm.s32 $0xD;
	s5 =	sshll.u32 s5, $0x6;
	s7 =	rddreg [dreg:$0xf]  }
0x148: {  	s5 =	sor.u32 $0x1C0D, s5;
	s8 =	rddreg [dreg:$0x19];
	s7 =	sshrl.u32 s7, $0x3  }
0x149: {  	[hbm:s8], [sflag:s5] =	dma.local [spmem:s7], $0x2700  }
0x14a: {  	_ =	swait.ge [sflag:s17], $0x2700  }
0x14b: {  	[sflag:s17] =	ssyncset.done $0x0;
	s7 =	rddreg [dreg:$0x18]  }
0x14c: {  	s8 =	rddreg [dreg:$0x1f];
	[sflag:s17] =	ssyncadd.s32 $0xFFFFD900;
	s7 =	sshrl.u32 @!p0 s7, $0x3  }
0x14d: {  	[hbm:s8], [sflag:s5] =	dma.local @!p0 [spmem:s7], $0x100  }
0x14e: {  	s5 =	simm.s32 @!p0 $0xD  }
0x14f: {  	_ =	swait.ge @!p0 [sflag:s5], $0x100  }
0x150: {  	s7 =	sld [smem:$0x7FB]  }
0x151: {  	s17 =	sld [smem:$0x7FC];
	_ =	sdelay $0x1  }
0x152: {  	s8 =	sadd.s32 $0x1, s7  }
0x153: {  	p1 =	sne.s32 s8, s17  }
.Ltmp2:
0x154: {  	_ = 	snop;
	(pc) =	sbr.rel @p1 .LBB2_1-.Ltmp2, $3  }
0x155: {  	_ =	sdelay $0x1  }
0x156: {  	[sflag:s5] =	ssyncset.done @!p0 $0x0  }
0x157: {  	[sflag:s5] =	ssyncadd.s32 @!p0 $0xFFFFFF00  }
0x158: {  	_ =	sfence.sel $0x180000  }
0x159: {  	[bflag:$0x0] =	sbarrier.arrive $0xFFFF  }
0x15a: {  	_ =	strace $0x9000004A  }
0x15b: {  	s0 =	stileid.u32;
	[bflag:$0x2] =	sbarrier.arrive $0xFFFF  }
0x15c: {  	p0 =	sne.s32 s0, $0x0;
	s0 =	rddreg [dreg:$0x3]  }
0x15d: {  	s0 =	sadd.s32 @!p0 $0x100000, s0  }
0x15e: {  	[sflag:s0] =	ssyncadd.tile.s32 @!p0 $0x1;
	_ =	shalt  }
.Lfunc_end2:
_tile_overlayer_lowered:
.L_overlay_start_2:
0x15f: {  	(tag) =	ssettag $0x2  }
0x160: {  	s0 =	rddreg [dreg:$0x0];
	s2 =	stileid.u32  }
0x161: {  	s1 =	rddreg [dreg:$0x1];
	p0 =	sne.s32 s2, $0x0  }
0x162: {  	s3 =	rddreg [dreg:$0x2];
	[bflag:$0x3] =	sbarrier.arrive $0xFFFF;
	s2 =	simm.s32 @!p0 $0x1C0D  }
0x163: {  	[timem:s3], [sflag:s2] =	dma.local @!p0 [hbm:s0], s1  }
0x164: {  	s0 =	simm.s32 @!p0 $0xD  }
0x165: {  	_ =	swait.ge @!p0 [sflag:s0], s1  }
0x166: {  	s1 =	ssub.s32 @!p0 $0x0, s1;
	[sflag:s0] =	ssyncset.done @!p0 $0x0  }
0x167: {  	[sflag:s0] =	ssyncadd.s32 @!p0 s1  }
0x168: {  	[bflag:$0x3] =	sbarrier.arrive $0xFFFF  }
0x169: {  	_ =	shalt  }

// kernel: kernel.15.cloned.1.call-start
scs
__scs_entry_jumppad:
0x0: {  	(pc) =	sbr.rel $0x88, $3  }
0x1: {  	(tag) =	ssettag $0x0;
	lr =	simm.s32 $0x1  }
0x2: {  	[smem:$0x3F99] =	sst lr;
	_ =	strace $0xD0000000  }
0x3: {  	_ = 	snop  }
0x4: {  	_ = 	snop  }
0x5: {  	_ = 	snop  }
0x6: {  	_ = 	snop  }
0x7: {  	_ = 	snop  }
__scs_overlays_trampoline_lowered:
0x8: {  	[smem:$0x3FA8] =	sst s0  }
0x9: {  	[smem:$0x3FA9] =	sst s1  }
0xa: {  	[smem:$0x3FAA] =	sst s2  }
0xb: {  	[smem:$0x3FAB] =	sst s3  }
0xc: {  	[smem:$0x3FAC] =	sst s4  }
0xd: {  	[smem:$0x3FAD] =	sst s5  }
0xe: {  	[smem:$0x3FAE] =	sst s6  }
0xf: {  	[smem:$0x3FAF] =	sst s7  }
0x10: {  	[smem:$0x3FB0] =	sst s8  }
0x11: {  	[smem:$0x3FB1] =	sst s9;
	s0 =	simm.s32 @!p0 $0x0  }
0x12: {  	s1 =	sld [smem:$0x3F97];
	s0 =	simm.s32 @p0 $0x1  }
0x13: {  	[smem:$0x3FB2] =	sst s0;
	s0 =	simm.s32 @!p1 $0x0  }
0x14: {  	s2 =	sld [smem:$0x3F96];
	s0 =	simm.s32 @p1 $0x1  }
0x15: {  	[smem:$0x3FB3] =	sst s0;
	s0 =	simm.s32 @!p2 $0x0  }
0x16: {  	s3 =	sld [smem:$0x3FDB];
	s0 =	simm.s32 @p2 $0x1  }
0x17: {  	s4 =	simm.s32 $0x1BF5;
	[smem:$0x3FB5] =	sst s0  }
0x18: {  	s0 =	sld [smem:$0x3F98];
	_ =	swait.ge [sflag:s4], $0x0  }
0x19: {  	s7 =	sld [smem:$0x3F99]  }
0x1a: {  	s8 =	sadd.s32 $0xFFFFE003, lr  }
0x1b: {  	s9 =	sadd.s32 $0xFFFFFEF7, lr;
	s5 =	simm.s32 $0xFFFFFFFF;
	p2 =	slt.u32 s8, $0xFFFFF086  }
0x1c: {  	p1 =	slt.u32 s9, $0xF7A;
	s5 =	simm.s32 @!p2 $0x0  }
0x1d: {  	s5 =	simm.s32 @p1 $0x1;
	p0 =	seq.s32 s7, s2  }
0x1e: {  	s7 =	smul.u32 @!p0 $0xF7A, s2;
	p2 =	seq.s32 @!p0 s5, $0x0  }
0x1f: {  	s9 =	smul.u32 $0xF7A, s1;
	s8 =	simm.s32 @!p0 $0x1BF5;
	p2 =	por !p2, p0  }
0x20: {  	[sflag:s8] =	ssyncset.s32 @!p0 $0xFFFFF086;
	s6 =	sadd.s32 @!p0 s3, s7;
	s7 =	simm.s32 @!p0 $0x108  }
0x21: {  	s3 =	sadd.s32 s3, s9;
	s6 =	sadd.s32 @!p0 $0x88, s6;
	s7 =	simm.s32 @p2 $0x1082  }
0x22: {  	[simem:s7], [sflag:s8] =	dma.local @!p0 [hbm:s6], $0xF7A  }
0x23: {  	s9 =	sor.u32 $0xD0000000, s2;
	s6 =	simm.s32 $0x108;
	_ =	swait.ge @!p0 [sflag:s8], $0x0  }
0x24: {  	s3 =	sadd.s32 $0x88, s3;
	s6 =	simm.s32 @!p1 $0x1082;
	[sflag:s4] =	ssyncset.s32 $0xFFFFF086  }
0x25: {  	[simem:s6], [sflag:s4] =	dma.local [hbm:s3], $0xF7A  }
0x26: {  	[smem:$0x3F99] =	sst s1;
	(tag) =	ssettag s2;
	_ =	strace s9  }
0x27: {  	s1 =	sld [smem:$0x3FA9]  }
0x28: {  	s2 =	sld [smem:$0x3FAA]  }
0x29: {  	s4 =	sld [smem:$0x3FAC]  }
0x2a: {  	p0 =	seq.s32 s5, $0x0;
	s5 =	sld [smem:$0x3FAD]  }
0x2b: {  	s6 =	sld [smem:$0x3FAE]  }
0x2c: {  	s7 =	sld [smem:$0x3FAF]  }
0x2d: {  	s3 =	simm.s32 $0x108;
	s8 =	sld [smem:$0x3FB0]  }
0x2e: {  	s3 =	simm.s32 @!p0 $0x1082;
	s9 =	sld [smem:$0x3FB1]  }
0x2f: {  	lr =	sadd.s32 s0, s3;
	s0 =	sld [smem:$0x3FA8]  }
0x30: {  	s3 =	sld [smem:$0x3FAB]  }
0x31: {  	[smem:$0x3FB4] =	sst s10  }
0x32: {  	s10 =	sld [smem:$0x3FB2];
	_ =	sdelay $0x3  }
0x33: {  	p0 =	seq.s32 s10, $0x1;
	s10 =	sld [smem:$0x3FB4];
	_ =	sdelay $0x3  }
0x34: {  	[smem:$0x3FB4] =	sst s10  }
0x35: {  	s10 =	sld [smem:$0x3FB3];
	_ =	sdelay $0x3  }
0x36: {  	p1 =	seq.s32 s10, $0x1;
	s10 =	sld [smem:$0x3FB4];
	_ =	sdelay $0x3  }
0x37: {  	[smem:$0x3FB4] =	sst s10  }
0x38: {  	s10 =	sld [smem:$0x3FB5]  }
0x39: {  	_ = 	snop;
	(pc) =	sbr.ind lr, $3  }
0x3a: {  	_ = 	snop  }
0x3b: {  	_ = 	snop  }
0x3c: {  	p2 =	seq.s32 s10, $0x1;
	s10 =	sld [smem:$0x3FB4]  }
0x3d: {  	_ =	shalt  }
0x3e: {  	_ =	shalt  }
0x3f: {  	_ =	shalt  }
0x40: {  	_ =	shalt  }
0x41: {  	_ =	shalt  }
0x42: {  	_ =	shalt  }
0x43: {  	_ =	shalt  }
0x44: {  	_ =	shalt  }
0x45: {  	_ =	shalt  }
0x46: {  	_ =	shalt  }
0x47: {  	_ =	shalt  }
0x48: {  	_ =	shalt  }
0x49: {  	_ =	shalt  }
0x4a: {  	_ =	shalt  }
0x4b: {  	_ =	shalt  }
0x4c: {  	_ =	shalt  }
0x4d: {  	_ =	shalt  }
0x4e: {  	_ =	shalt  }
0x4f: {  	_ =	shalt  }
0x50: {  	_ =	shalt  }
0x51: {  	_ =	shalt  }
0x52: {  	_ =	shalt  }
0x53: {  	_ =	shalt  }
0x54: {  	_ =	shalt  }
0x55: {  	_ =	shalt  }
0x56: {  	_ =	shalt  }
0x57: {  	_ =	shalt  }
0x58: {  	_ =	shalt  }
0x59: {  	_ =	shalt  }
0x5a: {  	_ =	shalt  }
0x5b: {  	_ =	shalt  }
0x5c: {  	_ =	shalt  }
0x5d: {  	_ =	shalt  }
0x5e: {  	_ =	shalt  }
0x5f: {  	_ =	shalt  }
0x60: {  	_ =	shalt  }
0x61: {  	_ =	shalt  }
0x62: {  	_ =	shalt  }
0x63: {  	_ =	shalt  }
0x64: {  	_ =	shalt  }
0x65: {  	_ =	shalt  }
0x66: {  	_ =	shalt  }
0x67: {  	_ =	shalt  }
0x68: {  	_ =	shalt  }
0x69: {  	_ =	shalt  }
0x6a: {  	_ =	shalt  }
0x6b: {  	_ =	shalt  }
0x6c: {  	_ =	shalt  }
0x6d: {  	_ =	shalt  }
0x6e: {  	_ =	shalt  }
0x6f: {  	_ =	shalt  }
0x70: {  	_ =	shalt  }
0x71: {  	_ =	shalt  }
0x72: {  	_ =	shalt  }
0x73: {  	_ =	shalt  }
0x74: {  	_ =	shalt  }
0x75: {  	_ =	shalt  }
0x76: {  	_ =	shalt  }
0x77: {  	_ =	shalt  }
0x78: {  	_ =	shalt  }
0x79: {  	_ =	shalt  }
0x7a: {  	_ =	shalt  }
0x7b: {  	_ =	shalt  }
0x7c: {  	_ =	shalt  }
0x7d: {  	_ =	shalt  }
0x7e: {  	_ =	shalt  }
0x7f: {  	_ =	shalt  }
0x80: {  	_ =	shalt  }
0x81: {  	_ =	shalt  }
0x82: {  	_ =	shalt  }
0x83: {  	_ =	shalt  }
0x84: {  	_ =	shalt  }
0x85: {  	_ =	shalt  }
0x86: {  	_ =	shalt  }
0x87: {  	_ =	shalt  }
.Lfunc_end0:
.L_simem_size_0:
called_computation.2_lowered:
.L_overlay_start_0:
0x88: {  	s2 =	sld [smem:$0x3FD9]  }
0x89: {  	s3 =	sld [smem:$0x3FFE];
	_ =	sdelay $0x1  }
0x8a: {  	s1 =	srdreg.scid  }
0x8b: {  	s0 =	sand.u32 $0x1, s1  }
0x8c: {  	s14 =	sshll.u32 s0, $0xA;
	s2 =	sadd.s32 s3, s2  }
0x8d: {  	s2 =	sadd.s32 s2, s14  }
0x8e: {  	[smem:$0x3FC0] =	sst s2  }
0x8f: {  	_ = 	snop  }
0x90: {  	s2 =	sld [smem:$0x3FD0];
	_ =	sdelay $0x2  }
0x91: {  	s15 =	simm.s32 $0xA;
	s4 =	simm.s32 $0x10  }
0x92: {  	[smem:s4], [sflag:s15] =	dma.local [hbm:s2], $0x1  }
0x93: {  	_ =	swait.eq [sflag:s15], $0x1  }
0x94: {  	[sflag:s15] =	ssyncset.done $0x0  }
0x95: {  	[sflag:s15] =	ssyncadd.s32 $0xFFFFFFFF  }
0x96: {  	s16 =	sld [smem:$0x11];
	(tm) =	ssettm $0x1  }
0x97: {  	s17 =	sld [smem:$0x3FFB];
	_ =	sdelay $0x3  }
0x98: {  	_ =	strace s17  }
0x99: {  	s3 =	sld [smem:$0x3FFC];
	_ =	sdelay $0x3  }
0x9a: {  	_ =	strace s3  }
0x9b: {  	s3 =	sld [smem:$0x3FFD];
	_ =	sdelay $0x3  }
0x9c: {  	_ =	strace s3  }
0x9d: {  	_ =	strace $0x8FFFFFFF  }
0x9e: {  	s18 =	sld [smem:$0x3FDB];
	_ =	sdelay $0x1  }
0x9f: {  	s19 =	simm.s32 $_scs_section_size  }
0xa0: {  	s5 =	simm.s32 $_size__tile_overlayer_lowered;
	s6 =	simm.s32 $_tile_overlayer_lowered  }
0xa1: {  	s22 =	simm.s32 $0x1BFF;
	s21 =	sshll.u32 s6, $0x1;
	s3 =	sadd.s32 s19, s18  }
0xa2: {  	s7 =	simm.s32 $0x0;
	s20 =	sshll.u32 s5, $0x1;
	s5 =	sadd.s32 s21, s3  }
0xa3: {  	[timem:s7], [sflag:s22] =	dma.local [hbm:s5], s20  }
0xa4: {  	_ =	swait.ge [sflag:s22], s20  }
0xa5: {  	s4 =	ssub.s32 $0x0, s20;
	[sflag:s22] =	ssyncset.done $0x0  }
0xa6: {  	[sflag:s22] =	ssyncadd.s32 s4;
	_ =	sdelay $0x1  }
0xa7: {  	s23 =	simm.s32 $0x1B8B  }
0xa8: {  	_ =	swait.ge [sflag:s23], $0x1  }
0xa9: {  	[sflag:s23] =	ssyncset.done $0x0  }
0xaa: {  	s25 =	simm.s32 $0x1B8E;
	s24 =	sld [smem:$0x3FFE];
	[sflag:s23] =	ssyncadd.s32 $0xFFFFFFFF  }
0xab: {  	s26 =	simm.s32 $execute0_lowered;
	[smem:$0x3FD2] =	sst s25  }
0xac: {  	s5 =	sshll.u32 s26, $0x1;
	_ =	strace $0x8000004C;
	[dreg:$0x1] =	wrdreg $0xFFFFFFFF  }
0xad: {  	s28 =	simm.s32 $_size_execute0_lowered;
	s3 =	sadd.s32 s3, s5;
	[dreg:$0x0] =	wrdreg $0x0  }
0xae: {  	s5 =	sshll.u32 s28, $0x1;
	[dreg:$0x2] =	wrdreg s3  }
0xaf: {  	[dreg:$0x3] =	wrdreg s5  }
0xb0: {  	[dreg:$0x4] =	wrdreg $0xC0  }
0xb1: {  	_ =	task [dreg:s7], $0x5FFFF  }
0xb2: {  	[dreg:$0x1] =	wrdreg $0xFFFFFFFF  }
0xb3: {  	[dreg:$0x0] =	wrdreg $0x60  }
0xb4: {  	[dreg:$0x2] =	wrdreg s16  }
0xb5: {  	[dreg:$0x3] =	wrdreg s24  }
0xb6: {  	[dreg:$0x4] =	wrdreg $0xA4000  }
0xb7: {  	[dreg:$0x5] =	wrdreg $0x9  }
0xb8: {  	_ =	task.clear_ibuf [dreg:s7], $0x6FFFF;
	_ =	strace $0x9000004C  }
0xb9: {  	s29 =	simm.s32 $0x9;
	_ =	strace $0x8000004E  }
0xba: {  	_ =	swait.ge [sflag:s29], $0x1  }
0xbb: {  	[sflag:s29] =	ssyncadd.s32 $0xFFFFFFFF  }
0xbc: {  	_ =	strace $0x9000004E  }
0xbd: {  	_ =	sfence  }
0xbe: {  	s30 =	sld [smem:$0x0];
	_ =	sdelay $0x2  }
0xbf: {  	s31 =	sshll.u32 s1, $0xD;
	s1 =	sshrl.u32 s1, $0x2  }
0xc0: {  	s3 =	sand.u32 $0x4000, s31;
	s1 =	sadd.s32 s1, s30  }
0xc1: {  	s0 =	sor.u32 s3, s0;
	s1 =	sshll.u32 s1, $0x11  }
0xc2: {  	s0 =	sor.u32 s1, s0  }
0xc3: {  	s0 =	sadd.s32 $0x8F2B, s0  }
0xc4: {  	[sflag:s0] =	ssyncadd.remote.s32 $0x1  }
0xc5: {  	_ =	sfence.sel $0xFFFF  }
0xc6: {  	[dreg:$0x0] =	wrdreg $0xFFFFFFFF;
	(pc) =	sbr.abs _section_cstart, $3  }
0xc7: {  	[dreg:$0x1] =	wrdreg $0xFFFFFFFF  }
0xc8: {  	_ =	task.clear_ibuf [dreg:s7], $0x2FFFF;
	_ =	strace $0x9FFFFFFF  }
0xc9: {  	(tm) =	ssettm $0x7FFFFFFF  }
tec
execute0_lowered:
.L_overlay_start_1:
0x0: {  	(tag) =	ssettag $0x1  }
0x1: {  	s0 =	rddreg [dreg:$0x0]  }
0x2: {  	s1 =	rddreg [dreg:$0x1];
	s3 =	srdreg.scid  }
0x3: {  	s11 =	stileid.u32;
	s2 =	rddreg [dreg:$0x2]  }
0x4: {  	s28 =	simm.s32 $0x200;
	s29 =	simm.s32 $0x80;
	s30 =	simm.s32 $0x280  }
0x5: {  	s31 =	simm.s32 $0x1;
	s5 =	sand.u32 $0x1, s3;
	s9 =	smul.u32 $0x4E000, s11  }
0x6: {  	s4 =	sshll.u32 s11, $0x1;
	s3 =	simm.s32 $0x0;
	s25 =	smul.u32 $0x13800, s11  }
0x7: {  	s10 =	sadd.s32 $0x2A200, s1;
	s14 =	smul.u32 $0x4E20, s11;
	s19 =	sadd.s32 $0x138000, s2  }
0x8: {  	p0 =	sne.s32 s11, $0xF;
	s4 =	sor.u32 s5, s4;
	s23 =	smul.u32 $0x138800, s5  }
0x9: {  	[smem:$0x7FF] =	sst s3;
	s7 =	ssub.s32 $0x2, s5;
	s5 =	smul.u32 $0x2710, s5  }
0xa: {  	s11 =	simm.s32 $0x2;
	s6 =	smul.u32 $0x2710, s4;
	_ =	strace $0x8000004D  }
0xb: {  	s4 =	sadd.s32 $0x3000, s1;
	s8 =	sshrl.u32 s7, $0x1;
	s22 =	sshrl.u32 s9, $0x2  }
0xc: {  	[dreg:$0x18] =	wrdreg s19;
	s1 =	ssub.s32 s7, s8;
	s9 =	sadd.s32 s22, s2  }
0xd: {  	s5 =	sadd.s32 s5, s14;
	s13 =	sadd.s32 $0x2800, s9;
	[dreg:$0xf] =	wrdreg s9  }
0xe: {  	s21 =	sshrl.u32 s23, $0x3;
	s15 =	sadd.s32 $0x7800, s9;
	[dreg:$0x11] =	wrdreg s13  }
0xf: {  	s6 =	sshrl.u32 s6, $0x3;
	s16 =	sadd.s32 $0xA000, s9;
	[dreg:$0x13] =	wrdreg s15  }
0x10: {  	s17 =	sadd.s32 $0xC800, s9;
	s18 =	sadd.s32 $0xF000, s9;
	[dreg:$0x14] =	wrdreg s16  }
0x11: {  	s20 =	sadd.s32 $0x280, s5;
	s12 =	sadd.s32 s0, s6;
	[dreg:$0x15] =	wrdreg s17  }
0x12: {  	s13 =	sadd.s32 $0x5000, s9;
	[dreg:$0x16] =	wrdreg s18;
	s9 =	sadd.s32 $0x11800, s9  }
0x13: {  	s22 =	sshrl.u32 s20, $0x3;
	s15 =	sadd.s32 $0x4E3E0, s5;
	[dreg:$0x12] =	wrdreg s13  }
0x14: {  	s18 =	sadd.s32 $0x190, s5;
	s6 =	sadd.s32 $0x9C40, s12;
	[dreg:$0x17] =	wrdreg s9  }
0x15: {  	s24 =	sadd.s32 $0xA, s12;
	s26 =	sadd.s32 $0x9C4A, s12;
	[dreg:$0xc] =	wrdreg s12  }
0x16: {  	s7 =	sadd.s32 s22, s0;
	s13 =	sadd.s32 $0x1E0, s5;
	[dreg:$0xd] =	wrdreg s6  }
0x17: {  	s16 =	sadd.s32 $0x14, s12;
	s19 =	sshrl.u32 s18, $0x3;
	[dreg:$0xe] =	wrdreg s24  }
0x18: {  	s20 =	sadd.s32 $0x9C54, s12;
	s22 =	sadd.s32 $0x9C5E, s12;
	[dreg:$0x10] =	wrdreg s26  }
0x19: {  	s18 =	simm.s32 $0x5400;
	s6 =	sadd.s32 s25, s23;
	[dreg:$0x4] =	wrdreg s7  }
0x1a: {  	s23 =	sadd.s32 $0x4E480, s5;
	s25 =	sadd.s32 $0x230, s5;
	[dreg:$0x1a] =	wrdreg s16  }
0x1b: {  	s26 =	sadd.s32 $0x4E430, s5;
	s14 =	sshrl.u32 s13, $0x3;
	[dreg:$0x1b] =	wrdreg s20  }
0x1c: {  	s5 =	sadd.s32 $0x4E390, s5;
	[dreg:$0x1d] =	wrdreg s22;
	s13 =	simm.s32 $0x5  }
0x1d: {  	s16 =	simm.s32 $0x3;
	s20 =	simm.s32 $0x9;
	s22 =	simm.s32 $0x7  }
0x1e: {  	s6 =	sshrl.u32 s6, $0x3;
	s24 =	sshrl.u32 s23, $0x3;
	s8 =	sshrl.u32 s25, $0x3  }
0x1f: {  	s9 =	sshrl.u32 s26, $0x3;
	s5 =	sshrl.u32 s5, $0x3;
	s23 =	sadd.s32 $0x28, s12  }
0x20: {  	s25 =	smax.u32 s1, $0x1;
	s26 =	sadd.s32 $0x9C68, s12;
	[dreg:$0x1e] =	wrdreg s23  }
0x21: {  	s1 =	simm.s32 $0x50;
	s6 =	sadd.s32 s10, s6;
	[smem:$0x7FC] =	sst s25  }
0x22: {  	s7 =	sadd.s32 s24, s0;
	s8 =	sadd.s32 s8, s0;
	[smem:$0x7FD] =	sst s26  }
0x23: {  	s23 =	simm.s32 $0xA;
	s25 =	simm.s32 $0xB;
	[dreg:$0x19] =	wrdreg s6  }
0x24: {  	s26 =	simm.s32 $0xC;
	s6 =	sadd.s32 s10, s21;
	[dreg:$0x5] =	wrdreg s7  }
0x25: {  	[dreg:$0x6] =	wrdreg s8;
	s10 =	sadd.s32 s9, s0;
	s7 =	sadd.s32 s14, s0  }
0x26: {  	s8 =	sshrl.u32 s15, $0x3;
	s21 =	sadd.s32 $0x1E, s12;
	s9 =	simm.s32 $0x100  }
0x27: {  	s12 =	simm.s32 $0x2C00;
	s14 =	simm.s32 $0x180;
	[dreg:$0x7] =	wrdreg s10  }
0x28: {  	s15 =	simm.s32 $0x380;
	[dreg:$0x8] =	wrdreg s7;
	s17 =	sadd.s32 s8, s0  }
0x29: {  	s7 =	sadd.s32 s19, s0;
	[dreg:$0x1c] =	wrdreg s21;
	s0 =	sadd.s32 s5, s0  }
0x2a: {  	s24 =	sadd.s32 $0x27000, s6;
	s6 =	simm.s32 $0x7C00;
	[dreg:$0x9] =	wrdreg s17  }
0x2b: {  	s10 =	simm.s32 $0x300;
	s19 =	simm.s32 $0x6;
	[dreg:$0xa] =	wrdreg s7  }
0x2c: {  	s21 =	simm.s32 $0x4;
	s8 =	simm.s32 $0x0;
	[dreg:$0xb] =	wrdreg s0  }
0x2d: {  	v0 =	vimm.f32 $0.0e+00;
	[dreg:$0x1f] =	wrdreg s24;
	s0 =	simm.s32 $0x400;
	s24 =	simm.s32 $0x8  }
.LBB2_1:
0x2e: {  	[smem:$0x7FB] =	sst s8  }
0x2f: {  	s5 =	rddreg [dreg:$0xc]  }
0x30: {  	[tilespmem:s3], [sflag:$0x1] =	stream.linear.gather [hbm4b:s5+s3], $0x50, $0x38;
	[tilespmem:$0x1DC80] =	vst v63  }
0x31: {  	s7 =	rddreg [dreg:$0xd]  }
0x32: {  	[tilespmem:s28], [sflag:$0x1] =	stream.linear.gather [hbm4b:s7+s3], $0x50, $0x38;
	[tilespmem:$0x1DC80] =	vst v63  }
0x33: {  	s8 =	rddreg [dreg:$0xe]  }
0x34: {  	[tilespmem:s29], [sflag:$0x2] =	stream.linear.gather [hbm4b:s8+s3], $0x50, $0x38;
	[tilespmem:$0x1DC80] =	vst v63  }
0x35: {  	s17 =	rddreg [dreg:$0x10]  }
0x36: {  	[tilespmem:s30], [sflag:$0x2] =	stream.linear.gather [hbm4b:s17+s3], $0x50, $0x38;
	[tilespmem:$0x1DC80] =	vst v63  }
0x37: {  	_ =	swait.ge [sflag:s31], $0x50  }
0x38: {  	[sflag:s31] =	ssyncset.done $0x0  }
0x39: {  	[sflag:s31] =	ssyncadd.s32 $0xFFFFFFB0  }
0x3a: {  	_ =	swait.ge [sflag:s31], $0x50  }
0x3b: {  	[sflag:s31] =	ssyncset.done $0x0  }
0x3c: {  	s8 =	simm.s32 $0x0;
	s17 =	simm.s32 $0x200;
	[sflag:s31] =	ssyncadd.s32 $0xFFFFFFB0  }
0x3d: {  	[tilespmem:s0], [sflag:$0x5] =	stream.indirect.gather [hbm4b:s4+s1], $0x80, s3, s1, $0xb8;
	[tilespmem:$0x1DC80] =	vst v63  }
.LBB2_2:
0x3e: {  	p1 =	sne.s32 s17, $0x9E00;
	[tilespmem:s8+$0x7C70] =	vst v0  }
0x3f: {  	[tilespmem:s8+$0x7C00] =	vst v0  }
0x40: {  	[tilespmem:s8+$0x7C10] =	vst v0  }
.Ltmp0:
0x41: {  	[tilespmem:s8+$0x7C20] =	vst v0;
	(pc) =	sbr.rel @p1 .LBB2_2-.Ltmp0, $4  }
0x42: {  	[tilespmem:s8+$0x7C30] =	vst v0  }
0x43: {  	[tilespmem:s8+$0x7C40] =	vst v0  }
0x44: {  	[tilespmem:s8+$0x7C50] =	vst v0  }
0x45: {  	[tilespmem:s8+$0x7C60] =	vst v0;
	s8 =	sshra.s32 s17, $0x2;
	s17 =	sadd.s32 $0x200, s17  }
0x46: {  	[tilespmem:s8+$0x7C70] =	vst v0  }
0x47: {  	[tilespmem:s8+$0x7C00] =	vst v0  }
0x48: {  	[tilespmem:s8+$0x7C10] =	vst v0  }
0x49: {  	[tilespmem:s8+$0x7C20] =	vst v0  }
0x4a: {  	[tilespmem:s8+$0x7C30] =	vst v0  }
0x4b: {  	[tilespmem:s8+$0x7C40] =	vst v0  }
0x4c: {  	[tilespmem:s8+$0x7C50] =	vst v0  }
0x4d: {  	[tilespmem:s8+$0x7C60] =	vst v0;
	s5 =	rddreg [dreg:$0xf];
	s7 =	simm.s32 $0xD  }
0x4e: {  	[spmem:s5] =	stream.linear.scatter [tilespmem:s6], [sflag:$0xD], $0x2800, $0x38;
	[tilespmem:$0x1DC80] =	vst v63  }
0x4f: {  	_ =	swait.ge [sflag:s7], $0x2800  }
0x50: {  	[sflag:s7] =	ssyncset.done $0x0  }
0x51: {  	s17 =	rddreg [dreg:$0x11];
	[sflag:s7] =	ssyncadd.s32 $0xFFFFD800  }
0x52: {  	[spmem:s17] =	stream.linear.scatter [tilespmem:s6], [sflag:$0xD], $0x2800, $0x38;
	[tilespmem:$0x1DC80] =	vst v63  }
0x53: {  	_ =	swait.ge [sflag:s7], $0x2800  }
0x54: {  	[sflag:s7] =	ssyncset.done $0x0  }
0x55: {  	s8 =	rddreg [dreg:$0x12];
	[sflag:s7] =	ssyncadd.s32 $0xFFFFD800  }
0x56: {  	[spmem:s8] =	stream.linear.scatter [tilespmem:s6], [sflag:$0xD], $0x2800, $0x38;
	[tilespmem:$0x1DC80] =	vst v63  }
0x57: {  	_ =	swait.ge [sflag:s7], $0x2800  }
0x58: {  	[sflag:s7] =	ssyncset.done $0x0  }
0x59: {  	s17 =	rddreg [dreg:$0x13];
	[sflag:s7] =	ssyncadd.s32 $0xFFFFD800  }
0x5a: {  	[spmem:s17] =	stream.linear.scatter [tilespmem:s6], [sflag:$0xD], $0x2800, $0x38;
	[tilespmem:$0x1DC80] =	vst v63  }
0x5b: {  	_ =	swait.ge [sflag:s7], $0x2800  }
0x5c: {  	[sflag:s7] =	ssyncset.done $0x0  }
0x5d: {  	s8 =	rddreg [dreg:$0x14];
	[sflag:s7] =	ssyncadd.s32 $0xFFFFD800  }
0x5e: {  	[spmem:s8] =	stream.linear.scatter [tilespmem:s6], [sflag:$0xD], $0x2800, $0x38;
	[tilespmem:$0x1DC80] =	vst v63  }
0x5f: {  	_ =	swait.ge [sflag:s7], $0x2800  }
0x60: {  	[sflag:s7] =	ssyncset.done $0x0  }
0x61: {  	s17 =	rddreg [dreg:$0x15];
	[sflag:s7] =	ssyncadd.s32 $0xFFFFD800  }
0x62: {  	[spmem:s17] =	stream.linear.scatter [tilespmem:s6], [sflag:$0xD], $0x2800, $0x38;
	[tilespmem:$0x1DC80] =	vst v63  }
0x63: {  	_ =	swait.ge [sflag:s7], $0x2800  }
0x64: {  	[sflag:s7] =	ssyncset.done $0x0  }
0x65: {  	s8 =	rddreg [dreg:$0x16];
	[sflag:s7] =	ssyncadd.s32 $0xFFFFD800  }
0x66: {  	[spmem:s8] =	stream.linear.scatter [tilespmem:s6], [sflag:$0xD], $0x2800, $0x38;
	[tilespmem:$0x1DC80] =	vst v63  }
0x67: {  	_ =	swait.ge [sflag:s7], $0x2800  }
0x68: {  	[sflag:s7] =	ssyncset.done $0x0  }
0x69: {  	s17 =	rddreg [dreg:$0x17];
	[sflag:s7] =	ssyncadd.s32 $0xFFFFD800  }
0x6a: {  	[spmem:s17] =	stream.linear.scatter [tilespmem:s6], [sflag:$0xD], $0x2000, $0x38;
	[tilespmem:$0x1DC80] =	vst v63  }
0x6b: {  	_ =	swait.ge [sflag:s7], $0x2000  }
0x6c: {  	[sflag:s7] =	ssyncset.done $0x0  }
0x6d: {  	s8 =	simm.s32 @!p0 $0x7C00;
	s5 =	rddreg [dreg:$0x18];
	[sflag:s7] =	ssyncadd.s32 $0xFFFFE000  }
0x6e: {  	[spmem:s5] =	stream.linear.scatter @!p0 [tilespmem:s8], [sflag:$0xD], $0x800, $0x38;
	[tilespmem:$0x1DC80] =	vst v63  }
0x6f: {  	s8 =	simm.s32 @!p0 $0xD  }
0x70: {  	_ =	swait.ge @!p0 [sflag:s8], $0x800  }
0x71: {  	[sflag:s8] =	ssyncset.done @!p0 $0x0  }
0x72: {  	[sflag:s8] =	ssyncadd.s32 @!p0 $0xFFFFF800  }
0x73: {  	[bflag:$0x0] =	sbarrier.arrive $0xFFFF  }
0x74: {  	s8 =	simm.s32 $0x0;
	s7 =	rddreg [dreg:$0x1a]  }
0x75: {  	[tilespmem:s9], [sflag:$0x3] =	stream.linear.gather [hbm4b:s7+s8], $0x50, $0x38;
	[tilespmem:$0x1DC80] =	vst v63  }
0x76: {  	s17 =	rddreg [dreg:$0x1b]  }
0x77: {  	[tilespmem:s10], [sflag:$0x3] =	stream.linear.gather [hbm4b:s17+s8], $0x50, $0x38;
	[tilespmem:$0x1DC80] =	vst v63  }
0x78: {  	_ =	swait.ge [sflag:s11], $0x50  }
0x79: {  	[sflag:s11] =	ssyncset.done $0x0  }
0x7a: {  	[sflag:s11] =	ssyncadd.s32 $0xFFFFFFB0  }
0x7b: {  	_ =	swait.ge [sflag:s11], $0x50  }
0x7c: {  	[sflag:s11] =	ssyncset.done $0x0  }
0x7d: {  	[sflag:s11] =	ssyncadd.s32 $0xFFFFFFB0  }
0x7e: {  	[tilespmem:s12], [sflag:$0x6] =	stream.indirect.gather [hbm4b:s4+s1], $0x80, s29, s1, $0xb8;
	[tilespmem:$0x1DC80] =	vst v63  }
0x7f: {  	_ =	swait.ge [sflag:s13], $0x2800  }
0x80: {  	[sflag:s13] =	ssyncset.done $0x0  }
0x81: {  	[sflag:s13] =	ssyncadd.s32 $0xFFFFD800  }
0x82: {  	[spmem:s2] =	stream.indirect.scatter.add.f32 [tilespmem:s0], [sflag:$0x9], $0x80, s28, s1, $0xb8;
	[tilespmem:$0x1DC80] =	vst v63  }
0x83: {  	s7 =	rddreg [dreg:$0x1c]  }
0x84: {  	[tilespmem:s14], [sflag:$0x4] =	stream.linear.gather [hbm4b:s7+s8], $0x50, $0x38;
	[tilespmem:$0x1DC80] =	vst v63  }
0x85: {  	s17 =	rddreg [dreg:$0x1d]  }
0x86: {  	[tilespmem:s15], [sflag:$0x4] =	stream.linear.gather [hbm4b:s17+s8], $0x50, $0x38;
	[tilespmem:$0x1DC80] =	vst v63  }
0x87: {  	_ =	swait.ge [sflag:s16], $0x50  }
0x88: {  	[sflag:s16] =	ssyncset.done $0x0  }
0x89: {  	[sflag:s16] =	ssyncadd.s32 $0xFFFFFFB0  }
0x8a: {  	_ =	swait.ge [sflag:s16], $0x50  }
0x8b: {  	[sflag:s16] =	ssyncset.done $0x0  }
0x8c: {  	[sflag:s16] =	ssyncadd.s32 $0xFFFFFFB0  }
0x8d: {  	[tilespmem:s18], [sflag:$0x7] =	stream.indirect.gather [hbm4b:s4+s1], $0x80, s9, s1, $0xb8;
	[tilespmem:$0x1DC80] =	vst v63  }
0x8e: {  	_ =	swait.ge [sflag:s19], $0x2800  }
0x8f: {  	[sflag:s19] =	ssyncset.done $0x0  }
0x90: {  	[sflag:s19] =	ssyncadd.s32 $0xFFFFD800  }
0x91: {  	[spmem:s2] =	stream.indirect.scatter.add.f32 [tilespmem:s12], [sflag:$0xA], $0x80, s30, s1, $0xb8;
	[tilespmem:$0x1DC80] =	vst v63  }
0x92: {  	_ =	swait.ge [sflag:s20], $0x2800  }
0x93: {  	[sflag:s20] =	ssyncset.done $0x0;
	s7 =	rddreg [dreg:$0x1e]  }
0x94: {  	s17 =	sld [smem:$0x7FD];
	[sflag:s20] =	ssyncadd.s32 $0xFFFFD800  }
0x95: {  	[tilespmem:s8], [sflag:$0x1] =	stream.linear.gather [hbm4b:s7+s8], $0x50, $0x38;
	[tilespmem:$0x1DC80] =	vst v63  }
0x96: {  	_ = 	snop  }
0x97: {  	[tilespmem:s28], [sflag:$0x1] =	stream.linear.gather [hbm4b:s17+s8], $0x50, $0x38;
	[tilespmem:$0x1DC80] =	vst v63  }
0x98: {  	_ =	swait.ge [sflag:s21], $0x50  }
0x99: {  	[sflag:s21] =	ssyncset.done $0x0  }
0x9a: {  	[sflag:s21] =	ssyncadd.s32 $0xFFFFFFB0  }
0x9b: {  	_ =	swait.ge [sflag:s21], $0x50  }
0x9c: {  	[sflag:s21] =	ssyncset.done $0x0  }
0x9d: {  	[sflag:s21] =	ssyncadd.s32 $0xFFFFFFB0  }
0x9e: {  	[tilespmem:s6], [sflag:$0x8] =	stream.indirect.gather [hbm4b:s4+s1], $0x80, s14, s1, $0xb8;
	[tilespmem:$0x1DC80] =	vst v63  }
0x9f: {  	_ =	swait.ge [sflag:s22], $0x2800  }
0xa0: {  	[sflag:s22] =	ssyncset.done $0x0  }
0xa1: {  	[sflag:s22] =	ssyncadd.s32 $0xFFFFD800  }
0xa2: {  	[spmem:s2] =	stream.indirect.scatter.add.f32 [tilespmem:s18], [sflag:$0xB], $0x80, s10, s1, $0xb8;
	[tilespmem:$0x1DC80] =	vst v63  }
0xa3: {  	_ =	swait.ge [sflag:s23], $0x2800  }
0xa4: {  	s7 =	rddreg [dreg:$0xa];
	[sflag:s23] =	ssyncset.done $0x0  }
0xa5: {  	s17 =	rddreg [dreg:$0xb];
	[sflag:s23] =	ssyncadd.s32 $0xFFFFD800;
	s8 =	sadd.s32 $0x0, s7  }
0xa6: {  	[tilespmem:s29], [sflag:$0x2] =	stream.linear.gather [hbm4b:s8+s3], $0x50, $0x38;
	[tilespmem:$0x1DC80] =	vst v63  }
0xa7: {  	s17 =	sadd.s32 $0x0, s17  }
0xa8: {  	[tilespmem:s30], [sflag:$0x2] =	stream.linear.gather [hbm4b:s17+s3], $0x50, $0x38;
	[tilespmem:$0x1DC80] =	vst v63  }
0xa9: {  	_ =	swait.ge [sflag:s31], $0x50  }
0xaa: {  	[sflag:s31] =	ssyncset.done $0x0  }
0xab: {  	[sflag:s31] =	ssyncadd.s32 $0xFFFFFFB0  }
0xac: {  	_ =	swait.ge [sflag:s31], $0x50  }
0xad: {  	[sflag:s31] =	ssyncset.done $0x0  }
0xae: {  	[sflag:s31] =	ssyncadd.s32 $0xFFFFFFB0  }
0xaf: {  	[tilespmem:s0], [sflag:$0x5] =	stream.indirect.gather [hbm4b:s4+s1], $0x80, s3, s1, $0xb8;
	[tilespmem:$0x1DC80] =	vst v63  }
0xb0: {  	_ =	swait.ge [sflag:s24], $0x2800  }
0xb1: {  	[sflag:s24] =	ssyncset.done $0x0  }
0xb2: {  	[sflag:s24] =	ssyncadd.s32 $0xFFFFD800  }
0xb3: {  	[spmem:s2] =	stream.indirect.scatter.add.f32 [tilespmem:s6], [sflag:$0xC], $0x80, s15, s1, $0xb8;
	[tilespmem:$0x1DC80] =	vst v63  }
0xb4: {  	_ =	swait.ge [sflag:s25], $0x2800  }
0xb5: {  	s5 =	rddreg [dreg:$0x8];
	[sflag:s25] =	ssyncset.done $0x0  }
0xb6: {  	s7 =	rddreg [dreg:$0x9];
	[sflag:s25] =	ssyncadd.s32 $0xFFFFD800;
	s8 =	sadd.s32 $0x0, s5  }
0xb7: {  	[tilespmem:s9], [sflag:$0x3] =	stream.linear.gather [hbm4b:s8+s3], $0x50, $0x38;
	[tilespmem:$0x1DC80] =	vst v63  }
0xb8: {  	s17 =	sadd.s32 $0x0, s7  }
0xb9: {  	[tilespmem:s10], [sflag:$0x3] =	stream.linear.gather [hbm4b:s17+s3], $0x50, $0x38;
	[tilespmem:$0x1DC80] =	vst v63  }
0xba: {  	_ =	swait.ge [sflag:s11], $0x50  }
0xbb: {  	[sflag:s11] =	ssyncset.done $0x0  }
0xbc: {  	[sflag:s11] =	ssyncadd.s32 $0xFFFFFFB0  }
0xbd: {  	_ =	swait.ge [sflag:s11], $0x50  }
0xbe: {  	[sflag:s11] =	ssyncset.done $0x0  }
0xbf: {  	[sflag:s11] =	ssyncadd.s32 $0xFFFFFFB0  }
0xc0: {  	[tilespmem:s12], [sflag:$0x6] =	stream.indirect.gather [hbm4b:s4+s1], $0x80, s29, s1, $0xb8;
	[tilespmem:$0x1DC80] =	vst v63  }
0xc1: {  	_ =	swait.ge [sflag:s13], $0x2800  }
0xc2: {  	[sflag:s13] =	ssyncset.done $0x0  }
0xc3: {  	[sflag:s13] =	ssyncadd.s32 $0xFFFFD800  }
0xc4: {  	[spmem:s2] =	stream.indirect.scatter.add.f32 [tilespmem:s0], [sflag:$0x9], $0x80, s28, s1, $0xb8;
	[tilespmem:$0x1DC80] =	vst v63  }
0xc5: {  	_ =	swait.ge [sflag:s26], $0x2800  }
0xc6: {  	s5 =	rddreg [dreg:$0x6];
	[sflag:s26] =	ssyncset.done $0x0  }
0xc7: {  	s7 =	rddreg [dreg:$0x7];
	[sflag:s26] =	ssyncadd.s32 $0xFFFFD800;
	s8 =	sadd.s32 $0x0, s5  }
0xc8: {  	[tilespmem:s14], [sflag:$0x4] =	stream.linear.gather [hbm4b:s8+s3], $0x50, $0x38;
	[tilespmem:$0x1DC80] =	vst v63  }
0xc9: {  	s17 =	sadd.s32 $0x0, s7  }
0xca: {  	[tilespmem:s15], [sflag:$0x4] =	stream.linear.gather [hbm4b:s17+s3], $0x50, $0x38;
	[tilespmem:$0x1DC80] =	vst v63  }
0xcb: {  	_ =	swait.ge [sflag:s16], $0x50  }
0xcc: {  	[sflag:s16] =	ssyncset.done $0x0  }
0xcd: {  	[sflag:s16] =	ssyncadd.s32 $0xFFFFFFB0  }
0xce: {  	_ =	swait.ge [sflag:s16], $0x50  }
0xcf: {  	[sflag:s16] =	ssyncset.done $0x0  }
0xd0: {  	[sflag:s16] =	ssyncadd.s32 $0xFFFFFFB0  }
0xd1: {  	[tilespmem:s18], [sflag:$0x7] =	stream.indirect.gather [hbm4b:s4+s1], $0x80, s9, s1, $0xb8;
	[tilespmem:$0x1DC80] =	vst v63  }
0xd2: {  	_ =	swait.ge [sflag:s19], $0x2800  }
0xd3: {  	[sflag:s19] =	ssyncset.done $0x0  }
0xd4: {  	[sflag:s19] =	ssyncadd.s32 $0xFFFFD800  }
0xd5: {  	[spmem:s2] =	stream.indirect.scatter.add.f32 [tilespmem:s12], [sflag:$0xA], $0x80, s30, s1, $0xb8;
	[tilespmem:$0x1DC80] =	vst v63  }
0xd6: {  	_ =	swait.ge [sflag:s20], $0x2800  }
0xd7: {  	s5 =	rddreg [dreg:$0x4];
	[sflag:s20] =	ssyncset.done $0x0  }
0xd8: {  	s7 =	rddreg [dreg:$0x5];
	[sflag:s20] =	ssyncadd.s32 $0xFFFFD800;
	s8 =	sadd.s32 $0x0, s5  }
0xd9: {  	[tilespmem:s3], [sflag:$0x1] =	stream.linear.gather [hbm4b:s8+s3], $0x50, $0x38;
	[tilespmem:$0x1DC80] =	vst v63  }
0xda: {  	s17 =	sadd.s32 $0x0, s7  }
0xdb: {  	[tilespmem:s28], [sflag:$0x1] =	stream.linear.gather [hbm4b:s17+s3], $0x50, $0x38;
	[tilespmem:$0x1DC80] =	vst v63  }
0xdc: {  	_ =	swait.ge [sflag:s21], $0x50  }
0xdd: {  	[sflag:s21] =	ssyncset.done $0x0  }
0xde: {  	[sflag:s21] =	ssyncadd.s32 $0xFFFFFFB0  }
0xdf: {  	_ =	swait.ge [sflag:s21], $0x50  }
0xe0: {  	[sflag:s21] =	ssyncset.done $0x0  }
0xe1: {  	[sflag:s21] =	ssyncadd.s32 $0xFFFFFFB0  }
0xe2: {  	[tilespmem:s6], [sflag:$0x8] =	stream.indirect.gather [hbm4b:s4+s1], $0x80, s14, s1, $0xb8;
	[tilespmem:$0x1DC80] =	vst v63  }
0xe3: {  	_ =	swait.ge [sflag:s22], $0x2800  }
0xe4: {  	[sflag:s22] =	ssyncset.done $0x0  }
0xe5: {  	s17 =	simm.s32 $0x28;
	[sflag:s22] =	ssyncadd.s32 $0xFFFFD800  }
.LBB2_4:
0xe6: {  	[spmem:s2] =	stream.indirect.scatter.add.f32 [tilespmem:s18], [sflag:$0xB], $0x80, s10, s1, $0xb8;
	[tilespmem:$0x1DC80] =	vst v63  }
0xe7: {  	_ =	swait.ge [sflag:s23], $0x2800  }
0xe8: {  	s8 =	smov.u32 s17;
	s5 =	rddreg [dreg:$0xa];
	[sflag:s23] =	ssyncset.done $0x0  }
0xe9: {  	s7 =	rddreg [dreg:$0xb];
	[sflag:s23] =	ssyncadd.s32 $0xFFFFD800;
	s5 =	sadd.s32 s8, s5  }
0xea: {  	[tilespmem:s29], [sflag:$0x2] =	stream.linear.gather [hbm4b:s5+s3], $0x50, $0x38;
	[tilespmem:$0x1DC80] =	vst v63  }
0xeb: {  	s7 =	sadd.s32 s8, s7  }
0xec: {  	[tilespmem:s30], [sflag:$0x2] =	stream.linear.gather [hbm4b:s7+s3], $0x50, $0x38;
	[tilespmem:$0x1DC80] =	vst v63  }
0xed: {  	_ =	swait.ge [sflag:s31], $0x50  }
0xee: {  	[sflag:s31] =	ssyncset.done $0x0  }
0xef: {  	[sflag:s31] =	ssyncadd.s32 $0xFFFFFFB0  }
0xf0: {  	_ =	swait.ge [sflag:s31], $0x50  }
0xf1: {  	[sflag:s31] =	ssyncset.done $0x0  }
0xf2: {  	[sflag:s31] =	ssyncadd.s32 $0xFFFFFFB0  }
0xf3: {  	[tilespmem:s0], [sflag:$0x5] =	stream.indirect.gather [hbm4b:s4+s1], $0x80, s3, s1, $0xb8;
	[tilespmem:$0x1DC80] =	vst v63  }
0xf4: {  	_ =	swait.ge [sflag:s24], $0x2800  }
0xf5: {  	[sflag:s24] =	ssyncset.done $0x0  }
0xf6: {  	[sflag:s24] =	ssyncadd.s32 $0xFFFFD800  }
0xf7: {  	[spmem:s2] =	stream.indirect.scatter.add.f32 [tilespmem:s6], [sflag:$0xC], $0x80, s15, s1, $0xb8;
	[tilespmem:$0x1DC80] =	vst v63  }
0xf8: {  	_ =	swait.ge [sflag:s25], $0x2800  }
0xf9: {  	s5 =	rddreg [dreg:$0x8];
	[sflag:s25] =	ssyncset.done $0x0  }
0xfa: {  	s7 =	rddreg [dreg:$0x9];
	[sflag:s25] =	ssyncadd.s32 $0xFFFFD800;
	s5 =	sadd.s32 s8, s5  }
0xfb: {  	[tilespmem:s9], [sflag:$0x3] =	stream.linear.gather [hbm4b:s5+s3], $0x50, $0x38;
	[tilespmem:$0x1DC80] =	vst v63  }
0xfc: {  	s7 =	sadd.s32 s8, s7  }
0xfd: {  	[tilespmem:s10], [sflag:$0x3] =	stream.linear.gather [hbm4b:s7+s3], $0x50, $0x38;
	[tilespmem:$0x1DC80] =	vst v63  }
0xfe: {  	_ =	swait.ge [sflag:s11], $0x50  }
0xff: {  	[sflag:s11] =	ssyncset.done $0x0  }
0x100: {  	[sflag:s11] =	ssyncadd.s32 $0xFFFFFFB0  }
0x101: {  	_ =	swait.ge [sflag:s11], $0x50  }
0x102: {  	[sflag:s11] =	ssyncset.done $0x0  }
0x103: {  	[sflag:s11] =	ssyncadd.s32 $0xFFFFFFB0  }
0x104: {  	[tilespmem:s12], [sflag:$0x6] =	stream.indirect.gather [hbm4b:s4+s1], $0x80, s29, s1, $0xb8;
	[tilespmem:$0x1DC80] =	vst v63  }
0x105: {  	_ =	swait.ge [sflag:s13], $0x2800  }
0x106: {  	[sflag:s13] =	ssyncset.done $0x0  }
0x107: {  	[sflag:s13] =	ssyncadd.s32 $0xFFFFD800  }
0x108: {  	[spmem:s2] =	stream.indirect.scatter.add.f32 [tilespmem:s0], [sflag:$0x9], $0x80, s28, s1, $0xb8;
	[tilespmem:$0x1DC80] =	vst v63  }
0x109: {  	_ =	swait.ge [sflag:s26], $0x2800  }
0x10a: {  	s5 =	rddreg [dreg:$0x6];
	[sflag:s26] =	ssyncset.done $0x0  }
0x10b: {  	s7 =	rddreg [dreg:$0x7];
	[sflag:s26] =	ssyncadd.s32 $0xFFFFD800;
	s5 =	sadd.s32 s8, s5  }
0x10c: {  	[tilespmem:s14], [sflag:$0x4] =	stream.linear.gather [hbm4b:s5+s3], $0x50, $0x38;
	[tilespmem:$0x1DC80] =	vst v63  }
0x10d: {  	s7 =	sadd.s32 s8, s7  }
0x10e: {  	[tilespmem:s15], [sflag:$0x4] =	stream.linear.gather [hbm4b:s7+s3], $0x50, $0x38;
	[tilespmem:$0x1DC80] =	vst v63  }
0x10f: {  	_ =	swait.ge [sflag:s16], $0x50  }
0x110: {  	[sflag:s16] =	ssyncset.done $0x0  }
0x111: {  	[sflag:s16] =	ssyncadd.s32 $0xFFFFFFB0  }
0x112: {  	_ =	swait.ge [sflag:s16], $0x50  }
0x113: {  	[sflag:s16] =	ssyncset.done $0x0  }
0x114: {  	[sflag:s16] =	ssyncadd.s32 $0xFFFFFFB0  }
0x115: {  	[tilespmem:s18], [sflag:$0x7] =	stream.indirect.gather [hbm4b:s4+s1], $0x80, s9, s1, $0xb8;
	[tilespmem:$0x1DC80] =	vst v63  }
0x116: {  	_ =	swait.ge [sflag:s19], $0x2800  }
0x117: {  	[sflag:s19] =	ssyncset.done $0x0  }
0x118: {  	[sflag:s19] =	ssyncadd.s32 $0xFFFFD800  }
0x119: {  	[spmem:s2] =	stream.indirect.scatter.add.f32 [tilespmem:s12], [sflag:$0xA], $0x80, s30, s1, $0xb8;
	[tilespmem:$0x1DC80] =	vst v63  }
0x11a: {  	_ =	swait.ge [sflag:s20], $0x2800  }
0x11b: {  	s5 =	rddreg [dreg:$0x4];
	[sflag:s20] =	ssyncset.done $0x0  }
0x11c: {  	s7 =	rddreg [dreg:$0x5];
	[sflag:s20] =	ssyncadd.s32 $0xFFFFD800;
	s5 =	sadd.s32 s8, s5  }
0x11d: {  	[tilespmem:s3], [sflag:$0x1] =	stream.linear.gather [hbm4b:s5+s3], $0x50, $0x38;
	[tilespmem:$0x1DC80] =	vst v63  }
0x11e: {  	s8 =	sadd.s32 s8, s7  }
0x11f: {  	[tilespmem:s28], [sflag:$0x1] =	stream.linear.gather [hbm4b:s8+s3], $0x50, $0x38;
	[tilespmem:$0x1DC80] =	vst v63  }
0x120: {  	_ =	swait.ge [sflag:s21], $0x50  }
0x121: {  	[sflag:s21] =	ssyncset.done $0x0  }
0x122: {  	[sflag:s21] =	ssyncadd.s32 $0xFFFFFFB0  }
0x123: {  	_ =	swait.ge [sflag:s21], $0x50  }
0x124: {  	p1 =	sne.s32 s17, $0x488;
	[sflag:s21] =	ssyncset.done $0x0  }
.Ltmp1:
0x125: {  	[sflag:s21] =	ssyncadd.s32 $0xFFFFFFB0;
	(pc) =	sbr.rel @p1 .LBB2_4-.Ltmp1, $4  }
0x126: {  	[tilespmem:s6], [sflag:$0x8] =	stream.indirect.gather [hbm4b:s4+s1], $0x80, s14, s1, $0xb8;
	[tilespmem:$0x1DC80] =	vst v63  }
0x127: {  	_ =	swait.ge [sflag:s22], $0x2800  }
0x128: {  	[sflag:s22] =	ssyncset.done $0x0  }
0x129: {  	s17 =	sadd.s32 $0x28, s17;
	[sflag:s22] =	ssyncadd.s32 $0xFFFFD800  }
0x12a: {  	[spmem:s2] =	stream.indirect.scatter.add.f32 [tilespmem:s18], [sflag:$0xB], $0x80, s10, s1, $0xb8;
	[tilespmem:$0x1DC80] =	vst v63  }
0x12b: {  	_ =	swait.ge [sflag:s31], $0x50  }
0x12c: {  	[sflag:s31] =	ssyncset.done $0x0  }
0x12d: {  	[sflag:s31] =	ssyncadd.s32 $0xFFFFFFB0  }
0x12e: {  	_ =	swait.ge [sflag:s31], $0x50  }
0x12f: {  	[sflag:s31] =	ssyncset.done $0x0  }
0x130: {  	[sflag:s31] =	ssyncadd.s32 $0xFFFFFFB0  }
0x131: {  	[tilespmem:s0], [sflag:$0x5] =	stream.indirect.gather [hbm4b:s4+s1], $0x80, s3, s1, $0xb8;
	[tilespmem:$0x1DC80] =	vst v63  }
0x132: {  	_ =	swait.ge [sflag:s24], $0x2800  }
0x133: {  	[sflag:s24] =	ssyncset.done $0x0  }
0x134: {  	[sflag:s24] =	ssyncadd.s32 $0xFFFFD800  }
0x135: {  	[spmem:s2] =	stream.indirect.scatter.add.f32 [tilespmem:s6], [sflag:$0xC], $0x80, s15, s1, $0xb8;
	[tilespmem:$0x1DC80] =	vst v63  }
0x136: {  	_ =	swait.ge [sflag:s13], $0x2800  }
0x137: {  	[sflag:s13] =	ssyncset.done $0x0  }
0x138: {  	[sflag:s13] =	ssyncadd.s32 $0xFFFFD800  }
0x139: {  	[spmem:s2] =	stream.indirect.scatter.add.f32 [tilespmem:s0], [sflag:$0x9], $0x80, s28, s1, $0xb8;
	[tilespmem:$0x1DC80] =	vst v63  }
0x13a: {  	_ =	swait.ge [sflag:s20], $0x2800  }
0x13b: {  	[sflag:s20] =	ssyncset.done $0x0  }
0x13c: {  	[sflag:s20] =	ssyncadd.s32 $0xFFFFD800  }
0x13d: {  	_ =	swait.ge [sflag:s23], $0x2800  }
0x13e: {  	[sflag:s23] =	ssyncset.done $0x0  }
0x13f: {  	[sflag:s23] =	ssyncadd.s32 $0xFFFFD800  }
0x140: {  	_ =	swait.ge [sflag:s25], $0x2800  }
0x141: {  	[sflag:s25] =	ssyncset.done $0x0  }
0x142: {  	[sflag:s25] =	ssyncadd.s32 $0xFFFFD800  }
0x143: {  	_ =	swait.ge [sflag:s26], $0x2800  }
0x144: {  	[sflag:s26] =	ssyncset.done $0x0  }
0x145: {  	[sflag:s26] =	ssyncadd.s32 $0xFFFFD800  }
0x146: {  	s5 =	stileid.u32;
	[bflag:$0x0] =	sbarrier.arrive $0xFFFF  }
0x147: {  	s17 =	simm.s32 $0xD;
	s5 =	sshll.u32 s5, $0x6;
	s7 =	rddreg [dreg:$0xf]  }
0x148: {  	s5 =	sor.u32 $0x1C0D, s5;
	s8 =	rddreg [dreg:$0x19];
	s7 =	sshrl.u32 s7, $0x3  }
0x149: {  	[hbm:s8], [sflag:s5] =	dma.local [spmem:s7], $0x2700  }
0x14a: {  	_ =	swait.ge [sflag:s17], $0x2700  }
0x14b: {  	[sflag:s17] =	ssyncset.done $0x0;
	s7 =	rddreg [dreg:$0x18]  }
0x14c: {  	s8 =	rddreg [dreg:$0x1f];
	[sflag:s17] =	ssyncadd.s32 $0xFFFFD900;
	s7 =	sshrl.u32 @!p0 s7, $0x3  }
0x14d: {  	[hbm:s8], [sflag:s5] =	dma.local @!p0 [spmem:s7], $0x100  }
0x14e: {  	s5 =	simm.s32 @!p0 $0xD  }
0x14f: {  	_ =	swait.ge @!p0 [sflag:s5], $0x100  }
0x150: {  	s7 =	sld [smem:$0x7FB]  }
0x151: {  	s17 =	sld [smem:$0x7FC];
	_ =	sdelay $0x1  }
0x152: {  	s8 =	sadd.s32 $0x1, s7  }
0x153: {  	p1 =	sne.s32 s8, s17  }
.Ltmp2:
0x154: {  	_ = 	snop;
	(pc) =	sbr.rel @p1 .LBB2_1-.Ltmp2, $3  }
0x155: {  	_ =	sdelay $0x1  }
0x156: {  	[sflag:s5] =	ssyncset.done @!p0 $0x0  }
0x157: {  	[sflag:s5] =	ssyncadd.s32 @!p0 $0xFFFFFF00  }
0x158: {  	_ =	sfence.sel $0x180000  }
0x159: {  	[bflag:$0x0] =	sbarrier.arrive $0xFFFF  }
0x15a: {  	_ =	strace $0x9000004D  }
0x15b: {  	s0 =	stileid.u32;
	[bflag:$0x2] =	sbarrier.arrive $0xFFFF  }
0x15c: {  	p0 =	sne.s32 s0, $0x0;
	s0 =	rddreg [dreg:$0x3]  }
0x15d: {  	s0 =	sadd.s32 @!p0 $0x100000, s0  }
0x15e: {  	[sflag:s0] =	ssyncadd.tile.s32 @!p0 $0x1;
	_ =	shalt  }
.Lfunc_end2:
_tile_overlayer_lowered:
.L_overlay_start_2:
0x15f: {  	(tag) =	ssettag $0x2  }
0x160: {  	s0 =	rddreg [dreg:$0x0];
	s2 =	stileid.u32  }
0x161: {  	s1 =	rddreg [dreg:$0x1];
	p0 =	sne.s32 s2, $0x0  }
0x162: {  	s3 =	rddreg [dreg:$0x2];
	[bflag:$0x3] =	sbarrier.arrive $0xFFFF;
	s2 =	simm.s32 @!p0 $0x1C0D  }
0x163: {  	[timem:s3], [sflag:s2] =	dma.local @!p0 [hbm:s0], s1  }
0x164: {  	s0 =	simm.s32 @!p0 $0xD  }
0x165: {  	_ =	swait.ge @!p0 [sflag:s0], s1  }
0x166: {  	s1 =	ssub.s32 @!p0 $0x0, s1;
	[sflag:s0] =	ssyncset.done @!p0 $0x0  }
0x167: {  	[sflag:s0] =	ssyncadd.s32 @!p0 s1  }
0x168: {  	[bflag:$0x3] =	sbarrier.arrive $0xFFFF  }
0x169: {  	_ =	shalt  }

// kernel: kernel.9.cloned.1.call-start
scs
__scs_entry_jumppad:
0x0: {  	(pc) =	sbr.rel $0x88, $3  }
0x1: {  	(tag) =	ssettag $0x0;
	lr =	simm.s32 $0x1  }
0x2: {  	[smem:$0x3F99] =	sst lr;
	_ =	strace $0xD0000000  }
0x3: {  	_ = 	snop  }
0x4: {  	_ = 	snop  }
0x5: {  	_ = 	snop  }
0x6: {  	_ = 	snop  }
0x7: {  	_ = 	snop  }
__scs_overlays_trampoline_lowered:
0x8: {  	[smem:$0x3FA8] =	sst s0  }
0x9: {  	[smem:$0x3FA9] =	sst s1  }
0xa: {  	[smem:$0x3FAA] =	sst s2  }
0xb: {  	[smem:$0x3FAB] =	sst s3  }
0xc: {  	[smem:$0x3FAC] =	sst s4  }
0xd: {  	[smem:$0x3FAD] =	sst s5  }
0xe: {  	[smem:$0x3FAE] =	sst s6  }
0xf: {  	[smem:$0x3FAF] =	sst s7  }
0x10: {  	[smem:$0x3FB0] =	sst s8  }
0x11: {  	[smem:$0x3FB1] =	sst s9;
	s0 =	simm.s32 @!p0 $0x0  }
0x12: {  	s1 =	sld [smem:$0x3F97];
	s0 =	simm.s32 @p0 $0x1  }
0x13: {  	[smem:$0x3FB2] =	sst s0;
	s0 =	simm.s32 @!p1 $0x0  }
0x14: {  	s2 =	sld [smem:$0x3F96];
	s0 =	simm.s32 @p1 $0x1  }
0x15: {  	[smem:$0x3FB3] =	sst s0;
	s0 =	simm.s32 @!p2 $0x0  }
0x16: {  	s3 =	sld [smem:$0x3FDB];
	s0 =	simm.s32 @p2 $0x1  }
0x17: {  	s4 =	simm.s32 $0x1BF5;
	[smem:$0x3FB5] =	sst s0  }
0x18: {  	s0 =	sld [smem:$0x3F98];
	_ =	swait.ge [sflag:s4], $0x0  }
0x19: {  	s7 =	sld [smem:$0x3F99]  }
0x1a: {  	s8 =	sadd.s32 $0xFFFFE003, lr  }
0x1b: {  	s9 =	sadd.s32 $0xFFFFFEF7, lr;
	s5 =	simm.s32 $0xFFFFFFFF;
	p2 =	slt.u32 s8, $0xFFFFF086  }
0x1c: {  	p1 =	slt.u32 s9, $0xF7A;
	s5 =	simm.s32 @!p2 $0x0  }
0x1d: {  	s5 =	simm.s32 @p1 $0x1;
	p0 =	seq.s32 s7, s2  }
0x1e: {  	s7 =	smul.u32 @!p0 $0xF7A, s2;
	p2 =	seq.s32 @!p0 s5, $0x0  }
0x1f: {  	s9 =	smul.u32 $0xF7A, s1;
	s8 =	simm.s32 @!p0 $0x1BF5;
	p2 =	por !p2, p0  }
0x20: {  	[sflag:s8] =	ssyncset.s32 @!p0 $0xFFFFF086;
	s6 =	sadd.s32 @!p0 s3, s7;
	s7 =	simm.s32 @!p0 $0x108  }
0x21: {  	s3 =	sadd.s32 s3, s9;
	s6 =	sadd.s32 @!p0 $0x88, s6;
	s7 =	simm.s32 @p2 $0x1082  }
0x22: {  	[simem:s7], [sflag:s8] =	dma.local @!p0 [hbm:s6], $0xF7A  }
0x23: {  	s9 =	sor.u32 $0xD0000000, s2;
	s6 =	simm.s32 $0x108;
	_ =	swait.ge @!p0 [sflag:s8], $0x0  }
0x24: {  	s3 =	sadd.s32 $0x88, s3;
	s6 =	simm.s32 @!p1 $0x1082;
	[sflag:s4] =	ssyncset.s32 $0xFFFFF086  }
0x25: {  	[simem:s6], [sflag:s4] =	dma.local [hbm:s3], $0xF7A  }
0x26: {  	[smem:$0x3F99] =	sst s1;
	(tag) =	ssettag s2;
	_ =	strace s9  }
0x27: {  	s1 =	sld [smem:$0x3FA9]  }
0x28: {  	s2 =	sld [smem:$0x3FAA]  }
0x29: {  	s4 =	sld [smem:$0x3FAC]  }
0x2a: {  	p0 =	seq.s32 s5, $0x0;
	s5 =	sld [smem:$0x3FAD]  }
0x2b: {  	s6 =	sld [smem:$0x3FAE]  }
0x2c: {  	s7 =	sld [smem:$0x3FAF]  }
0x2d: {  	s3 =	simm.s32 $0x108;
	s8 =	sld [smem:$0x3FB0]  }
0x2e: {  	s3 =	simm.s32 @!p0 $0x1082;
	s9 =	sld [smem:$0x3FB1]  }
0x2f: {  	lr =	sadd.s32 s0, s3;
	s0 =	sld [smem:$0x3FA8]  }
0x30: {  	s3 =	sld [smem:$0x3FAB]  }
0x31: {  	[smem:$0x3FB4] =	sst s10  }
0x32: {  	s10 =	sld [smem:$0x3FB2];
	_ =	sdelay $0x3  }
0x33: {  	p0 =	seq.s32 s10, $0x1;
	s10 =	sld [smem:$0x3FB4];
	_ =	sdelay $0x3  }
0x34: {  	[smem:$0x3FB4] =	sst s10  }
0x35: {  	s10 =	sld [smem:$0x3FB3];
	_ =	sdelay $0x3  }
0x36: {  	p1 =	seq.s32 s10, $0x1;
	s10 =	sld [smem:$0x3FB4];
	_ =	sdelay $0x3  }
0x37: {  	[smem:$0x3FB4] =	sst s10  }
0x38: {  	s10 =	sld [smem:$0x3FB5]  }
0x39: {  	_ = 	snop;
	(pc) =	sbr.ind lr, $3  }
0x3a: {  	_ = 	snop  }
0x3b: {  	_ = 	snop  }
0x3c: {  	p2 =	seq.s32 s10, $0x1;
	s10 =	sld [smem:$0x3FB4]  }
0x3d: {  	_ =	shalt  }
0x3e: {  	_ =	shalt  }
0x3f: {  	_ =	shalt  }
0x40: {  	_ =	shalt  }
0x41: {  	_ =	shalt  }
0x42: {  	_ =	shalt  }
0x43: {  	_ =	shalt  }
0x44: {  	_ =	shalt  }
0x45: {  	_ =	shalt  }
0x46: {  	_ =	shalt  }
0x47: {  	_ =	shalt  }
0x48: {  	_ =	shalt  }
0x49: {  	_ =	shalt  }
0x4a: {  	_ =	shalt  }
0x4b: {  	_ =	shalt  }
0x4c: {  	_ =	shalt  }
0x4d: {  	_ =	shalt  }
0x4e: {  	_ =	shalt  }
0x4f: {  	_ =	shalt  }
0x50: {  	_ =	shalt  }
0x51: {  	_ =	shalt  }
0x52: {  	_ =	shalt  }
0x53: {  	_ =	shalt  }
0x54: {  	_ =	shalt  }
0x55: {  	_ =	shalt  }
0x56: {  	_ =	shalt  }
0x57: {  	_ =	shalt  }
0x58: {  	_ =	shalt  }
0x59: {  	_ =	shalt  }
0x5a: {  	_ =	shalt  }
0x5b: {  	_ =	shalt  }
0x5c: {  	_ =	shalt  }
0x5d: {  	_ =	shalt  }
0x5e: {  	_ =	shalt  }
0x5f: {  	_ =	shalt  }
0x60: {  	_ =	shalt  }
0x61: {  	_ =	shalt  }
0x62: {  	_ =	shalt  }
0x63: {  	_ =	shalt  }
0x64: {  	_ =	shalt  }
0x65: {  	_ =	shalt  }
0x66: {  	_ =	shalt  }
0x67: {  	_ =	shalt  }
0x68: {  	_ =	shalt  }
0x69: {  	_ =	shalt  }
0x6a: {  	_ =	shalt  }
0x6b: {  	_ =	shalt  }
0x6c: {  	_ =	shalt  }
0x6d: {  	_ =	shalt  }
0x6e: {  	_ =	shalt  }
0x6f: {  	_ =	shalt  }
0x70: {  	_ =	shalt  }
0x71: {  	_ =	shalt  }
0x72: {  	_ =	shalt  }
0x73: {  	_ =	shalt  }
0x74: {  	_ =	shalt  }
0x75: {  	_ =	shalt  }
0x76: {  	_ =	shalt  }
0x77: {  	_ =	shalt  }
0x78: {  	_ =	shalt  }
0x79: {  	_ =	shalt  }
0x7a: {  	_ =	shalt  }
0x7b: {  	_ =	shalt  }
0x7c: {  	_ =	shalt  }
0x7d: {  	_ =	shalt  }
0x7e: {  	_ =	shalt  }
0x7f: {  	_ =	shalt  }
0x80: {  	_ =	shalt  }
0x81: {  	_ =	shalt  }
0x82: {  	_ =	shalt  }
0x83: {  	_ =	shalt  }
0x84: {  	_ =	shalt  }
0x85: {  	_ =	shalt  }
0x86: {  	_ =	shalt  }
0x87: {  	_ =	shalt  }
.Lfunc_end0:
.L_simem_size_0:
called_computation_lowered:
.L_overlay_start_0:
0x88: {  	s2 =	sld [smem:$0x3FD9]  }
0x89: {  	s3 =	sld [smem:$0x3FFE];
	_ =	sdelay $0x1  }
0x8a: {  	s1 =	srdreg.scid  }
0x8b: {  	s0 =	sand.u32 $0x1, s1  }
0x8c: {  	s15 =	sshll.u32 s0, $0xA;
	s2 =	sadd.s32 s3, s2  }
0x8d: {  	s2 =	sadd.s32 s2, s15  }
0x8e: {  	[smem:$0x3FC0] =	sst s2  }
0x8f: {  	_ = 	snop  }
0x90: {  	s2 =	sld [smem:$0x3FD0];
	_ =	sdelay $0x2  }
0x91: {  	s16 =	simm.s32 $0xA;
	s4 =	simm.s32 $0x10  }
0x92: {  	[smem:s4], [sflag:s16] =	dma.local [hbm:s2], $0x1  }
0x93: {  	_ =	swait.eq [sflag:s16], $0x1  }
0x94: {  	[sflag:s16] =	ssyncset.done $0x0  }
0x95: {  	s17 =	sld [smem:$0x10];
	[sflag:s16] =	ssyncadd.s32 $0xFFFFFFFF  }
0x96: {  	s18 =	sld [smem:$0x11];
	(tm) =	ssettm $0x1  }
0x97: {  	s19 =	sld [smem:$0x3FFB];
	_ =	sdelay $0x3  }
0x98: {  	_ =	strace s19  }
0x99: {  	s4 =	sld [smem:$0x3FFC];
	_ =	sdelay $0x3  }
0x9a: {  	_ =	strace s4  }
0x9b: {  	s4 =	sld [smem:$0x3FFD];
	_ =	sdelay $0x3  }
0x9c: {  	_ =	strace s4  }
0x9d: {  	_ =	strace $0x8FFFFFFF  }
0x9e: {  	s20 =	sld [smem:$0x3FDB];
	_ =	sdelay $0x1  }
0x9f: {  	s5 =	simm.s32 $_scs_section_size  }
0xa0: {  	s6 =	simm.s32 $_size__tile_overlayer_lowered;
	s7 =	simm.s32 $_tile_overlayer_lowered  }
0xa1: {  	s23 =	simm.s32 $0x1BFF;
	s22 =	sshll.u32 s7, $0x1;
	s4 =	sadd.s32 s5, s20  }
0xa2: {  	s8 =	simm.s32 $0x0;
	s21 =	sshll.u32 s6, $0x1;
	s6 =	sadd.s32 s22, s4  }
0xa3: {  	[timem:s8], [sflag:s23] =	dma.local [hbm:s6], s21  }
0xa4: {  	_ =	swait.ge [sflag:s23], s21  }
0xa5: {  	s5 =	ssub.s32 $0x0, s21;
	[sflag:s23] =	ssyncset.done $0x0  }
0xa6: {  	[sflag:s23] =	ssyncadd.s32 s5;
	_ =	sdelay $0x1  }
0xa7: {  	s24 =	simm.s32 $0x1B8B  }
0xa8: {  	_ =	swait.ge [sflag:s24], $0x1  }
0xa9: {  	[sflag:s24] =	ssyncset.done $0x0  }
0xaa: {  	s25 =	simm.s32 $0x1B8E;
	[sflag:s24] =	ssyncadd.s32 $0xFFFFFFFF  }
0xab: {  	s26 =	simm.s32 $execute0_lowered;
	[smem:$0x3FD2] =	sst s25  }
0xac: {  	s5 =	sshll.u32 s26, $0x1;
	_ =	strace $0x80000046;
	[dreg:$0x1] =	wrdreg $0xFFFFFFFF  }
0xad: {  	s28 =	simm.s32 $_size_execute0_lowered;
	s4 =	sadd.s32 s4, s5;
	[dreg:$0x0] =	wrdreg $0x0  }
0xae: {  	s5 =	sshll.u32 s28, $0x1;
	[dreg:$0x2] =	wrdreg s4  }
0xaf: {  	[dreg:$0x3] =	wrdreg s5  }
0xb0: {  	[dreg:$0x4] =	wrdreg $0xC0  }
0xb1: {  	_ =	task [dreg:s8], $0x5FFFF  }
0xb2: {  	[dreg:$0x1] =	wrdreg $0xFFFFFFFF  }
0xb3: {  	[dreg:$0x0] =	wrdreg $0x60  }
0xb4: {  	[dreg:$0x2] =	wrdreg s18  }
0xb5: {  	[dreg:$0x3] =	wrdreg s17  }
0xb6: {  	[dreg:$0x4] =	wrdreg $0x5800  }
0xb7: {  	[dreg:$0x5] =	wrdreg $0x9  }
0xb8: {  	_ =	task.clear_ibuf [dreg:s8], $0x6FFFF;
	_ =	strace $0x90000046  }
0xb9: {  	s29 =	simm.s32 $0x9;
	_ =	strace $0x80000048  }
0xba: {  	_ =	swait.ge [sflag:s29], $0x1  }
0xbb: {  	[sflag:s29] =	ssyncadd.s32 $0xFFFFFFFF  }
0xbc: {  	_ =	strace $0x90000048  }
0xbd: {  	_ =	sfence  }
0xbe: {  	s30 =	sld [smem:$0x0];
	_ =	sdelay $0x2  }
0xbf: {  	s31 =	sshll.u32 s1, $0xD;
	s1 =	sshrl.u32 s1, $0x2  }
0xc0: {  	s3 =	sand.u32 $0x4000, s31;
	s1 =	sadd.s32 s1, s30  }
0xc1: {  	s0 =	sor.u32 s3, s0;
	s1 =	sshll.u32 s1, $0x11  }
0xc2: {  	s0 =	sor.u32 s1, s0  }
0xc3: {  	s0 =	sadd.s32 $0x8F2B, s0  }
0xc4: {  	[sflag:s0] =	ssyncadd.remote.s32 $0x1  }
0xc5: {  	_ =	sfence.sel $0xFFFF  }
0xc6: {  	[dreg:$0x0] =	wrdreg $0xFFFFFFFF;
	(pc) =	sbr.abs _section_cstart, $3  }
0xc7: {  	[dreg:$0x1] =	wrdreg $0xFFFFFFFF  }
0xc8: {  	_ =	task.clear_ibuf [dreg:s8], $0x2FFFF;
	_ =	strace $0x9FFFFFFF  }
0xc9: {  	(tm) =	ssettm $0x7FFFFFFF  }
tec
execute0_lowered:
.L_overlay_start_1:
0x0: {  	(tag) =	ssettag $0x1  }
0x1: {  	s0 =	rddreg [dreg:$0x0]  }
0x2: {  	s1 =	srdreg.scid;
	s6 =	rddreg [dreg:$0x1]  }
0x3: {  	s11 =	stileid.u32;
	s2 =	rddreg [dreg:$0x2];
	s28 =	simm.s32 $0x2  }
0x4: {  	s29 =	simm.s32 $0x200;
	s30 =	simm.s32 $0x3;
	s31 =	simm.s32 $0x6  }
0x5: {  	s1 =	sand.u32 $0x1, s1;
	s3 =	sshll.u32 s11, $0x1;
	s7 =	smul.u32 $0x270, s11  }
0x6: {  	s19 =	smul.u32 $0x4E20, s11;
	p0 =	sne.s32 s11, $0xF;
	s4 =	sor.u32 s1, s3  }
0x7: {  	s3 =	simm.s32 $0x0;
	s5 =	ssub.s32 $0x2, s1;
	s1 =	smul.u32 $0x2710, s1  }
0x8: {  	s4 =	smul.u32 $0x2710, s4;
	[smem:$0x7FF] =	sst s3;
	s8 =	sshrl.u32 s5, $0x1  }
0x9: {  	_ =	strace $0x80000047;
	s8 =	ssub.s32 s5, s8;
	s5 =	sadd.s32 $0x2700, s2  }
0xa: {  	s20 =	sshrl.u32 s1, $0x3;
	s9 =	sshrl.u32 s4, $0x3;
	s4 =	sadd.s32 s7, s2  }
0xb: {  	s7 =	sadd.s32 s7, s1;
	s1 =	sadd.s32 s1, s19;
	s8 =	smax.u32 s8, $0x1  }
0xc: {  	s19 =	simm.s32 $0x300;
	s9 =	sadd.s32 s0, s9;
	s7 =	sshrl.u32 s7, $0x3  }
0xd: {  	s21 =	sadd.s32 $0x4E4D0, s1;
	s23 =	sadd.s32 $0x4E480, s1;
	[dreg:$0xb] =	wrdreg s8  }
0xe: {  	s25 =	sadd.s32 $0x4E430, s1;
	s26 =	sadd.s32 $0x4E3E0, s1;
	s1 =	sadd.s32 $0x4E390, s1  }
0xf: {  	s8 =	simm.s32 $0x9;
	s10 =	sadd.s32 $0x9C40, s9;
	s17 =	sadd.s32 $0x9C4A, s9  }
0x10: {  	s18 =	sadd.s32 $0x9C54, s9;
	s12 =	sadd.s32 $0x9C5E, s9;
	[dreg:$0x4] =	wrdreg s10  }
0x11: {  	s9 =	sadd.s32 $0x9C68, s9;
	s7 =	sadd.s32 s6, s7;
	[dreg:$0x5] =	wrdreg s17  }
0x12: {  	s6 =	sadd.s32 s6, s20;
	s22 =	sshrl.u32 s21, $0x3;
	[dreg:$0x6] =	wrdreg s18  }
0x13: {  	s24 =	sshrl.u32 s23, $0x3;
	s1 =	sshrl.u32 s1, $0x3;
	[dreg:$0x7] =	wrdreg s12  }
0x14: {  	s20 =	simm.s32 $0xB;
	s21 =	simm.s32 $0x80;
	[dreg:$0x8] =	wrdreg s9  }
0x15: {  	s23 =	simm.s32 $0x1;
	[dreg:$0x9] =	wrdreg s7;
	s6 =	sadd.s32 $0x4E0, s6  }
0x16: {  	s14 =	sadd.s32 s22, s0;
	s15 =	sadd.s32 s24, s0;
	s7 =	sshrl.u32 s26, $0x3  }
0x17: {  	s18 =	sadd.s32 s1, s0;
	s22 =	simm.s32 $0x100;
	s24 =	simm.s32 $0x50  }
0x18: {  	s26 =	simm.s32 $0x180;
	s1 =	simm.s32 $0x4;
	s9 =	simm.s32 $0xA  }
0x19: {  	s10 =	simm.s32 $0x0;
	[dreg:$0xa] =	wrdreg s6;
	s6 =	sshrl.u32 s25, $0x3  }
0x1a: {  	s17 =	sadd.s32 s7, s0;
	s25 =	simm.s32 $0x280;
	s7 =	simm.s32 $0x8  }
0x1b: {  	v0 =	vimm.f32 $1.000000000e+00;
	v1 =	vimm.f32 $0.0e+00;
	s16 =	sadd.s32 s6, s0;
	s0 =	simm.s32 $0x7;
	s6 =	simm.s32 $0x5  }
.LBB2_1:
0x1c: {  	[tilespmem:$0x280] =	vst v0  }
0x1d: {  	[tilespmem:$0x290] =	vst v0  }
0x1e: {  	[tilespmem:$0x2A0] =	vst v0  }
0x1f: {  	[tilespmem:$0x2B0] =	vst v0  }
0x20: {  	[tilespmem:$0x2C0] =	vst v0  }
0x21: {  	[tilespmem:$0x300] =	vst v1  }
0x22: {  	[tilespmem:$0x310] =	vst v1  }
0x23: {  	[tilespmem:$0x320] =	vst v1  }
0x24: {  	[tilespmem:$0x330] =	vst v1  }
0x25: {  	[tilespmem:$0x340] =	vst v1  }
0x26: {  	[tilespmem:$0x350] =	vst v1  }
0x27: {  	[tilespmem:$0x360] =	vst v1  }
0x28: {  	[tilespmem:$0x370] =	vst v1  }
0x29: {  	[tilespmem:$0x380] =	vst v1  }
0x2a: {  	[tilespmem:$0x390] =	vst v1  }
0x2b: {  	[tilespmem:$0x3A0] =	vst v1  }
0x2c: {  	[tilespmem:$0x3B0] =	vst v1  }
0x2d: {  	[tilespmem:$0x3C0] =	vst v1  }
0x2e: {  	[tilespmem:$0x3D0] =	vst v1  }
0x2f: {  	[tilespmem:$0x3E0] =	vst v1  }
0x30: {  	[tilespmem:$0x3F0] =	vst v1  }
0x31: {  	[tilespmem:$0x400] =	vst v1  }
0x32: {  	[tilespmem:$0x410] =	vst v1  }
0x33: {  	[tilespmem:$0x420] =	vst v1  }
0x34: {  	[tilespmem:$0x430] =	vst v1  }
0x35: {  	[tilespmem:$0x440] =	vst v1  }
0x36: {  	[tilespmem:$0x450] =	vst v1  }
0x37: {  	[tilespmem:$0x460] =	vst v1  }
0x38: {  	[tilespmem:$0x470] =	vst v1  }
0x39: {  	[tilespmem:$0x480] =	vst v1  }
0x3a: {  	[tilespmem:$0x490] =	vst v1  }
0x3b: {  	[tilespmem:$0x4A0] =	vst v1  }
0x3c: {  	[tilespmem:$0x4B0] =	vst v1  }
0x3d: {  	[tilespmem:$0x4C0] =	vst v1  }
0x3e: {  	[tilespmem:$0x4D0] =	vst v1  }
0x3f: {  	[tilespmem:$0x4E0] =	vst v1  }
0x40: {  	[tilespmem:$0x4F0] =	vst v1  }
0x41: {  	[tilespmem:$0x500] =	vst v1  }
0x42: {  	[tilespmem:$0x510] =	vst v1  }
0x43: {  	[tilespmem:$0x520] =	vst v1  }
0x44: {  	[tilespmem:$0x530] =	vst v1  }
0x45: {  	[tilespmem:$0x540] =	vst v1  }
0x46: {  	[tilespmem:$0x550] =	vst v1  }
0x47: {  	[tilespmem:$0x560] =	vst v1  }
0x48: {  	[spmem:s4] =	stream.linear.scatter [tilespmem:s19], [sflag:$0xB], $0x270, $0x38;
	[tilespmem:$0x7F8] =	vst v63  }
0x49: {  	_ =	swait.ge [sflag:s20], $0x270  }
0x4a: {  	[sflag:s20] =	ssyncset.done $0x0  }
0x4b: {  	s11 =	simm.s32 @!p0 $0x300;
	[sflag:s20] =	ssyncadd.s32 $0xFFFFFD90  }
0x4c: {  	[spmem:s5] =	stream.linear.scatter @!p0 [tilespmem:s11], [sflag:$0xB], $0x10, $0x38;
	[tilespmem:$0x7F8] =	vst v63  }
0x4d: {  	s11 =	simm.s32 @!p0 $0xB  }
0x4e: {  	_ =	swait.ge @!p0 [sflag:s11], $0x10  }
0x4f: {  	[sflag:s11] =	ssyncset.done @!p0 $0x0  }
0x50: {  	[sflag:s11] =	ssyncadd.s32 @!p0 $0xFFFFFFF0  }
0x51: {  	[bflag:$0x0] =	sbarrier.arrive $0xFFFF  }
0x52: {  	s12 =	rddreg [dreg:$0x4]  }
0x53: {  	[tilespmem:s3], [sflag:$0x1] =	stream.linear.gather [hbm4b:s12+s3], $0x50, $0x38;
	[tilespmem:$0x7F8] =	vst v63  }
0x54: {  	s13 =	rddreg [dreg:$0x5]  }
0x55: {  	[tilespmem:s21], [sflag:$0x2] =	stream.linear.gather [hbm4b:s13+s3], $0x50, $0x38;
	[tilespmem:$0x7F8] =	vst v63  }
0x56: {  	s12 =	rddreg [dreg:$0x6]  }
0x57: {  	[tilespmem:s22], [sflag:$0x3] =	stream.linear.gather [hbm4b:s12+s3], $0x50, $0x38;
	[tilespmem:$0x7F8] =	vst v63  }
0x58: {  	_ =	swait.ge [sflag:s23], $0x50  }
0x59: {  	[sflag:s23] =	ssyncset.done $0x0  }
0x5a: {  	[sflag:s23] =	ssyncadd.s32 $0xFFFFFFB0  }
0x5b: {  	[spmem:s2] =	stream.indirect.scatter.add.f32 [tilespmem:s25], [sflag:$0x6], $0x1, s3, s24, $0xb8;
	[tilespmem:$0x7F8] =	vst v63  }
0x5c: {  	s13 =	rddreg [dreg:$0x7]  }
0x5d: {  	[tilespmem:s26], [sflag:$0x4] =	stream.linear.gather [hbm4b:s13+s3], $0x50, $0x38;
	[tilespmem:$0x7F8] =	vst v63  }
0x5e: {  	_ =	swait.ge [sflag:s28], $0x50  }
0x5f: {  	[sflag:s28] =	ssyncset.done $0x0  }
0x60: {  	[sflag:s28] =	ssyncadd.s32 $0xFFFFFFB0  }
0x61: {  	[spmem:s2] =	stream.indirect.scatter.add.f32 [tilespmem:s25], [sflag:$0x7], $0x1, s21, s24, $0xb8;
	[tilespmem:$0x7F8] =	vst v63  }
0x62: {  	s12 =	rddreg [dreg:$0x8]  }
0x63: {  	[tilespmem:s29], [sflag:$0x5] =	stream.linear.gather [hbm4b:s12+s3], $0x50, $0x38;
	[tilespmem:$0x7F8] =	vst v63  }
0x64: {  	_ =	swait.ge [sflag:s30], $0x50  }
0x65: {  	[sflag:s30] =	ssyncset.done $0x0  }
0x66: {  	[sflag:s30] =	ssyncadd.s32 $0xFFFFFFB0  }
0x67: {  	[spmem:s2] =	stream.indirect.scatter.add.f32 [tilespmem:s25], [sflag:$0x8], $0x1, s22, s24, $0xb8;
	[tilespmem:$0x7F8] =	vst v63  }
0x68: {  	_ =	swait.ge [sflag:s31], $0x50  }
0x69: {  	[sflag:s31] =	ssyncset.done $0x0  }
0x6a: {  	s13 =	sadd.s32 $0x0, s18;
	[sflag:s31] =	ssyncadd.s32 $0xFFFFFFB0  }
0x6b: {  	[tilespmem:s3], [sflag:$0x1] =	stream.linear.gather [hbm4b:s13+s3], $0x50, $0x38;
	[tilespmem:$0x7F8] =	vst v63  }
0x6c: {  	_ =	swait.ge [sflag:s1], $0x50  }
0x6d: {  	[sflag:s1] =	ssyncset.done $0x0  }
0x6e: {  	[sflag:s1] =	ssyncadd.s32 $0xFFFFFFB0  }
0x6f: {  	[spmem:s2] =	stream.indirect.scatter.add.f32 [tilespmem:s25], [sflag:$0x9], $0x1, s26, s24, $0xb8;
	[tilespmem:$0x7F8] =	vst v63  }
0x70: {  	_ =	swait.ge [sflag:s0], $0x50  }
0x71: {  	[sflag:s0] =	ssyncset.done $0x0  }
0x72: {  	s12 =	sadd.s32 $0x0, s17;
	[sflag:s0] =	ssyncadd.s32 $0xFFFFFFB0  }
0x73: {  	[tilespmem:s21], [sflag:$0x2] =	stream.linear.gather [hbm4b:s12+s3], $0x50, $0x38;
	[tilespmem:$0x7F8] =	vst v63  }
0x74: {  	_ =	swait.ge [sflag:s6], $0x50  }
0x75: {  	[sflag:s6] =	ssyncset.done $0x0  }
0x76: {  	[sflag:s6] =	ssyncadd.s32 $0xFFFFFFB0  }
0x77: {  	[spmem:s2] =	stream.indirect.scatter.add.f32 [tilespmem:s25], [sflag:$0xA], $0x1, s29, s24, $0xb8;
	[tilespmem:$0x7F8] =	vst v63  }
0x78: {  	_ =	swait.ge [sflag:s7], $0x50  }
0x79: {  	[sflag:s7] =	ssyncset.done $0x0  }
0x7a: {  	s13 =	sadd.s32 $0x0, s16;
	[sflag:s7] =	ssyncadd.s32 $0xFFFFFFB0  }
0x7b: {  	[tilespmem:s22], [sflag:$0x3] =	stream.linear.gather [hbm4b:s13+s3], $0x50, $0x38;
	[tilespmem:$0x7F8] =	vst v63  }
0x7c: {  	_ =	swait.ge [sflag:s23], $0x50  }
0x7d: {  	[sflag:s23] =	ssyncset.done $0x0  }
0x7e: {  	[sflag:s23] =	ssyncadd.s32 $0xFFFFFFB0  }
0x7f: {  	[spmem:s2] =	stream.indirect.scatter.add.f32 [tilespmem:s25], [sflag:$0x6], $0x1, s3, s24, $0xb8;
	[tilespmem:$0x7F8] =	vst v63  }
0x80: {  	_ =	swait.ge [sflag:s8], $0x50  }
0x81: {  	[sflag:s8] =	ssyncset.done $0x0  }
0x82: {  	s12 =	sadd.s32 $0x0, s15;
	[sflag:s8] =	ssyncadd.s32 $0xFFFFFFB0  }
0x83: {  	[tilespmem:s26], [sflag:$0x4] =	stream.linear.gather [hbm4b:s12+s3], $0x50, $0x38;
	[tilespmem:$0x7F8] =	vst v63  }
0x84: {  	_ =	swait.ge [sflag:s28], $0x50  }
0x85: {  	[sflag:s28] =	ssyncset.done $0x0  }
0x86: {  	[sflag:s28] =	ssyncadd.s32 $0xFFFFFFB0  }
0x87: {  	[spmem:s2] =	stream.indirect.scatter.add.f32 [tilespmem:s25], [sflag:$0x7], $0x1, s21, s24, $0xb8;
	[tilespmem:$0x7F8] =	vst v63  }
0x88: {  	_ =	swait.ge [sflag:s9], $0x50  }
0x89: {  	[sflag:s9] =	ssyncset.done $0x0  }
0x8a: {  	s13 =	sadd.s32 $0x0, s14;
	[sflag:s9] =	ssyncadd.s32 $0xFFFFFFB0  }
0x8b: {  	[tilespmem:s29], [sflag:$0x5] =	stream.linear.gather [hbm4b:s13+s3], $0x50, $0x38;
	[tilespmem:$0x7F8] =	vst v63  }
0x8c: {  	_ =	swait.ge [sflag:s30], $0x50  }
0x8d: {  	[sflag:s30] =	ssyncset.done $0x0  }
0x8e: {  	s11 =	simm.s32 $0x32;
	[sflag:s30] =	ssyncadd.s32 $0xFFFFFFB0  }
.LBB2_2:
0x8f: {  	[spmem:s2] =	stream.indirect.scatter.add.f32 [tilespmem:s25], [sflag:$0x8], $0x1, s22, s24, $0xb8;
	[tilespmem:$0x7F8] =	vst v63  }
0x90: {  	s12 =	smov.u32 s11  }
0x91: {  	p1 =	sne.s32 s11, $0x47E;
	s11 =	sadd.s32 $0x32, s11;
	_ =	swait.ge [sflag:s31], $0x50  }
0x92: {  	[sflag:s31] =	ssyncset.done $0x0  }
0x93: {  	s13 =	sadd.s32 s12, s18;
	[sflag:s31] =	ssyncadd.s32 $0xFFFFFFB0  }
0x94: {  	[tilespmem:s3], [sflag:$0x1] =	stream.linear.gather [hbm4b:s13+s3], $0x50, $0x38;
	[tilespmem:$0x7F8] =	vst v63  }
0x95: {  	_ =	swait.ge [sflag:s1], $0x50  }
0x96: {  	[sflag:s1] =	ssyncset.done $0x0  }
0x97: {  	[sflag:s1] =	ssyncadd.s32 $0xFFFFFFB0  }
0x98: {  	[spmem:s2] =	stream.indirect.scatter.add.f32 [tilespmem:s25], [sflag:$0x9], $0x1, s26, s24, $0xb8;
	[tilespmem:$0x7F8] =	vst v63  }
0x99: {  	_ =	swait.ge [sflag:s0], $0x50  }
0x9a: {  	[sflag:s0] =	ssyncset.done $0x0  }
0x9b: {  	s13 =	sadd.s32 s12, s17;
	[sflag:s0] =	ssyncadd.s32 $0xFFFFFFB0  }
0x9c: {  	[tilespmem:s21], [sflag:$0x2] =	stream.linear.gather [hbm4b:s13+s3], $0x50, $0x38;
	[tilespmem:$0x7F8] =	vst v63  }
0x9d: {  	_ =	swait.ge [sflag:s6], $0x50  }
0x9e: {  	[sflag:s6] =	ssyncset.done $0x0  }
0x9f: {  	[sflag:s6] =	ssyncadd.s32 $0xFFFFFFB0  }
0xa0: {  	[spmem:s2] =	stream.indirect.scatter.add.f32 [tilespmem:s25], [sflag:$0xA], $0x1, s29, s24, $0xb8;
	[tilespmem:$0x7F8] =	vst v63  }
0xa1: {  	_ =	swait.ge [sflag:s7], $0x50  }
0xa2: {  	[sflag:s7] =	ssyncset.done $0x0  }
0xa3: {  	s13 =	sadd.s32 s12, s16;
	[sflag:s7] =	ssyncadd.s32 $0xFFFFFFB0  }
0xa4: {  	[tilespmem:s22], [sflag:$0x3] =	stream.linear.gather [hbm4b:s13+s3], $0x50, $0x38;
	[tilespmem:$0x7F8] =	vst v63  }
0xa5: {  	_ =	swait.ge [sflag:s23], $0x50  }
0xa6: {  	[sflag:s23] =	ssyncset.done $0x0  }
0xa7: {  	[sflag:s23] =	ssyncadd.s32 $0xFFFFFFB0  }
0xa8: {  	[spmem:s2] =	stream.indirect.scatter.add.f32 [tilespmem:s25], [sflag:$0x6], $0x1, s3, s24, $0xb8;
	[tilespmem:$0x7F8] =	vst v63  }
0xa9: {  	_ =	swait.ge [sflag:s8], $0x50  }
0xaa: {  	[sflag:s8] =	ssyncset.done $0x0  }
0xab: {  	s13 =	sadd.s32 s12, s15;
	[sflag:s8] =	ssyncadd.s32 $0xFFFFFFB0  }
0xac: {  	[tilespmem:s26], [sflag:$0x4] =	stream.linear.gather [hbm4b:s13+s3], $0x50, $0x38;
	[tilespmem:$0x7F8] =	vst v63  }
0xad: {  	_ =	swait.ge [sflag:s28], $0x50  }
0xae: {  	[sflag:s28] =	ssyncset.done $0x0  }
0xaf: {  	[sflag:s28] =	ssyncadd.s32 $0xFFFFFFB0  }
0xb0: {  	[spmem:s2] =	stream.indirect.scatter.add.f32 [tilespmem:s25], [sflag:$0x7], $0x1, s21, s24, $0xb8;
	[tilespmem:$0x7F8] =	vst v63  }
0xb1: {  	_ =	swait.ge [sflag:s9], $0x50  }
0xb2: {  	[sflag:s9] =	ssyncset.done $0x0  }
.Ltmp0:
0xb3: {  	s12 =	sadd.s32 s12, s14;
	[sflag:s9] =	ssyncadd.s32 $0xFFFFFFB0;
	(pc) =	sbr.rel @p1 .LBB2_2-.Ltmp0, $4  }
0xb4: {  	[tilespmem:s29], [sflag:$0x5] =	stream.linear.gather [hbm4b:s12+s3], $0x50, $0x38;
	[tilespmem:$0x7F8] =	vst v63  }
0xb5: {  	_ =	swait.ge [sflag:s30], $0x50  }
0xb6: {  	[sflag:s30] =	ssyncset.done $0x0  }
0xb7: {  	[sflag:s30] =	ssyncadd.s32 $0xFFFFFFB0  }
0xb8: {  	[spmem:s2] =	stream.indirect.scatter.add.f32 [tilespmem:s25], [sflag:$0x8], $0x1, s22, s24, $0xb8;
	[tilespmem:$0x7F8] =	vst v63  }
0xb9: {  	_ =	swait.ge [sflag:s1], $0x50  }
0xba: {  	[sflag:s1] =	ssyncset.done $0x0  }
0xbb: {  	[sflag:s1] =	ssyncadd.s32 $0xFFFFFFB0  }
0xbc: {  	[spmem:s2] =	stream.indirect.scatter.add.f32 [tilespmem:s25], [sflag:$0x9], $0x1, s26, s24, $0xb8;
	[tilespmem:$0x7F8] =	vst v63  }
0xbd: {  	_ =	swait.ge [sflag:s6], $0x50  }
0xbe: {  	[sflag:s6] =	ssyncset.done $0x0  }
0xbf: {  	[sflag:s6] =	ssyncadd.s32 $0xFFFFFFB0  }
0xc0: {  	[spmem:s2] =	stream.indirect.scatter.add.f32 [tilespmem:s25], [sflag:$0xA], $0x1, s29, s24, $0xb8;
	[tilespmem:$0x7F8] =	vst v63  }
0xc1: {  	_ =	swait.ge [sflag:s31], $0x50  }
0xc2: {  	[sflag:s31] =	ssyncset.done $0x0  }
0xc3: {  	[sflag:s31] =	ssyncadd.s32 $0xFFFFFFB0  }
0xc4: {  	_ =	swait.ge [sflag:s0], $0x50  }
0xc5: {  	[sflag:s0] =	ssyncset.done $0x0  }
0xc6: {  	[sflag:s0] =	ssyncadd.s32 $0xFFFFFFB0  }
0xc7: {  	_ =	swait.ge [sflag:s7], $0x50  }
0xc8: {  	[sflag:s7] =	ssyncset.done $0x0  }
0xc9: {  	[sflag:s7] =	ssyncadd.s32 $0xFFFFFFB0  }
0xca: {  	_ =	swait.ge [sflag:s8], $0x50  }
0xcb: {  	[sflag:s8] =	ssyncset.done $0x0  }
0xcc: {  	[sflag:s8] =	ssyncadd.s32 $0xFFFFFFB0  }
0xcd: {  	_ =	swait.ge [sflag:s9], $0x50  }
0xce: {  	[sflag:s9] =	ssyncset.done $0x0  }
0xcf: {  	[sflag:s9] =	ssyncadd.s32 $0xFFFFFFB0  }
0xd0: {  	[bflag:$0x0] =	sbarrier.arrive $0xFFFF  }
0xd1: {  	[tilespmem:s19], [sflag:$0xB] =	stream.linear.gather [spmem:s4], $0x270, $0x38;
	[tilespmem:$0x7F8] =	vst v63  }
0xd2: {  	_ =	swait.ge [sflag:s20], $0x270  }
0xd3: {  	[sflag:s20] =	ssyncset.done $0x0  }
0xd4: {  	s11 =	rddreg [dreg:$0x9];
	[sflag:s20] =	ssyncadd.s32 $0xFFFFFD90  }
0xd5: {  	[hbm4b:s11+s3] =	stream.linear.scatter [tilespmem:s19], [sflag:$0xB], $0x270, $0x38;
	[tilespmem:$0x7F8] =	vst v63  }
0xd6: {  	_ =	swait.ge [sflag:s20], $0x270  }
0xd7: {  	[sflag:s20] =	ssyncset.done $0x0  }
0xd8: {  	s12 =	simm.s32 @!p0 $0xB;
	s11 =	simm.s32 @!p0 $0x300;
	[sflag:s20] =	ssyncadd.s32 $0xFFFFFD90  }
0xd9: {  	[tilespmem:s11], [sflag:$0xB] =	stream.linear.gather @!p0 [spmem:s5], $0x10, $0x38;
	[tilespmem:$0x7F8] =	vst v63  }
0xda: {  	_ =	swait.ge @!p0 [sflag:s12], $0x10  }
0xdb: {  	[sflag:s12] =	ssyncset.done @!p0 $0x0  }
0xdc: {  	s13 =	simm.s32 @!p0 $0x0;
	s19 =	rddreg [dreg:$0xa];
	[sflag:s12] =	ssyncadd.s32 @!p0 $0xFFFFFFF0  }
0xdd: {  	[hbm4b:s19+s13] =	stream.linear.scatter @!p0 [tilespmem:s11], [sflag:$0xB], $0x10, $0x38;
	[tilespmem:$0x7F8] =	vst v63  }
0xde: {  	_ =	swait.ge @!p0 [sflag:s12], $0x10  }
0xdf: {  	s10 =	sadd.s32 $0x1, s10;
	s13 =	rddreg [dreg:$0xb]  }
0xe0: {  	p1 =	sne.s32 s10, s13  }
.Ltmp1:
0xe1: {  	_ = 	snop;
	(pc) =	sbr.rel @p1 .LBB2_1-.Ltmp1, $3  }
0xe2: {  	_ =	sdelay $0x1  }
0xe3: {  	[sflag:s12] =	ssyncset.done @!p0 $0x0  }
0xe4: {  	s19 =	simm.s32 $0x300;
	[sflag:s12] =	ssyncadd.s32 @!p0 $0xFFFFFFF0  }
0xe5: {  	_ =	sfence.sel $0x180000  }
0xe6: {  	[bflag:$0x0] =	sbarrier.arrive $0xFFFF  }
0xe7: {  	_ =	strace $0x90000047  }
0xe8: {  	s0 =	stileid.u32;
	[bflag:$0x2] =	sbarrier.arrive $0xFFFF  }
0xe9: {  	p0 =	sne.s32 s0, $0x0;
	s0 =	rddreg [dreg:$0x3]  }
0xea: {  	s0 =	sadd.s32 @!p0 $0x100000, s0  }
0xeb: {  	[sflag:s0] =	ssyncadd.tile.s32 @!p0 $0x1;
	_ =	shalt  }
.Lfunc_end2:
_tile_overlayer_lowered:
.L_overlay_start_2:
0xec: {  	(tag) =	ssettag $0x2  }
0xed: {  	s0 =	rddreg [dreg:$0x0];
	s2 =	stileid.u32  }
0xee: {  	s1 =	rddreg [dreg:$0x1];
	p0 =	sne.s32 s2, $0x0  }
0xef: {  	s3 =	rddreg [dreg:$0x2];
	[bflag:$0x3] =	sbarrier.arrive $0xFFFF;
	s2 =	simm.s32 @!p0 $0x1C0B  }
0xf0: {  	[timem:s3], [sflag:s2] =	dma.local @!p0 [hbm:s0], s1  }
0xf1: {  	s0 =	simm.s32 @!p0 $0xB  }
0xf2: {  	_ =	swait.ge @!p0 [sflag:s0], s1  }
0xf3: {  	s1 =	ssub.s32 @!p0 $0x0, s1;
	[sflag:s0] =	ssyncset.done @!p0 $0x0  }
0xf4: {  	[sflag:s0] =	ssyncadd.s32 @!p0 s1  }
0xf5: {  	[bflag:$0x3] =	sbarrier.arrive $0xFFFF  }
0xf6: {  	_ =	shalt  }

</sc_bundles>
